<compile_context>
chip_gen: v7x
topology: tpu7x:2x2x1
jax: 0.10.2.dev20260603
libtpu: 0.0.44.dev20260713+nightly
codegen_flags: <defaults>
</compile_context>

<pallas_src>
import functools

import jax
import jax.numpy as jnp
from jax import lax
from jax.experimental import pallas as pl
from jax.experimental.pallas import tpu as pltpu
from jax.experimental.pallas import tpu_sc as plsc

N = 10000
E = 320000
D = 128
DW = 8
NC = 2
NS = 16
NW = NC * NS
EPW = E // NW
B = 80
NBLK = EPW // B
G = B // 16


def _sc_mesh():
    return plsc.VectorSubcoreMesh(core_axis_name="c", subcore_axis_name="s")


@functools.partial(
    pl.kernel,
    out_type=(jax.ShapeDtypeStruct((NC * N, D), jnp.float32),
              jax.ShapeDtypeStruct((NC * N, DW), jnp.float32)),
    mesh=_sc_mesh(),
    compiler_params=pltpu.CompilerParams(needs_layout_passes=False,
                                         use_tc_tiling_on_sc=False),
    scratch_types=[
        pltpu.VMEM((D,), jnp.float32),
        pltpu.VMEM((N,), jnp.float32),
        pltpu.VMEM((B,), jnp.int32),
        pltpu.VMEM((B,), jnp.int32),
        pltpu.VMEM((B,), jnp.int32),
        pltpu.VMEM((B,), jnp.int32),
        pltpu.VMEM((B, D), jnp.float32),
        pltpu.VMEM((B, D), jnp.float32),
        pltpu.VMEM((B, D), jnp.float32),
        pltpu.VMEM((B, DW), jnp.float32),
        pltpu.VMEM_SHARED((N, D), jnp.float32),
        pltpu.VMEM_SHARED((N, DW), jnp.float32),
        pltpu.SemaphoreType.DMA,
        pltpu.SemaphoreType.DMA,
        pltpu.SemaphoreType.DMA,
        pltpu.SemaphoreType.DMA,
        pltpu.SemaphoreType.DMA,
        pltpu.SemaphoreType.DMA,
    ],
)
def _sc_main(rel_hbm, src_hbm, dst_hbm, pat_hbm, w1_hbm, b_hbm,
             outh_hbm, outd_hbm,
             w1_v, btab_v, src_v, dst_v, dstA, dstB, relrows_v, pat_v,
             contrib_v, pstg_v, hacc_sh, den_sh,
             gsem, psem, shA, sdA, shB, sdB):
    cid = lax.axis_index("c")
    sid = lax.axis_index("s")
    wid = sid * NC + cid

    pltpu.sync_copy(w1_hbm, w1_v)
    pltpu.sync_copy(b_hbm, btab_v)

    zero16 = jnp.zeros((16,), jnp.float32)
    lane = lax.broadcasted_iota(jnp.int32, (16,), 0)

    def _zrow(r, carry):
        for k in range(D // 16):
            contrib_v[r, pl.ds(k * 16, 16)] = zero16
        return carry

    lax.fori_loop(0, B, _zrow, 0)
    for g in range(G):
        for c in range(DW):
            plsc.store_scatter(pstg_v, [g * 16 + lane,
                                        jnp.full((16,), c, jnp.int32)],
                               zero16)
    nchunk = N // B
    for i in range((nchunk + NS - 1) // NS):
        t = i * NS + sid

        @pl.when(t < nchunk)
        def _():
            pltpu.sync_copy(contrib_v, hacc_sh.at[pl.ds(t * B, B)])
            pltpu.sync_copy(pstg_v, den_sh.at[pl.ds(t * B, B)])

    plsc.subcore_barrier()

    w1c = [w1_v[pl.ds(k * 16, 16)] for k in range(D // 16)]
    zcol = jnp.zeros((16,), jnp.int32)

    def _compute():
        def _group(g, gcarry):
            dst16 = dst_v[pl.ds(g * 16, 16)]
            b16 = plsc.load_gather(btab_v, [dst16])
            pvec = zero16
            for j in range(16):
                e = g * 16 + j
                acc = zero16
                zs = []
                for k in range(D // 16):
                    r = relrows_v[e, pl.ds(k * 16, 16)]
                    pt = pat_v[e, pl.ds(k * 16, 16)]
                    z = r * pt
                    zs.append(z)
                    acc = acc + z * w1c[k]
                acc = acc + jnp.where(lane == j, b16, zero16)
                s = jnp.sum(acc)
                sv = lax.broadcast_in_dim(s, (16,), ())
                sv = jnp.where(sv >= 0, sv, sv * jnp.float32(0.01))
                p = jnp.exp(sv)
                for k in range(D // 16):
                    contrib_v[e, pl.ds(k * 16, 16)] = zs[k] * p
                pvec = jnp.where(lane == j, p, pvec)
            plsc.store_scatter(pstg_v, [g * 16 + lane, zcol], pvec)
            return gcarry

        lax.fori_loop(0, G, _group, 0)

    def _wait_scatter(dstv, sh, sd):
        pltpu.make_async_copy(contrib_v, hacc_sh.at[dstv], sh).wait()
        pltpu.make_async_copy(pstg_v, den_sh.at[dstv], sd).wait()

    def _block(blk, carry):
        base = wid * EPW + blk * B
        even = (blk % 2) == 0
        pltpu.sync_copy(src_hbm.at[pl.ds(base, B)], src_v)
        pltpu.sync_copy(dst_hbm.at[pl.ds(base, B)], dst_v)
        pltpu.async_copy(rel_hbm.at[src_v], relrows_v, gsem)
        pltpu.async_copy(pat_hbm.at[pl.ds(base, B)], pat_v, psem)

        @pl.when(even)
        def _():
            pltpu.sync_copy(dst_hbm.at[pl.ds(base, B)], dstA)

            @pl.when(blk >= 1)
            def _():
                _wait_scatter(dstB, shB, sdB)

        @pl.when(jnp.logical_not(even))
        def _():
            pltpu.sync_copy(dst_hbm.at[pl.ds(base, B)], dstB)
            _wait_scatter(dstA, shA, sdA)

        pltpu.make_async_copy(rel_hbm.at[src_v], relrows_v, gsem).wait()
        pltpu.make_async_copy(pat_hbm.at[pl.ds(base, B)], pat_v, psem).wait()
        _compute()

        @pl.when(even)
        def _():
            pltpu.async_copy(contrib_v, hacc_sh.at[dstA], shA, add=True)
            pltpu.async_copy(pstg_v, den_sh.at[dstA], sdA, add=True)

        @pl.when(jnp.logical_not(even))
        def _():
            pltpu.async_copy(contrib_v, hacc_sh.at[dstB], shB, add=True)
            pltpu.async_copy(pstg_v, den_sh.at[dstB], sdB, add=True)

        return carry

    lax.fori_loop(0, NBLK, _block, 0)
    _wait_scatter(dstA, shA, sdA)

    plsc.subcore_barrier()
    for i in range((nchunk + NS - 1) // NS):
        t = i * NS + sid

        @pl.when(t < nchunk)
        def _():
            pltpu.sync_copy(hacc_sh.at[pl.ds(t * B, B)],
                            outh_hbm.at[pl.ds(cid * N + t * B, B)])
            pltpu.sync_copy(den_sh.at[pl.ds(t * B, B)],
                            outd_hbm.at[pl.ds(cid * N + t * B, B)])


def _pre_body(rel_ref, w2_ref, b_ref):
    b_ref[...] = jnp.sum(rel_ref[...] * w2_ref[...], axis=1, keepdims=True)


def _post_body(acc_ref, den_ref, o_ref):
    hs = acc_ref[0] + acc_ref[1]
    den = den_ref[0, :, 0:1] + den_ref[1, :, 0:1]
    o_ref[...] = jnp.where(den > 0, hs / den, jnp.float32(0.0))


@jax.jit
def kernel(rel, edge_index, pattern, W_attn):
    w1 = W_attn[0, :D]
    w2 = W_attn[0, D:].reshape(1, D)
    src = edge_index[0]
    dst = edge_index[1]

    b = pl.pallas_call(
        _pre_body,
        out_shape=jax.ShapeDtypeStruct((N, 1), jnp.float32),
    )(rel, w2)[:, 0]

    acc, den = _sc_main(rel, src, dst, pattern, w1, b)
    acc = acc.reshape(NC, N, D)
    den = den.reshape(NC, N, DW)

    h = pl.pallas_call(
        _post_body,
        out_shape=jax.ShapeDtypeStruct((N, D), jnp.float32),
    )(acc, den)
    return h

# --- scband reference (transcript-rebuilt; emitter-appended) ---
"""Pipeline reference for scband-conv-at-6201932775990 (READ-ONLY COPY).

The authoritative reference and input builder live on the scoring server;
editing this copy changes nothing except your own understanding.
"""

import jax, jax.numpy as jnp
import numpy as np

N = 10000
E = 320000
D = 128


def setup_inputs(seed: int = 0) -> dict:
    key = jax.random.key(seed)
    k1, k2, k3, k4 = jax.random.split(key, 4)
    rel = jax.random.normal(k1, (N, D), dtype=jnp.float32)
    # int32 indices (jax default; values < N so safe)
    edge_index = jax.random.randint(k2, (2, E), 0, N, dtype=jnp.int32)
    pattern = jax.random.normal(k3, (E, D), dtype=jnp.float32)
    # attn_fc: nn.Linear(2*out_dim, 1, bias=False) -> weight [1, 2*D]
    W_attn = jax.random.normal(k4, (1, 2 * D), dtype=jnp.float32) * (1.0 / np.sqrt(2 * D))
    return {"rel": rel, "edge_index": edge_index, "pattern": pattern, "W_attn": W_attn}


def reference(rel, edge_index, pattern, W_attn):
    src = edge_index[0]
    dst = edge_index[1]
    n = rel.shape[0]
    # edge_attention: z1 = h_src * p ; z2 = cat(z1, h_dst); e = leaky_relu(attn_fc(z2))
    z1 = jnp.take(rel, src, axis=0) * pattern            # [E, D]
    z2 = jnp.concatenate([z1, jnp.take(rel, dst, axis=0)], axis=1)  # [E, 2D]
    a = z2 @ W_attn.T                                    # [E, 1]
    e = jax.nn.leaky_relu(a, negative_slope=0.01)[:, 0]  # [E]
    # reduce: softmax over incoming edges per dst node, then weighted sum of m=z1
    emax = jax.ops.segment_max(e, dst, num_segments=n)   # [N] (-inf for isolated nodes, never gathered)
    eexp = jnp.exp(e - jnp.take(emax, dst, axis=0))      # [E]
    denom = jax.ops.segment_sum(eexp, dst, num_segments=n)  # [N]
    alpha = eexp / jnp.take(denom, dst, axis=0)          # [E]
    h = jax.ops.segment_sum(alpha[:, None] * z1, dst, num_segments=n)  # [N, D]
    return h

if __name__ == "__main__":
    import jax
    _d = setup_inputs()
    print(jax.jit(kernel)(*tuple(_d.values())))

</pallas_src>

<mosaic_0001>
#map = affine_map<(d0, d1) -> (0, 0)>
#map1 = affine_map<(d0, d1) -> (0)>
module attributes {stable_mosaic.version = 14 : i64} {
  func.func @_sc_main(%arg0: i32, %arg1: i32, %arg2: memref<10000x128xf32, #tpu.memory_space<hbm>>, %arg3: memref<320000xi32, #tpu.memory_space<hbm>>, %arg4: memref<320000xi32, #tpu.memory_space<hbm>>, %arg5: memref<320000x128xf32, #tpu.memory_space<hbm>>, %arg6: memref<128xf32, #tpu.memory_space<hbm>>, %arg7: memref<10000xf32, #tpu.memory_space<hbm>>, %arg8: memref<20000x128xf32, #tpu.memory_space<hbm>>, %arg9: memref<20000x8xf32, #tpu.memory_space<hbm>>, %arg10: memref<128xf32, #tpu.memory_space<vmem>>, %arg11: memref<10000xf32, #tpu.memory_space<vmem>>, %arg12: memref<80xi32, #tpu.memory_space<vmem>>, %arg13: memref<80xi32, #tpu.memory_space<vmem>>, %arg14: memref<80xi32, #tpu.memory_space<vmem>>, %arg15: memref<80xi32, #tpu.memory_space<vmem>>, %arg16: memref<80x128xf32, #tpu.memory_space<vmem>>, %arg17: memref<80x128xf32, #tpu.memory_space<vmem>>, %arg18: memref<80x128xf32, #tpu.memory_space<vmem>>, %arg19: memref<80x8xf32, #tpu.memory_space<vmem>>, %arg20: memref<10000x128xf32, #tpu.memory_space<vmem_shared>>, %arg21: memref<10000x8xf32, #tpu.memory_space<vmem_shared>>, %arg22: memref<!tpu.dma_semaphore, #tpu.memory_space<semaphore_mem>>, %arg23: memref<!tpu.dma_semaphore, #tpu.memory_space<semaphore_mem>>, %arg24: memref<!tpu.dma_semaphore, #tpu.memory_space<semaphore_mem>>, %arg25: memref<!tpu.dma_semaphore, #tpu.memory_space<semaphore_mem>>, %arg26: memref<!tpu.dma_semaphore, #tpu.memory_space<semaphore_mem>>, %arg27: memref<!tpu.dma_semaphore, #tpu.memory_space<semaphore_mem>>) attributes {dimension_semantics = [#tpu.dimension_semantics<core_parallel>, #tpu.dimension_semantics<subcore_parallel>], iteration_bounds = array<i64: 2, 16>, scalar_prefetch = 0 : i64, scratch_operands = 18 : i64, tpu.core_type = #tpu.core_type<sc_vector_subcore>, window_params = [{transform_indices = #map}, {transform_indices = #map1}, {transform_indices = #map1}, {transform_indices = #map}, {transform_indices = #map1}, {transform_indices = #map1}, {transform_indices = #map}, {transform_indices = #map}]} {
    %mul3A = arith.constant 2 : i32
    %mul3A_0 = arith.muli %arg1, %mul3A : i32
    %add3A = arith.addi %mul3A_0, %arg0 : i32
    "tpu.region"() ({
      %run_scoped3A = tpu.sem_alloc : memref<!tpu.dma_semaphore, #tpu.memory_space<semaphore_mem>>
      tpu.enqueue_dma source(%arg6 : memref<128xf32, #tpu.memory_space<hbm>>) target(%arg10 : memref<128xf32, #tpu.memory_space<vmem>>) target_semaphore(%run_scoped3A : memref<!tpu.dma_semaphore, #tpu.memory_space<semaphore_mem>>)
      tpu.wait_dma2 semaphore(%run_scoped3A : memref<!tpu.dma_semaphore, #tpu.memory_space<semaphore_mem>>) src(%arg6 : memref<128xf32, #tpu.memory_space<hbm>>) dst(%arg10 : memref<128xf32, #tpu.memory_space<vmem>>)
      tpu.yield
    }) : () -> ()
    "tpu.region"() ({
      %run_scoped3A = tpu.sem_alloc : memref<!tpu.dma_semaphore, #tpu.memory_space<semaphore_mem>>
      tpu.enqueue_dma source(%arg7 : memref<10000xf32, #tpu.memory_space<hbm>>) target(%arg11 : memref<10000xf32, #tpu.memory_space<vmem>>) target_semaphore(%run_scoped3A : memref<!tpu.dma_semaphore, #tpu.memory_space<semaphore_mem>>)
      tpu.wait_dma2 semaphore(%run_scoped3A : memref<!tpu.dma_semaphore, #tpu.memory_space<semaphore_mem>>) src(%arg7 : memref<10000xf32, #tpu.memory_space<hbm>>) dst(%arg11 : memref<10000xf32, #tpu.memory_space<vmem>>)
      tpu.yield
    }) : () -> ()
    %broadcast_in_dim3A = arith.constant 0.000000e+00 : f32
    %broadcast_in_dim3A_1 = vector.broadcast %broadcast_in_dim3A : f32 to vector<16xf32>
    %iota3A = tpu.iota {dimensions = array<i32: 0>} : vector<16xi32>
    %scan3A = arith.constant 0 : i32
    %scan3A_2 = arith.constant 0 : i32
    %scan3A_3 = arith.constant 80 : i32
    %scan3A_4 = arith.addi %scan3A_2, %scan3A_3 : i32
    %scan3A_5 = arith.constant 1 : i32
    scf.for %scan3A_345 = %scan3A_2 to %scan3A_4 step %scan3A_5  : i32 {
      %swap3A = arith.index_cast %scan3A_345 : i32 to index
      %swap3A_346 = arith.constant 0 : index
      %swap3A_347 = tpu.vector_load %arg18[%swap3A, %swap3A_346] {strides = array<i32>} : memref<80x128xf32, #tpu.memory_space<vmem>>, vector<16xf32>,
      tpu.vector_store %arg18[%swap3A, %swap3A_346], %broadcast_in_dim3A_1 {strides = array<i32>} : memref<80x128xf32, #tpu.memory_space<vmem>>, vector<16xf32>,
      %swap3A_348 = arith.index_cast %scan3A_345 : i32 to index
      %swap3A_349 = arith.constant 16 : index
      %swap3A_350 = tpu.vector_load %arg18[%swap3A_348, %swap3A_349] {strides = array<i32>} : memref<80x128xf32, #tpu.memory_space<vmem>>, vector<16xf32>,
      tpu.vector_store %arg18[%swap3A_348, %swap3A_349], %broadcast_in_dim3A_1 {strides = array<i32>} : memref<80x128xf32, #tpu.memory_space<vmem>>, vector<16xf32>,
      %swap3A_351 = arith.index_cast %scan3A_345 : i32 to index
      %swap3A_352 = arith.constant 32 : index
      %swap3A_353 = tpu.vector_load %arg18[%swap3A_351, %swap3A_352] {strides = array<i32>} : memref<80x128xf32, #tpu.memory_space<vmem>>, vector<16xf32>,
      tpu.vector_store %arg18[%swap3A_351, %swap3A_352], %broadcast_in_dim3A_1 {strides = array<i32>} : memref<80x128xf32, #tpu.memory_space<vmem>>, vector<16xf32>,
      %swap3A_354 = arith.index_cast %scan3A_345 : i32 to index
      %swap3A_355 = arith.constant 48 : index
      %swap3A_356 = tpu.vector_load %arg18[%swap3A_354, %swap3A_355] {strides = array<i32>} : memref<80x128xf32, #tpu.memory_space<vmem>>, vector<16xf32>,
      tpu.vector_store %arg18[%swap3A_354, %swap3A_355], %broadcast_in_dim3A_1 {strides = array<i32>} : memref<80x128xf32, #tpu.memory_space<vmem>>, vector<16xf32>,
      %swap3A_357 = arith.index_cast %scan3A_345 : i32 to index
      %swap3A_358 = arith.constant 64 : index
      %swap3A_359 = tpu.vector_load %arg18[%swap3A_357, %swap3A_358] {strides = array<i32>} : memref<80x128xf32, #tpu.memory_space<vmem>>, vector<16xf32>,
      tpu.vector_store %arg18[%swap3A_357, %swap3A_358], %broadcast_in_dim3A_1 {strides = array<i32>} : memref<80x128xf32, #tpu.memory_space<vmem>>, vector<16xf32>,
      %swap3A_360 = arith.index_cast %scan3A_345 : i32 to index
      %swap3A_361 = arith.constant 80 : index
      %swap3A_362 = tpu.vector_load %arg18[%swap3A_360, %swap3A_361] {strides = array<i32>} : memref<80x128xf32, #tpu.memory_space<vmem>>, vector<16xf32>,
      tpu.vector_store %arg18[%swap3A_360, %swap3A_361], %broadcast_in_dim3A_1 {strides = array<i32>} : memref<80x128xf32, #tpu.memory_space<vmem>>, vector<16xf32>,
      %swap3A_363 = arith.index_cast %scan3A_345 : i32 to index
      %swap3A_364 = arith.constant 96 : index
      %swap3A_365 = tpu.vector_load %arg18[%swap3A_363, %swap3A_364] {strides = array<i32>} : memref<80x128xf32, #tpu.memory_space<vmem>>, vector<16xf32>,
      tpu.vector_store %arg18[%swap3A_363, %swap3A_364], %broadcast_in_dim3A_1 {strides = array<i32>} : memref<80x128xf32, #tpu.memory_space<vmem>>, vector<16xf32>,
      %swap3A_366 = arith.index_cast %scan3A_345 : i32 to index
      %swap3A_367 = arith.constant 112 : index
      %swap3A_368 = tpu.vector_load %arg18[%swap3A_366, %swap3A_367] {strides = array<i32>} : memref<80x128xf32, #tpu.memory_space<vmem>>, vector<16xf32>,
      tpu.vector_store %arg18[%swap3A_366, %swap3A_367], %broadcast_in_dim3A_1 {strides = array<i32>} : memref<80x128xf32, #tpu.memory_space<vmem>>, vector<16xf32>,
    }
    %scan3A_6 = arith.constant 80 : i32
    %add3A_7 = arith.constant 0 : i32
    %add3A_8 = vector.broadcast %add3A_7 : i32 to vector<16xi32>
    %add3A_9 = arith.addi %add3A_8, %iota3A : vector<16xi32>
    %broadcast_in_dim3A_10 = arith.constant 0 : i32
    %broadcast_in_dim3A_11 = vector.broadcast %broadcast_in_dim3A_10 : i32 to vector<16xi32>
    tpu.vector_store_idx %arg19[%add3A_9, %broadcast_in_dim3A_11], %broadcast_in_dim3A_1 : memref<80x8xf32, #tpu.memory_space<vmem>>[vector<16xi32>, vector<16xi32>], vector<16xf32>,
    %add3A_12 = arith.constant 0 : i32
    %add3A_13 = vector.broadcast %add3A_12 : i32 to vector<16xi32>
    %add3A_14 = arith.addi %add3A_13, %iota3A : vector<16xi32>
    %broadcast_in_dim3A_15 = arith.constant 1 : i32
    %broadcast_in_dim3A_16 = vector.broadcast %broadcast_in_dim3A_15 : i32 to vector<16xi32>
    tpu.vector_store_idx %arg19[%add3A_14, %broadcast_in_dim3A_16], %broadcast_in_dim3A_1 : memref<80x8xf32, #tpu.memory_space<vmem>>[vector<16xi32>, vector<16xi32>], vector<16xf32>,
    %add3A_17 = arith.constant 0 : i32
    %add3A_18 = vector.broadcast %add3A_17 : i32 to vector<16xi32>
    %add3A_19 = arith.addi %add3A_18, %iota3A : vector<16xi32>
    %broadcast_in_dim3A_20 = arith.constant 2 : i32
    %broadcast_in_dim3A_21 = vector.broadcast %broadcast_in_dim3A_20 : i32 to vector<16xi32>
    tpu.vector_store_idx %arg19[%add3A_19, %broadcast_in_dim3A_21], %broadcast_in_dim3A_1 : memref<80x8xf32, #tpu.memory_space<vmem>>[vector<16xi32>, vector<16xi32>], vector<16xf32>,
    %add3A_22 = arith.constant 0 : i32
    %add3A_23 = vector.broadcast %add3A_22 : i32 to vector<16xi32>
    %add3A_24 = arith.addi %add3A_23, %iota3A : vector<16xi32>
    %broadcast_in_dim3A_25 = arith.constant 3 : i32
    %broadcast_in_dim3A_26 = vector.broadcast %broadcast_in_dim3A_25 : i32 to vector<16xi32>
    tpu.vector_store_idx %arg19[%add3A_24, %broadcast_in_dim3A_26], %broadcast_in_dim3A_1 : memref<80x8xf32, #tpu.memory_space<vmem>>[vector<16xi32>, vector<16xi32>], vector<16xf32>,
    %add3A_27 = arith.constant 0 : i32
    %add3A_28 = vector.broadcast %add3A_27 : i32 to vector<16xi32>
    %add3A_29 = arith.addi %add3A_28, %iota3A : vector<16xi32>
    %broadcast_in_dim3A_30 = arith.constant 4 : i32
    %broadcast_in_dim3A_31 = vector.broadcast %broadcast_in_dim3A_30 : i32 to vector<16xi32>
    tpu.vector_store_idx %arg19[%add3A_29, %broadcast_in_dim3A_31], %broadcast_in_dim3A_1 : memref<80x8xf32, #tpu.memory_space<vmem>>[vector<16xi32>, vector<16xi32>], vector<16xf32>,
    %add3A_32 = arith.constant 0 : i32
    %add3A_33 = vector.broadcast %add3A_32 : i32 to vector<16xi32>
    %add3A_34 = arith.addi %add3A_33, %iota3A : vector<16xi32>
    %broadcast_in_dim3A_35 = arith.constant 5 : i32
    %broadcast_in_dim3A_36 = vector.broadcast %broadcast_in_dim3A_35 : i32 to vector<16xi32>
    tpu.vector_store_idx %arg19[%add3A_34, %broadcast_in_dim3A_36], %broadcast_in_dim3A_1 : memref<80x8xf32, #tpu.memory_space<vmem>>[vector<16xi32>, vector<16xi32>], vector<16xf32>,
    %add3A_37 = arith.constant 0 : i32
    %add3A_38 = vector.broadcast %add3A_37 : i32 to vector<16xi32>
    %add3A_39 = arith.addi %add3A_38, %iota3A : vector<16xi32>
    %broadcast_in_dim3A_40 = arith.constant 6 : i32
    %broadcast_in_dim3A_41 = vector.broadcast %broadcast_in_dim3A_40 : i32 to vector<16xi32>
    tpu.vector_store_idx %arg19[%add3A_39, %broadcast_in_dim3A_41], %broadcast_in_dim3A_1 : memref<80x8xf32, #tpu.memory_space<vmem>>[vector<16xi32>, vector<16xi32>], vector<16xf32>,
    %add3A_42 = arith.constant 0 : i32
    %add3A_43 = vector.broadcast %add3A_42 : i32 to vector<16xi32>
    %add3A_44 = arith.addi %add3A_43, %iota3A : vector<16xi32>
    %broadcast_in_dim3A_45 = arith.constant 7 : i32
    %broadcast_in_dim3A_46 = vector.broadcast %broadcast_in_dim3A_45 : i32 to vector<16xi32>
    tpu.vector_store_idx %arg19[%add3A_44, %broadcast_in_dim3A_46], %broadcast_in_dim3A_1 : memref<80x8xf32, #tpu.memory_space<vmem>>[vector<16xi32>, vector<16xi32>], vector<16xf32>,
    %add3A_47 = arith.constant 16 : i32
    %add3A_48 = vector.broadcast %add3A_47 : i32 to vector<16xi32>
    %add3A_49 = arith.addi %add3A_48, %iota3A : vector<16xi32>
    %broadcast_in_dim3A_50 = arith.constant 0 : i32
    %broadcast_in_dim3A_51 = vector.broadcast %broadcast_in_dim3A_50 : i32 to vector<16xi32>
    tpu.vector_store_idx %arg19[%add3A_49, %broadcast_in_dim3A_51], %broadcast_in_dim3A_1 : memref<80x8xf32, #tpu.memory_space<vmem>>[vector<16xi32>, vector<16xi32>], vector<16xf32>,
    %add3A_52 = arith.constant 16 : i32
    %add3A_53 = vector.broadcast %add3A_52 : i32 to vector<16xi32>
    %add3A_54 = arith.addi %add3A_53, %iota3A : vector<16xi32>
    %broadcast_in_dim3A_55 = arith.constant 1 : i32
    %broadcast_in_dim3A_56 = vector.broadcast %broadcast_in_dim3A_55 : i32 to vector<16xi32>
    tpu.vector_store_idx %arg19[%add3A_54, %broadcast_in_dim3A_56], %broadcast_in_dim3A_1 : memref<80x8xf32, #tpu.memory_space<vmem>>[vector<16xi32>, vector<16xi32>], vector<16xf32>,
    %add3A_57 = arith.constant 16 : i32
    %add3A_58 = vector.broadcast %add3A_57 : i32 to vector<16xi32>
    %add3A_59 = arith.addi %add3A_58, %iota3A : vector<16xi32>
    %broadcast_in_dim3A_60 = arith.constant 2 : i32
    %broadcast_in_dim3A_61 = vector.broadcast %broadcast_in_dim3A_60 : i32 to vector<16xi32>
    tpu.vector_store_idx %arg19[%add3A_59, %broadcast_in_dim3A_61], %broadcast_in_dim3A_1 : memref<80x8xf32, #tpu.memory_space<vmem>>[vector<16xi32>, vector<16xi32>], vector<16xf32>,
    %add3A_62 = arith.constant 16 : i32
    %add3A_63 = vector.broadcast %add3A_62 : i32 to vector<16xi32>
    %add3A_64 = arith.addi %add3A_63, %iota3A : vector<16xi32>
    %broadcast_in_dim3A_65 = arith.constant 3 : i32
    %broadcast_in_dim3A_66 = vector.broadcast %broadcast_in_dim3A_65 : i32 to vector<16xi32>
    tpu.vector_store_idx %arg19[%add3A_64, %broadcast_in_dim3A_66], %broadcast_in_dim3A_1 : memref<80x8xf32, #tpu.memory_space<vmem>>[vector<16xi32>, vector<16xi32>], vector<16xf32>,
    %add3A_67 = arith.constant 16 : i32
    %add3A_68 = vector.broadcast %add3A_67 : i32 to vector<16xi32>
    %add3A_69 = arith.addi %add3A_68, %iota3A : vector<16xi32>
    %broadcast_in_dim3A_70 = arith.constant 4 : i32
    %broadcast_in_dim3A_71 = vector.broadcast %broadcast_in_dim3A_70 : i32 to vector<16xi32>
    tpu.vector_store_idx %arg19[%add3A_69, %broadcast_in_dim3A_71], %broadcast_in_dim3A_1 : memref<80x8xf32, #tpu.memory_space<vmem>>[vector<16xi32>, vector<16xi32>], vector<16xf32>,
    %add3A_72 = arith.constant 16 : i32
    %add3A_73 = vector.broadcast %add3A_72 : i32 to vector<16xi32>
    %add3A_74 = arith.addi %add3A_73, %iota3A : vector<16xi32>
    %broadcast_in_dim3A_75 = arith.constant 5 : i32
    %broadcast_in_dim3A_76 = vector.broadcast %broadcast_in_dim3A_75 : i32 to vector<16xi32>
    tpu.vector_store_idx %arg19[%add3A_74, %broadcast_in_dim3A_76], %broadcast_in_dim3A_1 : memref<80x8xf32, #tpu.memory_space<vmem>>[vector<16xi32>, vector<16xi32>], vector<16xf32>,
    %add3A_77 = arith.constant 16 : i32
    %add3A_78 = vector.broadcast %add3A_77 : i32 to vector<16xi32>
    %add3A_79 = arith.addi %add3A_78, %iota3A : vector<16xi32>
    %broadcast_in_dim3A_80 = arith.constant 6 : i32
    %broadcast_in_dim3A_81 = vector.broadcast %broadcast_in_dim3A_80 : i32 to vector<16xi32>
    tpu.vector_store_idx %arg19[%add3A_79, %broadcast_in_dim3A_81], %broadcast_in_dim3A_1 : memref<80x8xf32, #tpu.memory_space<vmem>>[vector<16xi32>, vector<16xi32>], vector<16xf32>,
    %add3A_82 = arith.constant 16 : i32
    %add3A_83 = vector.broadcast %add3A_82 : i32 to vector<16xi32>
    %add3A_84 = arith.addi %add3A_83, %iota3A : vector<16xi32>
    %broadcast_in_dim3A_85 = arith.constant 7 : i32
    %broadcast_in_dim3A_86 = vector.broadcast %broadcast_in_dim3A_85 : i32 to vector<16xi32>
    tpu.vector_store_idx %arg19[%add3A_84, %broadcast_in_dim3A_86], %broadcast_in_dim3A_1 : memref<80x8xf32, #tpu.memory_space<vmem>>[vector<16xi32>, vector<16xi32>], vector<16xf32>,
    %add3A_87 = arith.constant 32 : i32
    %add3A_88 = vector.broadcast %add3A_87 : i32 to vector<16xi32>
    %add3A_89 = arith.addi %add3A_88, %iota3A : vector<16xi32>
    %broadcast_in_dim3A_90 = arith.constant 0 : i32
    %broadcast_in_dim3A_91 = vector.broadcast %broadcast_in_dim3A_90 : i32 to vector<16xi32>
    tpu.vector_store_idx %arg19[%add3A_89, %broadcast_in_dim3A_91], %broadcast_in_dim3A_1 : memref<80x8xf32, #tpu.memory_space<vmem>>[vector<16xi32>, vector<16xi32>], vector<16xf32>,
    %add3A_92 = arith.constant 32 : i32
    %add3A_93 = vector.broadcast %add3A_92 : i32 to vector<16xi32>
    %add3A_94 = arith.addi %add3A_93, %iota3A : vector<16xi32>
    %broadcast_in_dim3A_95 = arith.constant 1 : i32
    %broadcast_in_dim3A_96 = vector.broadcast %broadcast_in_dim3A_95 : i32 to vector<16xi32>
    tpu.vector_store_idx %arg19[%add3A_94, %broadcast_in_dim3A_96], %broadcast_in_dim3A_1 : memref<80x8xf32, #tpu.memory_space<vmem>>[vector<16xi32>, vector<16xi32>], vector<16xf32>,
    %add3A_97 = arith.constant 32 : i32
    %add3A_98 = vector.broadcast %add3A_97 : i32 to vector<16xi32>
    %add3A_99 = arith.addi %add3A_98, %iota3A : vector<16xi32>
    %broadcast_in_dim3A_100 = arith.constant 2 : i32
    %broadcast_in_dim3A_101 = vector.broadcast %broadcast_in_dim3A_100 : i32 to vector<16xi32>
    tpu.vector_store_idx %arg19[%add3A_99, %broadcast_in_dim3A_101], %broadcast_in_dim3A_1 : memref<80x8xf32, #tpu.memory_space<vmem>>[vector<16xi32>, vector<16xi32>], vector<16xf32>,
    %add3A_102 = arith.constant 32 : i32
    %add3A_103 = vector.broadcast %add3A_102 : i32 to vector<16xi32>
    %add3A_104 = arith.addi %add3A_103, %iota3A : vector<16xi32>
    %broadcast_in_dim3A_105 = arith.constant 3 : i32
    %broadcast_in_dim3A_106 = vector.broadcast %broadcast_in_dim3A_105 : i32 to vector<16xi32>
    tpu.vector_store_idx %arg19[%add3A_104, %broadcast_in_dim3A_106], %broadcast_in_dim3A_1 : memref<80x8xf32, #tpu.memory_space<vmem>>[vector<16xi32>, vector<16xi32>], vector<16xf32>,
    %add3A_107 = arith.constant 32 : i32
    %add3A_108 = vector.broadcast %add3A_107 : i32 to vector<16xi32>
    %add3A_109 = arith.addi %add3A_108, %iota3A : vector<16xi32>
    %broadcast_in_dim3A_110 = arith.constant 4 : i32
    %broadcast_in_dim3A_111 = vector.broadcast %broadcast_in_dim3A_110 : i32 to vector<16xi32>
    tpu.vector_store_idx %arg19[%add3A_109, %broadcast_in_dim3A_111], %broadcast_in_dim3A_1 : memref<80x8xf32, #tpu.memory_space<vmem>>[vector<16xi32>, vector<16xi32>], vector<16xf32>,
    %add3A_112 = arith.constant 32 : i32
    %add3A_113 = vector.broadcast %add3A_112 : i32 to vector<16xi32>
    %add3A_114 = arith.addi %add3A_113, %iota3A : vector<16xi32>
    %broadcast_in_dim3A_115 = arith.constant 5 : i32
    %broadcast_in_dim3A_116 = vector.broadcast %broadcast_in_dim3A_115 : i32 to vector<16xi32>
    tpu.vector_store_idx %arg19[%add3A_114, %broadcast_in_dim3A_116], %broadcast_in_dim3A_1 : memref<80x8xf32, #tpu.memory_space<vmem>>[vector<16xi32>, vector<16xi32>], vector<16xf32>,
    %add3A_117 = arith.constant 32 : i32
    %add3A_118 = vector.broadcast %add3A_117 : i32 to vector<16xi32>
    %add3A_119 = arith.addi %add3A_118, %iota3A : vector<16xi32>
    %broadcast_in_dim3A_120 = arith.constant 6 : i32
    %broadcast_in_dim3A_121 = vector.broadcast %broadcast_in_dim3A_120 : i32 to vector<16xi32>
    tpu.vector_store_idx %arg19[%add3A_119, %broadcast_in_dim3A_121], %broadcast_in_dim3A_1 : memref<80x8xf32, #tpu.memory_space<vmem>>[vector<16xi32>, vector<16xi32>], vector<16xf32>,
    %add3A_122 = arith.constant 32 : i32
    %add3A_123 = vector.broadcast %add3A_122 : i32 to vector<16xi32>
    %add3A_124 = arith.addi %add3A_123, %iota3A : vector<16xi32>
    %broadcast_in_dim3A_125 = arith.constant 7 : i32
    %broadcast_in_dim3A_126 = vector.broadcast %broadcast_in_dim3A_125 : i32 to vector<16xi32>
    tpu.vector_store_idx %arg19[%add3A_124, %broadcast_in_dim3A_126], %broadcast_in_dim3A_1 : memref<80x8xf32, #tpu.memory_space<vmem>>[vector<16xi32>, vector<16xi32>], vector<16xf32>,
    %add3A_127 = arith.constant 48 : i32
    %add3A_128 = vector.broadcast %add3A_127 : i32 to vector<16xi32>
    %add3A_129 = arith.addi %add3A_128, %iota3A : vector<16xi32>
    %broadcast_in_dim3A_130 = arith.constant 0 : i32
    %broadcast_in_dim3A_131 = vector.broadcast %broadcast_in_dim3A_130 : i32 to vector<16xi32>
    tpu.vector_store_idx %arg19[%add3A_129, %broadcast_in_dim3A_131], %broadcast_in_dim3A_1 : memref<80x8xf32, #tpu.memory_space<vmem>>[vector<16xi32>, vector<16xi32>], vector<16xf32>,
    %add3A_132 = arith.constant 48 : i32
    %add3A_133 = vector.broadcast %add3A_132 : i32 to vector<16xi32>
    %add3A_134 = arith.addi %add3A_133, %iota3A : vector<16xi32>
    %broadcast_in_dim3A_135 = arith.constant 1 : i32
    %broadcast_in_dim3A_136 = vector.broadcast %broadcast_in_dim3A_135 : i32 to vector<16xi32>
    tpu.vector_store_idx %arg19[%add3A_134, %broadcast_in_dim3A_136], %broadcast_in_dim3A_1 : memref<80x8xf32, #tpu.memory_space<vmem>>[vector<16xi32>, vector<16xi32>], vector<16xf32>,
    %add3A_137 = arith.constant 48 : i32
    %add3A_138 = vector.broadcast %add3A_137 : i32 to vector<16xi32>
    %add3A_139 = arith.addi %add3A_138, %iota3A : vector<16xi32>
    %broadcast_in_dim3A_140 = arith.constant 2 : i32
    %broadcast_in_dim3A_141 = vector.broadcast %broadcast_in_dim3A_140 : i32 to vector<16xi32>
    tpu.vector_store_idx %arg19[%add3A_139, %broadcast_in_dim3A_141], %broadcast_in_dim3A_1 : memref<80x8xf32, #tpu.memory_space<vmem>>[vector<16xi32>, vector<16xi32>], vector<16xf32>,
    %add3A_142 = arith.constant 48 : i32
    %add3A_143 = vector.broadcast %add3A_142 : i32 to vector<16xi32>
    %add3A_144 = arith.addi %add3A_143, %iota3A : vector<16xi32>
    %broadcast_in_dim3A_145 = arith.constant 3 : i32
    %broadcast_in_dim3A_146 = vector.broadcast %broadcast_in_dim3A_145 : i32 to vector<16xi32>
    tpu.vector_store_idx %arg19[%add3A_144, %broadcast_in_dim3A_146], %broadcast_in_dim3A_1 : memref<80x8xf32, #tpu.memory_space<vmem>>[vector<16xi32>, vector<16xi32>], vector<16xf32>,
    %add3A_147 = arith.constant 48 : i32
    %add3A_148 = vector.broadcast %add3A_147 : i32 to vector<16xi32>
    %add3A_149 = arith.addi %add3A_148, %iota3A : vector<16xi32>
    %broadcast_in_dim3A_150 = arith.constant 4 : i32
    %broadcast_in_dim3A_151 = vector.broadcast %broadcast_in_dim3A_150 : i32 to vector<16xi32>
    tpu.vector_store_idx %arg19[%add3A_149, %broadcast_in_dim3A_151], %broadcast_in_dim3A_1 : memref<80x8xf32, #tpu.memory_space<vmem>>[vector<16xi32>, vector<16xi32>], vector<16xf32>,
    %add3A_152 = arith.constant 48 : i32
    %add3A_153 = vector.broadcast %add3A_152 : i32 to vector<16xi32>
    %add3A_154 = arith.addi %add3A_153, %iota3A : vector<16xi32>
    %broadcast_in_dim3A_155 = arith.constant 5 : i32
    %broadcast_in_dim3A_156 = vector.broadcast %broadcast_in_dim3A_155 : i32 to vector<16xi32>
    tpu.vector_store_idx %arg19[%add3A_154, %broadcast_in_dim3A_156], %broadcast_in_dim3A_1 : memref<80x8xf32, #tpu.memory_space<vmem>>[vector<16xi32>, vector<16xi32>], vector<16xf32>,
    %add3A_157 = arith.constant 48 : i32
    %add3A_158 = vector.broadcast %add3A_157 : i32 to vector<16xi32>
    %add3A_159 = arith.addi %add3A_158, %iota3A : vector<16xi32>
    %broadcast_in_dim3A_160 = arith.constant 6 : i32
    %broadcast_in_dim3A_161 = vector.broadcast %broadcast_in_dim3A_160 : i32 to vector<16xi32>
    tpu.vector_store_idx %arg19[%add3A_159, %broadcast_in_dim3A_161], %broadcast_in_dim3A_1 : memref<80x8xf32, #tpu.memory_space<vmem>>[vector<16xi32>, vector<16xi32>], vector<16xf32>,
    %add3A_162 = arith.constant 48 : i32
    %add3A_163 = vector.broadcast %add3A_162 : i32 to vector<16xi32>
    %add3A_164 = arith.addi %add3A_163, %iota3A : vector<16xi32>
    %broadcast_in_dim3A_165 = arith.constant 7 : i32
    %broadcast_in_dim3A_166 = vector.broadcast %broadcast_in_dim3A_165 : i32 to vector<16xi32>
    tpu.vector_store_idx %arg19[%add3A_164, %broadcast_in_dim3A_166], %broadcast_in_dim3A_1 : memref<80x8xf32, #tpu.memory_space<vmem>>[vector<16xi32>, vector<16xi32>], vector<16xf32>,
    %add3A_167 = arith.constant 64 : i32
    %add3A_168 = vector.broadcast %add3A_167 : i32 to vector<16xi32>
    %add3A_169 = arith.addi %add3A_168, %iota3A : vector<16xi32>
    %broadcast_in_dim3A_170 = arith.constant 0 : i32
    %broadcast_in_dim3A_171 = vector.broadcast %broadcast_in_dim3A_170 : i32 to vector<16xi32>
    tpu.vector_store_idx %arg19[%add3A_169, %broadcast_in_dim3A_171], %broadcast_in_dim3A_1 : memref<80x8xf32, #tpu.memory_space<vmem>>[vector<16xi32>, vector<16xi32>], vector<16xf32>,
    %add3A_172 = arith.constant 64 : i32
    %add3A_173 = vector.broadcast %add3A_172 : i32 to vector<16xi32>
    %add3A_174 = arith.addi %add3A_173, %iota3A : vector<16xi32>
    %broadcast_in_dim3A_175 = arith.constant 1 : i32
    %broadcast_in_dim3A_176 = vector.broadcast %broadcast_in_dim3A_175 : i32 to vector<16xi32>
    tpu.vector_store_idx %arg19[%add3A_174, %broadcast_in_dim3A_176], %broadcast_in_dim3A_1 : memref<80x8xf32, #tpu.memory_space<vmem>>[vector<16xi32>, vector<16xi32>], vector<16xf32>,
    %add3A_177 = arith.constant 64 : i32
    %add3A_178 = vector.broadcast %add3A_177 : i32 to vector<16xi32>
    %add3A_179 = arith.addi %add3A_178, %iota3A : vector<16xi32>
    %broadcast_in_dim3A_180 = arith.constant 2 : i32
    %broadcast_in_dim3A_181 = vector.broadcast %broadcast_in_dim3A_180 : i32 to vector<16xi32>
    tpu.vector_store_idx %arg19[%add3A_179, %broadcast_in_dim3A_181], %broadcast_in_dim3A_1 : memref<80x8xf32, #tpu.memory_space<vmem>>[vector<16xi32>, vector<16xi32>], vector<16xf32>,
    %add3A_182 = arith.constant 64 : i32
    %add3A_183 = vector.broadcast %add3A_182 : i32 to vector<16xi32>
    %add3A_184 = arith.addi %add3A_183, %iota3A : vector<16xi32>
    %broadcast_in_dim3A_185 = arith.constant 3 : i32
    %broadcast_in_dim3A_186 = vector.broadcast %broadcast_in_dim3A_185 : i32 to vector<16xi32>
    tpu.vector_store_idx %arg19[%add3A_184, %broadcast_in_dim3A_186], %broadcast_in_dim3A_1 : memref<80x8xf32, #tpu.memory_space<vmem>>[vector<16xi32>, vector<16xi32>], vector<16xf32>,
    %add3A_187 = arith.constant 64 : i32
    %add3A_188 = vector.broadcast %add3A_187 : i32 to vector<16xi32>
    %add3A_189 = arith.addi %add3A_188, %iota3A : vector<16xi32>
    %broadcast_in_dim3A_190 = arith.constant 4 : i32
    %broadcast_in_dim3A_191 = vector.broadcast %broadcast_in_dim3A_190 : i32 to vector<16xi32>
    tpu.vector_store_idx %arg19[%add3A_189, %broadcast_in_dim3A_191], %broadcast_in_dim3A_1 : memref<80x8xf32, #tpu.memory_space<vmem>>[vector<16xi32>, vector<16xi32>], vector<16xf32>,
    %add3A_192 = arith.constant 64 : i32
    %add3A_193 = vector.broadcast %add3A_192 : i32 to vector<16xi32>
    %add3A_194 = arith.addi %add3A_193, %iota3A : vector<16xi32>
    %broadcast_in_dim3A_195 = arith.constant 5 : i32
    %broadcast_in_dim3A_196 = vector.broadcast %broadcast_in_dim3A_195 : i32 to vector<16xi32>
    tpu.vector_store_idx %arg19[%add3A_194, %broadcast_in_dim3A_196], %broadcast_in_dim3A_1 : memref<80x8xf32, #tpu.memory_space<vmem>>[vector<16xi32>, vector<16xi32>], vector<16xf32>,
    %add3A_197 = arith.constant 64 : i32
    %add3A_198 = vector.broadcast %add3A_197 : i32 to vector<16xi32>
    %add3A_199 = arith.addi %add3A_198, %iota3A : vector<16xi32>
    %broadcast_in_dim3A_200 = arith.constant 6 : i32
    %broadcast_in_dim3A_201 = vector.broadcast %broadcast_in_dim3A_200 : i32 to vector<16xi32>
    tpu.vector_store_idx %arg19[%add3A_199, %broadcast_in_dim3A_201], %broadcast_in_dim3A_1 : memref<80x8xf32, #tpu.memory_space<vmem>>[vector<16xi32>, vector<16xi32>], vector<16xf32>,
    %add3A_202 = arith.constant 64 : i32
    %add3A_203 = vector.broadcast %add3A_202 : i32 to vector<16xi32>
    %add3A_204 = arith.addi %add3A_203, %iota3A : vector<16xi32>
    %broadcast_in_dim3A_205 = arith.constant 7 : i32
    %broadcast_in_dim3A_206 = vector.broadcast %broadcast_in_dim3A_205 : i32 to vector<16xi32>
    tpu.vector_store_idx %arg19[%add3A_204, %broadcast_in_dim3A_206], %broadcast_in_dim3A_1 : memref<80x8xf32, #tpu.memory_space<vmem>>[vector<16xi32>, vector<16xi32>], vector<16xf32>,
    %add3A_207 = arith.constant 0 : i32
    %add3A_208 = arith.addi %add3A_207, %arg1 : i32
    %lt3A = arith.constant 125 : i32
    %lt3A_209 = arith.cmpi slt, %add3A_208, %lt3A : i32
    %convert_element_type3A = arith.extui %lt3A_209 : i1 to i32
    %cond3A = arith.constant 0 : i32
    %cond3A_210 = arith.cmpi ne, %convert_element_type3A, %cond3A : i32
    scf.if %cond3A_210 {
      %mul3A_345 = arith.constant 80 : i32
      %mul3A_346 = arith.muli %add3A_208, %mul3A_345 : i32
      "tpu.region"() ({
        %run_scoped3A = tpu.sem_alloc : memref<!tpu.dma_semaphore, #tpu.memory_space<semaphore_mem>>
        %dma_start3A = arith.constant 0 : i32
        %dma_start3A_349 = tpu.memref_slice %arg20[%mul3A_346, %dma_start3A] : memref<10000x128xf32, #tpu.memory_space<vmem_shared>> -> memref<80x128xf32, #tpu.memory_space<vmem_shared>>
        %dma_start3A_350 = arith.constant 0 : i32
        %dma_start3A_351 = tpu.memref_slice %arg20[%mul3A_346, %dma_start3A_350] : memref<10000x128xf32, #tpu.memory_space<vmem_shared>> -> memref<80x128xf32, #tpu.memory_space<vmem_shared>>
        tpu.enqueue_dma source(%arg18 : memref<80x128xf32, #tpu.memory_space<vmem>>) target(%dma_start3A_351 : memref<80x128xf32, #tpu.memory_space<vmem_shared>>) target_semaphore(%run_scoped3A : memref<!tpu.dma_semaphore, #tpu.memory_space<semaphore_mem>>)
        %dma_wait3A_352 = arith.constant 0 : i32
        %dma_wait3A_353 = tpu.memref_slice %arg20[%mul3A_346, %dma_wait3A_352] : memref<10000x128xf32, #tpu.memory_space<vmem_shared>> -> memref<80x128xf32, #tpu.memory_space<vmem_shared>>
        %dma_wait3A_354 = arith.constant 0 : i32
        %dma_wait3A_355 = tpu.memref_slice %arg20[%mul3A_346, %dma_wait3A_354] : memref<10000x128xf32, #tpu.memory_space<vmem_shared>> -> memref<80x128xf32, #tpu.memory_space<vmem_shared>>
        tpu.wait_dma2 semaphore(%run_scoped3A : memref<!tpu.dma_semaphore, #tpu.memory_space<semaphore_mem>>) src(%arg18 : memref<80x128xf32, #tpu.memory_space<vmem>>) dst(%dma_wait3A_355 : memref<80x128xf32, #tpu.memory_space<vmem_shared>>)
        tpu.yield
      }) : () -> ()
      %mul3A_347 = arith.constant 80 : i32
      %mul3A_348 = arith.muli %add3A_208, %mul3A_347 : i32
      "tpu.region"() ({
        %run_scoped3A = tpu.sem_alloc : memref<!tpu.dma_semaphore, #tpu.memory_space<semaphore_mem>>
        %dma_start3A = arith.constant 0 : i32
        %dma_start3A_349 = tpu.memref_slice %arg21[%mul3A_348, %dma_start3A] : memref<10000x8xf32, #tpu.memory_space<vmem_shared>> -> memref<80x8xf32, #tpu.memory_space<vmem_shared>>
        %dma_start3A_350 = arith.constant 0 : i32
        %dma_start3A_351 = tpu.memref_slice %arg21[%mul3A_348, %dma_start3A_350] : memref<10000x8xf32, #tpu.memory_space<vmem_shared>> -> memref<80x8xf32, #tpu.memory_space<vmem_shared>>
        tpu.enqueue_dma source(%arg19 : memref<80x8xf32, #tpu.memory_space<vmem>>) target(%dma_start3A_351 : memref<80x8xf32, #tpu.memory_space<vmem_shared>>) target_semaphore(%run_scoped3A : memref<!tpu.dma_semaphore, #tpu.memory_space<semaphore_mem>>)
        %dma_wait3A_352 = arith.constant 0 : i32
        %dma_wait3A_353 = tpu.memref_slice %arg21[%mul3A_348, %dma_wait3A_352] : memref<10000x8xf32, #tpu.memory_space<vmem_shared>> -> memref<80x8xf32, #tpu.memory_space<vmem_shared>>
        %dma_wait3A_354 = arith.constant 0 : i32
        %dma_wait3A_355 = tpu.memref_slice %arg21[%mul3A_348, %dma_wait3A_354] : memref<10000x8xf32, #tpu.memory_space<vmem_shared>> -> memref<80x8xf32, #tpu.memory_space<vmem_shared>>
        tpu.wait_dma2 semaphore(%run_scoped3A : memref<!tpu.dma_semaphore, #tpu.memory_space<semaphore_mem>>) src(%arg19 : memref<80x8xf32, #tpu.memory_space<vmem>>) dst(%dma_wait3A_355 : memref<80x8xf32, #tpu.memory_space<vmem_shared>>)
        tpu.yield
      }) : () -> ()
    } else {
    }
    %add3A_211 = arith.constant 16 : i32
    %add3A_212 = arith.addi %add3A_211, %arg1 : i32
    %lt3A_213 = arith.constant 125 : i32
    %lt3A_214 = arith.cmpi slt, %add3A_212, %lt3A_213 : i32
    %convert_element_type3A_215 = arith.extui %lt3A_214 : i1 to i32
    %cond3A_216 = arith.constant 0 : i32
    %cond3A_217 = arith.cmpi ne, %convert_element_type3A_215, %cond3A_216 : i32
    scf.if %cond3A_217 {
      %mul3A_345 = arith.constant 80 : i32
      %mul3A_346 = arith.muli %add3A_212, %mul3A_345 : i32
      "tpu.region"() ({
        %run_scoped3A = tpu.sem_alloc : memref<!tpu.dma_semaphore, #tpu.memory_space<semaphore_mem>>
        %dma_start3A = arith.constant 0 : i32
        %dma_start3A_349 = tpu.memref_slice %arg20[%mul3A_346, %dma_start3A] : memref<10000x128xf32, #tpu.memory_space<vmem_shared>> -> memref<80x128xf32, #tpu.memory_space<vmem_shared>>
        %dma_start3A_350 = arith.constant 0 : i32
        %dma_start3A_351 = tpu.memref_slice %arg20[%mul3A_346, %dma_start3A_350] : memref<10000x128xf32, #tpu.memory_space<vmem_shared>> -> memref<80x128xf32, #tpu.memory_space<vmem_shared>>
        tpu.enqueue_dma source(%arg18 : memref<80x128xf32, #tpu.memory_space<vmem>>) target(%dma_start3A_351 : memref<80x128xf32, #tpu.memory_space<vmem_shared>>) target_semaphore(%run_scoped3A : memref<!tpu.dma_semaphore, #tpu.memory_space<semaphore_mem>>)
        %dma_wait3A_352 = arith.constant 0 : i32
        %dma_wait3A_353 = tpu.memref_slice %arg20[%mul3A_346, %dma_wait3A_352] : memref<10000x128xf32, #tpu.memory_space<vmem_shared>> -> memref<80x128xf32, #tpu.memory_space<vmem_shared>>
        %dma_wait3A_354 = arith.constant 0 : i32
        %dma_wait3A_355 = tpu.memref_slice %arg20[%mul3A_346, %dma_wait3A_354] : memref<10000x128xf32, #tpu.memory_space<vmem_shared>> -> memref<80x128xf32, #tpu.memory_space<vmem_shared>>
        tpu.wait_dma2 semaphore(%run_scoped3A : memref<!tpu.dma_semaphore, #tpu.memory_space<semaphore_mem>>) src(%arg18 : memref<80x128xf32, #tpu.memory_space<vmem>>) dst(%dma_wait3A_355 : memref<80x128xf32, #tpu.memory_space<vmem_shared>>)
        tpu.yield
      }) : () -> ()
      %mul3A_347 = arith.constant 80 : i32
      %mul3A_348 = arith.muli %add3A_212, %mul3A_347 : i32
      "tpu.region"() ({
        %run_scoped3A = tpu.sem_alloc : memref<!tpu.dma_semaphore, #tpu.memory_space<semaphore_mem>>
        %dma_start3A = arith.constant 0 : i32
        %dma_start3A_349 = tpu.memref_slice %arg21[%mul3A_348, %dma_start3A] : memref<10000x8xf32, #tpu.memory_space<vmem_shared>> -> memref<80x8xf32, #tpu.memory_space<vmem_shared>>
        %dma_start3A_350 = arith.constant 0 : i32
        %dma_start3A_351 = tpu.memref_slice %arg21[%mul3A_348, %dma_start3A_350] : memref<10000x8xf32, #tpu.memory_space<vmem_shared>> -> memref<80x8xf32, #tpu.memory_space<vmem_shared>>
        tpu.enqueue_dma source(%arg19 : memref<80x8xf32, #tpu.memory_space<vmem>>) target(%dma_start3A_351 : memref<80x8xf32, #tpu.memory_space<vmem_shared>>) target_semaphore(%run_scoped3A : memref<!tpu.dma_semaphore, #tpu.memory_space<semaphore_mem>>)
        %dma_wait3A_352 = arith.constant 0 : i32
        %dma_wait3A_353 = tpu.memref_slice %arg21[%mul3A_348, %dma_wait3A_352] : memref<10000x8xf32, #tpu.memory_space<vmem_shared>> -> memref<80x8xf32, #tpu.memory_space<vmem_shared>>
        %dma_wait3A_354 = arith.constant 0 : i32
        %dma_wait3A_355 = tpu.memref_slice %arg21[%mul3A_348, %dma_wait3A_354] : memref<10000x8xf32, #tpu.memory_space<vmem_shared>> -> memref<80x8xf32, #tpu.memory_space<vmem_shared>>
        tpu.wait_dma2 semaphore(%run_scoped3A : memref<!tpu.dma_semaphore, #tpu.memory_space<semaphore_mem>>) src(%arg19 : memref<80x8xf32, #tpu.memory_space<vmem>>) dst(%dma_wait3A_355 : memref<80x8xf32, #tpu.memory_space<vmem_shared>>)
        tpu.yield
      }) : () -> ()
    } else {
    }
    %add3A_218 = arith.constant 32 : i32
    %add3A_219 = arith.addi %add3A_218, %arg1 : i32
    %lt3A_220 = arith.constant 125 : i32
    %lt3A_221 = arith.cmpi slt, %add3A_219, %lt3A_220 : i32
    %convert_element_type3A_222 = arith.extui %lt3A_221 : i1 to i32
    %cond3A_223 = arith.constant 0 : i32
    %cond3A_224 = arith.cmpi ne, %convert_element_type3A_222, %cond3A_223 : i32
    scf.if %cond3A_224 {
      %mul3A_345 = arith.constant 80 : i32
      %mul3A_346 = arith.muli %add3A_219, %mul3A_345 : i32
      "tpu.region"() ({
        %run_scoped3A = tpu.sem_alloc : memref<!tpu.dma_semaphore, #tpu.memory_space<semaphore_mem>>
        %dma_start3A = arith.constant 0 : i32
        %dma_start3A_349 = tpu.memref_slice %arg20[%mul3A_346, %dma_start3A] : memref<10000x128xf32, #tpu.memory_space<vmem_shared>> -> memref<80x128xf32, #tpu.memory_space<vmem_shared>>
        %dma_start3A_350 = arith.constant 0 : i32
        %dma_start3A_351 = tpu.memref_slice %arg20[%mul3A_346, %dma_start3A_350] : memref<10000x128xf32, #tpu.memory_space<vmem_shared>> -> memref<80x128xf32, #tpu.memory_space<vmem_shared>>
        tpu.enqueue_dma source(%arg18 : memref<80x128xf32, #tpu.memory_space<vmem>>) target(%dma_start3A_351 : memref<80x128xf32, #tpu.memory_space<vmem_shared>>) target_semaphore(%run_scoped3A : memref<!tpu.dma_semaphore, #tpu.memory_space<semaphore_mem>>)
        %dma_wait3A_352 = arith.constant 0 : i32
        %dma_wait3A_353 = tpu.memref_slice %arg20[%mul3A_346, %dma_wait3A_352] : memref<10000x128xf32, #tpu.memory_space<vmem_shared>> -> memref<80x128xf32, #tpu.memory_space<vmem_shared>>
        %dma_wait3A_354 = arith.constant 0 : i32
        %dma_wait3A_355 = tpu.memref_slice %arg20[%mul3A_346, %dma_wait3A_354] : memref<10000x128xf32, #tpu.memory_space<vmem_shared>> -> memref<80x128xf32, #tpu.memory_space<vmem_shared>>
        tpu.wait_dma2 semaphore(%run_scoped3A : memref<!tpu.dma_semaphore, #tpu.memory_space<semaphore_mem>>) src(%arg18 : memref<80x128xf32, #tpu.memory_space<vmem>>) dst(%dma_wait3A_355 : memref<80x128xf32, #tpu.memory_space<vmem_shared>>)
        tpu.yield
      }) : () -> ()
      %mul3A_347 = arith.constant 80 : i32
      %mul3A_348 = arith.muli %add3A_219, %mul3A_347 : i32
      "tpu.region"() ({
        %run_scoped3A = tpu.sem_alloc : memref<!tpu.dma_semaphore, #tpu.memory_space<semaphore_mem>>
        %dma_start3A = arith.constant 0 : i32
        %dma_start3A_349 = tpu.memref_slice %arg21[%mul3A_348, %dma_start3A] : memref<10000x8xf32, #tpu.memory_space<vmem_shared>> -> memref<80x8xf32, #tpu.memory_space<vmem_shared>>
        %dma_start3A_350 = arith.constant 0 : i32
        %dma_start3A_351 = tpu.memref_slice %arg21[%mul3A_348, %dma_start3A_350] : memref<10000x8xf32, #tpu.memory_space<vmem_shared>> -> memref<80x8xf32, #tpu.memory_space<vmem_shared>>
        tpu.enqueue_dma source(%arg19 : memref<80x8xf32, #tpu.memory_space<vmem>>) target(%dma_start3A_351 : memref<80x8xf32, #tpu.memory_space<vmem_shared>>) target_semaphore(%run_scoped3A : memref<!tpu.dma_semaphore, #tpu.memory_space<semaphore_mem>>)
        %dma_wait3A_352 = arith.constant 0 : i32
        %dma_wait3A_353 = tpu.memref_slice %arg21[%mul3A_348, %dma_wait3A_352] : memref<10000x8xf32, #tpu.memory_space<vmem_shared>> -> memref<80x8xf32, #tpu.memory_space<vmem_shared>>
        %dma_wait3A_354 = arith.constant 0 : i32
        %dma_wait3A_355 = tpu.memref_slice %arg21[%mul3A_348, %dma_wait3A_354] : memref<10000x8xf32, #tpu.memory_space<vmem_shared>> -> memref<80x8xf32, #tpu.memory_space<vmem_shared>>
        tpu.wait_dma2 semaphore(%run_scoped3A : memref<!tpu.dma_semaphore, #tpu.memory_space<semaphore_mem>>) src(%arg19 : memref<80x8xf32, #tpu.memory_space<vmem>>) dst(%dma_wait3A_355 : memref<80x8xf32, #tpu.memory_space<vmem_shared>>)
        tpu.yield
      }) : () -> ()
    } else {
    }
    %add3A_225 = arith.constant 48 : i32
    %add3A_226 = arith.addi %add3A_225, %arg1 : i32
    %lt3A_227 = arith.constant 125 : i32
    %lt3A_228 = arith.cmpi slt, %add3A_226, %lt3A_227 : i32
    %convert_element_type3A_229 = arith.extui %lt3A_228 : i1 to i32
    %cond3A_230 = arith.constant 0 : i32
    %cond3A_231 = arith.cmpi ne, %convert_element_type3A_229, %cond3A_230 : i32
    scf.if %cond3A_231 {
      %mul3A_345 = arith.constant 80 : i32
      %mul3A_346 = arith.muli %add3A_226, %mul3A_345 : i32
      "tpu.region"() ({
        %run_scoped3A = tpu.sem_alloc : memref<!tpu.dma_semaphore, #tpu.memory_space<semaphore_mem>>
        %dma_start3A = arith.constant 0 : i32
        %dma_start3A_349 = tpu.memref_slice %arg20[%mul3A_346, %dma_start3A] : memref<10000x128xf32, #tpu.memory_space<vmem_shared>> -> memref<80x128xf32, #tpu.memory_space<vmem_shared>>
        %dma_start3A_350 = arith.constant 0 : i32
        %dma_start3A_351 = tpu.memref_slice %arg20[%mul3A_346, %dma_start3A_350] : memref<10000x128xf32, #tpu.memory_space<vmem_shared>> -> memref<80x128xf32, #tpu.memory_space<vmem_shared>>
        tpu.enqueue_dma source(%arg18 : memref<80x128xf32, #tpu.memory_space<vmem>>) target(%dma_start3A_351 : memref<80x128xf32, #tpu.memory_space<vmem_shared>>) target_semaphore(%run_scoped3A : memref<!tpu.dma_semaphore, #tpu.memory_space<semaphore_mem>>)
        %dma_wait3A_352 = arith.constant 0 : i32
        %dma_wait3A_353 = tpu.memref_slice %arg20[%mul3A_346, %dma_wait3A_352] : memref<10000x128xf32, #tpu.memory_space<vmem_shared>> -> memref<80x128xf32, #tpu.memory_space<vmem_shared>>
        %dma_wait3A_354 = arith.constant 0 : i32
        %dma_wait3A_355 = tpu.memref_slice %arg20[%mul3A_346, %dma_wait3A_354] : memref<10000x128xf32, #tpu.memory_space<vmem_shared>> -> memref<80x128xf32, #tpu.memory_space<vmem_shared>>
        tpu.wait_dma2 semaphore(%run_scoped3A : memref<!tpu.dma_semaphore, #tpu.memory_space<semaphore_mem>>) src(%arg18 : memref<80x128xf32, #tpu.memory_space<vmem>>) dst(%dma_wait3A_355 : memref<80x128xf32, #tpu.memory_space<vmem_shared>>)
        tpu.yield
      }) : () -> ()
      %mul3A_347 = arith.constant 80 : i32
      %mul3A_348 = arith.muli %add3A_226, %mul3A_347 : i32
      "tpu.region"() ({
        %run_scoped3A = tpu.sem_alloc : memref<!tpu.dma_semaphore, #tpu.memory_space<semaphore_mem>>
        %dma_start3A = arith.constant 0 : i32
        %dma_start3A_349 = tpu.memref_slice %arg21[%mul3A_348, %dma_start3A] : memref<10000x8xf32, #tpu.memory_space<vmem_shared>> -> memref<80x8xf32, #tpu.memory_space<vmem_shared>>
        %dma_start3A_350 = arith.constant 0 : i32
        %dma_start3A_351 = tpu.memref_slice %arg21[%mul3A_348, %dma_start3A_350] : memref<10000x8xf32, #tpu.memory_space<vmem_shared>> -> memref<80x8xf32, #tpu.memory_space<vmem_shared>>
        tpu.enqueue_dma source(%arg19 : memref<80x8xf32, #tpu.memory_space<vmem>>) target(%dma_start3A_351 : memref<80x8xf32, #tpu.memory_space<vmem_shared>>) target_semaphore(%run_scoped3A : memref<!tpu.dma_semaphore, #tpu.memory_space<semaphore_mem>>)
        %dma_wait3A_352 = arith.constant 0 : i32
        %dma_wait3A_353 = tpu.memref_slice %arg21[%mul3A_348, %dma_wait3A_352] : memref<10000x8xf32, #tpu.memory_space<vmem_shared>> -> memref<80x8xf32, #tpu.memory_space<vmem_shared>>
        %dma_wait3A_354 = arith.constant 0 : i32
        %dma_wait3A_355 = tpu.memref_slice %arg21[%mul3A_348, %dma_wait3A_354] : memref<10000x8xf32, #tpu.memory_space<vmem_shared>> -> memref<80x8xf32, #tpu.memory_space<vmem_shared>>
        tpu.wait_dma2 semaphore(%run_scoped3A : memref<!tpu.dma_semaphore, #tpu.memory_space<semaphore_mem>>) src(%arg19 : memref<80x8xf32, #tpu.memory_space<vmem>>) dst(%dma_wait3A_355 : memref<80x8xf32, #tpu.memory_space<vmem_shared>>)
        tpu.yield
      }) : () -> ()
    } else {
    }
    %add3A_232 = arith.constant 64 : i32
    %add3A_233 = arith.addi %add3A_232, %arg1 : i32
    %lt3A_234 = arith.constant 125 : i32
    %lt3A_235 = arith.cmpi slt, %add3A_233, %lt3A_234 : i32
    %convert_element_type3A_236 = arith.extui %lt3A_235 : i1 to i32
    %cond3A_237 = arith.constant 0 : i32
    %cond3A_238 = arith.cmpi ne, %convert_element_type3A_236, %cond3A_237 : i32
    scf.if %cond3A_238 {
      %mul3A_345 = arith.constant 80 : i32
      %mul3A_346 = arith.muli %add3A_233, %mul3A_345 : i32
      "tpu.region"() ({
        %run_scoped3A = tpu.sem_alloc : memref<!tpu.dma_semaphore, #tpu.memory_space<semaphore_mem>>
        %dma_start3A = arith.constant 0 : i32
        %dma_start3A_349 = tpu.memref_slice %arg20[%mul3A_346, %dma_start3A] : memref<10000x128xf32, #tpu.memory_space<vmem_shared>> -> memref<80x128xf32, #tpu.memory_space<vmem_shared>>
        %dma_start3A_350 = arith.constant 0 : i32
        %dma_start3A_351 = tpu.memref_slice %arg20[%mul3A_346, %dma_start3A_350] : memref<10000x128xf32, #tpu.memory_space<vmem_shared>> -> memref<80x128xf32, #tpu.memory_space<vmem_shared>>
        tpu.enqueue_dma source(%arg18 : memref<80x128xf32, #tpu.memory_space<vmem>>) target(%dma_start3A_351 : memref<80x128xf32, #tpu.memory_space<vmem_shared>>) target_semaphore(%run_scoped3A : memref<!tpu.dma_semaphore, #tpu.memory_space<semaphore_mem>>)
        %dma_wait3A_352 = arith.constant 0 : i32
        %dma_wait3A_353 = tpu.memref_slice %arg20[%mul3A_346, %dma_wait3A_352] : memref<10000x128xf32, #tpu.memory_space<vmem_shared>> -> memref<80x128xf32, #tpu.memory_space<vmem_shared>>
        %dma_wait3A_354 = arith.constant 0 : i32
        %dma_wait3A_355 = tpu.memref_slice %arg20[%mul3A_346, %dma_wait3A_354] : memref<10000x128xf32, #tpu.memory_space<vmem_shared>> -> memref<80x128xf32, #tpu.memory_space<vmem_shared>>
        tpu.wait_dma2 semaphore(%run_scoped3A : memref<!tpu.dma_semaphore, #tpu.memory_space<semaphore_mem>>) src(%arg18 : memref<80x128xf32, #tpu.memory_space<vmem>>) dst(%dma_wait3A_355 : memref<80x128xf32, #tpu.memory_space<vmem_shared>>)
        tpu.yield
      }) : () -> ()
      %mul3A_347 = arith.constant 80 : i32
      %mul3A_348 = arith.muli %add3A_233, %mul3A_347 : i32
      "tpu.region"() ({
        %run_scoped3A = tpu.sem_alloc : memref<!tpu.dma_semaphore, #tpu.memory_space<semaphore_mem>>
        %dma_start3A = arith.constant 0 : i32
        %dma_start3A_349 = tpu.memref_slice %arg21[%mul3A_348, %dma_start3A] : memref<10000x8xf32, #tpu.memory_space<vmem_shared>> -> memref<80x8xf32, #tpu.memory_space<vmem_shared>>
        %dma_start3A_350 = arith.constant 0 : i32
        %dma_start3A_351 = tpu.memref_slice %arg21[%mul3A_348, %dma_start3A_350] : memref<10000x8xf32, #tpu.memory_space<vmem_shared>> -> memref<80x8xf32, #tpu.memory_space<vmem_shared>>
        tpu.enqueue_dma source(%arg19 : memref<80x8xf32, #tpu.memory_space<vmem>>) target(%dma_start3A_351 : memref<80x8xf32, #tpu.memory_space<vmem_shared>>) target_semaphore(%run_scoped3A : memref<!tpu.dma_semaphore, #tpu.memory_space<semaphore_mem>>)
        %dma_wait3A_352 = arith.constant 0 : i32
        %dma_wait3A_353 = tpu.memref_slice %arg21[%mul3A_348, %dma_wait3A_352] : memref<10000x8xf32, #tpu.memory_space<vmem_shared>> -> memref<80x8xf32, #tpu.memory_space<vmem_shared>>
        %dma_wait3A_354 = arith.constant 0 : i32
        %dma_wait3A_355 = tpu.memref_slice %arg21[%mul3A_348, %dma_wait3A_354] : memref<10000x8xf32, #tpu.memory_space<vmem_shared>> -> memref<80x8xf32, #tpu.memory_space<vmem_shared>>
        tpu.wait_dma2 semaphore(%run_scoped3A : memref<!tpu.dma_semaphore, #tpu.memory_space<semaphore_mem>>) src(%arg19 : memref<80x8xf32, #tpu.memory_space<vmem>>) dst(%dma_wait3A_355 : memref<80x8xf32, #tpu.memory_space<vmem_shared>>)
        tpu.yield
      }) : () -> ()
    } else {
    }
    %add3A_239 = arith.constant 80 : i32
    %add3A_240 = arith.addi %add3A_239, %arg1 : i32
    %lt3A_241 = arith.constant 125 : i32
    %lt3A_242 = arith.cmpi slt, %add3A_240, %lt3A_241 : i32
    %convert_element_type3A_243 = arith.extui %lt3A_242 : i1 to i32
    %cond3A_244 = arith.constant 0 : i32
    %cond3A_245 = arith.cmpi ne, %convert_element_type3A_243, %cond3A_244 : i32
    scf.if %cond3A_245 {
      %mul3A_345 = arith.constant 80 : i32
      %mul3A_346 = arith.muli %add3A_240, %mul3A_345 : i32
      "tpu.region"() ({
        %run_scoped3A = tpu.sem_alloc : memref<!tpu.dma_semaphore, #tpu.memory_space<semaphore_mem>>
        %dma_start3A = arith.constant 0 : i32
        %dma_start3A_349 = tpu.memref_slice %arg20[%mul3A_346, %dma_start3A] : memref<10000x128xf32, #tpu.memory_space<vmem_shared>> -> memref<80x128xf32, #tpu.memory_space<vmem_shared>>
        %dma_start3A_350 = arith.constant 0 : i32
        %dma_start3A_351 = tpu.memref_slice %arg20[%mul3A_346, %dma_start3A_350] : memref<10000x128xf32, #tpu.memory_space<vmem_shared>> -> memref<80x128xf32, #tpu.memory_space<vmem_shared>>
        tpu.enqueue_dma source(%arg18 : memref<80x128xf32, #tpu.memory_space<vmem>>) target(%dma_start3A_351 : memref<80x128xf32, #tpu.memory_space<vmem_shared>>) target_semaphore(%run_scoped3A : memref<!tpu.dma_semaphore, #tpu.memory_space<semaphore_mem>>)
        %dma_wait3A_352 = arith.constant 0 : i32
        %dma_wait3A_353 = tpu.memref_slice %arg20[%mul3A_346, %dma_wait3A_352] : memref<10000x128xf32, #tpu.memory_space<vmem_shared>> -> memref<80x128xf32, #tpu.memory_space<vmem_shared>>
        %dma_wait3A_354 = arith.constant 0 : i32
        %dma_wait3A_355 = tpu.memref_slice %arg20[%mul3A_346, %dma_wait3A_354] : memref<10000x128xf32, #tpu.memory_space<vmem_shared>> -> memref<80x128xf32, #tpu.memory_space<vmem_shared>>
        tpu.wait_dma2 semaphore(%run_scoped3A : memref<!tpu.dma_semaphore, #tpu.memory_space<semaphore_mem>>) src(%arg18 : memref<80x128xf32, #tpu.memory_space<vmem>>) dst(%dma_wait3A_355 : memref<80x128xf32, #tpu.memory_space<vmem_shared>>)
        tpu.yield
      }) : () -> ()
      %mul3A_347 = arith.constant 80 : i32
      %mul3A_348 = arith.muli %add3A_240, %mul3A_347 : i32
      "tpu.region"() ({
        %run_scoped3A = tpu.sem_alloc : memref<!tpu.dma_semaphore, #tpu.memory_space<semaphore_mem>>
        %dma_start3A = arith.constant 0 : i32
        %dma_start3A_349 = tpu.memref_slice %arg21[%mul3A_348, %dma_start3A] : memref<10000x8xf32, #tpu.memory_space<vmem_shared>> -> memref<80x8xf32, #tpu.memory_space<vmem_shared>>
        %dma_start3A_350 = arith.constant 0 : i32
        %dma_start3A_351 = tpu.memref_slice %arg21[%mul3A_348, %dma_start3A_350] : memref<10000x8xf32, #tpu.memory_space<vmem_shared>> -> memref<80x8xf32, #tpu.memory_space<vmem_shared>>
        tpu.enqueue_dma source(%arg19 : memref<80x8xf32, #tpu.memory_space<vmem>>) target(%dma_start3A_351 : memref<80x8xf32, #tpu.memory_space<vmem_shared>>) target_semaphore(%run_scoped3A : memref<!tpu.dma_semaphore, #tpu.memory_space<semaphore_mem>>)
        %dma_wait3A_352 = arith.constant 0 : i32
        %dma_wait3A_353 = tpu.memref_slice %arg21[%mul3A_348, %dma_wait3A_352] : memref<10000x8xf32, #tpu.memory_space<vmem_shared>> -> memref<80x8xf32, #tpu.memory_space<vmem_shared>>
        %dma_wait3A_354 = arith.constant 0 : i32
        %dma_wait3A_355 = tpu.memref_slice %arg21[%mul3A_348, %dma_wait3A_354] : memref<10000x8xf32, #tpu.memory_space<vmem_shared>> -> memref<80x8xf32, #tpu.memory_space<vmem_shared>>
        tpu.wait_dma2 semaphore(%run_scoped3A : memref<!tpu.dma_semaphore, #tpu.memory_space<semaphore_mem>>) src(%arg19 : memref<80x8xf32, #tpu.memory_space<vmem>>) dst(%dma_wait3A_355 : memref<80x8xf32, #tpu.memory_space<vmem_shared>>)
        tpu.yield
      }) : () -> ()
    } else {
    }
    %add3A_246 = arith.constant 96 : i32
    %add3A_247 = arith.addi %add3A_246, %arg1 : i32
    %lt3A_248 = arith.constant 125 : i32
    %lt3A_249 = arith.cmpi slt, %add3A_247, %lt3A_248 : i32
    %convert_element_type3A_250 = arith.extui %lt3A_249 : i1 to i32
    %cond3A_251 = arith.constant 0 : i32
    %cond3A_252 = arith.cmpi ne, %convert_element_type3A_250, %cond3A_251 : i32
    scf.if %cond3A_252 {
      %mul3A_345 = arith.constant 80 : i32
      %mul3A_346 = arith.muli %add3A_247, %mul3A_345 : i32
      "tpu.region"() ({
        %run_scoped3A = tpu.sem_alloc : memref<!tpu.dma_semaphore, #tpu.memory_space<semaphore_mem>>
        %dma_start3A = arith.constant 0 : i32
        %dma_start3A_349 = tpu.memref_slice %arg20[%mul3A_346, %dma_start3A] : memref<10000x128xf32, #tpu.memory_space<vmem_shared>> -> memref<80x128xf32, #tpu.memory_space<vmem_shared>>
        %dma_start3A_350 = arith.constant 0 : i32
        %dma_start3A_351 = tpu.memref_slice %arg20[%mul3A_346, %dma_start3A_350] : memref<10000x128xf32, #tpu.memory_space<vmem_shared>> -> memref<80x128xf32, #tpu.memory_space<vmem_shared>>
        tpu.enqueue_dma source(%arg18 : memref<80x128xf32, #tpu.memory_space<vmem>>) target(%dma_start3A_351 : memref<80x128xf32, #tpu.memory_space<vmem_shared>>) target_semaphore(%run_scoped3A : memref<!tpu.dma_semaphore, #tpu.memory_space<semaphore_mem>>)
        %dma_wait3A_352 = arith.constant 0 : i32
        %dma_wait3A_353 = tpu.memref_slice %arg20[%mul3A_346, %dma_wait3A_352] : memref<10000x128xf32, #tpu.memory_space<vmem_shared>> -> memref<80x128xf32, #tpu.memory_space<vmem_shared>>
        %dma_wait3A_354 = arith.constant 0 : i32
        %dma_wait3A_355 = tpu.memref_slice %arg20[%mul3A_346, %dma_wait3A_354] : memref<10000x128xf32, #tpu.memory_space<vmem_shared>> -> memref<80x128xf32, #tpu.memory_space<vmem_shared>>
        tpu.wait_dma2 semaphore(%run_scoped3A : memref<!tpu.dma_semaphore, #tpu.memory_space<semaphore_mem>>) src(%arg18 : memref<80x128xf32, #tpu.memory_space<vmem>>) dst(%dma_wait3A_355 : memref<80x128xf32, #tpu.memory_space<vmem_shared>>)
        tpu.yield
      }) : () -> ()
      %mul3A_347 = arith.constant 80 : i32
      %mul3A_348 = arith.muli %add3A_247, %mul3A_347 : i32
      "tpu.region"() ({
        %run_scoped3A = tpu.sem_alloc : memref<!tpu.dma_semaphore, #tpu.memory_space<semaphore_mem>>
        %dma_start3A = arith.constant 0 : i32
        %dma_start3A_349 = tpu.memref_slice %arg21[%mul3A_348, %dma_start3A] : memref<10000x8xf32, #tpu.memory_space<vmem_shared>> -> memref<80x8xf32, #tpu.memory_space<vmem_shared>>
        %dma_start3A_350 = arith.constant 0 : i32
        %dma_start3A_351 = tpu.memref_slice %arg21[%mul3A_348, %dma_start3A_350] : memref<10000x8xf32, #tpu.memory_space<vmem_shared>> -> memref<80x8xf32, #tpu.memory_space<vmem_shared>>
        tpu.enqueue_dma source(%arg19 : memref<80x8xf32, #tpu.memory_space<vmem>>) target(%dma_start3A_351 : memref<80x8xf32, #tpu.memory_space<vmem_shared>>) target_semaphore(%run_scoped3A : memref<!tpu.dma_semaphore, #tpu.memory_space<semaphore_mem>>)
        %dma_wait3A_352 = arith.constant 0 : i32
        %dma_wait3A_353 = tpu.memref_slice %arg21[%mul3A_348, %dma_wait3A_352] : memref<10000x8xf32, #tpu.memory_space<vmem_shared>> -> memref<80x8xf32, #tpu.memory_space<vmem_shared>>
        %dma_wait3A_354 = arith.constant 0 : i32
        %dma_wait3A_355 = tpu.memref_slice %arg21[%mul3A_348, %dma_wait3A_354] : memref<10000x8xf32, #tpu.memory_space<vmem_shared>> -> memref<80x8xf32, #tpu.memory_space<vmem_shared>>
        tpu.wait_dma2 semaphore(%run_scoped3A : memref<!tpu.dma_semaphore, #tpu.memory_space<semaphore_mem>>) src(%arg19 : memref<80x8xf32, #tpu.memory_space<vmem>>) dst(%dma_wait3A_355 : memref<80x8xf32, #tpu.memory_space<vmem_shared>>)
        tpu.yield
      }) : () -> ()
    } else {
    }
    %add3A_253 = arith.constant 112 : i32
    %add3A_254 = arith.addi %add3A_253, %arg1 : i32
    %lt3A_255 = arith.constant 125 : i32
    %lt3A_256 = arith.cmpi slt, %add3A_254, %lt3A_255 : i32
    %convert_element_type3A_257 = arith.extui %lt3A_256 : i1 to i32
    %cond3A_258 = arith.constant 0 : i32
    %cond3A_259 = arith.cmpi ne, %convert_element_type3A_257, %cond3A_258 : i32
    scf.if %cond3A_259 {
      %mul3A_345 = arith.constant 80 : i32
      %mul3A_346 = arith.muli %add3A_254, %mul3A_345 : i32
      "tpu.region"() ({
        %run_scoped3A = tpu.sem_alloc : memref<!tpu.dma_semaphore, #tpu.memory_space<semaphore_mem>>
        %dma_start3A = arith.constant 0 : i32
        %dma_start3A_349 = tpu.memref_slice %arg20[%mul3A_346, %dma_start3A] : memref<10000x128xf32, #tpu.memory_space<vmem_shared>> -> memref<80x128xf32, #tpu.memory_space<vmem_shared>>
        %dma_start3A_350 = arith.constant 0 : i32
        %dma_start3A_351 = tpu.memref_slice %arg20[%mul3A_346, %dma_start3A_350] : memref<10000x128xf32, #tpu.memory_space<vmem_shared>> -> memref<80x128xf32, #tpu.memory_space<vmem_shared>>
        tpu.enqueue_dma source(%arg18 : memref<80x128xf32, #tpu.memory_space<vmem>>) target(%dma_start3A_351 : memref<80x128xf32, #tpu.memory_space<vmem_shared>>) target_semaphore(%run_scoped3A : memref<!tpu.dma_semaphore, #tpu.memory_space<semaphore_mem>>)
        %dma_wait3A_352 = arith.constant 0 : i32
        %dma_wait3A_353 = tpu.memref_slice %arg20[%mul3A_346, %dma_wait3A_352] : memref<10000x128xf32, #tpu.memory_space<vmem_shared>> -> memref<80x128xf32, #tpu.memory_space<vmem_shared>>
        %dma_wait3A_354 = arith.constant 0 : i32
        %dma_wait3A_355 = tpu.memref_slice %arg20[%mul3A_346, %dma_wait3A_354] : memref<10000x128xf32, #tpu.memory_space<vmem_shared>> -> memref<80x128xf32, #tpu.memory_space<vmem_shared>>
        tpu.wait_dma2 semaphore(%run_scoped3A : memref<!tpu.dma_semaphore, #tpu.memory_space<semaphore_mem>>) src(%arg18 : memref<80x128xf32, #tpu.memory_space<vmem>>) dst(%dma_wait3A_355 : memref<80x128xf32, #tpu.memory_space<vmem_shared>>)
        tpu.yield
      }) : () -> ()
      %mul3A_347 = arith.constant 80 : i32
      %mul3A_348 = arith.muli %add3A_254, %mul3A_347 : i32
      "tpu.region"() ({
        %run_scoped3A = tpu.sem_alloc : memref<!tpu.dma_semaphore, #tpu.memory_space<semaphore_mem>>
        %dma_start3A = arith.constant 0 : i32
        %dma_start3A_349 = tpu.memref_slice %arg21[%mul3A_348, %dma_start3A] : memref<10000x8xf32, #tpu.memory_space<vmem_shared>> -> memref<80x8xf32, #tpu.memory_space<vmem_shared>>
        %dma_start3A_350 = arith.constant 0 : i32
        %dma_start3A_351 = tpu.memref_slice %arg21[%mul3A_348, %dma_start3A_350] : memref<10000x8xf32, #tpu.memory_space<vmem_shared>> -> memref<80x8xf32, #tpu.memory_space<vmem_shared>>
        tpu.enqueue_dma source(%arg19 : memref<80x8xf32, #tpu.memory_space<vmem>>) target(%dma_start3A_351 : memref<80x8xf32, #tpu.memory_space<vmem_shared>>) target_semaphore(%run_scoped3A : memref<!tpu.dma_semaphore, #tpu.memory_space<semaphore_mem>>)
        %dma_wait3A_352 = arith.constant 0 : i32
        %dma_wait3A_353 = tpu.memref_slice %arg21[%mul3A_348, %dma_wait3A_352] : memref<10000x8xf32, #tpu.memory_space<vmem_shared>> -> memref<80x8xf32, #tpu.memory_space<vmem_shared>>
        %dma_wait3A_354 = arith.constant 0 : i32
        %dma_wait3A_355 = tpu.memref_slice %arg21[%mul3A_348, %dma_wait3A_354] : memref<10000x8xf32, #tpu.memory_space<vmem_shared>> -> memref<80x8xf32, #tpu.memory_space<vmem_shared>>
        tpu.wait_dma2 semaphore(%run_scoped3A : memref<!tpu.dma_semaphore, #tpu.memory_space<semaphore_mem>>) src(%arg19 : memref<80x8xf32, #tpu.memory_space<vmem>>) dst(%dma_wait3A_355 : memref<80x8xf32, #tpu.memory_space<vmem_shared>>)
        tpu.yield
      }) : () -> ()
    } else {
    }
    %barrier3A = arith.constant 0 : index
    tpu.barrier barrier_id(%barrier3A)
    %get3A = arith.constant 0 : index
    %get3A_260 = tpu.vector_load %arg10[%get3A] {strides = array<i32>} : memref<128xf32, #tpu.memory_space<vmem>>, vector<16xf32>,
    %get3A_261 = arith.constant 16 : index
    %get3A_262 = tpu.vector_load %arg10[%get3A_261] {strides = array<i32>} : memref<128xf32, #tpu.memory_space<vmem>>, vector<16xf32>,
    %get3A_263 = arith.constant 32 : index
    %get3A_264 = tpu.vector_load %arg10[%get3A_263] {strides = array<i32>} : memref<128xf32, #tpu.memory_space<vmem>>, vector<16xf32>,
    %get3A_265 = arith.constant 48 : index
    %get3A_266 = tpu.vector_load %arg10[%get3A_265] {strides = array<i32>} : memref<128xf32, #tpu.memory_space<vmem>>, vector<16xf32>,
    %get3A_267 = arith.constant 64 : index
    %get3A_268 = tpu.vector_load %arg10[%get3A_267] {strides = array<i32>} : memref<128xf32, #tpu.memory_space<vmem>>, vector<16xf32>,
    %get3A_269 = arith.constant 80 : index
    %get3A_270 = tpu.vector_load %arg10[%get3A_269] {strides = array<i32>} : memref<128xf32, #tpu.memory_space<vmem>>, vector<16xf32>,
    %get3A_271 = arith.constant 96 : index
    %get3A_272 = tpu.vector_load %arg10[%get3A_271] {strides = array<i32>} : memref<128xf32, #tpu.memory_space<vmem>>, vector<16xf32>,
    %get3A_273 = arith.constant 112 : index
    %get3A_274 = tpu.vector_load %arg10[%get3A_273] {strides = array<i32>} : memref<128xf32, #tpu.memory_space<vmem>>, vector<16xf32>,
    %broadcast_in_dim3A_275 = arith.constant 0 : i32
    %broadcast_in_dim3A_276 = vector.broadcast %broadcast_in_dim3A_275 : i32 to vector<16xi32>
    %scan3A_277 = arith.constant 0 : i32
    %scan3A_278 = arith.constant 0 : i32
    %scan3A_279 = arith.constant 125 : i32
    %scan3A_280 = arith.addi %scan3A_278, %scan3A_279 : i32
    %scan3A_281 = arith.constant 1 : i32
    scf.for %scan3A_345 = %scan3A_278 to %scan3A_280 step %scan3A_281  : i32 {
      %mul3A_346 = arith.constant 10000 : i32
      %mul3A_347 = arith.muli %add3A, %mul3A_346 : i32
      %mul3A_348 = arith.constant 80 : i32
      %mul3A_349 = arith.muli %scan3A_345, %mul3A_348 : i32
      %add3A_350 = arith.addi %mul3A_347, %mul3A_349 : i32
      %jit3A = arith.constant 2 : i32
      %eq3A = arith.constant 0 : i32
      %eq3A_351 = arith.cmpi eq, %jit3A, %eq3A : i32
      %jit3A_352 = arith.constant 1 : i32
      %select_n3A = arith.select %eq3A_351, %jit3A_352, %jit3A : i32
      %rem3A = arith.remsi %scan3A_345, %select_n3A : i32
      %ne3A = arith.constant 0 : i32
      %ne3A_353 = arith.cmpi ne, %rem3A, %ne3A : i32
      %lt3A_354 = arith.constant 0 : i32
      %lt3A_355 = arith.cmpi slt, %rem3A, %lt3A_354 : i32
      %lt3A_356 = arith.constant 0 : i32
      %lt3A_357 = arith.cmpi slt, %select_n3A, %lt3A_356 : i32
      %ne3A_358 = arith.xori %lt3A_355, %lt3A_357 : i1
      %and3A = arith.andi %ne3A_358, %ne3A_353 : i1
      %add3A_359 = arith.addi %rem3A, %select_n3A : i32
      %select_n3A_360 = arith.select %and3A, %add3A_359, %rem3A : i32
      %eq3A_361 = arith.constant 0 : i32
      %eq3A_362 = arith.cmpi eq, %select_n3A_360, %eq3A_361 : i32
      "tpu.region"() ({
        %run_scoped3A = tpu.sem_alloc : memref<!tpu.dma_semaphore, #tpu.memory_space<semaphore_mem>>
        %dma_start3A_397 = tpu.memref_slice %arg3[%add3A_350] : memref<320000xi32, #tpu.memory_space<hbm>> -> memref<80xi32, #tpu.memory_space<hbm>>
        %dma_start3A_398 = tpu.memref_slice %arg3[%add3A_350] : memref<320000xi32, #tpu.memory_space<hbm>> -> memref<80xi32, #tpu.memory_space<hbm>>
        tpu.enqueue_dma source(%dma_start3A_398 : memref<80xi32, #tpu.memory_space<hbm>>) target(%arg12 : memref<80xi32, #tpu.memory_space<vmem>>) target_semaphore(%run_scoped3A : memref<!tpu.dma_semaphore, #tpu.memory_space<semaphore_mem>>)
        %dma_wait3A_399 = tpu.memref_slice %arg3[%add3A_350] : memref<320000xi32, #tpu.memory_space<hbm>> -> memref<80xi32, #tpu.memory_space<hbm>>
        %dma_wait3A_400 = tpu.memref_slice %arg3[%add3A_350] : memref<320000xi32, #tpu.memory_space<hbm>> -> memref<80xi32, #tpu.memory_space<hbm>>
        tpu.wait_dma2 semaphore(%run_scoped3A : memref<!tpu.dma_semaphore, #tpu.memory_space<semaphore_mem>>) src(%dma_wait3A_400 : memref<80xi32, #tpu.memory_space<hbm>>) dst(%arg12 : memref<80xi32, #tpu.memory_space<vmem>>)
        tpu.yield
      }) : () -> ()
      "tpu.region"() ({
        %run_scoped3A = tpu.sem_alloc : memref<!tpu.dma_semaphore, #tpu.memory_space<semaphore_mem>>
        %dma_start3A_397 = tpu.memref_slice %arg4[%add3A_350] : memref<320000xi32, #tpu.memory_space<hbm>> -> memref<80xi32, #tpu.memory_space<hbm>>
        %dma_start3A_398 = tpu.memref_slice %arg4[%add3A_350] : memref<320000xi32, #tpu.memory_space<hbm>> -> memref<80xi32, #tpu.memory_space<hbm>>
        tpu.enqueue_dma source(%dma_start3A_398 : memref<80xi32, #tpu.memory_space<hbm>>) target(%arg13 : memref<80xi32, #tpu.memory_space<vmem>>) target_semaphore(%run_scoped3A : memref<!tpu.dma_semaphore, #tpu.memory_space<semaphore_mem>>)
        %dma_wait3A_399 = tpu.memref_slice %arg4[%add3A_350] : memref<320000xi32, #tpu.memory_space<hbm>> -> memref<80xi32, #tpu.memory_space<hbm>>
        %dma_wait3A_400 = tpu.memref_slice %arg4[%add3A_350] : memref<320000xi32, #tpu.memory_space<hbm>> -> memref<80xi32, #tpu.memory_space<hbm>>
        tpu.wait_dma2 semaphore(%run_scoped3A : memref<!tpu.dma_semaphore, #tpu.memory_space<semaphore_mem>>) src(%dma_wait3A_400 : memref<80xi32, #tpu.memory_space<hbm>>) dst(%arg13 : memref<80xi32, #tpu.memory_space<vmem>>)
        tpu.yield
      }) : () -> ()
      %dma_start3A = arith.constant 0 : i32
      %dma_start3A_363 = arith.constant 0 : i32
      %dma_start3A_364 = tpu.memref_slice %arg2[%dma_start3A, %dma_start3A_363] : memref<10000x128xf32, #tpu.memory_space<hbm>> -> memref<10000x128xf32, #tpu.memory_space<hbm>>
      tpu.enqueue_indirect_dma source(%dma_start3A_364 : memref<10000x128xf32, #tpu.memory_space<hbm>>) target(%arg16 : memref<80x128xf32, #tpu.memory_space<vmem>>) offsets(%arg12 : memref<80xi32, #tpu.memory_space<vmem>>) semaphore(%arg22 : memref<!tpu.dma_semaphore, #tpu.memory_space<semaphore_mem>>)
      %dma_start3A_365 = arith.constant 0 : i32
      %dma_start3A_366 = tpu.memref_slice %arg5[%add3A_350, %dma_start3A_365] : memref<320000x128xf32, #tpu.memory_space<hbm>> -> memref<80x128xf32, #tpu.memory_space<hbm>>
      %dma_start3A_367 = arith.constant 0 : i32
      %dma_start3A_368 = tpu.memref_slice %arg5[%add3A_350, %dma_start3A_367] : memref<320000x128xf32, #tpu.memory_space<hbm>> -> memref<80x128xf32, #tpu.memory_space<hbm>>
      tpu.enqueue_dma source(%dma_start3A_368 : memref<80x128xf32, #tpu.memory_space<hbm>>) target(%arg17 : memref<80x128xf32, #tpu.memory_space<vmem>>) target_semaphore(%arg23 : memref<!tpu.dma_semaphore, #tpu.memory_space<semaphore_mem>>)
      %convert_element_type3A_369 = arith.extui %eq3A_362 : i1 to i32
      %cond3A_370 = arith.constant 0 : i32
      %cond3A_371 = arith.cmpi ne, %convert_element_type3A_369, %cond3A_370 : i32
      scf.if %cond3A_371 {
        "tpu.region"() ({
          %run_scoped3A = tpu.sem_alloc : memref<!tpu.dma_semaphore, #tpu.memory_space<semaphore_mem>>
          %dma_start3A_401 = tpu.memref_slice %arg4[%add3A_350] : memref<320000xi32, #tpu.memory_space<hbm>> -> memref<80xi32, #tpu.memory_space<hbm>>
          %dma_start3A_402 = tpu.memref_slice %arg4[%add3A_350] : memref<320000xi32, #tpu.memory_space<hbm>> -> memref<80xi32, #tpu.memory_space<hbm>>
          tpu.enqueue_dma source(%dma_start3A_402 : memref<80xi32, #tpu.memory_space<hbm>>) target(%arg14 : memref<80xi32, #tpu.memory_space<vmem>>) target_semaphore(%run_scoped3A : memref<!tpu.dma_semaphore, #tpu.memory_space<semaphore_mem>>)
          %dma_wait3A_403 = tpu.memref_slice %arg4[%add3A_350] : memref<320000xi32, #tpu.memory_space<hbm>> -> memref<80xi32, #tpu.memory_space<hbm>>
          %dma_wait3A_404 = tpu.memref_slice %arg4[%add3A_350] : memref<320000xi32, #tpu.memory_space<hbm>> -> memref<80xi32, #tpu.memory_space<hbm>>
          tpu.wait_dma2 semaphore(%run_scoped3A : memref<!tpu.dma_semaphore, #tpu.memory_space<semaphore_mem>>) src(%dma_wait3A_404 : memref<80xi32, #tpu.memory_space<hbm>>) dst(%arg14 : memref<80xi32, #tpu.memory_space<vmem>>)
          tpu.yield
        }) : () -> ()
        %ge3A = arith.constant 1 : i32
        %ge3A_397 = arith.cmpi sge, %scan3A_345, %ge3A : i32
        %convert_element_type3A_398 = arith.extui %ge3A_397 : i1 to i32
        %cond3A_399 = arith.constant 0 : i32
        %cond3A_400 = arith.cmpi ne, %convert_element_type3A_398, %cond3A_399 : i32
        scf.if %cond3A_400 {
          %dma_wait3A_401 = arith.constant 0 : i32
          %dma_wait3A_402 = arith.constant 0 : i32
          %dma_wait3A_403 = tpu.memref_slice %arg20[%dma_wait3A_401, %dma_wait3A_402] : memref<10000x128xf32, #tpu.memory_space<vmem_shared>> -> memref<10000x128xf32, #tpu.memory_space<vmem_shared>>
          tpu.wait_indirect_dma semaphore(%arg26 : memref<!tpu.dma_semaphore, #tpu.memory_space<semaphore_mem>>) src(%arg18 : memref<80x128xf32, #tpu.memory_space<vmem>>) dst(%dma_wait3A_403 : memref<10000x128xf32, #tpu.memory_space<vmem_shared>>)
          %dma_wait3A_404 = arith.constant 0 : i32
          %dma_wait3A_405 = arith.constant 0 : i32
          %dma_wait3A_406 = tpu.memref_slice %arg21[%dma_wait3A_404, %dma_wait3A_405] : memref<10000x8xf32, #tpu.memory_space<vmem_shared>> -> memref<10000x8xf32, #tpu.memory_space<vmem_shared>>
          tpu.wait_indirect_dma semaphore(%arg27 : memref<!tpu.dma_semaphore, #tpu.memory_space<semaphore_mem>>) src(%arg19 : memref<80x8xf32, #tpu.memory_space<vmem>>) dst(%dma_wait3A_406 : memref<10000x8xf32, #tpu.memory_space<vmem_shared>>)
        } else {
        }
      } else {
      }
      %not3A = arith.constant true
      %not3A_372 = arith.xori %eq3A_362, %not3A : i1
      %convert_element_type3A_373 = arith.extui %not3A_372 : i1 to i32
      %cond3A_374 = arith.constant 0 : i32
      %cond3A_375 = arith.cmpi ne, %convert_element_type3A_373, %cond3A_374 : i32
      scf.if %cond3A_375 {
        "tpu.region"() ({
          %run_scoped3A = tpu.sem_alloc : memref<!tpu.dma_semaphore, #tpu.memory_space<semaphore_mem>>
          %dma_start3A_403 = tpu.memref_slice %arg4[%add3A_350] : memref<320000xi32, #tpu.memory_space<hbm>> -> memref<80xi32, #tpu.memory_space<hbm>>
          %dma_start3A_404 = tpu.memref_slice %arg4[%add3A_350] : memref<320000xi32, #tpu.memory_space<hbm>> -> memref<80xi32, #tpu.memory_space<hbm>>
          tpu.enqueue_dma source(%dma_start3A_404 : memref<80xi32, #tpu.memory_space<hbm>>) target(%arg15 : memref<80xi32, #tpu.memory_space<vmem>>) target_semaphore(%run_scoped3A : memref<!tpu.dma_semaphore, #tpu.memory_space<semaphore_mem>>)
          %dma_wait3A_405 = tpu.memref_slice %arg4[%add3A_350] : memref<320000xi32, #tpu.memory_space<hbm>> -> memref<80xi32, #tpu.memory_space<hbm>>
          %dma_wait3A_406 = tpu.memref_slice %arg4[%add3A_350] : memref<320000xi32, #tpu.memory_space<hbm>> -> memref<80xi32, #tpu.memory_space<hbm>>
          tpu.wait_dma2 semaphore(%run_scoped3A : memref<!tpu.dma_semaphore, #tpu.memory_space<semaphore_mem>>) src(%dma_wait3A_406 : memref<80xi32, #tpu.memory_space<hbm>>) dst(%arg15 : memref<80xi32, #tpu.memory_space<vmem>>)
          tpu.yield
        }) : () -> ()
        %dma_wait3A_397 = arith.constant 0 : i32
        %dma_wait3A_398 = arith.constant 0 : i32
        %dma_wait3A_399 = tpu.memref_slice %arg20[%dma_wait3A_397, %dma_wait3A_398] : memref<10000x128xf32, #tpu.memory_space<vmem_shared>> -> memref<10000x128xf32, #tpu.memory_space<vmem_shared>>
        tpu.wait_indirect_dma semaphore(%arg24 : memref<!tpu.dma_semaphore, #tpu.memory_space<semaphore_mem>>) src(%arg18 : memref<80x128xf32, #tpu.memory_space<vmem>>) dst(%dma_wait3A_399 : memref<10000x128xf32, #tpu.memory_space<vmem_shared>>)
        %dma_wait3A_400 = arith.constant 0 : i32
        %dma_wait3A_401 = arith.constant 0 : i32
        %dma_wait3A_402 = tpu.memref_slice %arg21[%dma_wait3A_400, %dma_wait3A_401] : memref<10000x8xf32, #tpu.memory_space<vmem_shared>> -> memref<10000x8xf32, #tpu.memory_space<vmem_shared>>
        tpu.wait_indirect_dma semaphore(%arg25 : memref<!tpu.dma_semaphore, #tpu.memory_space<semaphore_mem>>) src(%arg19 : memref<80x8xf32, #tpu.memory_space<vmem>>) dst(%dma_wait3A_402 : memref<10000x8xf32, #tpu.memory_space<vmem_shared>>)
      } else {
      }
      %dma_wait3A_376 = arith.constant 0 : i32
      %dma_wait3A_377 = arith.constant 0 : i32
      %dma_wait3A_378 = tpu.memref_slice %arg2[%dma_wait3A_376, %dma_wait3A_377] : memref<10000x128xf32, #tpu.memory_space<hbm>> -> memref<10000x128xf32, #tpu.memory_space<hbm>>
      tpu.wait_indirect_dma semaphore(%arg22 : memref<!tpu.dma_semaphore, #tpu.memory_space<semaphore_mem>>) src(%dma_wait3A_378 : memref<10000x128xf32, #tpu.memory_space<hbm>>) dst(%arg16 : memref<80x128xf32, #tpu.memory_space<vmem>>)
      %dma_wait3A_379 = arith.constant 0 : i32
      %dma_wait3A_380 = tpu.memref_slice %arg5[%add3A_350, %dma_wait3A_379] : memref<320000x128xf32, #tpu.memory_space<hbm>> -> memref<80x128xf32, #tpu.memory_space<hbm>>
      %dma_wait3A_381 = arith.constant 0 : i32
      %dma_wait3A_382 = tpu.memref_slice %arg5[%add3A_350, %dma_wait3A_381] : memref<320000x128xf32, #tpu.memory_space<hbm>> -> memref<80x128xf32, #tpu.memory_space<hbm>>
      tpu.wait_dma2 semaphore(%arg23 : memref<!tpu.dma_semaphore, #tpu.memory_space<semaphore_mem>>) src(%dma_wait3A_382 : memref<80x128xf32, #tpu.memory_space<hbm>>) dst(%arg17 : memref<80x128xf32, #tpu.memory_space<vmem>>)
      %scan3A_383 = arith.constant 0 : i32
      %scan3A_384 = arith.constant 0 : i32
      %scan3A_385 = arith.constant 5 : i32
      %scan3A_386 = arith.addi %scan3A_384, %scan3A_385 : i32
      %scan3A_387 = arith.constant 1 : i32
      scf.for %scan3A_397 = %scan3A_384 to %scan3A_386 step %scan3A_387  : i32 {
        %mul3A_398 = arith.constant 16 : i32
        %mul3A_399 = arith.muli %scan3A_397, %mul3A_398 : i32
        %get3A_400 = arith.index_cast %mul3A_399 : i32 to index
        %get3A_401 = tpu.vector_load %arg13[%get3A_400] {strides = array<i32>} : memref<80xi32, #tpu.memory_space<vmem>>, vector<16xi32>,
        %gather3A = tpu.vector_load_idx %arg11[%get3A_401] : memref<10000xf32, #tpu.memory_space<vmem>>[vector<16xi32>], vector<16xf32>,
        %mul3A_402 = arith.constant 16 : i32
        %mul3A_403 = arith.muli %scan3A_397, %mul3A_402 : i32
        %add3A_404 = arith.constant 0 : i32
        %add3A_405 = arith.addi %mul3A_403, %add3A_404 : i32
        %get3A_406 = arith.index_cast %add3A_405 : i32 to index
        %get3A_407 = arith.constant 0 : index
        %get3A_408 = tpu.vector_load %arg16[%get3A_406, %get3A_407] {strides = array<i32>} : memref<80x128xf32, #tpu.memory_space<vmem>>, vector<16xf32>,
        %get3A_409 = arith.index_cast %add3A_405 : i32 to index
        %get3A_410 = arith.constant 0 : index
        %get3A_411 = tpu.vector_load %arg17[%get3A_409, %get3A_410] {strides = array<i32>} : memref<80x128xf32, #tpu.memory_space<vmem>>, vector<16xf32>,
        %mul3A_412 = arith.mulf %get3A_408, %get3A_411 : vector<16xf32>
        %mul3A_413 = arith.mulf %mul3A_412, %get3A_260 : vector<16xf32>
        %add3A_414 = arith.addf %broadcast_in_dim3A_1, %mul3A_413 : vector<16xf32>
        %get3A_415 = arith.index_cast %add3A_405 : i32 to index
        %get3A_416 = arith.constant 16 : index
        %get3A_417 = tpu.vector_load %arg16[%get3A_415, %get3A_416] {strides = array<i32>} : memref<80x128xf32, #tpu.memory_space<vmem>>, vector<16xf32>,
        %get3A_418 = arith.index_cast %add3A_405 : i32 to index
        %get3A_419 = arith.constant 16 : index
        %get3A_420 = tpu.vector_load %arg17[%get3A_418, %get3A_419] {strides = array<i32>} : memref<80x128xf32, #tpu.memory_space<vmem>>, vector<16xf32>,
        %mul3A_421 = arith.mulf %get3A_417, %get3A_420 : vector<16xf32>
        %mul3A_422 = arith.mulf %mul3A_421, %get3A_262 : vector<16xf32>
        %add3A_423 = arith.addf %add3A_414, %mul3A_422 : vector<16xf32>
        %get3A_424 = arith.index_cast %add3A_405 : i32 to index
        %get3A_425 = arith.constant 32 : index
        %get3A_426 = tpu.vector_load %arg16[%get3A_424, %get3A_425] {strides = array<i32>} : memref<80x128xf32, #tpu.memory_space<vmem>>, vector<16xf32>,
        %get3A_427 = arith.index_cast %add3A_405 : i32 to index
        %get3A_428 = arith.constant 32 : index
        %get3A_429 = tpu.vector_load %arg17[%get3A_427, %get3A_428] {strides = array<i32>} : memref<80x128xf32, #tpu.memory_space<vmem>>, vector<16xf32>,
        %mul3A_430 = arith.mulf %get3A_426, %get3A_429 : vector<16xf32>
        %mul3A_431 = arith.mulf %mul3A_430, %get3A_264 : vector<16xf32>
        %add3A_432 = arith.addf %add3A_423, %mul3A_431 : vector<16xf32>
        %get3A_433 = arith.index_cast %add3A_405 : i32 to index
        %get3A_434 = arith.constant 48 : index
        %get3A_435 = tpu.vector_load %arg16[%get3A_433, %get3A_434] {strides = array<i32>} : memref<80x128xf32, #tpu.memory_space<vmem>>, vector<16xf32>,
        %get3A_436 = arith.index_cast %add3A_405 : i32 to index
        %get3A_437 = arith.constant 48 : index
        %get3A_438 = tpu.vector_load %arg17[%get3A_436, %get3A_437] {strides = array<i32>} : memref<80x128xf32, #tpu.memory_space<vmem>>, vector<16xf32>,
        %mul3A_439 = arith.mulf %get3A_435, %get3A_438 : vector<16xf32>
        %mul3A_440 = arith.mulf %mul3A_439, %get3A_266 : vector<16xf32>
        %add3A_441 = arith.addf %add3A_432, %mul3A_440 : vector<16xf32>
        %get3A_442 = arith.index_cast %add3A_405 : i32 to index
        %get3A_443 = arith.constant 64 : index
        %get3A_444 = tpu.vector_load %arg16[%get3A_442, %get3A_443] {strides = array<i32>} : memref<80x128xf32, #tpu.memory_space<vmem>>, vector<16xf32>,
        %get3A_445 = arith.index_cast %add3A_405 : i32 to index
        %get3A_446 = arith.constant 64 : index
        %get3A_447 = tpu.vector_load %arg17[%get3A_445, %get3A_446] {strides = array<i32>} : memref<80x128xf32, #tpu.memory_space<vmem>>, vector<16xf32>,
        %mul3A_448 = arith.mulf %get3A_444, %get3A_447 : vector<16xf32>
        %mul3A_449 = arith.mulf %mul3A_448, %get3A_268 : vector<16xf32>
        %add3A_450 = arith.addf %add3A_441, %mul3A_449 : vector<16xf32>
        %get3A_451 = arith.index_cast %add3A_405 : i32 to index
        %get3A_452 = arith.constant 80 : index
        %get3A_453 = tpu.vector_load %arg16[%get3A_451, %get3A_452] {strides = array<i32>} : memref<80x128xf32, #tpu.memory_space<vmem>>, vector<16xf32>,
        %get3A_454 = arith.index_cast %add3A_405 : i32 to index
        %get3A_455 = arith.constant 80 : index
        %get3A_456 = tpu.vector_load %arg17[%get3A_454, %get3A_455] {strides = array<i32>} : memref<80x128xf32, #tpu.memory_space<vmem>>, vector<16xf32>,
        %mul3A_457 = arith.mulf %get3A_453, %get3A_456 : vector<16xf32>
        %mul3A_458 = arith.mulf %mul3A_457, %get3A_270 : vector<16xf32>
        %add3A_459 = arith.addf %add3A_450, %mul3A_458 : vector<16xf32>
        %get3A_460 = arith.index_cast %add3A_405 : i32 to index
        %get3A_461 = arith.constant 96 : index
        %get3A_462 = tpu.vector_load %arg16[%get3A_460, %get3A_461] {strides = array<i32>} : memref<80x128xf32, #tpu.memory_space<vmem>>, vector<16xf32>,
        %get3A_463 = arith.index_cast %add3A_405 : i32 to index
        %get3A_464 = arith.constant 96 : index
        %get3A_465 = tpu.vector_load %arg17[%get3A_463, %get3A_464] {strides = array<i32>} : memref<80x128xf32, #tpu.memory_space<vmem>>, vector<16xf32>,
        %mul3A_466 = arith.mulf %get3A_462, %get3A_465 : vector<16xf32>
        %mul3A_467 = arith.mulf %mul3A_466, %get3A_272 : vector<16xf32>
        %add3A_468 = arith.addf %add3A_459, %mul3A_467 : vector<16xf32>
        %get3A_469 = arith.index_cast %add3A_405 : i32 to index
        %get3A_470 = arith.constant 112 : index
        %get3A_471 = tpu.vector_load %arg16[%get3A_469, %get3A_470] {strides = array<i32>} : memref<80x128xf32, #tpu.memory_space<vmem>>, vector<16xf32>,
        %get3A_472 = arith.index_cast %add3A_405 : i32 to index
        %get3A_473 = arith.constant 112 : index
        %get3A_474 = tpu.vector_load %arg17[%get3A_472, %get3A_473] {strides = array<i32>} : memref<80x128xf32, #tpu.memory_space<vmem>>, vector<16xf32>,
        %mul3A_475 = arith.mulf %get3A_471, %get3A_474 : vector<16xf32>
        %mul3A_476 = arith.mulf %mul3A_475, %get3A_274 : vector<16xf32>
        %add3A_477 = arith.addf %add3A_468, %mul3A_476 : vector<16xf32>
        %eq3A_478 = arith.constant 0 : i32
        %eq3A_479 = vector.broadcast %eq3A_478 : i32 to vector<16xi32>
        %eq3A_480 = arith.cmpi eq, %iota3A, %eq3A_479 : vector<16xi32>
        %select_n3A_481 = arith.select %eq3A_480, %gather3A, %broadcast_in_dim3A_1 : vector<16xi1>, vector<16xf32>
        %add3A_482 = arith.addf %add3A_477, %select_n3A_481 : vector<16xf32>
        %reduce_sum3A = arith.constant true
        %reduce_sum3A_483 = vector.broadcast %reduce_sum3A : i1 to vector<16xi1>
        %reduce_sum3A_484 = tpu.scan <sum>, %add3A_482 masked %reduce_sum3A_483 : vector<16xf32>, vector<16xi1> -> vector<16xf32>
        %reduce_sum3A_485 = vector.extract %reduce_sum3A_484[15] : f32 from vector<16xf32>
        %broadcast_in_dim3A_486 = vector.broadcast %reduce_sum3A_485 : f32 to vector<16xf32>
        %ge3A = arith.constant 0.000000e+00 : f32
        %ge3A_487 = vector.broadcast %ge3A : f32 to vector<16xf32>
        %ge3A_488 = arith.cmpf oge, %broadcast_in_dim3A_486, %ge3A_487 : vector<16xf32>
        %mul3A_489 = arith.constant 0.00999999977 : f32
        %mul3A_490 = vector.broadcast %mul3A_489 : f32 to vector<16xf32>
        %mul3A_491 = arith.mulf %broadcast_in_dim3A_486, %mul3A_490 : vector<16xf32>
        %select_n3A_492 = arith.select %ge3A_488, %broadcast_in_dim3A_486, %mul3A_491 : vector<16xi1>, vector<16xf32>
        %exp3A = math.exp %select_n3A_492 : vector<16xf32>
        %mul3A_493 = arith.mulf %mul3A_412, %exp3A : vector<16xf32>
        %swap3A = arith.index_cast %add3A_405 : i32 to index
        %swap3A_494 = arith.constant 0 : index
        %swap3A_495 = tpu.vector_load %arg18[%swap3A, %swap3A_494] {strides = array<i32>} : memref<80x128xf32, #tpu.memory_space<vmem>>, vector<16xf32>,
        tpu.vector_store %arg18[%swap3A, %swap3A_494], %mul3A_493 {strides = array<i32>} : memref<80x128xf32, #tpu.memory_space<vmem>>, vector<16xf32>,
        %mul3A_496 = arith.mulf %mul3A_421, %exp3A : vector<16xf32>
        %swap3A_497 = arith.index_cast %add3A_405 : i32 to index
        %swap3A_498 = arith.constant 16 : index
        %swap3A_499 = tpu.vector_load %arg18[%swap3A_497, %swap3A_498] {strides = array<i32>} : memref<80x128xf32, #tpu.memory_space<vmem>>, vector<16xf32>,
        tpu.vector_store %arg18[%swap3A_497, %swap3A_498], %mul3A_496 {strides = array<i32>} : memref<80x128xf32, #tpu.memory_space<vmem>>, vector<16xf32>,
        %mul3A_500 = arith.mulf %mul3A_430, %exp3A : vector<16xf32>
        %swap3A_501 = arith.index_cast %add3A_405 : i32 to index
        %swap3A_502 = arith.constant 32 : index
        %swap3A_503 = tpu.vector_load %arg18[%swap3A_501, %swap3A_502] {strides = array<i32>} : memref<80x128xf32, #tpu.memory_space<vmem>>, vector<16xf32>,
        tpu.vector_store %arg18[%swap3A_501, %swap3A_502], %mul3A_500 {strides = array<i32>} : memref<80x128xf32, #tpu.memory_space<vmem>>, vector<16xf32>,
        %mul3A_504 = arith.mulf %mul3A_439, %exp3A : vector<16xf32>
        %swap3A_505 = arith.index_cast %add3A_405 : i32 to index
        %swap3A_506 = arith.constant 48 : index
        %swap3A_507 = tpu.vector_load %arg18[%swap3A_505, %swap3A_506] {strides = array<i32>} : memref<80x128xf32, #tpu.memory_space<vmem>>, vector<16xf32>,
        tpu.vector_store %arg18[%swap3A_505, %swap3A_506], %mul3A_504 {strides = array<i32>} : memref<80x128xf32, #tpu.memory_space<vmem>>, vector<16xf32>,
        %mul3A_508 = arith.mulf %mul3A_448, %exp3A : vector<16xf32>
        %swap3A_509 = arith.index_cast %add3A_405 : i32 to index
        %swap3A_510 = arith.constant 64 : index
        %swap3A_511 = tpu.vector_load %arg18[%swap3A_509, %swap3A_510] {strides = array<i32>} : memref<80x128xf32, #tpu.memory_space<vmem>>, vector<16xf32>,
        tpu.vector_store %arg18[%swap3A_509, %swap3A_510], %mul3A_508 {strides = array<i32>} : memref<80x128xf32, #tpu.memory_space<vmem>>, vector<16xf32>,
        %mul3A_512 = arith.mulf %mul3A_457, %exp3A : vector<16xf32>
        %swap3A_513 = arith.index_cast %add3A_405 : i32 to index
        %swap3A_514 = arith.constant 80 : index
        %swap3A_515 = tpu.vector_load %arg18[%swap3A_513, %swap3A_514] {strides = array<i32>} : memref<80x128xf32, #tpu.memory_space<vmem>>, vector<16xf32>,
        tpu.vector_store %arg18[%swap3A_513, %swap3A_514], %mul3A_512 {strides = array<i32>} : memref<80x128xf32, #tpu.memory_space<vmem>>, vector<16xf32>,
        %mul3A_516 = arith.mulf %mul3A_466, %exp3A : vector<16xf32>
        %swap3A_517 = arith.index_cast %add3A_405 : i32 to index
        %swap3A_518 = arith.constant 96 : index
        %swap3A_519 = tpu.vector_load %arg18[%swap3A_517, %swap3A_518] {strides = array<i32>} : memref<80x128xf32, #tpu.memory_space<vmem>>, vector<16xf32>,
        tpu.vector_store %arg18[%swap3A_517, %swap3A_518], %mul3A_516 {strides = array<i32>} : memref<80x128xf32, #tpu.memory_space<vmem>>, vector<16xf32>,
        %mul3A_520 = arith.mulf %mul3A_475, %exp3A : vector<16xf32>
        %swap3A_521 = arith.index_cast %add3A_405 : i32 to index
        %swap3A_522 = arith.constant 112 : index
        %swap3A_523 = tpu.vector_load %arg18[%swap3A_521, %swap3A_522] {strides = array<i32>} : memref<80x128xf32, #tpu.memory_space<vmem>>, vector<16xf32>,
        tpu.vector_store %arg18[%swap3A_521, %swap3A_522], %mul3A_520 {strides = array<i32>} : memref<80x128xf32, #tpu.memory_space<vmem>>, vector<16xf32>,
        %eq3A_524 = arith.constant 0 : i32
        %eq3A_525 = vector.broadcast %eq3A_524 : i32 to vector<16xi32>
        %eq3A_526 = arith.cmpi eq, %iota3A, %eq3A_525 : vector<16xi32>
        %select_n3A_527 = arith.select %eq3A_526, %exp3A, %broadcast_in_dim3A_1 : vector<16xi1>, vector<16xf32>
        %mul3A_528 = arith.constant 16 : i32
        %mul3A_529 = arith.muli %scan3A_397, %mul3A_528 : i32
        %add3A_530 = arith.constant 1 : i32
        %add3A_531 = arith.addi %mul3A_529, %add3A_530 : i32
        %get3A_532 = arith.index_cast %add3A_531 : i32 to index
        %get3A_533 = arith.constant 0 : index
        %get3A_534 = tpu.vector_load %arg16[%get3A_532, %get3A_533] {strides = array<i32>} : memref<80x128xf32, #tpu.memory_space<vmem>>, vector<16xf32>,
        %get3A_535 = arith.index_cast %add3A_531 : i32 to index
        %get3A_536 = arith.constant 0 : index
        %get3A_537 = tpu.vector_load %arg17[%get3A_535, %get3A_536] {strides = array<i32>} : memref<80x128xf32, #tpu.memory_space<vmem>>, vector<16xf32>,
        %mul3A_538 = arith.mulf %get3A_534, %get3A_537 : vector<16xf32>
        %mul3A_539 = arith.mulf %mul3A_538, %get3A_260 : vector<16xf32>
        %add3A_540 = arith.addf %broadcast_in_dim3A_1, %mul3A_539 : vector<16xf32>
        %get3A_541 = arith.index_cast %add3A_531 : i32 to index
        %get3A_542 = arith.constant 16 : index
        %get3A_543 = tpu.vector_load %arg16[%get3A_541, %get3A_542] {strides = array<i32>} : memref<80x128xf32, #tpu.memory_space<vmem>>, vector<16xf32>,
        %get3A_544 = arith.index_cast %add3A_531 : i32 to index
        %get3A_545 = arith.constant 16 : index
        %get3A_546 = tpu.vector_load %arg17[%get3A_544, %get3A_545] {strides = array<i32>} : memref<80x128xf32, #tpu.memory_space<vmem>>, vector<16xf32>,
        %mul3A_547 = arith.mulf %get3A_543, %get3A_546 : vector<16xf32>
        %mul3A_548 = arith.mulf %mul3A_547, %get3A_262 : vector<16xf32>
        %add3A_549 = arith.addf %add3A_540, %mul3A_548 : vector<16xf32>
        %get3A_550 = arith.index_cast %add3A_531 : i32 to index
        %get3A_551 = arith.constant 32 : index
        %get3A_552 = tpu.vector_load %arg16[%get3A_550, %get3A_551] {strides = array<i32>} : memref<80x128xf32, #tpu.memory_space<vmem>>, vector<16xf32>,
        %get3A_553 = arith.index_cast %add3A_531 : i32 to index
        %get3A_554 = arith.constant 32 : index
        %get3A_555 = tpu.vector_load %arg17[%get3A_553, %get3A_554] {strides = array<i32>} : memref<80x128xf32, #tpu.memory_space<vmem>>, vector<16xf32>,
        %mul3A_556 = arith.mulf %get3A_552, %get3A_555 : vector<16xf32>
        %mul3A_557 = arith.mulf %mul3A_556, %get3A_264 : vector<16xf32>
        %add3A_558 = arith.addf %add3A_549, %mul3A_557 : vector<16xf32>
        %get3A_559 = arith.index_cast %add3A_531 : i32 to index
        %get3A_560 = arith.constant 48 : index
        %get3A_561 = tpu.vector_load %arg16[%get3A_559, %get3A_560] {strides = array<i32>} : memref<80x128xf32, #tpu.memory_space<vmem>>, vector<16xf32>,
        %get3A_562 = arith.index_cast %add3A_531 : i32 to index
        %get3A_563 = arith.constant 48 : index
        %get3A_564 = tpu.vector_load %arg17[%get3A_562, %get3A_563] {strides = array<i32>} : memref<80x128xf32, #tpu.memory_space<vmem>>, vector<16xf32>,
        %mul3A_565 = arith.mulf %get3A_561, %get3A_564 : vector<16xf32>
        %mul3A_566 = arith.mulf %mul3A_565, %get3A_266 : vector<16xf32>
        %add3A_567 = arith.addf %add3A_558, %mul3A_566 : vector<16xf32>
        %get3A_568 = arith.index_cast %add3A_531 : i32 to index
        %get3A_569 = arith.constant 64 : index
        %get3A_570 = tpu.vector_load %arg16[%get3A_568, %get3A_569] {strides = array<i32>} : memref<80x128xf32, #tpu.memory_space<vmem>>, vector<16xf32>,
        %get3A_571 = arith.index_cast %add3A_531 : i32 to index
        %get3A_572 = arith.constant 64 : index
        %get3A_573 = tpu.vector_load %arg17[%get3A_571, %get3A_572] {strides = array<i32>} : memref<80x128xf32, #tpu.memory_space<vmem>>, vector<16xf32>,
        %mul3A_574 = arith.mulf %get3A_570, %get3A_573 : vector<16xf32>
        %mul3A_575 = arith.mulf %mul3A_574, %get3A_268 : vector<16xf32>
        %add3A_576 = arith.addf %add3A_567, %mul3A_575 : vector<16xf32>
        %get3A_577 = arith.index_cast %add3A_531 : i32 to index
        %get3A_578 = arith.constant 80 : index
        %get3A_579 = tpu.vector_load %arg16[%get3A_577, %get3A_578] {strides = array<i32>} : memref<80x128xf32, #tpu.memory_space<vmem>>, vector<16xf32>,
        %get3A_580 = arith.index_cast %add3A_531 : i32 to index
        %get3A_581 = arith.constant 80 : index
        %get3A_582 = tpu.vector_load %arg17[%get3A_580, %get3A_581] {strides = array<i32>} : memref<80x128xf32, #tpu.memory_space<vmem>>, vector<16xf32>,
        %mul3A_583 = arith.mulf %get3A_579, %get3A_582 : vector<16xf32>
        %mul3A_584 = arith.mulf %mul3A_583, %get3A_270 : vector<16xf32>
        %add3A_585 = arith.addf %add3A_576, %mul3A_584 : vector<16xf32>
        %get3A_586 = arith.index_cast %add3A_531 : i32 to index
        %get3A_587 = arith.constant 96 : index
        %get3A_588 = tpu.vector_load %arg16[%get3A_586, %get3A_587] {strides = array<i32>} : memref<80x128xf32, #tpu.memory_space<vmem>>, vector<16xf32>,
        %get3A_589 = arith.index_cast %add3A_531 : i32 to index
        %get3A_590 = arith.constant 96 : index
        %get3A_591 = tpu.vector_load %arg17[%get3A_589, %get3A_590] {strides = array<i32>} : memref<80x128xf32, #tpu.memory_space<vmem>>, vector<16xf32>,
        %mul3A_592 = arith.mulf %get3A_588, %get3A_591 : vector<16xf32>
        %mul3A_593 = arith.mulf %mul3A_592, %get3A_272 : vector<16xf32>
        %add3A_594 = arith.addf %add3A_585, %mul3A_593 : vector<16xf32>
        %get3A_595 = arith.index_cast %add3A_531 : i32 to index
        %get3A_596 = arith.constant 112 : index
        %get3A_597 = tpu.vector_load %arg16[%get3A_595, %get3A_596] {strides = array<i32>} : memref<80x128xf32, #tpu.memory_space<vmem>>, vector<16xf32>,
        %get3A_598 = arith.index_cast %add3A_531 : i32 to index
        %get3A_599 = arith.constant 112 : index
        %get3A_600 = tpu.vector_load %arg17[%get3A_598, %get3A_599] {strides = array<i32>} : memref<80x128xf32, #tpu.memory_space<vmem>>, vector<16xf32>,
        %mul3A_601 = arith.mulf %get3A_597, %get3A_600 : vector<16xf32>
        %mul3A_602 = arith.mulf %mul3A_601, %get3A_274 : vector<16xf32>
        %add3A_603 = arith.addf %add3A_594, %mul3A_602 : vector<16xf32>
        %eq3A_604 = arith.constant 1 : i32
        %eq3A_605 = vector.broadcast %eq3A_604 : i32 to vector<16xi32>
        %eq3A_606 = arith.cmpi eq, %iota3A, %eq3A_605 : vector<16xi32>
        %select_n3A_607 = arith.select %eq3A_606, %gather3A, %broadcast_in_dim3A_1 : vector<16xi1>, vector<16xf32>
        %add3A_608 = arith.addf %add3A_603, %select_n3A_607 : vector<16xf32>
        %reduce_sum3A_609 = arith.constant true
        %reduce_sum3A_610 = vector.broadcast %reduce_sum3A_609 : i1 to vector<16xi1>
        %reduce_sum3A_611 = tpu.scan <sum>, %add3A_608 masked %reduce_sum3A_610 : vector<16xf32>, vector<16xi1> -> vector<16xf32>
        %reduce_sum3A_612 = vector.extract %reduce_sum3A_611[15] : f32 from vector<16xf32>
        %broadcast_in_dim3A_613 = vector.broadcast %reduce_sum3A_612 : f32 to vector<16xf32>
        %ge3A_614 = arith.constant 0.000000e+00 : f32
        %ge3A_615 = vector.broadcast %ge3A_614 : f32 to vector<16xf32>
        %ge3A_616 = arith.cmpf oge, %broadcast_in_dim3A_613, %ge3A_615 : vector<16xf32>
        %mul3A_617 = arith.constant 0.00999999977 : f32
        %mul3A_618 = vector.broadcast %mul3A_617 : f32 to vector<16xf32>
        %mul3A_619 = arith.mulf %broadcast_in_dim3A_613, %mul3A_618 : vector<16xf32>
        %select_n3A_620 = arith.select %ge3A_616, %broadcast_in_dim3A_613, %mul3A_619 : vector<16xi1>, vector<16xf32>
        %exp3A_621 = math.exp %select_n3A_620 : vector<16xf32>
        %mul3A_622 = arith.mulf %mul3A_538, %exp3A_621 : vector<16xf32>
        %swap3A_623 = arith.index_cast %add3A_531 : i32 to index
        %swap3A_624 = arith.constant 0 : index
        %swap3A_625 = tpu.vector_load %arg18[%swap3A_623, %swap3A_624] {strides = array<i32>} : memref<80x128xf32, #tpu.memory_space<vmem>>, vector<16xf32>,
        tpu.vector_store %arg18[%swap3A_623, %swap3A_624], %mul3A_622 {strides = array<i32>} : memref<80x128xf32, #tpu.memory_space<vmem>>, vector<16xf32>,
        %mul3A_626 = arith.mulf %mul3A_547, %exp3A_621 : vector<16xf32>
        %swap3A_627 = arith.index_cast %add3A_531 : i32 to index
        %swap3A_628 = arith.constant 16 : index
        %swap3A_629 = tpu.vector_load %arg18[%swap3A_627, %swap3A_628] {strides = array<i32>} : memref<80x128xf32, #tpu.memory_space<vmem>>, vector<16xf32>,
        tpu.vector_store %arg18[%swap3A_627, %swap3A_628], %mul3A_626 {strides = array<i32>} : memref<80x128xf32, #tpu.memory_space<vmem>>, vector<16xf32>,
        %mul3A_630 = arith.mulf %mul3A_556, %exp3A_621 : vector<16xf32>
        %swap3A_631 = arith.index_cast %add3A_531 : i32 to index
        %swap3A_632 = arith.constant 32 : index
        %swap3A_633 = tpu.vector_load %arg18[%swap3A_631, %swap3A_632] {strides = array<i32>} : memref<80x128xf32, #tpu.memory_space<vmem>>, vector<16xf32>,
        tpu.vector_store %arg18[%swap3A_631, %swap3A_632], %mul3A_630 {strides = array<i32>} : memref<80x128xf32, #tpu.memory_space<vmem>>, vector<16xf32>,
        %mul3A_634 = arith.mulf %mul3A_565, %exp3A_621 : vector<16xf32>
        %swap3A_635 = arith.index_cast %add3A_531 : i32 to index
        %swap3A_636 = arith.constant 48 : index
        %swap3A_637 = tpu.vector_load %arg18[%swap3A_635, %swap3A_636] {strides = array<i32>} : memref<80x128xf32, #tpu.memory_space<vmem>>, vector<16xf32>,
        tpu.vector_store %arg18[%swap3A_635, %swap3A_636], %mul3A_634 {strides = array<i32>} : memref<80x128xf32, #tpu.memory_space<vmem>>, vector<16xf32>,
        %mul3A_638 = arith.mulf %mul3A_574, %exp3A_621 : vector<16xf32>
        %swap3A_639 = arith.index_cast %add3A_531 : i32 to index
        %swap3A_640 = arith.constant 64 : index
        %swap3A_641 = tpu.vector_load %arg18[%swap3A_639, %swap3A_640] {strides = array<i32>} : memref<80x128xf32, #tpu.memory_space<vmem>>, vector<16xf32>,
        tpu.vector_store %arg18[%swap3A_639, %swap3A_640], %mul3A_638 {strides = array<i32>} : memref<80x128xf32, #tpu.memory_space<vmem>>, vector<16xf32>,
        %mul3A_642 = arith.mulf %mul3A_583, %exp3A_621 : vector<16xf32>
        %swap3A_643 = arith.index_cast %add3A_531 : i32 to index
        %swap3A_644 = arith.constant 80 : index
        %swap3A_645 = tpu.vector_load %arg18[%swap3A_643, %swap3A_644] {strides = array<i32>} : memref<80x128xf32, #tpu.memory_space<vmem>>, vector<16xf32>,
        tpu.vector_store %arg18[%swap3A_643, %swap3A_644], %mul3A_642 {strides = array<i32>} : memref<80x128xf32, #tpu.memory_space<vmem>>, vector<16xf32>,
        %mul3A_646 = arith.mulf %mul3A_592, %exp3A_621 : vector<16xf32>
        %swap3A_647 = arith.index_cast %add3A_531 : i32 to index
        %swap3A_648 = arith.constant 96 : index
        %swap3A_649 = tpu.vector_load %arg18[%swap3A_647, %swap3A_648] {strides = array<i32>} : memref<80x128xf32, #tpu.memory_space<vmem>>, vector<16xf32>,
        tpu.vector_store %arg18[%swap3A_647, %swap3A_648], %mul3A_646 {strides = array<i32>} : memref<80x128xf32, #tpu.memory_space<vmem>>, vector<16xf32>,
        %mul3A_650 = arith.mulf %mul3A_601, %exp3A_621 : vector<16xf32>
        %swap3A_651 = arith.index_cast %add3A_531 : i32 to index
        %swap3A_652 = arith.constant 112 : index
        %swap3A_653 = tpu.vector_load %arg18[%swap3A_651, %swap3A_652] {strides = array<i32>} : memref<80x128xf32, #tpu.memory_space<vmem>>, vector<16xf32>,
        tpu.vector_store %arg18[%swap3A_651, %swap3A_652], %mul3A_650 {strides = array<i32>} : memref<80x128xf32, #tpu.memory_space<vmem>>, vector<16xf32>,
        %eq3A_654 = arith.constant 1 : i32
        %eq3A_655 = vector.broadcast %eq3A_654 : i32 to vector<16xi32>
        %eq3A_656 = arith.cmpi eq, %iota3A, %eq3A_655 : vector<16xi32>
        %select_n3A_657 = arith.select %eq3A_656, %exp3A_621, %select_n3A_527 : vector<16xi1>, vector<16xf32>
        %mul3A_658 = arith.constant 16 : i32
        %mul3A_659 = arith.muli %scan3A_397, %mul3A_658 : i32
        %add3A_660 = arith.constant 2 : i32
        %add3A_661 = arith.addi %mul3A_659, %add3A_660 : i32
        %get3A_662 = arith.index_cast %add3A_661 : i32 to index
        %get3A_663 = arith.constant 0 : index
        %get3A_664 = tpu.vector_load %arg16[%get3A_662, %get3A_663] {strides = array<i32>} : memref<80x128xf32, #tpu.memory_space<vmem>>, vector<16xf32>,
        %get3A_665 = arith.index_cast %add3A_661 : i32 to index
        %get3A_666 = arith.constant 0 : index
        %get3A_667 = tpu.vector_load %arg17[%get3A_665, %get3A_666] {strides = array<i32>} : memref<80x128xf32, #tpu.memory_space<vmem>>, vector<16xf32>,
        %mul3A_668 = arith.mulf %get3A_664, %get3A_667 : vector<16xf32>
        %mul3A_669 = arith.mulf %mul3A_668, %get3A_260 : vector<16xf32>
        %add3A_670 = arith.addf %broadcast_in_dim3A_1, %mul3A_669 : vector<16xf32>
        %get3A_671 = arith.index_cast %add3A_661 : i32 to index
        %get3A_672 = arith.constant 16 : index
        %get3A_673 = tpu.vector_load %arg16[%get3A_671, %get3A_672] {strides = array<i32>} : memref<80x128xf32, #tpu.memory_space<vmem>>, vector<16xf32>,
        %get3A_674 = arith.index_cast %add3A_661 : i32 to index
        %get3A_675 = arith.constant 16 : index
        %get3A_676 = tpu.vector_load %arg17[%get3A_674, %get3A_675] {strides = array<i32>} : memref<80x128xf32, #tpu.memory_space<vmem>>, vector<16xf32>,
        %mul3A_677 = arith.mulf %get3A_673, %get3A_676 : vector<16xf32>
        %mul3A_678 = arith.mulf %mul3A_677, %get3A_262 : vector<16xf32>
        %add3A_679 = arith.addf %add3A_670, %mul3A_678 : vector<16xf32>
        %get3A_680 = arith.index_cast %add3A_661 : i32 to index
        %get3A_681 = arith.constant 32 : index
        %get3A_682 = tpu.vector_load %arg16[%get3A_680, %get3A_681] {strides = array<i32>} : memref<80x128xf32, #tpu.memory_space<vmem>>, vector<16xf32>,
        %get3A_683 = arith.index_cast %add3A_661 : i32 to index
        %get3A_684 = arith.constant 32 : index
        %get3A_685 = tpu.vector_load %arg17[%get3A_683, %get3A_684] {strides = array<i32>} : memref<80x128xf32, #tpu.memory_space<vmem>>, vector<16xf32>,
        %mul3A_686 = arith.mulf %get3A_682, %get3A_685 : vector<16xf32>
        %mul3A_687 = arith.mulf %mul3A_686, %get3A_264 : vector<16xf32>
        %add3A_688 = arith.addf %add3A_679, %mul3A_687 : vector<16xf32>
        %get3A_689 = arith.index_cast %add3A_661 : i32 to index
        %get3A_690 = arith.constant 48 : index
        %get3A_691 = tpu.vector_load %arg16[%get3A_689, %get3A_690] {strides = array<i32>} : memref<80x128xf32, #tpu.memory_space<vmem>>, vector<16xf32>,
        %get3A_692 = arith.index_cast %add3A_661 : i32 to index
        %get3A_693 = arith.constant 48 : index
        %get3A_694 = tpu.vector_load %arg17[%get3A_692, %get3A_693] {strides = array<i32>} : memref<80x128xf32, #tpu.memory_space<vmem>>, vector<16xf32>,
        %mul3A_695 = arith.mulf %get3A_691, %get3A_694 : vector<16xf32>
        %mul3A_696 = arith.mulf %mul3A_695, %get3A_266 : vector<16xf32>
        %add3A_697 = arith.addf %add3A_688, %mul3A_696 : vector<16xf32>
        %get3A_698 = arith.index_cast %add3A_661 : i32 to index
        %get3A_699 = arith.constant 64 : index
        %get3A_700 = tpu.vector_load %arg16[%get3A_698, %get3A_699] {strides = array<i32>} : memref<80x128xf32, #tpu.memory_space<vmem>>, vector<16xf32>,
        %get3A_701 = arith.index_cast %add3A_661 : i32 to index
        %get3A_702 = arith.constant 64 : index
        %get3A_703 = tpu.vector_load %arg17[%get3A_701, %get3A_702] {strides = array<i32>} : memref<80x128xf32, #tpu.memory_space<vmem>>, vector<16xf32>,
        %mul3A_704 = arith.mulf %get3A_700, %get3A_703 : vector<16xf32>
        %mul3A_705 = arith.mulf %mul3A_704, %get3A_268 : vector<16xf32>
        %add3A_706 = arith.addf %add3A_697, %mul3A_705 : vector<16xf32>
        %get3A_707 = arith.index_cast %add3A_661 : i32 to index
        %get3A_708 = arith.constant 80 : index
        %get3A_709 = tpu.vector_load %arg16[%get3A_707, %get3A_708] {strides = array<i32>} : memref<80x128xf32, #tpu.memory_space<vmem>>, vector<16xf32>,
        %get3A_710 = arith.index_cast %add3A_661 : i32 to index
        %get3A_711 = arith.constant 80 : index
        %get3A_712 = tpu.vector_load %arg17[%get3A_710, %get3A_711] {strides = array<i32>} : memref<80x128xf32, #tpu.memory_space<vmem>>, vector<16xf32>,
        %mul3A_713 = arith.mulf %get3A_709, %get3A_712 : vector<16xf32>
        %mul3A_714 = arith.mulf %mul3A_713, %get3A_270 : vector<16xf32>
        %add3A_715 = arith.addf %add3A_706, %mul3A_714 : vector<16xf32>
        %get3A_716 = arith.index_cast %add3A_661 : i32 to index
        %get3A_717 = arith.constant 96 : index
        %get3A_718 = tpu.vector_load %arg16[%get3A_716, %get3A_717] {strides = array<i32>} : memref<80x128xf32, #tpu.memory_space<vmem>>, vector<16xf32>,
        %get3A_719 = arith.index_cast %add3A_661 : i32 to index
        %get3A_720 = arith.constant 96 : index
        %get3A_721 = tpu.vector_load %arg17[%get3A_719, %get3A_720] {strides = array<i32>} : memref<80x128xf32, #tpu.memory_space<vmem>>, vector<16xf32>,
        %mul3A_722 = arith.mulf %get3A_718, %get3A_721 : vector<16xf32>
        %mul3A_723 = arith.mulf %mul3A_722, %get3A_272 : vector<16xf32>
        %add3A_724 = arith.addf %add3A_715, %mul3A_723 : vector<16xf32>
        %get3A_725 = arith.index_cast %add3A_661 : i32 to index
        %get3A_726 = arith.constant 112 : index
        %get3A_727 = tpu.vector_load %arg16[%get3A_725, %get3A_726] {strides = array<i32>} : memref<80x128xf32, #tpu.memory_space<vmem>>, vector<16xf32>,
        %get3A_728 = arith.index_cast %add3A_661 : i32 to index
        %get3A_729 = arith.constant 112 : index
        %get3A_730 = tpu.vector_load %arg17[%get3A_728, %get3A_729] {strides = array<i32>} : memref<80x128xf32, #tpu.memory_space<vmem>>, vector<16xf32>,
        %mul3A_731 = arith.mulf %get3A_727, %get3A_730 : vector<16xf32>
        %mul3A_732 = arith.mulf %mul3A_731, %get3A_274 : vector<16xf32>
        %add3A_733 = arith.addf %add3A_724, %mul3A_732 : vector<16xf32>
        %eq3A_734 = arith.constant 2 : i32
        %eq3A_735 = vector.broadcast %eq3A_734 : i32 to vector<16xi32>
        %eq3A_736 = arith.cmpi eq, %iota3A, %eq3A_735 : vector<16xi32>
        %select_n3A_737 = arith.select %eq3A_736, %gather3A, %broadcast_in_dim3A_1 : vector<16xi1>, vector<16xf32>
        %add3A_738 = arith.addf %add3A_733, %select_n3A_737 : vector<16xf32>
        %reduce_sum3A_739 = arith.constant true
        %reduce_sum3A_740 = vector.broadcast %reduce_sum3A_739 : i1 to vector<16xi1>
        %reduce_sum3A_741 = tpu.scan <sum>, %add3A_738 masked %reduce_sum3A_740 : vector<16xf32>, vector<16xi1> -> vector<16xf32>
        %reduce_sum3A_742 = vector.extract %reduce_sum3A_741[15] : f32 from vector<16xf32>
        %broadcast_in_dim3A_743 = vector.broadcast %reduce_sum3A_742 : f32 to vector<16xf32>
        %ge3A_744 = arith.constant 0.000000e+00 : f32
        %ge3A_745 = vector.broadcast %ge3A_744 : f32 to vector<16xf32>
        %ge3A_746 = arith.cmpf oge, %broadcast_in_dim3A_743, %ge3A_745 : vector<16xf32>
        %mul3A_747 = arith.constant 0.00999999977 : f32
        %mul3A_748 = vector.broadcast %mul3A_747 : f32 to vector<16xf32>
        %mul3A_749 = arith.mulf %broadcast_in_dim3A_743, %mul3A_748 : vector<16xf32>
        %select_n3A_750 = arith.select %ge3A_746, %broadcast_in_dim3A_743, %mul3A_749 : vector<16xi1>, vector<16xf32>
        %exp3A_751 = math.exp %select_n3A_750 : vector<16xf32>
        %mul3A_752 = arith.mulf %mul3A_668, %exp3A_751 : vector<16xf32>
        %swap3A_753 = arith.index_cast %add3A_661 : i32 to index
        %swap3A_754 = arith.constant 0 : index
        %swap3A_755 = tpu.vector_load %arg18[%swap3A_753, %swap3A_754] {strides = array<i32>} : memref<80x128xf32, #tpu.memory_space<vmem>>, vector<16xf32>,
        tpu.vector_store %arg18[%swap3A_753, %swap3A_754], %mul3A_752 {strides = array<i32>} : memref<80x128xf32, #tpu.memory_space<vmem>>, vector<16xf32>,
        %mul3A_756 = arith.mulf %mul3A_677, %exp3A_751 : vector<16xf32>
        %swap3A_757 = arith.index_cast %add3A_661 : i32 to index
        %swap3A_758 = arith.constant 16 : index
        %swap3A_759 = tpu.vector_load %arg18[%swap3A_757, %swap3A_758] {strides = array<i32>} : memref<80x128xf32, #tpu.memory_space<vmem>>, vector<16xf32>,
        tpu.vector_store %arg18[%swap3A_757, %swap3A_758], %mul3A_756 {strides = array<i32>} : memref<80x128xf32, #tpu.memory_space<vmem>>, vector<16xf32>,
        %mul3A_760 = arith.mulf %mul3A_686, %exp3A_751 : vector<16xf32>
        %swap3A_761 = arith.index_cast %add3A_661 : i32 to index
        %swap3A_762 = arith.constant 32 : index
        %swap3A_763 = tpu.vector_load %arg18[%swap3A_761, %swap3A_762] {strides = array<i32>} : memref<80x128xf32, #tpu.memory_space<vmem>>, vector<16xf32>,
        tpu.vector_store %arg18[%swap3A_761, %swap3A_762], %mul3A_760 {strides = array<i32>} : memref<80x128xf32, #tpu.memory_space<vmem>>, vector<16xf32>,
        %mul3A_764 = arith.mulf %mul3A_695, %exp3A_751 : vector<16xf32>
        %swap3A_765 = arith.index_cast %add3A_661 : i32 to index
        %swap3A_766 = arith.constant 48 : index
        %swap3A_767 = tpu.vector_load %arg18[%swap3A_765, %swap3A_766] {strides = array<i32>} : memref<80x128xf32, #tpu.memory_space<vmem>>, vector<16xf32>,
        tpu.vector_store %arg18[%swap3A_765, %swap3A_766], %mul3A_764 {strides = array<i32>} : memref<80x128xf32, #tpu.memory_space<vmem>>, vector<16xf32>,
        %mul3A_768 = arith.mulf %mul3A_704, %exp3A_751 : vector<16xf32>
        %swap3A_769 = arith.index_cast %add3A_661 : i32 to index
        %swap3A_770 = arith.constant 64 : index
        %swap3A_771 = tpu.vector_load %arg18[%swap3A_769, %swap3A_770] {strides = array<i32>} : memref<80x128xf32, #tpu.memory_space<vmem>>, vector<16xf32>,
        tpu.vector_store %arg18[%swap3A_769, %swap3A_770], %mul3A_768 {strides = array<i32>} : memref<80x128xf32, #tpu.memory_space<vmem>>, vector<16xf32>,
        %mul3A_772 = arith.mulf %mul3A_713, %exp3A_751 : vector<16xf32>
        %swap3A_773 = arith.index_cast %add3A_661 : i32 to index
        %swap3A_774 = arith.constant 80 : index
        %swap3A_775 = tpu.vector_load %arg18[%swap3A_773, %swap3A_774] {strides = array<i32>} : memref<80x128xf32, #tpu.memory_space<vmem>>, vector<16xf32>,
        tpu.vector_store %arg18[%swap3A_773, %swap3A_774], %mul3A_772 {strides = array<i32>} : memref<80x128xf32, #tpu.memory_space<vmem>>, vector<16xf32>,
        %mul3A_776 = arith.mulf %mul3A_722, %exp3A_751 : vector<16xf32>
        %swap3A_777 = arith.index_cast %add3A_661 : i32 to index
        %swap3A_778 = arith.constant 96 : index
        %swap3A_779 = tpu.vector_load %arg18[%swap3A_777, %swap3A_778] {strides = array<i32>} : memref<80x128xf32, #tpu.memory_space<vmem>>, vector<16xf32>,
        tpu.vector_store %arg18[%swap3A_777, %swap3A_778], %mul3A_776 {strides = array<i32>} : memref<80x128xf32, #tpu.memory_space<vmem>>, vector<16xf32>,
        %mul3A_780 = arith.mulf %mul3A_731, %exp3A_751 : vector<16xf32>
        %swap3A_781 = arith.index_cast %add3A_661 : i32 to index
        %swap3A_782 = arith.constant 112 : index
        %swap3A_783 = tpu.vector_load %arg18[%swap3A_781, %swap3A_782] {strides = array<i32>} : memref<80x128xf32, #tpu.memory_space<vmem>>, vector<16xf32>,
        tpu.vector_store %arg18[%swap3A_781, %swap3A_782], %mul3A_780 {strides = array<i32>} : memref<80x128xf32, #tpu.memory_space<vmem>>, vector<16xf32>,
        %eq3A_784 = arith.constant 2 : i32
        %eq3A_785 = vector.broadcast %eq3A_784 : i32 to vector<16xi32>
        %eq3A_786 = arith.cmpi eq, %iota3A, %eq3A_785 : vector<16xi32>
        %select_n3A_787 = arith.select %eq3A_786, %exp3A_751, %select_n3A_657 : vector<16xi1>, vector<16xf32>
        %mul3A_788 = arith.constant 16 : i32
        %mul3A_789 = arith.muli %scan3A_397, %mul3A_788 : i32
        %add3A_790 = arith.constant 3 : i32
        %add3A_791 = arith.addi %mul3A_789, %add3A_790 : i32
        %get3A_792 = arith.index_cast %add3A_791 : i32 to index
        %get3A_793 = arith.constant 0 : index
        %get3A_794 = tpu.vector_load %arg16[%get3A_792, %get3A_793] {strides = array<i32>} : memref<80x128xf32, #tpu.memory_space<vmem>>, vector<16xf32>,
        %get3A_795 = arith.index_cast %add3A_791 : i32 to index
        %get3A_796 = arith.constant 0 : index
        %get3A_797 = tpu.vector_load %arg17[%get3A_795, %get3A_796] {strides = array<i32>} : memref<80x128xf32, #tpu.memory_space<vmem>>, vector<16xf32>,
        %mul3A_798 = arith.mulf %get3A_794, %get3A_797 : vector<16xf32>
        %mul3A_799 = arith.mulf %mul3A_798, %get3A_260 : vector<16xf32>
        %add3A_800 = arith.addf %broadcast_in_dim3A_1, %mul3A_799 : vector<16xf32>
        %get3A_801 = arith.index_cast %add3A_791 : i32 to index
        %get3A_802 = arith.constant 16 : index
        %get3A_803 = tpu.vector_load %arg16[%get3A_801, %get3A_802] {strides = array<i32>} : memref<80x128xf32, #tpu.memory_space<vmem>>, vector<16xf32>,
        %get3A_804 = arith.index_cast %add3A_791 : i32 to index
        %get3A_805 = arith.constant 16 : index
        %get3A_806 = tpu.vector_load %arg17[%get3A_804, %get3A_805] {strides = array<i32>} : memref<80x128xf32, #tpu.memory_space<vmem>>, vector<16xf32>,
        %mul3A_807 = arith.mulf %get3A_803, %get3A_806 : vector<16xf32>
        %mul3A_808 = arith.mulf %mul3A_807, %get3A_262 : vector<16xf32>
        %add3A_809 = arith.addf %add3A_800, %mul3A_808 : vector<16xf32>
        %get3A_810 = arith.index_cast %add3A_791 : i32 to index
        %get3A_811 = arith.constant 32 : index
        %get3A_812 = tpu.vector_load %arg16[%get3A_810, %get3A_811] {strides = array<i32>} : memref<80x128xf32, #tpu.memory_space<vmem>>, vector<16xf32>,
        %get3A_813 = arith.index_cast %add3A_791 : i32 to index
        %get3A_814 = arith.constant 32 : index
        %get3A_815 = tpu.vector_load %arg17[%get3A_813, %get3A_814] {strides = array<i32>} : memref<80x128xf32, #tpu.memory_space<vmem>>, vector<16xf32>,
        %mul3A_816 = arith.mulf %get3A_812, %get3A_815 : vector<16xf32>
        %mul3A_817 = arith.mulf %mul3A_816, %get3A_264 : vector<16xf32>
        %add3A_818 = arith.addf %add3A_809, %mul3A_817 : vector<16xf32>
        %get3A_819 = arith.index_cast %add3A_791 : i32 to index
        %get3A_820 = arith.constant 48 : index
        %get3A_821 = tpu.vector_load %arg16[%get3A_819, %get3A_820] {strides = array<i32>} : memref<80x128xf32, #tpu.memory_space<vmem>>, vector<16xf32>,
        %get3A_822 = arith.index_cast %add3A_791 : i32 to index
        %get3A_823 = arith.constant 48 : index
        %get3A_824 = tpu.vector_load %arg17[%get3A_822, %get3A_823] {strides = array<i32>} : memref<80x128xf32, #tpu.memory_space<vmem>>, vector<16xf32>,
        %mul3A_825 = arith.mulf %get3A_821, %get3A_824 : vector<16xf32>
        %mul3A_826 = arith.mulf %mul3A_825, %get3A_266 : vector<16xf32>
        %add3A_827 = arith.addf %add3A_818, %mul3A_826 : vector<16xf32>
        %get3A_828 = arith.index_cast %add3A_791 : i32 to index
        %get3A_829 = arith.constant 64 : index
        %get3A_830 = tpu.vector_load %arg16[%get3A_828, %get3A_829] {strides = array<i32>} : memref<80x128xf32, #tpu.memory_space<vmem>>, vector<16xf32>,
        %get3A_831 = arith.index_cast %add3A_791 : i32 to index
        %get3A_832 = arith.constant 64 : index
        %get3A_833 = tpu.vector_load %arg17[%get3A_831, %get3A_832] {strides = array<i32>} : memref<80x128xf32, #tpu.memory_space<vmem>>, vector<16xf32>,
        %mul3A_834 = arith.mulf %get3A_830, %get3A_833 : vector<16xf32>
        %mul3A_835 = arith.mulf %mul3A_834, %get3A_268 : vector<16xf32>
        %add3A_836 = arith.addf %add3A_827, %mul3A_835 : vector<16xf32>
        %get3A_837 = arith.index_cast %add3A_791 : i32 to index
        %get3A_838 = arith.constant 80 : index
        %get3A_839 = tpu.vector_load %arg16[%get3A_837, %get3A_838] {strides = array<i32>} : memref<80x128xf32, #tpu.memory_space<vmem>>, vector<16xf32>,
        %get3A_840 = arith.index_cast %add3A_791 : i32 to index
        %get3A_841 = arith.constant 80 : index
        %get3A_842 = tpu.vector_load %arg17[%get3A_840, %get3A_841] {strides = array<i32>} : memref<80x128xf32, #tpu.memory_space<vmem>>, vector<16xf32>,
        %mul3A_843 = arith.mulf %get3A_839, %get3A_842 : vector<16xf32>
        %mul3A_844 = arith.mulf %mul3A_843, %get3A_270 : vector<16xf32>
        %add3A_845 = arith.addf %add3A_836, %mul3A_844 : vector<16xf32>
        %get3A_846 = arith.index_cast %add3A_791 : i32 to index
        %get3A_847 = arith.constant 96 : index
        %get3A_848 = tpu.vector_load %arg16[%get3A_846, %get3A_847] {strides = array<i32>} : memref<80x128xf32, #tpu.memory_space<vmem>>, vector<16xf32>,
        %get3A_849 = arith.index_cast %add3A_791 : i32 to index
        %get3A_850 = arith.constant 96 : index
        %get3A_851 = tpu.vector_load %arg17[%get3A_849, %get3A_850] {strides = array<i32>} : memref<80x128xf32, #tpu.memory_space<vmem>>, vector<16xf32>,
        %mul3A_852 = arith.mulf %get3A_848, %get3A_851 : vector<16xf32>
        %mul3A_853 = arith.mulf %mul3A_852, %get3A_272 : vector<16xf32>
        %add3A_854 = arith.addf %add3A_845, %mul3A_853 : vector<16xf32>
        %get3A_855 = arith.index_cast %add3A_791 : i32 to index
        %get3A_856 = arith.constant 112 : index
        %get3A_857 = tpu.vector_load %arg16[%get3A_855, %get3A_856] {strides = array<i32>} : memref<80x128xf32, #tpu.memory_space<vmem>>, vector<16xf32>,
        %get3A_858 = arith.index_cast %add3A_791 : i32 to index
        %get3A_859 = arith.constant 112 : index
        %get3A_860 = tpu.vector_load %arg17[%get3A_858, %get3A_859] {strides = array<i32>} : memref<80x128xf32, #tpu.memory_space<vmem>>, vector<16xf32>,
        %mul3A_861 = arith.mulf %get3A_857, %get3A_860 : vector<16xf32>
        %mul3A_862 = arith.mulf %mul3A_861, %get3A_274 : vector<16xf32>
        %add3A_863 = arith.addf %add3A_854, %mul3A_862 : vector<16xf32>
        %eq3A_864 = arith.constant 3 : i32
        %eq3A_865 = vector.broadcast %eq3A_864 : i32 to vector<16xi32>
        %eq3A_866 = arith.cmpi eq, %iota3A, %eq3A_865 : vector<16xi32>
        %select_n3A_867 = arith.select %eq3A_866, %gather3A, %broadcast_in_dim3A_1 : vector<16xi1>, vector<16xf32>
        %add3A_868 = arith.addf %add3A_863, %select_n3A_867 : vector<16xf32>
        %reduce_sum3A_869 = arith.constant true
        %reduce_sum3A_870 = vector.broadcast %reduce_sum3A_869 : i1 to vector<16xi1>
        %reduce_sum3A_871 = tpu.scan <sum>, %add3A_868 masked %reduce_sum3A_870 : vector<16xf32>, vector<16xi1> -> vector<16xf32>
        %reduce_sum3A_872 = vector.extract %reduce_sum3A_871[15] : f32 from vector<16xf32>
        %broadcast_in_dim3A_873 = vector.broadcast %reduce_sum3A_872 : f32 to vector<16xf32>
        %ge3A_874 = arith.constant 0.000000e+00 : f32
        %ge3A_875 = vector.broadcast %ge3A_874 : f32 to vector<16xf32>
        %ge3A_876 = arith.cmpf oge, %broadcast_in_dim3A_873, %ge3A_875 : vector<16xf32>
        %mul3A_877 = arith.constant 0.00999999977 : f32
        %mul3A_878 = vector.broadcast %mul3A_877 : f32 to vector<16xf32>
        %mul3A_879 = arith.mulf %broadcast_in_dim3A_873, %mul3A_878 : vector<16xf32>
        %select_n3A_880 = arith.select %ge3A_876, %broadcast_in_dim3A_873, %mul3A_879 : vector<16xi1>, vector<16xf32>
        %exp3A_881 = math.exp %select_n3A_880 : vector<16xf32>
        %mul3A_882 = arith.mulf %mul3A_798, %exp3A_881 : vector<16xf32>
        %swap3A_883 = arith.index_cast %add3A_791 : i32 to index
        %swap3A_884 = arith.constant 0 : index
        %swap3A_885 = tpu.vector_load %arg18[%swap3A_883, %swap3A_884] {strides = array<i32>} : memref<80x128xf32, #tpu.memory_space<vmem>>, vector<16xf32>,
        tpu.vector_store %arg18[%swap3A_883, %swap3A_884], %mul3A_882 {strides = array<i32>} : memref<80x128xf32, #tpu.memory_space<vmem>>, vector<16xf32>,
        %mul3A_886 = arith.mulf %mul3A_807, %exp3A_881 : vector<16xf32>
        %swap3A_887 = arith.index_cast %add3A_791 : i32 to index
        %swap3A_888 = arith.constant 16 : index
        %swap3A_889 = tpu.vector_load %arg18[%swap3A_887, %swap3A_888] {strides = array<i32>} : memref<80x128xf32, #tpu.memory_space<vmem>>, vector<16xf32>,
        tpu.vector_store %arg18[%swap3A_887, %swap3A_888], %mul3A_886 {strides = array<i32>} : memref<80x128xf32, #tpu.memory_space<vmem>>, vector<16xf32>,
        %mul3A_890 = arith.mulf %mul3A_816, %exp3A_881 : vector<16xf32>
        %swap3A_891 = arith.index_cast %add3A_791 : i32 to index
        %swap3A_892 = arith.constant 32 : index
        %swap3A_893 = tpu.vector_load %arg18[%swap3A_891, %swap3A_892] {strides = array<i32>} : memref<80x128xf32, #tpu.memory_space<vmem>>, vector<16xf32>,
        tpu.vector_store %arg18[%swap3A_891, %swap3A_892], %mul3A_890 {strides = array<i32>} : memref<80x128xf32, #tpu.memory_space<vmem>>, vector<16xf32>,
        %mul3A_894 = arith.mulf %mul3A_825, %exp3A_881 : vector<16xf32>
        %swap3A_895 = arith.index_cast %add3A_791 : i32 to index
        %swap3A_896 = arith.constant 48 : index
        %swap3A_897 = tpu.vector_load %arg18[%swap3A_895, %swap3A_896] {strides = array<i32>} : memref<80x128xf32, #tpu.memory_space<vmem>>, vector<16xf32>,
        tpu.vector_store %arg18[%swap3A_895, %swap3A_896], %mul3A_894 {strides = array<i32>} : memref<80x128xf32, #tpu.memory_space<vmem>>, vector<16xf32>,
        %mul3A_898 = arith.mulf %mul3A_834, %exp3A_881 : vector<16xf32>
        %swap3A_899 = arith.index_cast %add3A_791 : i32 to index
        %swap3A_900 = arith.constant 64 : index
        %swap3A_901 = tpu.vector_load %arg18[%swap3A_899, %swap3A_900] {strides = array<i32>} : memref<80x128xf32, #tpu.memory_space<vmem>>, vector<16xf32>,
        tpu.vector_store %arg18[%swap3A_899, %swap3A_900], %mul3A_898 {strides = array<i32>} : memref<80x128xf32, #tpu.memory_space<vmem>>, vector<16xf32>,
        %mul3A_902 = arith.mulf %mul3A_843, %exp3A_881 : vector<16xf32>
        %swap3A_903 = arith.index_cast %add3A_791 : i32 to index
        %swap3A_904 = arith.constant 80 : index
        %swap3A_905 = tpu.vector_load %arg18[%swap3A_903, %swap3A_904] {strides = array<i32>} : memref<80x128xf32, #tpu.memory_space<vmem>>, vector<16xf32>,
        tpu.vector_store %arg18[%swap3A_903, %swap3A_904], %mul3A_902 {strides = array<i32>} : memref<80x128xf32, #tpu.memory_space<vmem>>, vector<16xf32>,
        %mul3A_906 = arith.mulf %mul3A_852, %exp3A_881 : vector<16xf32>
        %swap3A_907 = arith.index_cast %add3A_791 : i32 to index
        %swap3A_908 = arith.constant 96 : index
        %swap3A_909 = tpu.vector_load %arg18[%swap3A_907, %swap3A_908] {strides = array<i32>} : memref<80x128xf32, #tpu.memory_space<vmem>>, vector<16xf32>,
        tpu.vector_store %arg18[%swap3A_907, %swap3A_908], %mul3A_906 {strides = array<i32>} : memref<80x128xf32, #tpu.memory_space<vmem>>, vector<16xf32>,
        %mul3A_910 = arith.mulf %mul3A_861, %exp3A_881 : vector<16xf32>
        %swap3A_911 = arith.index_cast %add3A_791 : i32 to index
        %swap3A_912 = arith.constant 112 : index
        %swap3A_913 = tpu.vector_load %arg18[%swap3A_911, %swap3A_912] {strides = array<i32>} : memref<80x128xf32, #tpu.memory_space<vmem>>, vector<16xf32>,
        tpu.vector_store %arg18[%swap3A_911, %swap3A_912], %mul3A_910 {strides = array<i32>} : memref<80x128xf32, #tpu.memory_space<vmem>>, vector<16xf32>,
        %eq3A_914 = arith.constant 3 : i32
        %eq3A_915 = vector.broadcast %eq3A_914 : i32 to vector<16xi32>
        %eq3A_916 = arith.cmpi eq, %iota3A, %eq3A_915 : vector<16xi32>
        %select_n3A_917 = arith.select %eq3A_916, %exp3A_881, %select_n3A_787 : vector<16xi1>, vector<16xf32>
        %mul3A_918 = arith.constant 16 : i32
        %mul3A_919 = arith.muli %scan3A_397, %mul3A_918 : i32
        %add3A_920 = arith.constant 4 : i32
        %add3A_921 = arith.addi %mul3A_919, %add3A_920 : i32
        %get3A_922 = arith.index_cast %add3A_921 : i32 to index
        %get3A_923 = arith.constant 0 : index
        %get3A_924 = tpu.vector_load %arg16[%get3A_922, %get3A_923] {strides = array<i32>} : memref<80x128xf32, #tpu.memory_space<vmem>>, vector<16xf32>,
        %get3A_925 = arith.index_cast %add3A_921 : i32 to index
        %get3A_926 = arith.constant 0 : index
        %get3A_927 = tpu.vector_load %arg17[%get3A_925, %get3A_926] {strides = array<i32>} : memref<80x128xf32, #tpu.memory_space<vmem>>, vector<16xf32>,
        %mul3A_928 = arith.mulf %get3A_924, %get3A_927 : vector<16xf32>
        %mul3A_929 = arith.mulf %mul3A_928, %get3A_260 : vector<16xf32>
        %add3A_930 = arith.addf %broadcast_in_dim3A_1, %mul3A_929 : vector<16xf32>
        %get3A_931 = arith.index_cast %add3A_921 : i32 to index
        %get3A_932 = arith.constant 16 : index
        %get3A_933 = tpu.vector_load %arg16[%get3A_931, %get3A_932] {strides = array<i32>} : memref<80x128xf32, #tpu.memory_space<vmem>>, vector<16xf32>,
        %get3A_934 = arith.index_cast %add3A_921 : i32 to index
        %get3A_935 = arith.constant 16 : index
        %get3A_936 = tpu.vector_load %arg17[%get3A_934, %get3A_935] {strides = array<i32>} : memref<80x128xf32, #tpu.memory_space<vmem>>, vector<16xf32>,
        %mul3A_937 = arith.mulf %get3A_933, %get3A_936 : vector<16xf32>
        %mul3A_938 = arith.mulf %mul3A_937, %get3A_262 : vector<16xf32>
        %add3A_939 = arith.addf %add3A_930, %mul3A_938 : vector<16xf32>
        %get3A_940 = arith.index_cast %add3A_921 : i32 to index
        %get3A_941 = arith.constant 32 : index
        %get3A_942 = tpu.vector_load %arg16[%get3A_940, %get3A_941] {strides = array<i32>} : memref<80x128xf32, #tpu.memory_space<vmem>>, vector<16xf32>,
        %get3A_943 = arith.index_cast %add3A_921 : i32 to index
        %get3A_944 = arith.constant 32 : index
        %get3A_945 = tpu.vector_load %arg17[%get3A_943, %get3A_944] {strides = array<i32>} : memref<80x128xf32, #tpu.memory_space<vmem>>, vector<16xf32>,
        %mul3A_946 = arith.mulf %get3A_942, %get3A_945 : vector<16xf32>
        %mul3A_947 = arith.mulf %mul3A_946, %get3A_264 : vector<16xf32>
        %add3A_948 = arith.addf %add3A_939, %mul3A_947 : vector<16xf32>
        %get3A_949 = arith.index_cast %add3A_921 : i32 to index
        %get3A_950 = arith.constant 48 : index
        %get3A_951 = tpu.vector_load %arg16[%get3A_949, %get3A_950] {strides = array<i32>} : memref<80x128xf32, #tpu.memory_space<vmem>>, vector<16xf32>,
        %get3A_952 = arith.index_cast %add3A_921 : i32 to index
        %get3A_953 = arith.constant 48 : index
        %get3A_954 = tpu.vector_load %arg17[%get3A_952, %get3A_953] {strides = array<i32>} : memref<80x128xf32, #tpu.memory_space<vmem>>, vector<16xf32>,
        %mul3A_955 = arith.mulf %get3A_951, %get3A_954 : vector<16xf32>
        %mul3A_956 = arith.mulf %mul3A_955, %get3A_266 : vector<16xf32>
        %add3A_957 = arith.addf %add3A_948, %mul3A_956 : vector<16xf32>
        %get3A_958 = arith.index_cast %add3A_921 : i32 to index
        %get3A_959 = arith.constant 64 : index
        %get3A_960 = tpu.vector_load %arg16[%get3A_958, %get3A_959] {strides = array<i32>} : memref<80x128xf32, #tpu.memory_space<vmem>>, vector<16xf32>,
        %get3A_961 = arith.index_cast %add3A_921 : i32 to index
        %get3A_962 = arith.constant 64 : index
        %get3A_963 = tpu.vector_load %arg17[%get3A_961, %get3A_962] {strides = array<i32>} : memref<80x128xf32, #tpu.memory_space<vmem>>, vector<16xf32>,
        %mul3A_964 = arith.mulf %get3A_960, %get3A_963 : vector<16xf32>
        %mul3A_965 = arith.mulf %mul3A_964, %get3A_268 : vector<16xf32>
        %add3A_966 = arith.addf %add3A_957, %mul3A_965 : vector<16xf32>
        %get3A_967 = arith.index_cast %add3A_921 : i32 to index
        %get3A_968 = arith.constant 80 : index
        %get3A_969 = tpu.vector_load %arg16[%get3A_967, %get3A_968] {strides = array<i32>} : memref<80x128xf32, #tpu.memory_space<vmem>>, vector<16xf32>,
        %get3A_970 = arith.index_cast %add3A_921 : i32 to index
        %get3A_971 = arith.constant 80 : index
        %get3A_972 = tpu.vector_load %arg17[%get3A_970, %get3A_971] {strides = array<i32>} : memref<80x128xf32, #tpu.memory_space<vmem>>, vector<16xf32>,
        %mul3A_973 = arith.mulf %get3A_969, %get3A_972 : vector<16xf32>
        %mul3A_974 = arith.mulf %mul3A_973, %get3A_270 : vector<16xf32>
        %add3A_975 = arith.addf %add3A_966, %mul3A_974 : vector<16xf32>
        %get3A_976 = arith.index_cast %add3A_921 : i32 to index
        %get3A_977 = arith.constant 96 : index
        %get3A_978 = tpu.vector_load %arg16[%get3A_976, %get3A_977] {strides = array<i32>} : memref<80x128xf32, #tpu.memory_space<vmem>>, vector<16xf32>,
        %get3A_979 = arith.index_cast %add3A_921 : i32 to index
        %get3A_980 = arith.constant 96 : index
        %get3A_981 = tpu.vector_load %arg17[%get3A_979, %get3A_980] {strides = array<i32>} : memref<80x128xf32, #tpu.memory_space<vmem>>, vector<16xf32>,
        %mul3A_982 = arith.mulf %get3A_978, %get3A_981 : vector<16xf32>
        %mul3A_983 = arith.mulf %mul3A_982, %get3A_272 : vector<16xf32>
        %add3A_984 = arith.addf %add3A_975, %mul3A_983 : vector<16xf32>
        %get3A_985 = arith.index_cast %add3A_921 : i32 to index
        %get3A_986 = arith.constant 112 : index
        %get3A_987 = tpu.vector_load %arg16[%get3A_985, %get3A_986] {strides = array<i32>} : memref<80x128xf32, #tpu.memory_space<vmem>>, vector<16xf32>,
        %get3A_988 = arith.index_cast %add3A_921 : i32 to index
        %get3A_989 = arith.constant 112 : index
        %get3A_990 = tpu.vector_load %arg17[%get3A_988, %get3A_989] {strides = array<i32>} : memref<80x128xf32, #tpu.memory_space<vmem>>, vector<16xf32>,
        %mul3A_991 = arith.mulf %get3A_987, %get3A_990 : vector<16xf32>
        %mul3A_992 = arith.mulf %mul3A_991, %get3A_274 : vector<16xf32>
        %add3A_993 = arith.addf %add3A_984, %mul3A_992 : vector<16xf32>
        %eq3A_994 = arith.constant 4 : i32
        %eq3A_995 = vector.broadcast %eq3A_994 : i32 to vector<16xi32>
        %eq3A_996 = arith.cmpi eq, %iota3A, %eq3A_995 : vector<16xi32>
        %select_n3A_997 = arith.select %eq3A_996, %gather3A, %broadcast_in_dim3A_1 : vector<16xi1>, vector<16xf32>
        %add3A_998 = arith.addf %add3A_993, %select_n3A_997 : vector<16xf32>
        %reduce_sum3A_999 = arith.constant true
        %reduce_sum3A_1000 = vector.broadcast %reduce_sum3A_999 : i1 to vector<16xi1>
        %reduce_sum3A_1001 = tpu.scan <sum>, %add3A_998 masked %reduce_sum3A_1000 : vector<16xf32>, vector<16xi1> -> vector<16xf32>
        %reduce_sum3A_1002 = vector.extract %reduce_sum3A_1001[15] : f32 from vector<16xf32>
        %broadcast_in_dim3A_1003 = vector.broadcast %reduce_sum3A_1002 : f32 to vector<16xf32>
        %ge3A_1004 = arith.constant 0.000000e+00 : f32
        %ge3A_1005 = vector.broadcast %ge3A_1004 : f32 to vector<16xf32>
        %ge3A_1006 = arith.cmpf oge, %broadcast_in_dim3A_1003, %ge3A_1005 : vector<16xf32>
        %mul3A_1007 = arith.constant 0.00999999977 : f32
        %mul3A_1008 = vector.broadcast %mul3A_1007 : f32 to vector<16xf32>
        %mul3A_1009 = arith.mulf %broadcast_in_dim3A_1003, %mul3A_1008 : vector<16xf32>
        %select_n3A_1010 = arith.select %ge3A_1006, %broadcast_in_dim3A_1003, %mul3A_1009 : vector<16xi1>, vector<16xf32>
        %exp3A_1011 = math.exp %select_n3A_1010 : vector<16xf32>
        %mul3A_1012 = arith.mulf %mul3A_928, %exp3A_1011 : vector<16xf32>
        %swap3A_1013 = arith.index_cast %add3A_921 : i32 to index
        %swap3A_1014 = arith.constant 0 : index
        %swap3A_1015 = tpu.vector_load %arg18[%swap3A_1013, %swap3A_1014] {strides = array<i32>} : memref<80x128xf32, #tpu.memory_space<vmem>>, vector<16xf32>,
        tpu.vector_store %arg18[%swap3A_1013, %swap3A_1014], %mul3A_1012 {strides = array<i32>} : memref<80x128xf32, #tpu.memory_space<vmem>>, vector<16xf32>,
        %mul3A_1016 = arith.mulf %mul3A_937, %exp3A_1011 : vector<16xf32>
        %swap3A_1017 = arith.index_cast %add3A_921 : i32 to index
        %swap3A_1018 = arith.constant 16 : index
        %swap3A_1019 = tpu.vector_load %arg18[%swap3A_1017, %swap3A_1018] {strides = array<i32>} : memref<80x128xf32, #tpu.memory_space<vmem>>, vector<16xf32>,
        tpu.vector_store %arg18[%swap3A_1017, %swap3A_1018], %mul3A_1016 {strides = array<i32>} : memref<80x128xf32, #tpu.memory_space<vmem>>, vector<16xf32>,
        %mul3A_1020 = arith.mulf %mul3A_946, %exp3A_1011 : vector<16xf32>
        %swap3A_1021 = arith.index_cast %add3A_921 : i32 to index
        %swap3A_1022 = arith.constant 32 : index
        %swap3A_1023 = tpu.vector_load %arg18[%swap3A_1021, %swap3A_1022] {strides = array<i32>} : memref<80x128xf32, #tpu.memory_space<vmem>>, vector<16xf32>,
        tpu.vector_store %arg18[%swap3A_1021, %swap3A_1022], %mul3A_1020 {strides = array<i32>} : memref<80x128xf32, #tpu.memory_space<vmem>>, vector<16xf32>,
        %mul3A_1024 = arith.mulf %mul3A_955, %exp3A_1011 : vector<16xf32>
        %swap3A_1025 = arith.index_cast %add3A_921 : i32 to index
        %swap3A_1026 = arith.constant 48 : index
        %swap3A_1027 = tpu.vector_load %arg18[%swap3A_1025, %swap3A_1026] {strides = array<i32>} : memref<80x128xf32, #tpu.memory_space<vmem>>, vector<16xf32>,
        tpu.vector_store %arg18[%swap3A_1025, %swap3A_1026], %mul3A_1024 {strides = array<i32>} : memref<80x128xf32, #tpu.memory_space<vmem>>, vector<16xf32>,
        %mul3A_1028 = arith.mulf %mul3A_964, %exp3A_1011 : vector<16xf32>
        %swap3A_1029 = arith.index_cast %add3A_921 : i32 to index
        %swap3A_1030 = arith.constant 64 : index
        %swap3A_1031 = tpu.vector_load %arg18[%swap3A_1029, %swap3A_1030] {strides = array<i32>} : memref<80x128xf32, #tpu.memory_space<vmem>>, vector<16xf32>,
        tpu.vector_store %arg18[%swap3A_1029, %swap3A_1030], %mul3A_1028 {strides = array<i32>} : memref<80x128xf32, #tpu.memory_space<vmem>>, vector<16xf32>,
        %mul3A_1032 = arith.mulf %mul3A_973, %exp3A_1011 : vector<16xf32>
        %swap3A_1033 = arith.index_cast %add3A_921 : i32 to index
        %swap3A_1034 = arith.constant 80 : index
        %swap3A_1035 = tpu.vector_load %arg18[%swap3A_1033, %swap3A_1034] {strides = array<i32>} : memref<80x128xf32, #tpu.memory_space<vmem>>, vector<16xf32>,
        tpu.vector_store %arg18[%swap3A_1033, %swap3A_1034], %mul3A_1032 {strides = array<i32>} : memref<80x128xf32, #tpu.memory_space<vmem>>, vector<16xf32>,
        %mul3A_1036 = arith.mulf %mul3A_982, %exp3A_1011 : vector<16xf32>
        %swap3A_1037 = arith.index_cast %add3A_921 : i32 to index
        %swap3A_1038 = arith.constant 96 : index
        %swap3A_1039 = tpu.vector_load %arg18[%swap3A_1037, %swap3A_1038] {strides = array<i32>} : memref<80x128xf32, #tpu.memory_space<vmem>>, vector<16xf32>,
        tpu.vector_store %arg18[%swap3A_1037, %swap3A_1038], %mul3A_1036 {strides = array<i32>} : memref<80x128xf32, #tpu.memory_space<vmem>>, vector<16xf32>,
        %mul3A_1040 = arith.mulf %mul3A_991, %exp3A_1011 : vector<16xf32>
        %swap3A_1041 = arith.index_cast %add3A_921 : i32 to index
        %swap3A_1042 = arith.constant 112 : index
        %swap3A_1043 = tpu.vector_load %arg18[%swap3A_1041, %swap3A_1042] {strides = array<i32>} : memref<80x128xf32, #tpu.memory_space<vmem>>, vector<16xf32>,
        tpu.vector_store %arg18[%swap3A_1041, %swap3A_1042], %mul3A_1040 {strides = array<i32>} : memref<80x128xf32, #tpu.memory_space<vmem>>, vector<16xf32>,
        %eq3A_1044 = arith.constant 4 : i32
        %eq3A_1045 = vector.broadcast %eq3A_1044 : i32 to vector<16xi32>
        %eq3A_1046 = arith.cmpi eq, %iota3A, %eq3A_1045 : vector<16xi32>
        %select_n3A_1047 = arith.select %eq3A_1046, %exp3A_1011, %select_n3A_917 : vector<16xi1>, vector<16xf32>
        %mul3A_1048 = arith.constant 16 : i32
        %mul3A_1049 = arith.muli %scan3A_397, %mul3A_1048 : i32
        %add3A_1050 = arith.constant 5 : i32
        %add3A_1051 = arith.addi %mul3A_1049, %add3A_1050 : i32
        %get3A_1052 = arith.index_cast %add3A_1051 : i32 to index
        %get3A_1053 = arith.constant 0 : index
        %get3A_1054 = tpu.vector_load %arg16[%get3A_1052, %get3A_1053] {strides = array<i32>} : memref<80x128xf32, #tpu.memory_space<vmem>>, vector<16xf32>,
        %get3A_1055 = arith.index_cast %add3A_1051 : i32 to index
        %get3A_1056 = arith.constant 0 : index
        %get3A_1057 = tpu.vector_load %arg17[%get3A_1055, %get3A_1056] {strides = array<i32>} : memref<80x128xf32, #tpu.memory_space<vmem>>, vector<16xf32>,
        %mul3A_1058 = arith.mulf %get3A_1054, %get3A_1057 : vector<16xf32>
        %mul3A_1059 = arith.mulf %mul3A_1058, %get3A_260 : vector<16xf32>
        %add3A_1060 = arith.addf %broadcast_in_dim3A_1, %mul3A_1059 : vector<16xf32>
        %get3A_1061 = arith.index_cast %add3A_1051 : i32 to index
        %get3A_1062 = arith.constant 16 : index
        %get3A_1063 = tpu.vector_load %arg16[%get3A_1061, %get3A_1062] {strides = array<i32>} : memref<80x128xf32, #tpu.memory_space<vmem>>, vector<16xf32>,
        %get3A_1064 = arith.index_cast %add3A_1051 : i32 to index
        %get3A_1065 = arith.constant 16 : index
        %get3A_1066 = tpu.vector_load %arg17[%get3A_1064, %get3A_1065] {strides = array<i32>} : memref<80x128xf32, #tpu.memory_space<vmem>>, vector<16xf32>,
        %mul3A_1067 = arith.mulf %get3A_1063, %get3A_1066 : vector<16xf32>
        %mul3A_1068 = arith.mulf %mul3A_1067, %get3A_262 : vector<16xf32>
        %add3A_1069 = arith.addf %add3A_1060, %mul3A_1068 : vector<16xf32>
        %get3A_1070 = arith.index_cast %add3A_1051 : i32 to index
        %get3A_1071 = arith.constant 32 : index
        %get3A_1072 = tpu.vector_load %arg16[%get3A_1070, %get3A_1071] {strides = array<i32>} : memref<80x128xf32, #tpu.memory_space<vmem>>, vector<16xf32>,
        %get3A_1073 = arith.index_cast %add3A_1051 : i32 to index
        %get3A_1074 = arith.constant 32 : index
        %get3A_1075 = tpu.vector_load %arg17[%get3A_1073, %get3A_1074] {strides = array<i32>} : memref<80x128xf32, #tpu.memory_space<vmem>>, vector<16xf32>,
        %mul3A_1076 = arith.mulf %get3A_1072, %get3A_1075 : vector<16xf32>
        %mul3A_1077 = arith.mulf %mul3A_1076, %get3A_264 : vector<16xf32>
        %add3A_1078 = arith.addf %add3A_1069, %mul3A_1077 : vector<16xf32>
        %get3A_1079 = arith.index_cast %add3A_1051 : i32 to index
        %get3A_1080 = arith.constant 48 : index
        %get3A_1081 = tpu.vector_load %arg16[%get3A_1079, %get3A_1080] {strides = array<i32>} : memref<80x128xf32, #tpu.memory_space<vmem>>, vector<16xf32>,
        %get3A_1082 = arith.index_cast %add3A_1051 : i32 to index
        %get3A_1083 = arith.constant 48 : index
        %get3A_1084 = tpu.vector_load %arg17[%get3A_1082, %get3A_1083] {strides = array<i32>} : memref<80x128xf32, #tpu.memory_space<vmem>>, vector<16xf32>,
        %mul3A_1085 = arith.mulf %get3A_1081, %get3A_1084 : vector<16xf32>
        %mul3A_1086 = arith.mulf %mul3A_1085, %get3A_266 : vector<16xf32>
        %add3A_1087 = arith.addf %add3A_1078, %mul3A_1086 : vector<16xf32>
        %get3A_1088 = arith.index_cast %add3A_1051 : i32 to index
        %get3A_1089 = arith.constant 64 : index
        %get3A_1090 = tpu.vector_load %arg16[%get3A_1088, %get3A_1089] {strides = array<i32>} : memref<80x128xf32, #tpu.memory_space<vmem>>, vector<16xf32>,
        %get3A_1091 = arith.index_cast %add3A_1051 : i32 to index
        %get3A_1092 = arith.constant 64 : index
        %get3A_1093 = tpu.vector_load %arg17[%get3A_1091, %get3A_1092] {strides = array<i32>} : memref<80x128xf32, #tpu.memory_space<vmem>>, vector<16xf32>,
        %mul3A_1094 = arith.mulf %get3A_1090, %get3A_1093 : vector<16xf32>
        %mul3A_1095 = arith.mulf %mul3A_1094, %get3A_268 : vector<16xf32>
        %add3A_1096 = arith.addf %add3A_1087, %mul3A_1095 : vector<16xf32>
        %get3A_1097 = arith.index_cast %add3A_1051 : i32 to index
        %get3A_1098 = arith.constant 80 : index
        %get3A_1099 = tpu.vector_load %arg16[%get3A_1097, %get3A_1098] {strides = array<i32>} : memref<80x128xf32, #tpu.memory_space<vmem>>, vector<16xf32>,
        %get3A_1100 = arith.index_cast %add3A_1051 : i32 to index
        %get3A_1101 = arith.constant 80 : index
        %get3A_1102 = tpu.vector_load %arg17[%get3A_1100, %get3A_1101] {strides = array<i32>} : memref<80x128xf32, #tpu.memory_space<vmem>>, vector<16xf32>,
        %mul3A_1103 = arith.mulf %get3A_1099, %get3A_1102 : vector<16xf32>
        %mul3A_1104 = arith.mulf %mul3A_1103, %get3A_270 : vector<16xf32>
        %add3A_1105 = arith.addf %add3A_1096, %mul3A_1104 : vector<16xf32>
        %get3A_1106 = arith.index_cast %add3A_1051 : i32 to index
        %get3A_1107 = arith.constant 96 : index
        %get3A_1108 = tpu.vector_load %arg16[%get3A_1106, %get3A_1107] {strides = array<i32>} : memref<80x128xf32, #tpu.memory_space<vmem>>, vector<16xf32>,
        %get3A_1109 = arith.index_cast %add3A_1051 : i32 to index
        %get3A_1110 = arith.constant 96 : index
        %get3A_1111 = tpu.vector_load %arg17[%get3A_1109, %get3A_1110] {strides = array<i32>} : memref<80x128xf32, #tpu.memory_space<vmem>>, vector<16xf32>,
        %mul3A_1112 = arith.mulf %get3A_1108, %get3A_1111 : vector<16xf32>
        %mul3A_1113 = arith.mulf %mul3A_1112, %get3A_272 : vector<16xf32>
        %add3A_1114 = arith.addf %add3A_1105, %mul3A_1113 : vector<16xf32>
        %get3A_1115 = arith.index_cast %add3A_1051 : i32 to index
        %get3A_1116 = arith.constant 112 : index
        %get3A_1117 = tpu.vector_load %arg16[%get3A_1115, %get3A_1116] {strides = array<i32>} : memref<80x128xf32, #tpu.memory_space<vmem>>, vector<16xf32>,
        %get3A_1118 = arith.index_cast %add3A_1051 : i32 to index
        %get3A_1119 = arith.constant 112 : index
        %get3A_1120 = tpu.vector_load %arg17[%get3A_1118, %get3A_1119] {strides = array<i32>} : memref<80x128xf32, #tpu.memory_space<vmem>>, vector<16xf32>,
        %mul3A_1121 = arith.mulf %get3A_1117, %get3A_1120 : vector<16xf32>
        %mul3A_1122 = arith.mulf %mul3A_1121, %get3A_274 : vector<16xf32>
        %add3A_1123 = arith.addf %add3A_1114, %mul3A_1122 : vector<16xf32>
        %eq3A_1124 = arith.constant 5 : i32
        %eq3A_1125 = vector.broadcast %eq3A_1124 : i32 to vector<16xi32>
        %eq3A_1126 = arith.cmpi eq, %iota3A, %eq3A_1125 : vector<16xi32>
        %select_n3A_1127 = arith.select %eq3A_1126, %gather3A, %broadcast_in_dim3A_1 : vector<16xi1>, vector<16xf32>
        %add3A_1128 = arith.addf %add3A_1123, %select_n3A_1127 : vector<16xf32>
        %reduce_sum3A_1129 = arith.constant true
        %reduce_sum3A_1130 = vector.broadcast %reduce_sum3A_1129 : i1 to vector<16xi1>
        %reduce_sum3A_1131 = tpu.scan <sum>, %add3A_1128 masked %reduce_sum3A_1130 : vector<16xf32>, vector<16xi1> -> vector<16xf32>
        %reduce_sum3A_1132 = vector.extract %reduce_sum3A_1131[15] : f32 from vector<16xf32>
        %broadcast_in_dim3A_1133 = vector.broadcast %reduce_sum3A_1132 : f32 to vector<16xf32>
        %ge3A_1134 = arith.constant 0.000000e+00 : f32
        %ge3A_1135 = vector.broadcast %ge3A_1134 : f32 to vector<16xf32>
        %ge3A_1136 = arith.cmpf oge, %broadcast_in_dim3A_1133, %ge3A_1135 : vector<16xf32>
        %mul3A_1137 = arith.constant 0.00999999977 : f32
        %mul3A_1138 = vector.broadcast %mul3A_1137 : f32 to vector<16xf32>
        %mul3A_1139 = arith.mulf %broadcast_in_dim3A_1133, %mul3A_1138 : vector<16xf32>
        %select_n3A_1140 = arith.select %ge3A_1136, %broadcast_in_dim3A_1133, %mul3A_1139 : vector<16xi1>, vector<16xf32>
        %exp3A_1141 = math.exp %select_n3A_1140 : vector<16xf32>
        %mul3A_1142 = arith.mulf %mul3A_1058, %exp3A_1141 : vector<16xf32>
        %swap3A_1143 = arith.index_cast %add3A_1051 : i32 to index
        %swap3A_1144 = arith.constant 0 : index
        %swap3A_1145 = tpu.vector_load %arg18[%swap3A_1143, %swap3A_1144] {strides = array<i32>} : memref<80x128xf32, #tpu.memory_space<vmem>>, vector<16xf32>,
        tpu.vector_store %arg18[%swap3A_1143, %swap3A_1144], %mul3A_1142 {strides = array<i32>} : memref<80x128xf32, #tpu.memory_space<vmem>>, vector<16xf32>,
        %mul3A_1146 = arith.mulf %mul3A_1067, %exp3A_1141 : vector<16xf32>
        %swap3A_1147 = arith.index_cast %add3A_1051 : i32 to index
        %swap3A_1148 = arith.constant 16 : index
        %swap3A_1149 = tpu.vector_load %arg18[%swap3A_1147, %swap3A_1148] {strides = array<i32>} : memref<80x128xf32, #tpu.memory_space<vmem>>, vector<16xf32>,
        tpu.vector_store %arg18[%swap3A_1147, %swap3A_1148], %mul3A_1146 {strides = array<i32>} : memref<80x128xf32, #tpu.memory_space<vmem>>, vector<16xf32>,
        %mul3A_1150 = arith.mulf %mul3A_1076, %exp3A_1141 : vector<16xf32>
        %swap3A_1151 = arith.index_cast %add3A_1051 : i32 to index
        %swap3A_1152 = arith.constant 32 : index
        %swap3A_1153 = tpu.vector_load %arg18[%swap3A_1151, %swap3A_1152] {strides = array<i32>} : memref<80x128xf32, #tpu.memory_space<vmem>>, vector<16xf32>,
        tpu.vector_store %arg18[%swap3A_1151, %swap3A_1152], %mul3A_1150 {strides = array<i32>} : memref<80x128xf32, #tpu.memory_space<vmem>>, vector<16xf32>,
        %mul3A_1154 = arith.mulf %mul3A_1085, %exp3A_1141 : vector<16xf32>
        %swap3A_1155 = arith.index_cast %add3A_1051 : i32 to index
        %swap3A_1156 = arith.constant 48 : index
        %swap3A_1157 = tpu.vector_load %arg18[%swap3A_1155, %swap3A_1156] {strides = array<i32>} : memref<80x128xf32, #tpu.memory_space<vmem>>, vector<16xf32>,
        tpu.vector_store %arg18[%swap3A_1155, %swap3A_1156], %mul3A_1154 {strides = array<i32>} : memref<80x128xf32, #tpu.memory_space<vmem>>, vector<16xf32>,
        %mul3A_1158 = arith.mulf %mul3A_1094, %exp3A_1141 : vector<16xf32>
        %swap3A_1159 = arith.index_cast %add3A_1051 : i32 to index
        %swap3A_1160 = arith.constant 64 : index
        %swap3A_1161 = tpu.vector_load %arg18[%swap3A_1159, %swap3A_1160] {strides = array<i32>} : memref<80x128xf32, #tpu.memory_space<vmem>>, vector<16xf32>,
        tpu.vector_store %arg18[%swap3A_1159, %swap3A_1160], %mul3A_1158 {strides = array<i32>} : memref<80x128xf32, #tpu.memory_space<vmem>>, vector<16xf32>,
        %mul3A_1162 = arith.mulf %mul3A_1103, %exp3A_1141 : vector<16xf32>
        %swap3A_1163 = arith.index_cast %add3A_1051 : i32 to index
        %swap3A_1164 = arith.constant 80 : index
        %swap3A_1165 = tpu.vector_load %arg18[%swap3A_1163, %swap3A_1164] {strides = array<i32>} : memref<80x128xf32, #tpu.memory_space<vmem>>, vector<16xf32>,
        tpu.vector_store %arg18[%swap3A_1163, %swap3A_1164], %mul3A_1162 {strides = array<i32>} : memref<80x128xf32, #tpu.memory_space<vmem>>, vector<16xf32>,
        %mul3A_1166 = arith.mulf %mul3A_1112, %exp3A_1141 : vector<16xf32>
        %swap3A_1167 = arith.index_cast %add3A_1051 : i32 to index
        %swap3A_1168 = arith.constant 96 : index
        %swap3A_1169 = tpu.vector_load %arg18[%swap3A_1167, %swap3A_1168] {strides = array<i32>} : memref<80x128xf32, #tpu.memory_space<vmem>>, vector<16xf32>,
        tpu.vector_store %arg18[%swap3A_1167, %swap3A_1168], %mul3A_1166 {strides = array<i32>} : memref<80x128xf32, #tpu.memory_space<vmem>>, vector<16xf32>,
        %mul3A_1170 = arith.mulf %mul3A_1121, %exp3A_1141 : vector<16xf32>
        %swap3A_1171 = arith.index_cast %add3A_1051 : i32 to index
        %swap3A_1172 = arith.constant 112 : index
        %swap3A_1173 = tpu.vector_load %arg18[%swap3A_1171, %swap3A_1172] {strides = array<i32>} : memref<80x128xf32, #tpu.memory_space<vmem>>, vector<16xf32>,
        tpu.vector_store %arg18[%swap3A_1171, %swap3A_1172], %mul3A_1170 {strides = array<i32>} : memref<80x128xf32, #tpu.memory_space<vmem>>, vector<16xf32>,
        %eq3A_1174 = arith.constant 5 : i32
        %eq3A_1175 = vector.broadcast %eq3A_1174 : i32 to vector<16xi32>
        %eq3A_1176 = arith.cmpi eq, %iota3A, %eq3A_1175 : vector<16xi32>
        %select_n3A_1177 = arith.select %eq3A_1176, %exp3A_1141, %select_n3A_1047 : vector<16xi1>, vector<16xf32>
        %mul3A_1178 = arith.constant 16 : i32
        %mul3A_1179 = arith.muli %scan3A_397, %mul3A_1178 : i32
        %add3A_1180 = arith.constant 6 : i32
        %add3A_1181 = arith.addi %mul3A_1179, %add3A_1180 : i32
        %get3A_1182 = arith.index_cast %add3A_1181 : i32 to index
        %get3A_1183 = arith.constant 0 : index
        %get3A_1184 = tpu.vector_load %arg16[%get3A_1182, %get3A_1183] {strides = array<i32>} : memref<80x128xf32, #tpu.memory_space<vmem>>, vector<16xf32>,
        %get3A_1185 = arith.index_cast %add3A_1181 : i32 to index
        %get3A_1186 = arith.constant 0 : index
        %get3A_1187 = tpu.vector_load %arg17[%get3A_1185, %get3A_1186] {strides = array<i32>} : memref<80x128xf32, #tpu.memory_space<vmem>>, vector<16xf32>,
        %mul3A_1188 = arith.mulf %get3A_1184, %get3A_1187 : vector<16xf32>
        %mul3A_1189 = arith.mulf %mul3A_1188, %get3A_260 : vector<16xf32>
        %add3A_1190 = arith.addf %broadcast_in_dim3A_1, %mul3A_1189 : vector<16xf32>
        %get3A_1191 = arith.index_cast %add3A_1181 : i32 to index
        %get3A_1192 = arith.constant 16 : index
        %get3A_1193 = tpu.vector_load %arg16[%get3A_1191, %get3A_1192] {strides = array<i32>} : memref<80x128xf32, #tpu.memory_space<vmem>>, vector<16xf32>,
        %get3A_1194 = arith.index_cast %add3A_1181 : i32 to index
        %get3A_1195 = arith.constant 16 : index
        %get3A_1196 = tpu.vector_load %arg17[%get3A_1194, %get3A_1195] {strides = array<i32>} : memref<80x128xf32, #tpu.memory_space<vmem>>, vector<16xf32>,
        %mul3A_1197 = arith.mulf %get3A_1193, %get3A_1196 : vector<16xf32>
        %mul3A_1198 = arith.mulf %mul3A_1197, %get3A_262 : vector<16xf32>
        %add3A_1199 = arith.addf %add3A_1190, %mul3A_1198 : vector<16xf32>
        %get3A_1200 = arith.index_cast %add3A_1181 : i32 to index
        %get3A_1201 = arith.constant 32 : index
        %get3A_1202 = tpu.vector_load %arg16[%get3A_1200, %get3A_1201] {strides = array<i32>} : memref<80x128xf32, #tpu.memory_space<vmem>>, vector<16xf32>,
        %get3A_1203 = arith.index_cast %add3A_1181 : i32 to index
        %get3A_1204 = arith.constant 32 : index
        %get3A_1205 = tpu.vector_load %arg17[%get3A_1203, %get3A_1204] {strides = array<i32>} : memref<80x128xf32, #tpu.memory_space<vmem>>, vector<16xf32>,
        %mul3A_1206 = arith.mulf %get3A_1202, %get3A_1205 : vector<16xf32>
        %mul3A_1207 = arith.mulf %mul3A_1206, %get3A_264 : vector<16xf32>
        %add3A_1208 = arith.addf %add3A_1199, %mul3A_1207 : vector<16xf32>
        %get3A_1209 = arith.index_cast %add3A_1181 : i32 to index
        %get3A_1210 = arith.constant 48 : index
        %get3A_1211 = tpu.vector_load %arg16[%get3A_1209, %get3A_1210] {strides = array<i32>} : memref<80x128xf32, #tpu.memory_space<vmem>>, vector<16xf32>,
        %get3A_1212 = arith.index_cast %add3A_1181 : i32 to index
        %get3A_1213 = arith.constant 48 : index
        %get3A_1214 = tpu.vector_load %arg17[%get3A_1212, %get3A_1213] {strides = array<i32>} : memref<80x128xf32, #tpu.memory_space<vmem>>, vector<16xf32>,
        %mul3A_1215 = arith.mulf %get3A_1211, %get3A_1214 : vector<16xf32>
        %mul3A_1216 = arith.mulf %mul3A_1215, %get3A_266 : vector<16xf32>
        %add3A_1217 = arith.addf %add3A_1208, %mul3A_1216 : vector<16xf32>
        %get3A_1218 = arith.index_cast %add3A_1181 : i32 to index
        %get3A_1219 = arith.constant 64 : index
        %get3A_1220 = tpu.vector_load %arg16[%get3A_1218, %get3A_1219] {strides = array<i32>} : memref<80x128xf32, #tpu.memory_space<vmem>>, vector<16xf32>,
        %get3A_1221 = arith.index_cast %add3A_1181 : i32 to index
        %get3A_1222 = arith.constant 64 : index
        %get3A_1223 = tpu.vector_load %arg17[%get3A_1221, %get3A_1222] {strides = array<i32>} : memref<80x128xf32, #tpu.memory_space<vmem>>, vector<16xf32>,
        %mul3A_1224 = arith.mulf %get3A_1220, %get3A_1223 : vector<16xf32>
        %mul3A_1225 = arith.mulf %mul3A_1224, %get3A_268 : vector<16xf32>
        %add3A_1226 = arith.addf %add3A_1217, %mul3A_1225 : vector<16xf32>
        %get3A_1227 = arith.index_cast %add3A_1181 : i32 to index
        %get3A_1228 = arith.constant 80 : index
        %get3A_1229 = tpu.vector_load %arg16[%get3A_1227, %get3A_1228] {strides = array<i32>} : memref<80x128xf32, #tpu.memory_space<vmem>>, vector<16xf32>,
        %get3A_1230 = arith.index_cast %add3A_1181 : i32 to index
        %get3A_1231 = arith.constant 80 : index
        %get3A_1232 = tpu.vector_load %arg17[%get3A_1230, %get3A_1231] {strides = array<i32>} : memref<80x128xf32, #tpu.memory_space<vmem>>, vector<16xf32>,
        %mul3A_1233 = arith.mulf %get3A_1229, %get3A_1232 : vector<16xf32>
        %mul3A_1234 = arith.mulf %mul3A_1233, %get3A_270 : vector<16xf32>
        %add3A_1235 = arith.addf %add3A_1226, %mul3A_1234 : vector<16xf32>
        %get3A_1236 = arith.index_cast %add3A_1181 : i32 to index
        %get3A_1237 = arith.constant 96 : index
        %get3A_1238 = tpu.vector_load %arg16[%get3A_1236, %get3A_1237] {strides = array<i32>} : memref<80x128xf32, #tpu.memory_space<vmem>>, vector<16xf32>,
        %get3A_1239 = arith.index_cast %add3A_1181 : i32 to index
        %get3A_1240 = arith.constant 96 : index
        %get3A_1241 = tpu.vector_load %arg17[%get3A_1239, %get3A_1240] {strides = array<i32>} : memref<80x128xf32, #tpu.memory_space<vmem>>, vector<16xf32>,
        %mul3A_1242 = arith.mulf %get3A_1238, %get3A_1241 : vector<16xf32>
        %mul3A_1243 = arith.mulf %mul3A_1242, %get3A_272 : vector<16xf32>
        %add3A_1244 = arith.addf %add3A_1235, %mul3A_1243 : vector<16xf32>
        %get3A_1245 = arith.index_cast %add3A_1181 : i32 to index
        %get3A_1246 = arith.constant 112 : index
        %get3A_1247 = tpu.vector_load %arg16[%get3A_1245, %get3A_1246] {strides = array<i32>} : memref<80x128xf32, #tpu.memory_space<vmem>>, vector<16xf32>,
        %get3A_1248 = arith.index_cast %add3A_1181 : i32 to index
        %get3A_1249 = arith.constant 112 : index
        %get3A_1250 = tpu.vector_load %arg17[%get3A_1248, %get3A_1249] {strides = array<i32>} : memref<80x128xf32, #tpu.memory_space<vmem>>, vector<16xf32>,
        %mul3A_1251 = arith.mulf %get3A_1247, %get3A_1250 : vector<16xf32>
        %mul3A_1252 = arith.mulf %mul3A_1251, %get3A_274 : vector<16xf32>
        %add3A_1253 = arith.addf %add3A_1244, %mul3A_1252 : vector<16xf32>
        %eq3A_1254 = arith.constant 6 : i32
        %eq3A_1255 = vector.broadcast %eq3A_1254 : i32 to vector<16xi32>
        %eq3A_1256 = arith.cmpi eq, %iota3A, %eq3A_1255 : vector<16xi32>
        %select_n3A_1257 = arith.select %eq3A_1256, %gather3A, %broadcast_in_dim3A_1 : vector<16xi1>, vector<16xf32>
        %add3A_1258 = arith.addf %add3A_1253, %select_n3A_1257 : vector<16xf32>
        %reduce_sum3A_1259 = arith.constant true
        %reduce_sum3A_1260 = vector.broadcast %reduce_sum3A_1259 : i1 to vector<16xi1>
        %reduce_sum3A_1261 = tpu.scan <sum>, %add3A_1258 masked %reduce_sum3A_1260 : vector<16xf32>, vector<16xi1> -> vector<16xf32>
        %reduce_sum3A_1262 = vector.extract %reduce_sum3A_1261[15] : f32 from vector<16xf32>
        %broadcast_in_dim3A_1263 = vector.broadcast %reduce_sum3A_1262 : f32 to vector<16xf32>
        %ge3A_1264 = arith.constant 0.000000e+00 : f32
        %ge3A_1265 = vector.broadcast %ge3A_1264 : f32 to vector<16xf32>
        %ge3A_1266 = arith.cmpf oge, %broadcast_in_dim3A_1263, %ge3A_1265 : vector<16xf32>
        %mul3A_1267 = arith.constant 0.00999999977 : f32
        %mul3A_1268 = vector.broadcast %mul3A_1267 : f32 to vector<16xf32>
        %mul3A_1269 = arith.mulf %broadcast_in_dim3A_1263, %mul3A_1268 : vector<16xf32>
        %select_n3A_1270 = arith.select %ge3A_1266, %broadcast_in_dim3A_1263, %mul3A_1269 : vector<16xi1>, vector<16xf32>
        %exp3A_1271 = math.exp %select_n3A_1270 : vector<16xf32>
        %mul3A_1272 = arith.mulf %mul3A_1188, %exp3A_1271 : vector<16xf32>
        %swap3A_1273 = arith.index_cast %add3A_1181 : i32 to index
        %swap3A_1274 = arith.constant 0 : index
        %swap3A_1275 = tpu.vector_load %arg18[%swap3A_1273, %swap3A_1274] {strides = array<i32>} : memref<80x128xf32, #tpu.memory_space<vmem>>, vector<16xf32>,
        tpu.vector_store %arg18[%swap3A_1273, %swap3A_1274], %mul3A_1272 {strides = array<i32>} : memref<80x128xf32, #tpu.memory_space<vmem>>, vector<16xf32>,
        %mul3A_1276 = arith.mulf %mul3A_1197, %exp3A_1271 : vector<16xf32>
        %swap3A_1277 = arith.index_cast %add3A_1181 : i32 to index
        %swap3A_1278 = arith.constant 16 : index
        %swap3A_1279 = tpu.vector_load %arg18[%swap3A_1277, %swap3A_1278] {strides = array<i32>} : memref<80x128xf32, #tpu.memory_space<vmem>>, vector<16xf32>,
        tpu.vector_store %arg18[%swap3A_1277, %swap3A_1278], %mul3A_1276 {strides = array<i32>} : memref<80x128xf32, #tpu.memory_space<vmem>>, vector<16xf32>,
        %mul3A_1280 = arith.mulf %mul3A_1206, %exp3A_1271 : vector<16xf32>
        %swap3A_1281 = arith.index_cast %add3A_1181 : i32 to index
        %swap3A_1282 = arith.constant 32 : index
        %swap3A_1283 = tpu.vector_load %arg18[%swap3A_1281, %swap3A_1282] {strides = array<i32>} : memref<80x128xf32, #tpu.memory_space<vmem>>, vector<16xf32>,
        tpu.vector_store %arg18[%swap3A_1281, %swap3A_1282], %mul3A_1280 {strides = array<i32>} : memref<80x128xf32, #tpu.memory_space<vmem>>, vector<16xf32>,
        %mul3A_1284 = arith.mulf %mul3A_1215, %exp3A_1271 : vector<16xf32>
        %swap3A_1285 = arith.index_cast %add3A_1181 : i32 to index
        %swap3A_1286 = arith.constant 48 : index
        %swap3A_1287 = tpu.vector_load %arg18[%swap3A_1285, %swap3A_1286] {strides = array<i32>} : memref<80x128xf32, #tpu.memory_space<vmem>>, vector<16xf32>,
        tpu.vector_store %arg18[%swap3A_1285, %swap3A_1286], %mul3A_1284 {strides = array<i32>} : memref<80x128xf32, #tpu.memory_space<vmem>>, vector<16xf32>,
        %mul3A_1288 = arith.mulf %mul3A_1224, %exp3A_1271 : vector<16xf32>
        %swap3A_1289 = arith.index_cast %add3A_1181 : i32 to index
        %swap3A_1290 = arith.constant 64 : index
        %swap3A_1291 = tpu.vector_load %arg18[%swap3A_1289, %swap3A_1290] {strides = array<i32>} : memref<80x128xf32, #tpu.memory_space<vmem>>, vector<16xf32>,
        tpu.vector_store %arg18[%swap3A_1289, %swap3A_1290], %mul3A_1288 {strides = array<i32>} : memref<80x128xf32, #tpu.memory_space<vmem>>, vector<16xf32>,
        %mul3A_1292 = arith.mulf %mul3A_1233, %exp3A_1271 : vector<16xf32>
        %swap3A_1293 = arith.index_cast %add3A_1181 : i32 to index
        %swap3A_1294 = arith.constant 80 : index
        %swap3A_1295 = tpu.vector_load %arg18[%swap3A_1293, %swap3A_1294] {strides = array<i32>} : memref<80x128xf32, #tpu.memory_space<vmem>>, vector<16xf32>,
        tpu.vector_store %arg18[%swap3A_1293, %swap3A_1294], %mul3A_1292 {strides = array<i32>} : memref<80x128xf32, #tpu.memory_space<vmem>>, vector<16xf32>,
        %mul3A_1296 = arith.mulf %mul3A_1242, %exp3A_1271 : vector<16xf32>
        %swap3A_1297 = arith.index_cast %add3A_1181 : i32 to index
        %swap3A_1298 = arith.constant 96 : index
        %swap3A_1299 = tpu.vector_load %arg18[%swap3A_1297, %swap3A_1298] {strides = array<i32>} : memref<80x128xf32, #tpu.memory_space<vmem>>, vector<16xf32>,
        tpu.vector_store %arg18[%swap3A_1297, %swap3A_1298], %mul3A_1296 {strides = array<i32>} : memref<80x128xf32, #tpu.memory_space<vmem>>, vector<16xf32>,
        %mul3A_1300 = arith.mulf %mul3A_1251, %exp3A_1271 : vector<16xf32>
        %swap3A_1301 = arith.index_cast %add3A_1181 : i32 to index
        %swap3A_1302 = arith.constant 112 : index
        %swap3A_1303 = tpu.vector_load %arg18[%swap3A_1301, %swap3A_1302] {strides = array<i32>} : memref<80x128xf32, #tpu.memory_space<vmem>>, vector<16xf32>,
        tpu.vector_store %arg18[%swap3A_1301, %swap3A_1302], %mul3A_1300 {strides = array<i32>} : memref<80x128xf32, #tpu.memory_space<vmem>>, vector<16xf32>,
        %eq3A_1304 = arith.constant 6 : i32
        %eq3A_1305 = vector.broadcast %eq3A_1304 : i32 to vector<16xi32>
        %eq3A_1306 = arith.cmpi eq, %iota3A, %eq3A_1305 : vector<16xi32>
        %select_n3A_1307 = arith.select %eq3A_1306, %exp3A_1271, %select_n3A_1177 : vector<16xi1>, vector<16xf32>
        %mul3A_1308 = arith.constant 16 : i32
        %mul3A_1309 = arith.muli %scan3A_397, %mul3A_1308 : i32
        %add3A_1310 = arith.constant 7 : i32
        %add3A_1311 = arith.addi %mul3A_1309, %add3A_1310 : i32
        %get3A_1312 = arith.index_cast %add3A_1311 : i32 to index
        %get3A_1313 = arith.constant 0 : index
        %get3A_1314 = tpu.vector_load %arg16[%get3A_1312, %get3A_1313] {strides = array<i32>} : memref<80x128xf32, #tpu.memory_space<vmem>>, vector<16xf32>,
        %get3A_1315 = arith.index_cast %add3A_1311 : i32 to index
        %get3A_1316 = arith.constant 0 : index
        %get3A_1317 = tpu.vector_load %arg17[%get3A_1315, %get3A_1316] {strides = array<i32>} : memref<80x128xf32, #tpu.memory_space<vmem>>, vector<16xf32>,
        %mul3A_1318 = arith.mulf %get3A_1314, %get3A_1317 : vector<16xf32>
        %mul3A_1319 = arith.mulf %mul3A_1318, %get3A_260 : vector<16xf32>
        %add3A_1320 = arith.addf %broadcast_in_dim3A_1, %mul3A_1319 : vector<16xf32>
        %get3A_1321 = arith.index_cast %add3A_1311 : i32 to index
        %get3A_1322 = arith.constant 16 : index
        %get3A_1323 = tpu.vector_load %arg16[%get3A_1321, %get3A_1322] {strides = array<i32>} : memref<80x128xf32, #tpu.memory_space<vmem>>, vector<16xf32>,
        %get3A_1324 = arith.index_cast %add3A_1311 : i32 to index
        %get3A_1325 = arith.constant 16 : index
        %get3A_1326 = tpu.vector_load %arg17[%get3A_1324, %get3A_1325] {strides = array<i32>} : memref<80x128xf32, #tpu.memory_space<vmem>>, vector<16xf32>,
        %mul3A_1327 = arith.mulf %get3A_1323, %get3A_1326 : vector<16xf32>
        %mul3A_1328 = arith.mulf %mul3A_1327, %get3A_262 : vector<16xf32>
        %add3A_1329 = arith.addf %add3A_1320, %mul3A_1328 : vector<16xf32>
        %get3A_1330 = arith.index_cast %add3A_1311 : i32 to index
        %get3A_1331 = arith.constant 32 : index
        %get3A_1332 = tpu.vector_load %arg16[%get3A_1330, %get3A_1331] {strides = array<i32>} : memref<80x128xf32, #tpu.memory_space<vmem>>, vector<16xf32>,
        %get3A_1333 = arith.index_cast %add3A_1311 : i32 to index
        %get3A_1334 = arith.constant 32 : index
        %get3A_1335 = tpu.vector_load %arg17[%get3A_1333, %get3A_1334] {strides = array<i32>} : memref<80x128xf32, #tpu.memory_space<vmem>>, vector<16xf32>,
        %mul3A_1336 = arith.mulf %get3A_1332, %get3A_1335 : vector<16xf32>
        %mul3A_1337 = arith.mulf %mul3A_1336, %get3A_264 : vector<16xf32>
        %add3A_1338 = arith.addf %add3A_1329, %mul3A_1337 : vector<16xf32>
        %get3A_1339 = arith.index_cast %add3A_1311 : i32 to index
        %get3A_1340 = arith.constant 48 : index
        %get3A_1341 = tpu.vector_load %arg16[%get3A_1339, %get3A_1340] {strides = array<i32>} : memref<80x128xf32, #tpu.memory_space<vmem>>, vector<16xf32>,
        %get3A_1342 = arith.index_cast %add3A_1311 : i32 to index
        %get3A_1343 = arith.constant 48 : index
        %get3A_1344 = tpu.vector_load %arg17[%get3A_1342, %get3A_1343] {strides = array<i32>} : memref<80x128xf32, #tpu.memory_space<vmem>>, vector<16xf32>,
        %mul3A_1345 = arith.mulf %get3A_1341, %get3A_1344 : vector<16xf32>
        %mul3A_1346 = arith.mulf %mul3A_1345, %get3A_266 : vector<16xf32>
        %add3A_1347 = arith.addf %add3A_1338, %mul3A_1346 : vector<16xf32>
        %get3A_1348 = arith.index_cast %add3A_1311 : i32 to index
        %get3A_1349 = arith.constant 64 : index
        %get3A_1350 = tpu.vector_load %arg16[%get3A_1348, %get3A_1349] {strides = array<i32>} : memref<80x128xf32, #tpu.memory_space<vmem>>, vector<16xf32>,
        %get3A_1351 = arith.index_cast %add3A_1311 : i32 to index
        %get3A_1352 = arith.constant 64 : index
        %get3A_1353 = tpu.vector_load %arg17[%get3A_1351, %get3A_1352] {strides = array<i32>} : memref<80x128xf32, #tpu.memory_space<vmem>>, vector<16xf32>,
        %mul3A_1354 = arith.mulf %get3A_1350, %get3A_1353 : vector<16xf32>
        %mul3A_1355 = arith.mulf %mul3A_1354, %get3A_268 : vector<16xf32>
        %add3A_1356 = arith.addf %add3A_1347, %mul3A_1355 : vector<16xf32>
        %get3A_1357 = arith.index_cast %add3A_1311 : i32 to index
        %get3A_1358 = arith.constant 80 : index
        %get3A_1359 = tpu.vector_load %arg16[%get3A_1357, %get3A_1358] {strides = array<i32>} : memref<80x128xf32, #tpu.memory_space<vmem>>, vector<16xf32>,
        %get3A_1360 = arith.index_cast %add3A_1311 : i32 to index
        %get3A_1361 = arith.constant 80 : index
        %get3A_1362 = tpu.vector_load %arg17[%get3A_1360, %get3A_1361] {strides = array<i32>} : memref<80x128xf32, #tpu.memory_space<vmem>>, vector<16xf32>,
        %mul3A_1363 = arith.mulf %get3A_1359, %get3A_1362 : vector<16xf32>
        %mul3A_1364 = arith.mulf %mul3A_1363, %get3A_270 : vector<16xf32>
        %add3A_1365 = arith.addf %add3A_1356, %mul3A_1364 : vector<16xf32>
        %get3A_1366 = arith.index_cast %add3A_1311 : i32 to index
        %get3A_1367 = arith.constant 96 : index
        %get3A_1368 = tpu.vector_load %arg16[%get3A_1366, %get3A_1367] {strides = array<i32>} : memref<80x128xf32, #tpu.memory_space<vmem>>, vector<16xf32>,
        %get3A_1369 = arith.index_cast %add3A_1311 : i32 to index
        %get3A_1370 = arith.constant 96 : index
        %get3A_1371 = tpu.vector_load %arg17[%get3A_1369, %get3A_1370] {strides = array<i32>} : memref<80x128xf32, #tpu.memory_space<vmem>>, vector<16xf32>,
        %mul3A_1372 = arith.mulf %get3A_1368, %get3A_1371 : vector<16xf32>
        %mul3A_1373 = arith.mulf %mul3A_1372, %get3A_272 : vector<16xf32>
        %add3A_1374 = arith.addf %add3A_1365, %mul3A_1373 : vector<16xf32>
        %get3A_1375 = arith.index_cast %add3A_1311 : i32 to index
        %get3A_1376 = arith.constant 112 : index
        %get3A_1377 = tpu.vector_load %arg16[%get3A_1375, %get3A_1376] {strides = array<i32>} : memref<80x128xf32, #tpu.memory_space<vmem>>, vector<16xf32>,
        %get3A_1378 = arith.index_cast %add3A_1311 : i32 to index
        %get3A_1379 = arith.constant 112 : index
        %get3A_1380 = tpu.vector_load %arg17[%get3A_1378, %get3A_1379] {strides = array<i32>} : memref<80x128xf32, #tpu.memory_space<vmem>>, vector<16xf32>,
        %mul3A_1381 = arith.mulf %get3A_1377, %get3A_1380 : vector<16xf32>
        %mul3A_1382 = arith.mulf %mul3A_1381, %get3A_274 : vector<16xf32>
        %add3A_1383 = arith.addf %add3A_1374, %mul3A_1382 : vector<16xf32>
        %eq3A_1384 = arith.constant 7 : i32
        %eq3A_1385 = vector.broadcast %eq3A_1384 : i32 to vector<16xi32>
        %eq3A_1386 = arith.cmpi eq, %iota3A, %eq3A_1385 : vector<16xi32>
        %select_n3A_1387 = arith.select %eq3A_1386, %gather3A, %broadcast_in_dim3A_1 : vector<16xi1>, vector<16xf32>
        %add3A_1388 = arith.addf %add3A_1383, %select_n3A_1387 : vector<16xf32>
        %reduce_sum3A_1389 = arith.constant true
        %reduce_sum3A_1390 = vector.broadcast %reduce_sum3A_1389 : i1 to vector<16xi1>
        %reduce_sum3A_1391 = tpu.scan <sum>, %add3A_1388 masked %reduce_sum3A_1390 : vector<16xf32>, vector<16xi1> -> vector<16xf32>
        %reduce_sum3A_1392 = vector.extract %reduce_sum3A_1391[15] : f32 from vector<16xf32>
        %broadcast_in_dim3A_1393 = vector.broadcast %reduce_sum3A_1392 : f32 to vector<16xf32>
        %ge3A_1394 = arith.constant 0.000000e+00 : f32
        %ge3A_1395 = vector.broadcast %ge3A_1394 : f32 to vector<16xf32>
        %ge3A_1396 = arith.cmpf oge, %broadcast_in_dim3A_1393, %ge3A_1395 : vector<16xf32>
        %mul3A_1397 = arith.constant 0.00999999977 : f32
        %mul3A_1398 = vector.broadcast %mul3A_1397 : f32 to vector<16xf32>
        %mul3A_1399 = arith.mulf %broadcast_in_dim3A_1393, %mul3A_1398 : vector<16xf32>
        %select_n3A_1400 = arith.select %ge3A_1396, %broadcast_in_dim3A_1393, %mul3A_1399 : vector<16xi1>, vector<16xf32>
        %exp3A_1401 = math.exp %select_n3A_1400 : vector<16xf32>
        %mul3A_1402 = arith.mulf %mul3A_1318, %exp3A_1401 : vector<16xf32>
        %swap3A_1403 = arith.index_cast %add3A_1311 : i32 to index
        %swap3A_1404 = arith.constant 0 : index
        %swap3A_1405 = tpu.vector_load %arg18[%swap3A_1403, %swap3A_1404] {strides = array<i32>} : memref<80x128xf32, #tpu.memory_space<vmem>>, vector<16xf32>,
        tpu.vector_store %arg18[%swap3A_1403, %swap3A_1404], %mul3A_1402 {strides = array<i32>} : memref<80x128xf32, #tpu.memory_space<vmem>>, vector<16xf32>,
        %mul3A_1406 = arith.mulf %mul3A_1327, %exp3A_1401 : vector<16xf32>
        %swap3A_1407 = arith.index_cast %add3A_1311 : i32 to index
        %swap3A_1408 = arith.constant 16 : index
        %swap3A_1409 = tpu.vector_load %arg18[%swap3A_1407, %swap3A_1408] {strides = array<i32>} : memref<80x128xf32, #tpu.memory_space<vmem>>, vector<16xf32>,
        tpu.vector_store %arg18[%swap3A_1407, %swap3A_1408], %mul3A_1406 {strides = array<i32>} : memref<80x128xf32, #tpu.memory_space<vmem>>, vector<16xf32>,
        %mul3A_1410 = arith.mulf %mul3A_1336, %exp3A_1401 : vector<16xf32>
        %swap3A_1411 = arith.index_cast %add3A_1311 : i32 to index
        %swap3A_1412 = arith.constant 32 : index
        %swap3A_1413 = tpu.vector_load %arg18[%swap3A_1411, %swap3A_1412] {strides = array<i32>} : memref<80x128xf32, #tpu.memory_space<vmem>>, vector<16xf32>,
        tpu.vector_store %arg18[%swap3A_1411, %swap3A_1412], %mul3A_1410 {strides = array<i32>} : memref<80x128xf32, #tpu.memory_space<vmem>>, vector<16xf32>,
        %mul3A_1414 = arith.mulf %mul3A_1345, %exp3A_1401 : vector<16xf32>
        %swap3A_1415 = arith.index_cast %add3A_1311 : i32 to index
        %swap3A_1416 = arith.constant 48 : index
        %swap3A_1417 = tpu.vector_load %arg18[%swap3A_1415, %swap3A_1416] {strides = array<i32>} : memref<80x128xf32, #tpu.memory_space<vmem>>, vector<16xf32>,
        tpu.vector_store %arg18[%swap3A_1415, %swap3A_1416], %mul3A_1414 {strides = array<i32>} : memref<80x128xf32, #tpu.memory_space<vmem>>, vector<16xf32>,
        %mul3A_1418 = arith.mulf %mul3A_1354, %exp3A_1401 : vector<16xf32>
        %swap3A_1419 = arith.index_cast %add3A_1311 : i32 to index
        %swap3A_1420 = arith.constant 64 : index
        %swap3A_1421 = tpu.vector_load %arg18[%swap3A_1419, %swap3A_1420] {strides = array<i32>} : memref<80x128xf32, #tpu.memory_space<vmem>>, vector<16xf32>,
        tpu.vector_store %arg18[%swap3A_1419, %swap3A_1420], %mul3A_1418 {strides = array<i32>} : memref<80x128xf32, #tpu.memory_space<vmem>>, vector<16xf32>,
        %mul3A_1422 = arith.mulf %mul3A_1363, %exp3A_1401 : vector<16xf32>
        %swap3A_1423 = arith.index_cast %add3A_1311 : i32 to index
        %swap3A_1424 = arith.constant 80 : index
        %swap3A_1425 = tpu.vector_load %arg18[%swap3A_1423, %swap3A_1424] {strides = array<i32>} : memref<80x128xf32, #tpu.memory_space<vmem>>, vector<16xf32>,
        tpu.vector_store %arg18[%swap3A_1423, %swap3A_1424], %mul3A_1422 {strides = array<i32>} : memref<80x128xf32, #tpu.memory_space<vmem>>, vector<16xf32>,
        %mul3A_1426 = arith.mulf %mul3A_1372, %exp3A_1401 : vector<16xf32>
        %swap3A_1427 = arith.index_cast %add3A_1311 : i32 to index
        %swap3A_1428 = arith.constant 96 : index
        %swap3A_1429 = tpu.vector_load %arg18[%swap3A_1427, %swap3A_1428] {strides = array<i32>} : memref<80x128xf32, #tpu.memory_space<vmem>>, vector<16xf32>,
        tpu.vector_store %arg18[%swap3A_1427, %swap3A_1428], %mul3A_1426 {strides = array<i32>} : memref<80x128xf32, #tpu.memory_space<vmem>>, vector<16xf32>,
        %mul3A_1430 = arith.mulf %mul3A_1381, %exp3A_1401 : vector<16xf32>
        %swap3A_1431 = arith.index_cast %add3A_1311 : i32 to index
        %swap3A_1432 = arith.constant 112 : index
        %swap3A_1433 = tpu.vector_load %arg18[%swap3A_1431, %swap3A_1432] {strides = array<i32>} : memref<80x128xf32, #tpu.memory_space<vmem>>, vector<16xf32>,
        tpu.vector_store %arg18[%swap3A_1431, %swap3A_1432], %mul3A_1430 {strides = array<i32>} : memref<80x128xf32, #tpu.memory_space<vmem>>, vector<16xf32>,
        %eq3A_1434 = arith.constant 7 : i32
        %eq3A_1435 = vector.broadcast %eq3A_1434 : i32 to vector<16xi32>
        %eq3A_1436 = arith.cmpi eq, %iota3A, %eq3A_1435 : vector<16xi32>
        %select_n3A_1437 = arith.select %eq3A_1436, %exp3A_1401, %select_n3A_1307 : vector<16xi1>, vector<16xf32>
        %mul3A_1438 = arith.constant 16 : i32
        %mul3A_1439 = arith.muli %scan3A_397, %mul3A_1438 : i32
        %add3A_1440 = arith.constant 8 : i32
        %add3A_1441 = arith.addi %mul3A_1439, %add3A_1440 : i32
        %get3A_1442 = arith.index_cast %add3A_1441 : i32 to index
        %get3A_1443 = arith.constant 0 : index
        %get3A_1444 = tpu.vector_load %arg16[%get3A_1442, %get3A_1443] {strides = array<i32>} : memref<80x128xf32, #tpu.memory_space<vmem>>, vector<16xf32>,
        %get3A_1445 = arith.index_cast %add3A_1441 : i32 to index
        %get3A_1446 = arith.constant 0 : index
        %get3A_1447 = tpu.vector_load %arg17[%get3A_1445, %get3A_1446] {strides = array<i32>} : memref<80x128xf32, #tpu.memory_space<vmem>>, vector<16xf32>,
        %mul3A_1448 = arith.mulf %get3A_1444, %get3A_1447 : vector<16xf32>
        %mul3A_1449 = arith.mulf %mul3A_1448, %get3A_260 : vector<16xf32>
        %add3A_1450 = arith.addf %broadcast_in_dim3A_1, %mul3A_1449 : vector<16xf32>
        %get3A_1451 = arith.index_cast %add3A_1441 : i32 to index
        %get3A_1452 = arith.constant 16 : index
        %get3A_1453 = tpu.vector_load %arg16[%get3A_1451, %get3A_1452] {strides = array<i32>} : memref<80x128xf32, #tpu.memory_space<vmem>>, vector<16xf32>,
        %get3A_1454 = arith.index_cast %add3A_1441 : i32 to index
        %get3A_1455 = arith.constant 16 : index
        %get3A_1456 = tpu.vector_load %arg17[%get3A_1454, %get3A_1455] {strides = array<i32>} : memref<80x128xf32, #tpu.memory_space<vmem>>, vector<16xf32>,
        %mul3A_1457 = arith.mulf %get3A_1453, %get3A_1456 : vector<16xf32>
        %mul3A_1458 = arith.mulf %mul3A_1457, %get3A_262 : vector<16xf32>
        %add3A_1459 = arith.addf %add3A_1450, %mul3A_1458 : vector<16xf32>
        %get3A_1460 = arith.index_cast %add3A_1441 : i32 to index
        %get3A_1461 = arith.constant 32 : index
        %get3A_1462 = tpu.vector_load %arg16[%get3A_1460, %get3A_1461] {strides = array<i32>} : memref<80x128xf32, #tpu.memory_space<vmem>>, vector<16xf32>,
        %get3A_1463 = arith.index_cast %add3A_1441 : i32 to index
        %get3A_1464 = arith.constant 32 : index
        %get3A_1465 = tpu.vector_load %arg17[%get3A_1463, %get3A_1464] {strides = array<i32>} : memref<80x128xf32, #tpu.memory_space<vmem>>, vector<16xf32>,
        %mul3A_1466 = arith.mulf %get3A_1462, %get3A_1465 : vector<16xf32>
        %mul3A_1467 = arith.mulf %mul3A_1466, %get3A_264 : vector<16xf32>
        %add3A_1468 = arith.addf %add3A_1459, %mul3A_1467 : vector<16xf32>
        %get3A_1469 = arith.index_cast %add3A_1441 : i32 to index
        %get3A_1470 = arith.constant 48 : index
        %get3A_1471 = tpu.vector_load %arg16[%get3A_1469, %get3A_1470] {strides = array<i32>} : memref<80x128xf32, #tpu.memory_space<vmem>>, vector<16xf32>,
        %get3A_1472 = arith.index_cast %add3A_1441 : i32 to index
        %get3A_1473 = arith.constant 48 : index
        %get3A_1474 = tpu.vector_load %arg17[%get3A_1472, %get3A_1473] {strides = array<i32>} : memref<80x128xf32, #tpu.memory_space<vmem>>, vector<16xf32>,
        %mul3A_1475 = arith.mulf %get3A_1471, %get3A_1474 : vector<16xf32>
        %mul3A_1476 = arith.mulf %mul3A_1475, %get3A_266 : vector<16xf32>
        %add3A_1477 = arith.addf %add3A_1468, %mul3A_1476 : vector<16xf32>
        %get3A_1478 = arith.index_cast %add3A_1441 : i32 to index
        %get3A_1479 = arith.constant 64 : index
        %get3A_1480 = tpu.vector_load %arg16[%get3A_1478, %get3A_1479] {strides = array<i32>} : memref<80x128xf32, #tpu.memory_space<vmem>>, vector<16xf32>,
        %get3A_1481 = arith.index_cast %add3A_1441 : i32 to index
        %get3A_1482 = arith.constant 64 : index
        %get3A_1483 = tpu.vector_load %arg17[%get3A_1481, %get3A_1482] {strides = array<i32>} : memref<80x128xf32, #tpu.memory_space<vmem>>, vector<16xf32>,
        %mul3A_1484 = arith.mulf %get3A_1480, %get3A_1483 : vector<16xf32>
        %mul3A_1485 = arith.mulf %mul3A_1484, %get3A_268 : vector<16xf32>
        %add3A_1486 = arith.addf %add3A_1477, %mul3A_1485 : vector<16xf32>
        %get3A_1487 = arith.index_cast %add3A_1441 : i32 to index
        %get3A_1488 = arith.constant 80 : index
        %get3A_1489 = tpu.vector_load %arg16[%get3A_1487, %get3A_1488] {strides = array<i32>} : memref<80x128xf32, #tpu.memory_space<vmem>>, vector<16xf32>,
        %get3A_1490 = arith.index_cast %add3A_1441 : i32 to index
        %get3A_1491 = arith.constant 80 : index
        %get3A_1492 = tpu.vector_load %arg17[%get3A_1490, %get3A_1491] {strides = array<i32>} : memref<80x128xf32, #tpu.memory_space<vmem>>, vector<16xf32>,
        %mul3A_1493 = arith.mulf %get3A_1489, %get3A_1492 : vector<16xf32>
        %mul3A_1494 = arith.mulf %mul3A_1493, %get3A_270 : vector<16xf32>
        %add3A_1495 = arith.addf %add3A_1486, %mul3A_1494 : vector<16xf32>
        %get3A_1496 = arith.index_cast %add3A_1441 : i32 to index
        %get3A_1497 = arith.constant 96 : index
        %get3A_1498 = tpu.vector_load %arg16[%get3A_1496, %get3A_1497] {strides = array<i32>} : memref<80x128xf32, #tpu.memory_space<vmem>>, vector<16xf32>,
        %get3A_1499 = arith.index_cast %add3A_1441 : i32 to index
        %get3A_1500 = arith.constant 96 : index
        %get3A_1501 = tpu.vector_load %arg17[%get3A_1499, %get3A_1500] {strides = array<i32>} : memref<80x128xf32, #tpu.memory_space<vmem>>, vector<16xf32>,
        %mul3A_1502 = arith.mulf %get3A_1498, %get3A_1501 : vector<16xf32>
        %mul3A_1503 = arith.mulf %mul3A_1502, %get3A_272 : vector<16xf32>
        %add3A_1504 = arith.addf %add3A_1495, %mul3A_1503 : vector<16xf32>
        %get3A_1505 = arith.index_cast %add3A_1441 : i32 to index
        %get3A_1506 = arith.constant 112 : index
        %get3A_1507 = tpu.vector_load %arg16[%get3A_1505, %get3A_1506] {strides = array<i32>} : memref<80x128xf32, #tpu.memory_space<vmem>>, vector<16xf32>,
        %get3A_1508 = arith.index_cast %add3A_1441 : i32 to index
        %get3A_1509 = arith.constant 112 : index
        %get3A_1510 = tpu.vector_load %arg17[%get3A_1508, %get3A_1509] {strides = array<i32>} : memref<80x128xf32, #tpu.memory_space<vmem>>, vector<16xf32>,
        %mul3A_1511 = arith.mulf %get3A_1507, %get3A_1510 : vector<16xf32>
        %mul3A_1512 = arith.mulf %mul3A_1511, %get3A_274 : vector<16xf32>
        %add3A_1513 = arith.addf %add3A_1504, %mul3A_1512 : vector<16xf32>
        %eq3A_1514 = arith.constant 8 : i32
        %eq3A_1515 = vector.broadcast %eq3A_1514 : i32 to vector<16xi32>
        %eq3A_1516 = arith.cmpi eq, %iota3A, %eq3A_1515 : vector<16xi32>
        %select_n3A_1517 = arith.select %eq3A_1516, %gather3A, %broadcast_in_dim3A_1 : vector<16xi1>, vector<16xf32>
        %add3A_1518 = arith.addf %add3A_1513, %select_n3A_1517 : vector<16xf32>
        %reduce_sum3A_1519 = arith.constant true
        %reduce_sum3A_1520 = vector.broadcast %reduce_sum3A_1519 : i1 to vector<16xi1>
        %reduce_sum3A_1521 = tpu.scan <sum>, %add3A_1518 masked %reduce_sum3A_1520 : vector<16xf32>, vector<16xi1> -> vector<16xf32>
        %reduce_sum3A_1522 = vector.extract %reduce_sum3A_1521[15] : f32 from vector<16xf32>
        %broadcast_in_dim3A_1523 = vector.broadcast %reduce_sum3A_1522 : f32 to vector<16xf32>
        %ge3A_1524 = arith.constant 0.000000e+00 : f32
        %ge3A_1525 = vector.broadcast %ge3A_1524 : f32 to vector<16xf32>
        %ge3A_1526 = arith.cmpf oge, %broadcast_in_dim3A_1523, %ge3A_1525 : vector<16xf32>
        %mul3A_1527 = arith.constant 0.00999999977 : f32
        %mul3A_1528 = vector.broadcast %mul3A_1527 : f32 to vector<16xf32>
        %mul3A_1529 = arith.mulf %broadcast_in_dim3A_1523, %mul3A_1528 : vector<16xf32>
        %select_n3A_1530 = arith.select %ge3A_1526, %broadcast_in_dim3A_1523, %mul3A_1529 : vector<16xi1>, vector<16xf32>
        %exp3A_1531 = math.exp %select_n3A_1530 : vector<16xf32>
        %mul3A_1532 = arith.mulf %mul3A_1448, %exp3A_1531 : vector<16xf32>
        %swap3A_1533 = arith.index_cast %add3A_1441 : i32 to index
        %swap3A_1534 = arith.constant 0 : index
        %swap3A_1535 = tpu.vector_load %arg18[%swap3A_1533, %swap3A_1534] {strides = array<i32>} : memref<80x128xf32, #tpu.memory_space<vmem>>, vector<16xf32>,
        tpu.vector_store %arg18[%swap3A_1533, %swap3A_1534], %mul3A_1532 {strides = array<i32>} : memref<80x128xf32, #tpu.memory_space<vmem>>, vector<16xf32>,
        %mul3A_1536 = arith.mulf %mul3A_1457, %exp3A_1531 : vector<16xf32>
        %swap3A_1537 = arith.index_cast %add3A_1441 : i32 to index
        %swap3A_1538 = arith.constant 16 : index
        %swap3A_1539 = tpu.vector_load %arg18[%swap3A_1537, %swap3A_1538] {strides = array<i32>} : memref<80x128xf32, #tpu.memory_space<vmem>>, vector<16xf32>,
        tpu.vector_store %arg18[%swap3A_1537, %swap3A_1538], %mul3A_1536 {strides = array<i32>} : memref<80x128xf32, #tpu.memory_space<vmem>>, vector<16xf32>,
        %mul3A_1540 = arith.mulf %mul3A_1466, %exp3A_1531 : vector<16xf32>
        %swap3A_1541 = arith.index_cast %add3A_1441 : i32 to index
        %swap3A_1542 = arith.constant 32 : index
        %swap3A_1543 = tpu.vector_load %arg18[%swap3A_1541, %swap3A_1542] {strides = array<i32>} : memref<80x128xf32, #tpu.memory_space<vmem>>, vector<16xf32>,
        tpu.vector_store %arg18[%swap3A_1541, %swap3A_1542], %mul3A_1540 {strides = array<i32>} : memref<80x128xf32, #tpu.memory_space<vmem>>, vector<16xf32>,
        %mul3A_1544 = arith.mulf %mul3A_1475, %exp3A_1531 : vector<16xf32>
        %swap3A_1545 = arith.index_cast %add3A_1441 : i32 to index
        %swap3A_1546 = arith.constant 48 : index
        %swap3A_1547 = tpu.vector_load %arg18[%swap3A_1545, %swap3A_1546] {strides = array<i32>} : memref<80x128xf32, #tpu.memory_space<vmem>>, vector<16xf32>,
        tpu.vector_store %arg18[%swap3A_1545, %swap3A_1546], %mul3A_1544 {strides = array<i32>} : memref<80x128xf32, #tpu.memory_space<vmem>>, vector<16xf32>,
        %mul3A_1548 = arith.mulf %mul3A_1484, %exp3A_1531 : vector<16xf32>
        %swap3A_1549 = arith.index_cast %add3A_1441 : i32 to index
        %swap3A_1550 = arith.constant 64 : index
        %swap3A_1551 = tpu.vector_load %arg18[%swap3A_1549, %swap3A_1550] {strides = array<i32>} : memref<80x128xf32, #tpu.memory_space<vmem>>, vector<16xf32>,
        tpu.vector_store %arg18[%swap3A_1549, %swap3A_1550], %mul3A_1548 {strides = array<i32>} : memref<80x128xf32, #tpu.memory_space<vmem>>, vector<16xf32>,
        %mul3A_1552 = arith.mulf %mul3A_1493, %exp3A_1531 : vector<16xf32>
        %swap3A_1553 = arith.index_cast %add3A_1441 : i32 to index
        %swap3A_1554 = arith.constant 80 : index
        %swap3A_1555 = tpu.vector_load %arg18[%swap3A_1553, %swap3A_1554] {strides = array<i32>} : memref<80x128xf32, #tpu.memory_space<vmem>>, vector<16xf32>,
        tpu.vector_store %arg18[%swap3A_1553, %swap3A_1554], %mul3A_1552 {strides = array<i32>} : memref<80x128xf32, #tpu.memory_space<vmem>>, vector<16xf32>,
        %mul3A_1556 = arith.mulf %mul3A_1502, %exp3A_1531 : vector<16xf32>
        %swap3A_1557 = arith.index_cast %add3A_1441 : i32 to index
        %swap3A_1558 = arith.constant 96 : index
        %swap3A_1559 = tpu.vector_load %arg18[%swap3A_1557, %swap3A_1558] {strides = array<i32>} : memref<80x128xf32, #tpu.memory_space<vmem>>, vector<16xf32>,
        tpu.vector_store %arg18[%swap3A_1557, %swap3A_1558], %mul3A_1556 {strides = array<i32>} : memref<80x128xf32, #tpu.memory_space<vmem>>, vector<16xf32>,
        %mul3A_1560 = arith.mulf %mul3A_1511, %exp3A_1531 : vector<16xf32>
        %swap3A_1561 = arith.index_cast %add3A_1441 : i32 to index
        %swap3A_1562 = arith.constant 112 : index
        %swap3A_1563 = tpu.vector_load %arg18[%swap3A_1561, %swap3A_1562] {strides = array<i32>} : memref<80x128xf32, #tpu.memory_space<vmem>>, vector<16xf32>,
        tpu.vector_store %arg18[%swap3A_1561, %swap3A_1562], %mul3A_1560 {strides = array<i32>} : memref<80x128xf32, #tpu.memory_space<vmem>>, vector<16xf32>,
        %eq3A_1564 = arith.constant 8 : i32
        %eq3A_1565 = vector.broadcast %eq3A_1564 : i32 to vector<16xi32>
        %eq3A_1566 = arith.cmpi eq, %iota3A, %eq3A_1565 : vector<16xi32>
        %select_n3A_1567 = arith.select %eq3A_1566, %exp3A_1531, %select_n3A_1437 : vector<16xi1>, vector<16xf32>
        %mul3A_1568 = arith.constant 16 : i32
        %mul3A_1569 = arith.muli %scan3A_397, %mul3A_1568 : i32
        %add3A_1570 = arith.constant 9 : i32
        %add3A_1571 = arith.addi %mul3A_1569, %add3A_1570 : i32
        %get3A_1572 = arith.index_cast %add3A_1571 : i32 to index
        %get3A_1573 = arith.constant 0 : index
        %get3A_1574 = tpu.vector_load %arg16[%get3A_1572, %get3A_1573] {strides = array<i32>} : memref<80x128xf32, #tpu.memory_space<vmem>>, vector<16xf32>,
        %get3A_1575 = arith.index_cast %add3A_1571 : i32 to index
        %get3A_1576 = arith.constant 0 : index
        %get3A_1577 = tpu.vector_load %arg17[%get3A_1575, %get3A_1576] {strides = array<i32>} : memref<80x128xf32, #tpu.memory_space<vmem>>, vector<16xf32>,
        %mul3A_1578 = arith.mulf %get3A_1574, %get3A_1577 : vector<16xf32>
        %mul3A_1579 = arith.mulf %mul3A_1578, %get3A_260 : vector<16xf32>
        %add3A_1580 = arith.addf %broadcast_in_dim3A_1, %mul3A_1579 : vector<16xf32>
        %get3A_1581 = arith.index_cast %add3A_1571 : i32 to index
        %get3A_1582 = arith.constant 16 : index
        %get3A_1583 = tpu.vector_load %arg16[%get3A_1581, %get3A_1582] {strides = array<i32>} : memref<80x128xf32, #tpu.memory_space<vmem>>, vector<16xf32>,
        %get3A_1584 = arith.index_cast %add3A_1571 : i32 to index
        %get3A_1585 = arith.constant 16 : index
        %get3A_1586 = tpu.vector_load %arg17[%get3A_1584, %get3A_1585] {strides = array<i32>} : memref<80x128xf32, #tpu.memory_space<vmem>>, vector<16xf32>,
        %mul3A_1587 = arith.mulf %get3A_1583, %get3A_1586 : vector<16xf32>
        %mul3A_1588 = arith.mulf %mul3A_1587, %get3A_262 : vector<16xf32>
        %add3A_1589 = arith.addf %add3A_1580, %mul3A_1588 : vector<16xf32>
        %get3A_1590 = arith.index_cast %add3A_1571 : i32 to index
        %get3A_1591 = arith.constant 32 : index
        %get3A_1592 = tpu.vector_load %arg16[%get3A_1590, %get3A_1591] {strides = array<i32>} : memref<80x128xf32, #tpu.memory_space<vmem>>, vector<16xf32>,
        %get3A_1593 = arith.index_cast %add3A_1571 : i32 to index
        %get3A_1594 = arith.constant 32 : index
        %get3A_1595 = tpu.vector_load %arg17[%get3A_1593, %get3A_1594] {strides = array<i32>} : memref<80x128xf32, #tpu.memory_space<vmem>>, vector<16xf32>,
        %mul3A_1596 = arith.mulf %get3A_1592, %get3A_1595 : vector<16xf32>
        %mul3A_1597 = arith.mulf %mul3A_1596, %get3A_264 : vector<16xf32>
        %add3A_1598 = arith.addf %add3A_1589, %mul3A_1597 : vector<16xf32>
        %get3A_1599 = arith.index_cast %add3A_1571 : i32 to index
        %get3A_1600 = arith.constant 48 : index
        %get3A_1601 = tpu.vector_load %arg16[%get3A_1599, %get3A_1600] {strides = array<i32>} : memref<80x128xf32, #tpu.memory_space<vmem>>, vector<16xf32>,
        %get3A_1602 = arith.index_cast %add3A_1571 : i32 to index
        %get3A_1603 = arith.constant 48 : index
        %get3A_1604 = tpu.vector_load %arg17[%get3A_1602, %get3A_1603] {strides = array<i32>} : memref<80x128xf32, #tpu.memory_space<vmem>>, vector<16xf32>,
        %mul3A_1605 = arith.mulf %get3A_1601, %get3A_1604 : vector<16xf32>
        %mul3A_1606 = arith.mulf %mul3A_1605, %get3A_266 : vector<16xf32>
        %add3A_1607 = arith.addf %add3A_1598, %mul3A_1606 : vector<16xf32>
        %get3A_1608 = arith.index_cast %add3A_1571 : i32 to index
        %get3A_1609 = arith.constant 64 : index
        %get3A_1610 = tpu.vector_load %arg16[%get3A_1608, %get3A_1609] {strides = array<i32>} : memref<80x128xf32, #tpu.memory_space<vmem>>, vector<16xf32>,
        %get3A_1611 = arith.index_cast %add3A_1571 : i32 to index
        %get3A_1612 = arith.constant 64 : index
        %get3A_1613 = tpu.vector_load %arg17[%get3A_1611, %get3A_1612] {strides = array<i32>} : memref<80x128xf32, #tpu.memory_space<vmem>>, vector<16xf32>,
        %mul3A_1614 = arith.mulf %get3A_1610, %get3A_1613 : vector<16xf32>
        %mul3A_1615 = arith.mulf %mul3A_1614, %get3A_268 : vector<16xf32>
        %add3A_1616 = arith.addf %add3A_1607, %mul3A_1615 : vector<16xf32>
        %get3A_1617 = arith.index_cast %add3A_1571 : i32 to index
        %get3A_1618 = arith.constant 80 : index
        %get3A_1619 = tpu.vector_load %arg16[%get3A_1617, %get3A_1618] {strides = array<i32>} : memref<80x128xf32, #tpu.memory_space<vmem>>, vector<16xf32>,
        %get3A_1620 = arith.index_cast %add3A_1571 : i32 to index
        %get3A_1621 = arith.constant 80 : index
        %get3A_1622 = tpu.vector_load %arg17[%get3A_1620, %get3A_1621] {strides = array<i32>} : memref<80x128xf32, #tpu.memory_space<vmem>>, vector<16xf32>,
        %mul3A_1623 = arith.mulf %get3A_1619, %get3A_1622 : vector<16xf32>
        %mul3A_1624 = arith.mulf %mul3A_1623, %get3A_270 : vector<16xf32>
        %add3A_1625 = arith.addf %add3A_1616, %mul3A_1624 : vector<16xf32>
        %get3A_1626 = arith.index_cast %add3A_1571 : i32 to index
        %get3A_1627 = arith.constant 96 : index
        %get3A_1628 = tpu.vector_load %arg16[%get3A_1626, %get3A_1627] {strides = array<i32>} : memref<80x128xf32, #tpu.memory_space<vmem>>, vector<16xf32>,
        %get3A_1629 = arith.index_cast %add3A_1571 : i32 to index
        %get3A_1630 = arith.constant 96 : index
        %get3A_1631 = tpu.vector_load %arg17[%get3A_1629, %get3A_1630] {strides = array<i32>} : memref<80x128xf32, #tpu.memory_space<vmem>>, vector<16xf32>,
        %mul3A_1632 = arith.mulf %get3A_1628, %get3A_1631 : vector<16xf32>
        %mul3A_1633 = arith.mulf %mul3A_1632, %get3A_272 : vector<16xf32>
        %add3A_1634 = arith.addf %add3A_1625, %mul3A_1633 : vector<16xf32>
        %get3A_1635 = arith.index_cast %add3A_1571 : i32 to index
        %get3A_1636 = arith.constant 112 : index
        %get3A_1637 = tpu.vector_load %arg16[%get3A_1635, %get3A_1636] {strides = array<i32>} : memref<80x128xf32, #tpu.memory_space<vmem>>, vector<16xf32>,
        %get3A_1638 = arith.index_cast %add3A_1571 : i32 to index
        %get3A_1639 = arith.constant 112 : index
        %get3A_1640 = tpu.vector_load %arg17[%get3A_1638, %get3A_1639] {strides = array<i32>} : memref<80x128xf32, #tpu.memory_space<vmem>>, vector<16xf32>,
        %mul3A_1641 = arith.mulf %get3A_1637, %get3A_1640 : vector<16xf32>
        %mul3A_1642 = arith.mulf %mul3A_1641, %get3A_274 : vector<16xf32>
        %add3A_1643 = arith.addf %add3A_1634, %mul3A_1642 : vector<16xf32>
        %eq3A_1644 = arith.constant 9 : i32
        %eq3A_1645 = vector.broadcast %eq3A_1644 : i32 to vector<16xi32>
        %eq3A_1646 = arith.cmpi eq, %iota3A, %eq3A_1645 : vector<16xi32>
        %select_n3A_1647 = arith.select %eq3A_1646, %gather3A, %broadcast_in_dim3A_1 : vector<16xi1>, vector<16xf32>
        %add3A_1648 = arith.addf %add3A_1643, %select_n3A_1647 : vector<16xf32>
        %reduce_sum3A_1649 = arith.constant true
        %reduce_sum3A_1650 = vector.broadcast %reduce_sum3A_1649 : i1 to vector<16xi1>
        %reduce_sum3A_1651 = tpu.scan <sum>, %add3A_1648 masked %reduce_sum3A_1650 : vector<16xf32>, vector<16xi1> -> vector<16xf32>
        %reduce_sum3A_1652 = vector.extract %reduce_sum3A_1651[15] : f32 from vector<16xf32>
        %broadcast_in_dim3A_1653 = vector.broadcast %reduce_sum3A_1652 : f32 to vector<16xf32>
        %ge3A_1654 = arith.constant 0.000000e+00 : f32
        %ge3A_1655 = vector.broadcast %ge3A_1654 : f32 to vector<16xf32>
        %ge3A_1656 = arith.cmpf oge, %broadcast_in_dim3A_1653, %ge3A_1655 : vector<16xf32>
        %mul3A_1657 = arith.constant 0.00999999977 : f32
        %mul3A_1658 = vector.broadcast %mul3A_1657 : f32 to vector<16xf32>
        %mul3A_1659 = arith.mulf %broadcast_in_dim3A_1653, %mul3A_1658 : vector<16xf32>
        %select_n3A_1660 = arith.select %ge3A_1656, %broadcast_in_dim3A_1653, %mul3A_1659 : vector<16xi1>, vector<16xf32>
        %exp3A_1661 = math.exp %select_n3A_1660 : vector<16xf32>
        %mul3A_1662 = arith.mulf %mul3A_1578, %exp3A_1661 : vector<16xf32>
        %swap3A_1663 = arith.index_cast %add3A_1571 : i32 to index
        %swap3A_1664 = arith.constant 0 : index
        %swap3A_1665 = tpu.vector_load %arg18[%swap3A_1663, %swap3A_1664] {strides = array<i32>} : memref<80x128xf32, #tpu.memory_space<vmem>>, vector<16xf32>,
        tpu.vector_store %arg18[%swap3A_1663, %swap3A_1664], %mul3A_1662 {strides = array<i32>} : memref<80x128xf32, #tpu.memory_space<vmem>>, vector<16xf32>,
        %mul3A_1666 = arith.mulf %mul3A_1587, %exp3A_1661 : vector<16xf32>
        %swap3A_1667 = arith.index_cast %add3A_1571 : i32 to index
        %swap3A_1668 = arith.constant 16 : index
        %swap3A_1669 = tpu.vector_load %arg18[%swap3A_1667, %swap3A_1668] {strides = array<i32>} : memref<80x128xf32, #tpu.memory_space<vmem>>, vector<16xf32>,
        tpu.vector_store %arg18[%swap3A_1667, %swap3A_1668], %mul3A_1666 {strides = array<i32>} : memref<80x128xf32, #tpu.memory_space<vmem>>, vector<16xf32>,
        %mul3A_1670 = arith.mulf %mul3A_1596, %exp3A_1661 : vector<16xf32>
        %swap3A_1671 = arith.index_cast %add3A_1571 : i32 to index
        %swap3A_1672 = arith.constant 32 : index
        %swap3A_1673 = tpu.vector_load %arg18[%swap3A_1671, %swap3A_1672] {strides = array<i32>} : memref<80x128xf32, #tpu.memory_space<vmem>>, vector<16xf32>,
        tpu.vector_store %arg18[%swap3A_1671, %swap3A_1672], %mul3A_1670 {strides = array<i32>} : memref<80x128xf32, #tpu.memory_space<vmem>>, vector<16xf32>,
        %mul3A_1674 = arith.mulf %mul3A_1605, %exp3A_1661 : vector<16xf32>
        %swap3A_1675 = arith.index_cast %add3A_1571 : i32 to index
        %swap3A_1676 = arith.constant 48 : index
        %swap3A_1677 = tpu.vector_load %arg18[%swap3A_1675, %swap3A_1676] {strides = array<i32>} : memref<80x128xf32, #tpu.memory_space<vmem>>, vector<16xf32>,
        tpu.vector_store %arg18[%swap3A_1675, %swap3A_1676], %mul3A_1674 {strides = array<i32>} : memref<80x128xf32, #tpu.memory_space<vmem>>, vector<16xf32>,
        %mul3A_1678 = arith.mulf %mul3A_1614, %exp3A_1661 : vector<16xf32>
        %swap3A_1679 = arith.index_cast %add3A_1571 : i32 to index
        %swap3A_1680 = arith.constant 64 : index
        %swap3A_1681 = tpu.vector_load %arg18[%swap3A_1679, %swap3A_1680] {strides = array<i32>} : memref<80x128xf32, #tpu.memory_space<vmem>>, vector<16xf32>,
        tpu.vector_store %arg18[%swap3A_1679, %swap3A_1680], %mul3A_1678 {strides = array<i32>} : memref<80x128xf32, #tpu.memory_space<vmem>>, vector<16xf32>,
        %mul3A_1682 = arith.mulf %mul3A_1623, %exp3A_1661 : vector<16xf32>
        %swap3A_1683 = arith.index_cast %add3A_1571 : i32 to index
        %swap3A_1684 = arith.constant 80 : index
        %swap3A_1685 = tpu.vector_load %arg18[%swap3A_1683, %swap3A_1684] {strides = array<i32>} : memref<80x128xf32, #tpu.memory_space<vmem>>, vector<16xf32>,
        tpu.vector_store %arg18[%swap3A_1683, %swap3A_1684], %mul3A_1682 {strides = array<i32>} : memref<80x128xf32, #tpu.memory_space<vmem>>, vector<16xf32>,
        %mul3A_1686 = arith.mulf %mul3A_1632, %exp3A_1661 : vector<16xf32>
        %swap3A_1687 = arith.index_cast %add3A_1571 : i32 to index
        %swap3A_1688 = arith.constant 96 : index
        %swap3A_1689 = tpu.vector_load %arg18[%swap3A_1687, %swap3A_1688] {strides = array<i32>} : memref<80x128xf32, #tpu.memory_space<vmem>>, vector<16xf32>,
        tpu.vector_store %arg18[%swap3A_1687, %swap3A_1688], %mul3A_1686 {strides = array<i32>} : memref<80x128xf32, #tpu.memory_space<vmem>>, vector<16xf32>,
        %mul3A_1690 = arith.mulf %mul3A_1641, %exp3A_1661 : vector<16xf32>
        %swap3A_1691 = arith.index_cast %add3A_1571 : i32 to index
        %swap3A_1692 = arith.constant 112 : index
        %swap3A_1693 = tpu.vector_load %arg18[%swap3A_1691, %swap3A_1692] {strides = array<i32>} : memref<80x128xf32, #tpu.memory_space<vmem>>, vector<16xf32>,
        tpu.vector_store %arg18[%swap3A_1691, %swap3A_1692], %mul3A_1690 {strides = array<i32>} : memref<80x128xf32, #tpu.memory_space<vmem>>, vector<16xf32>,
        %eq3A_1694 = arith.constant 9 : i32
        %eq3A_1695 = vector.broadcast %eq3A_1694 : i32 to vector<16xi32>
        %eq3A_1696 = arith.cmpi eq, %iota3A, %eq3A_1695 : vector<16xi32>
        %select_n3A_1697 = arith.select %eq3A_1696, %exp3A_1661, %select_n3A_1567 : vector<16xi1>, vector<16xf32>
        %mul3A_1698 = arith.constant 16 : i32
        %mul3A_1699 = arith.muli %scan3A_397, %mul3A_1698 : i32
        %add3A_1700 = arith.constant 10 : i32
        %add3A_1701 = arith.addi %mul3A_1699, %add3A_1700 : i32
        %get3A_1702 = arith.index_cast %add3A_1701 : i32 to index
        %get3A_1703 = arith.constant 0 : index
        %get3A_1704 = tpu.vector_load %arg16[%get3A_1702, %get3A_1703] {strides = array<i32>} : memref<80x128xf32, #tpu.memory_space<vmem>>, vector<16xf32>,
        %get3A_1705 = arith.index_cast %add3A_1701 : i32 to index
        %get3A_1706 = arith.constant 0 : index
        %get3A_1707 = tpu.vector_load %arg17[%get3A_1705, %get3A_1706] {strides = array<i32>} : memref<80x128xf32, #tpu.memory_space<vmem>>, vector<16xf32>,
        %mul3A_1708 = arith.mulf %get3A_1704, %get3A_1707 : vector<16xf32>
        %mul3A_1709 = arith.mulf %mul3A_1708, %get3A_260 : vector<16xf32>
        %add3A_1710 = arith.addf %broadcast_in_dim3A_1, %mul3A_1709 : vector<16xf32>
        %get3A_1711 = arith.index_cast %add3A_1701 : i32 to index
        %get3A_1712 = arith.constant 16 : index
        %get3A_1713 = tpu.vector_load %arg16[%get3A_1711, %get3A_1712] {strides = array<i32>} : memref<80x128xf32, #tpu.memory_space<vmem>>, vector<16xf32>,
        %get3A_1714 = arith.index_cast %add3A_1701 : i32 to index
        %get3A_1715 = arith.constant 16 : index
        %get3A_1716 = tpu.vector_load %arg17[%get3A_1714, %get3A_1715] {strides = array<i32>} : memref<80x128xf32, #tpu.memory_space<vmem>>, vector<16xf32>,
        %mul3A_1717 = arith.mulf %get3A_1713, %get3A_1716 : vector<16xf32>
        %mul3A_1718 = arith.mulf %mul3A_1717, %get3A_262 : vector<16xf32>
        %add3A_1719 = arith.addf %add3A_1710, %mul3A_1718 : vector<16xf32>
        %get3A_1720 = arith.index_cast %add3A_1701 : i32 to index
        %get3A_1721 = arith.constant 32 : index
        %get3A_1722 = tpu.vector_load %arg16[%get3A_1720, %get3A_1721] {strides = array<i32>} : memref<80x128xf32, #tpu.memory_space<vmem>>, vector<16xf32>,
        %get3A_1723 = arith.index_cast %add3A_1701 : i32 to index
        %get3A_1724 = arith.constant 32 : index
        %get3A_1725 = tpu.vector_load %arg17[%get3A_1723, %get3A_1724] {strides = array<i32>} : memref<80x128xf32, #tpu.memory_space<vmem>>, vector<16xf32>,
        %mul3A_1726 = arith.mulf %get3A_1722, %get3A_1725 : vector<16xf32>
        %mul3A_1727 = arith.mulf %mul3A_1726, %get3A_264 : vector<16xf32>
        %add3A_1728 = arith.addf %add3A_1719, %mul3A_1727 : vector<16xf32>
        %get3A_1729 = arith.index_cast %add3A_1701 : i32 to index
        %get3A_1730 = arith.constant 48 : index
        %get3A_1731 = tpu.vector_load %arg16[%get3A_1729, %get3A_1730] {strides = array<i32>} : memref<80x128xf32, #tpu.memory_space<vmem>>, vector<16xf32>,
        %get3A_1732 = arith.index_cast %add3A_1701 : i32 to index
        %get3A_1733 = arith.constant 48 : index
        %get3A_1734 = tpu.vector_load %arg17[%get3A_1732, %get3A_1733] {strides = array<i32>} : memref<80x128xf32, #tpu.memory_space<vmem>>, vector<16xf32>,
        %mul3A_1735 = arith.mulf %get3A_1731, %get3A_1734 : vector<16xf32>
        %mul3A_1736 = arith.mulf %mul3A_1735, %get3A_266 : vector<16xf32>
        %add3A_1737 = arith.addf %add3A_1728, %mul3A_1736 : vector<16xf32>
        %get3A_1738 = arith.index_cast %add3A_1701 : i32 to index
        %get3A_1739 = arith.constant 64 : index
        %get3A_1740 = tpu.vector_load %arg16[%get3A_1738, %get3A_1739] {strides = array<i32>} : memref<80x128xf32, #tpu.memory_space<vmem>>, vector<16xf32>,
        %get3A_1741 = arith.index_cast %add3A_1701 : i32 to index
        %get3A_1742 = arith.constant 64 : index
        %get3A_1743 = tpu.vector_load %arg17[%get3A_1741, %get3A_1742] {strides = array<i32>} : memref<80x128xf32, #tpu.memory_space<vmem>>, vector<16xf32>,
        %mul3A_1744 = arith.mulf %get3A_1740, %get3A_1743 : vector<16xf32>
        %mul3A_1745 = arith.mulf %mul3A_1744, %get3A_268 : vector<16xf32>
        %add3A_1746 = arith.addf %add3A_1737, %mul3A_1745 : vector<16xf32>
        %get3A_1747 = arith.index_cast %add3A_1701 : i32 to index
        %get3A_1748 = arith.constant 80 : index
        %get3A_1749 = tpu.vector_load %arg16[%get3A_1747, %get3A_1748] {strides = array<i32>} : memref<80x128xf32, #tpu.memory_space<vmem>>, vector<16xf32>,
        %get3A_1750 = arith.index_cast %add3A_1701 : i32 to index
        %get3A_1751 = arith.constant 80 : index
        %get3A_1752 = tpu.vector_load %arg17[%get3A_1750, %get3A_1751] {strides = array<i32>} : memref<80x128xf32, #tpu.memory_space<vmem>>, vector<16xf32>,
        %mul3A_1753 = arith.mulf %get3A_1749, %get3A_1752 : vector<16xf32>
        %mul3A_1754 = arith.mulf %mul3A_1753, %get3A_270 : vector<16xf32>
        %add3A_1755 = arith.addf %add3A_1746, %mul3A_1754 : vector<16xf32>
        %get3A_1756 = arith.index_cast %add3A_1701 : i32 to index
        %get3A_1757 = arith.constant 96 : index
        %get3A_1758 = tpu.vector_load %arg16[%get3A_1756, %get3A_1757] {strides = array<i32>} : memref<80x128xf32, #tpu.memory_space<vmem>>, vector<16xf32>,
        %get3A_1759 = arith.index_cast %add3A_1701 : i32 to index
        %get3A_1760 = arith.constant 96 : index
        %get3A_1761 = tpu.vector_load %arg17[%get3A_1759, %get3A_1760] {strides = array<i32>} : memref<80x128xf32, #tpu.memory_space<vmem>>, vector<16xf32>,
        %mul3A_1762 = arith.mulf %get3A_1758, %get3A_1761 : vector<16xf32>
        %mul3A_1763 = arith.mulf %mul3A_1762, %get3A_272 : vector<16xf32>
        %add3A_1764 = arith.addf %add3A_1755, %mul3A_1763 : vector<16xf32>
        %get3A_1765 = arith.index_cast %add3A_1701 : i32 to index
        %get3A_1766 = arith.constant 112 : index
        %get3A_1767 = tpu.vector_load %arg16[%get3A_1765, %get3A_1766] {strides = array<i32>} : memref<80x128xf32, #tpu.memory_space<vmem>>, vector<16xf32>,
        %get3A_1768 = arith.index_cast %add3A_1701 : i32 to index
        %get3A_1769 = arith.constant 112 : index
        %get3A_1770 = tpu.vector_load %arg17[%get3A_1768, %get3A_1769] {strides = array<i32>} : memref<80x128xf32, #tpu.memory_space<vmem>>, vector<16xf32>,
        %mul3A_1771 = arith.mulf %get3A_1767, %get3A_1770 : vector<16xf32>
        %mul3A_1772 = arith.mulf %mul3A_1771, %get3A_274 : vector<16xf32>
        %add3A_1773 = arith.addf %add3A_1764, %mul3A_1772 : vector<16xf32>
        %eq3A_1774 = arith.constant 10 : i32
        %eq3A_1775 = vector.broadcast %eq3A_1774 : i32 to vector<16xi32>
        %eq3A_1776 = arith.cmpi eq, %iota3A, %eq3A_1775 : vector<16xi32>
        %select_n3A_1777 = arith.select %eq3A_1776, %gather3A, %broadcast_in_dim3A_1 : vector<16xi1>, vector<16xf32>
        %add3A_1778 = arith.addf %add3A_1773, %select_n3A_1777 : vector<16xf32>
        %reduce_sum3A_1779 = arith.constant true
        %reduce_sum3A_1780 = vector.broadcast %reduce_sum3A_1779 : i1 to vector<16xi1>
        %reduce_sum3A_1781 = tpu.scan <sum>, %add3A_1778 masked %reduce_sum3A_1780 : vector<16xf32>, vector<16xi1> -> vector<16xf32>
        %reduce_sum3A_1782 = vector.extract %reduce_sum3A_1781[15] : f32 from vector<16xf32>
        %broadcast_in_dim3A_1783 = vector.broadcast %reduce_sum3A_1782 : f32 to vector<16xf32>
        %ge3A_1784 = arith.constant 0.000000e+00 : f32
        %ge3A_1785 = vector.broadcast %ge3A_1784 : f32 to vector<16xf32>
        %ge3A_1786 = arith.cmpf oge, %broadcast_in_dim3A_1783, %ge3A_1785 : vector<16xf32>
        %mul3A_1787 = arith.constant 0.00999999977 : f32
        %mul3A_1788 = vector.broadcast %mul3A_1787 : f32 to vector<16xf32>
        %mul3A_1789 = arith.mulf %broadcast_in_dim3A_1783, %mul3A_1788 : vector<16xf32>
        %select_n3A_1790 = arith.select %ge3A_1786, %broadcast_in_dim3A_1783, %mul3A_1789 : vector<16xi1>, vector<16xf32>
        %exp3A_1791 = math.exp %select_n3A_1790 : vector<16xf32>
        %mul3A_1792 = arith.mulf %mul3A_1708, %exp3A_1791 : vector<16xf32>
        %swap3A_1793 = arith.index_cast %add3A_1701 : i32 to index
        %swap3A_1794 = arith.constant 0 : index
        %swap3A_1795 = tpu.vector_load %arg18[%swap3A_1793, %swap3A_1794] {strides = array<i32>} : memref<80x128xf32, #tpu.memory_space<vmem>>, vector<16xf32>,
        tpu.vector_store %arg18[%swap3A_1793, %swap3A_1794], %mul3A_1792 {strides = array<i32>} : memref<80x128xf32, #tpu.memory_space<vmem>>, vector<16xf32>,
        %mul3A_1796 = arith.mulf %mul3A_1717, %exp3A_1791 : vector<16xf32>
        %swap3A_1797 = arith.index_cast %add3A_1701 : i32 to index
        %swap3A_1798 = arith.constant 16 : index
        %swap3A_1799 = tpu.vector_load %arg18[%swap3A_1797, %swap3A_1798] {strides = array<i32>} : memref<80x128xf32, #tpu.memory_space<vmem>>, vector<16xf32>,
        tpu.vector_store %arg18[%swap3A_1797, %swap3A_1798], %mul3A_1796 {strides = array<i32>} : memref<80x128xf32, #tpu.memory_space<vmem>>, vector<16xf32>,
        %mul3A_1800 = arith.mulf %mul3A_1726, %exp3A_1791 : vector<16xf32>
        %swap3A_1801 = arith.index_cast %add3A_1701 : i32 to index
        %swap3A_1802 = arith.constant 32 : index
        %swap3A_1803 = tpu.vector_load %arg18[%swap3A_1801, %swap3A_1802] {strides = array<i32>} : memref<80x128xf32, #tpu.memory_space<vmem>>, vector<16xf32>,
        tpu.vector_store %arg18[%swap3A_1801, %swap3A_1802], %mul3A_1800 {strides = array<i32>} : memref<80x128xf32, #tpu.memory_space<vmem>>, vector<16xf32>,
        %mul3A_1804 = arith.mulf %mul3A_1735, %exp3A_1791 : vector<16xf32>
        %swap3A_1805 = arith.index_cast %add3A_1701 : i32 to index
        %swap3A_1806 = arith.constant 48 : index
        %swap3A_1807 = tpu.vector_load %arg18[%swap3A_1805, %swap3A_1806] {strides = array<i32>} : memref<80x128xf32, #tpu.memory_space<vmem>>, vector<16xf32>,
        tpu.vector_store %arg18[%swap3A_1805, %swap3A_1806], %mul3A_1804 {strides = array<i32>} : memref<80x128xf32, #tpu.memory_space<vmem>>, vector<16xf32>,
        %mul3A_1808 = arith.mulf %mul3A_1744, %exp3A_1791 : vector<16xf32>
        %swap3A_1809 = arith.index_cast %add3A_1701 : i32 to index
        %swap3A_1810 = arith.constant 64 : index
        %swap3A_1811 = tpu.vector_load %arg18[%swap3A_1809, %swap3A_1810] {strides = array<i32>} : memref<80x128xf32, #tpu.memory_space<vmem>>, vector<16xf32>,
        tpu.vector_store %arg18[%swap3A_1809, %swap3A_1810], %mul3A_1808 {strides = array<i32>} : memref<80x128xf32, #tpu.memory_space<vmem>>, vector<16xf32>,
        %mul3A_1812 = arith.mulf %mul3A_1753, %exp3A_1791 : vector<16xf32>
        %swap3A_1813 = arith.index_cast %add3A_1701 : i32 to index
        %swap3A_1814 = arith.constant 80 : index
        %swap3A_1815 = tpu.vector_load %arg18[%swap3A_1813, %swap3A_1814] {strides = array<i32>} : memref<80x128xf32, #tpu.memory_space<vmem>>, vector<16xf32>,
        tpu.vector_store %arg18[%swap3A_1813, %swap3A_1814], %mul3A_1812 {strides = array<i32>} : memref<80x128xf32, #tpu.memory_space<vmem>>, vector<16xf32>,
        %mul3A_1816 = arith.mulf %mul3A_1762, %exp3A_1791 : vector<16xf32>
        %swap3A_1817 = arith.index_cast %add3A_1701 : i32 to index
        %swap3A_1818 = arith.constant 96 : index
        %swap3A_1819 = tpu.vector_load %arg18[%swap3A_1817, %swap3A_1818] {strides = array<i32>} : memref<80x128xf32, #tpu.memory_space<vmem>>, vector<16xf32>,
        tpu.vector_store %arg18[%swap3A_1817, %swap3A_1818], %mul3A_1816 {strides = array<i32>} : memref<80x128xf32, #tpu.memory_space<vmem>>, vector<16xf32>,
        %mul3A_1820 = arith.mulf %mul3A_1771, %exp3A_1791 : vector<16xf32>
        %swap3A_1821 = arith.index_cast %add3A_1701 : i32 to index
        %swap3A_1822 = arith.constant 112 : index
        %swap3A_1823 = tpu.vector_load %arg18[%swap3A_1821, %swap3A_1822] {strides = array<i32>} : memref<80x128xf32, #tpu.memory_space<vmem>>, vector<16xf32>,
        tpu.vector_store %arg18[%swap3A_1821, %swap3A_1822], %mul3A_1820 {strides = array<i32>} : memref<80x128xf32, #tpu.memory_space<vmem>>, vector<16xf32>,
        %eq3A_1824 = arith.constant 10 : i32
        %eq3A_1825 = vector.broadcast %eq3A_1824 : i32 to vector<16xi32>
        %eq3A_1826 = arith.cmpi eq, %iota3A, %eq3A_1825 : vector<16xi32>
        %select_n3A_1827 = arith.select %eq3A_1826, %exp3A_1791, %select_n3A_1697 : vector<16xi1>, vector<16xf32>
        %mul3A_1828 = arith.constant 16 : i32
        %mul3A_1829 = arith.muli %scan3A_397, %mul3A_1828 : i32
        %add3A_1830 = arith.constant 11 : i32
        %add3A_1831 = arith.addi %mul3A_1829, %add3A_1830 : i32
        %get3A_1832 = arith.index_cast %add3A_1831 : i32 to index
        %get3A_1833 = arith.constant 0 : index
        %get3A_1834 = tpu.vector_load %arg16[%get3A_1832, %get3A_1833] {strides = array<i32>} : memref<80x128xf32, #tpu.memory_space<vmem>>, vector<16xf32>,
        %get3A_1835 = arith.index_cast %add3A_1831 : i32 to index
        %get3A_1836 = arith.constant 0 : index
        %get3A_1837 = tpu.vector_load %arg17[%get3A_1835, %get3A_1836] {strides = array<i32>} : memref<80x128xf32, #tpu.memory_space<vmem>>, vector<16xf32>,
        %mul3A_1838 = arith.mulf %get3A_1834, %get3A_1837 : vector<16xf32>
        %mul3A_1839 = arith.mulf %mul3A_1838, %get3A_260 : vector<16xf32>
        %add3A_1840 = arith.addf %broadcast_in_dim3A_1, %mul3A_1839 : vector<16xf32>
        %get3A_1841 = arith.index_cast %add3A_1831 : i32 to index
        %get3A_1842 = arith.constant 16 : index
        %get3A_1843 = tpu.vector_load %arg16[%get3A_1841, %get3A_1842] {strides = array<i32>} : memref<80x128xf32, #tpu.memory_space<vmem>>, vector<16xf32>,
        %get3A_1844 = arith.index_cast %add3A_1831 : i32 to index
        %get3A_1845 = arith.constant 16 : index
        %get3A_1846 = tpu.vector_load %arg17[%get3A_1844, %get3A_1845] {strides = array<i32>} : memref<80x128xf32, #tpu.memory_space<vmem>>, vector<16xf32>,
        %mul3A_1847 = arith.mulf %get3A_1843, %get3A_1846 : vector<16xf32>
        %mul3A_1848 = arith.mulf %mul3A_1847, %get3A_262 : vector<16xf32>
        %add3A_1849 = arith.addf %add3A_1840, %mul3A_1848 : vector<16xf32>
        %get3A_1850 = arith.index_cast %add3A_1831 : i32 to index
        %get3A_1851 = arith.constant 32 : index
        %get3A_1852 = tpu.vector_load %arg16[%get3A_1850, %get3A_1851] {strides = array<i32>} : memref<80x128xf32, #tpu.memory_space<vmem>>, vector<16xf32>,
        %get3A_1853 = arith.index_cast %add3A_1831 : i32 to index
        %get3A_1854 = arith.constant 32 : index
        %get3A_1855 = tpu.vector_load %arg17[%get3A_1853, %get3A_1854] {strides = array<i32>} : memref<80x128xf32, #tpu.memory_space<vmem>>, vector<16xf32>,
        %mul3A_1856 = arith.mulf %get3A_1852, %get3A_1855 : vector<16xf32>
        %mul3A_1857 = arith.mulf %mul3A_1856, %get3A_264 : vector<16xf32>
        %add3A_1858 = arith.addf %add3A_1849, %mul3A_1857 : vector<16xf32>
        %get3A_1859 = arith.index_cast %add3A_1831 : i32 to index
        %get3A_1860 = arith.constant 48 : index
        %get3A_1861 = tpu.vector_load %arg16[%get3A_1859, %get3A_1860] {strides = array<i32>} : memref<80x128xf32, #tpu.memory_space<vmem>>, vector<16xf32>,
        %get3A_1862 = arith.index_cast %add3A_1831 : i32 to index
        %get3A_1863 = arith.constant 48 : index
        %get3A_1864 = tpu.vector_load %arg17[%get3A_1862, %get3A_1863] {strides = array<i32>} : memref<80x128xf32, #tpu.memory_space<vmem>>, vector<16xf32>,
        %mul3A_1865 = arith.mulf %get3A_1861, %get3A_1864 : vector<16xf32>
        %mul3A_1866 = arith.mulf %mul3A_1865, %get3A_266 : vector<16xf32>
        %add3A_1867 = arith.addf %add3A_1858, %mul3A_1866 : vector<16xf32>
        %get3A_1868 = arith.index_cast %add3A_1831 : i32 to index
        %get3A_1869 = arith.constant 64 : index
        %get3A_1870 = tpu.vector_load %arg16[%get3A_1868, %get3A_1869] {strides = array<i32>} : memref<80x128xf32, #tpu.memory_space<vmem>>, vector<16xf32>,
        %get3A_1871 = arith.index_cast %add3A_1831 : i32 to index
        %get3A_1872 = arith.constant 64 : index
        %get3A_1873 = tpu.vector_load %arg17[%get3A_1871, %get3A_1872] {strides = array<i32>} : memref<80x128xf32, #tpu.memory_space<vmem>>, vector<16xf32>,
        %mul3A_1874 = arith.mulf %get3A_1870, %get3A_1873 : vector<16xf32>
        %mul3A_1875 = arith.mulf %mul3A_1874, %get3A_268 : vector<16xf32>
        %add3A_1876 = arith.addf %add3A_1867, %mul3A_1875 : vector<16xf32>
        %get3A_1877 = arith.index_cast %add3A_1831 : i32 to index
        %get3A_1878 = arith.constant 80 : index
        %get3A_1879 = tpu.vector_load %arg16[%get3A_1877, %get3A_1878] {strides = array<i32>} : memref<80x128xf32, #tpu.memory_space<vmem>>, vector<16xf32>,
        %get3A_1880 = arith.index_cast %add3A_1831 : i32 to index
        %get3A_1881 = arith.constant 80 : index
        %get3A_1882 = tpu.vector_load %arg17[%get3A_1880, %get3A_1881] {strides = array<i32>} : memref<80x128xf32, #tpu.memory_space<vmem>>, vector<16xf32>,
        %mul3A_1883 = arith.mulf %get3A_1879, %get3A_1882 : vector<16xf32>
        %mul3A_1884 = arith.mulf %mul3A_1883, %get3A_270 : vector<16xf32>
        %add3A_1885 = arith.addf %add3A_1876, %mul3A_1884 : vector<16xf32>
        %get3A_1886 = arith.index_cast %add3A_1831 : i32 to index
        %get3A_1887 = arith.constant 96 : index
        %get3A_1888 = tpu.vector_load %arg16[%get3A_1886, %get3A_1887] {strides = array<i32>} : memref<80x128xf32, #tpu.memory_space<vmem>>, vector<16xf32>,
        %get3A_1889 = arith.index_cast %add3A_1831 : i32 to index
        %get3A_1890 = arith.constant 96 : index
        %get3A_1891 = tpu.vector_load %arg17[%get3A_1889, %get3A_1890] {strides = array<i32>} : memref<80x128xf32, #tpu.memory_space<vmem>>, vector<16xf32>,
        %mul3A_1892 = arith.mulf %get3A_1888, %get3A_1891 : vector<16xf32>
        %mul3A_1893 = arith.mulf %mul3A_1892, %get3A_272 : vector<16xf32>
        %add3A_1894 = arith.addf %add3A_1885, %mul3A_1893 : vector<16xf32>
        %get3A_1895 = arith.index_cast %add3A_1831 : i32 to index
        %get3A_1896 = arith.constant 112 : index
        %get3A_1897 = tpu.vector_load %arg16[%get3A_1895, %get3A_1896] {strides = array<i32>} : memref<80x128xf32, #tpu.memory_space<vmem>>, vector<16xf32>,
        %get3A_1898 = arith.index_cast %add3A_1831 : i32 to index
        %get3A_1899 = arith.constant 112 : index
        %get3A_1900 = tpu.vector_load %arg17[%get3A_1898, %get3A_1899] {strides = array<i32>} : memref<80x128xf32, #tpu.memory_space<vmem>>, vector<16xf32>,
        %mul3A_1901 = arith.mulf %get3A_1897, %get3A_1900 : vector<16xf32>
        %mul3A_1902 = arith.mulf %mul3A_1901, %get3A_274 : vector<16xf32>
        %add3A_1903 = arith.addf %add3A_1894, %mul3A_1902 : vector<16xf32>
        %eq3A_1904 = arith.constant 11 : i32
        %eq3A_1905 = vector.broadcast %eq3A_1904 : i32 to vector<16xi32>
        %eq3A_1906 = arith.cmpi eq, %iota3A, %eq3A_1905 : vector<16xi32>
        %select_n3A_1907 = arith.select %eq3A_1906, %gather3A, %broadcast_in_dim3A_1 : vector<16xi1>, vector<16xf32>
        %add3A_1908 = arith.addf %add3A_1903, %select_n3A_1907 : vector<16xf32>
        %reduce_sum3A_1909 = arith.constant true
        %reduce_sum3A_1910 = vector.broadcast %reduce_sum3A_1909 : i1 to vector<16xi1>
        %reduce_sum3A_1911 = tpu.scan <sum>, %add3A_1908 masked %reduce_sum3A_1910 : vector<16xf32>, vector<16xi1> -> vector<16xf32>
        %reduce_sum3A_1912 = vector.extract %reduce_sum3A_1911[15] : f32 from vector<16xf32>
        %broadcast_in_dim3A_1913 = vector.broadcast %reduce_sum3A_1912 : f32 to vector<16xf32>
        %ge3A_1914 = arith.constant 0.000000e+00 : f32
        %ge3A_1915 = vector.broadcast %ge3A_1914 : f32 to vector<16xf32>
        %ge3A_1916 = arith.cmpf oge, %broadcast_in_dim3A_1913, %ge3A_1915 : vector<16xf32>
        %mul3A_1917 = arith.constant 0.00999999977 : f32
        %mul3A_1918 = vector.broadcast %mul3A_1917 : f32 to vector<16xf32>
        %mul3A_1919 = arith.mulf %broadcast_in_dim3A_1913, %mul3A_1918 : vector<16xf32>
        %select_n3A_1920 = arith.select %ge3A_1916, %broadcast_in_dim3A_1913, %mul3A_1919 : vector<16xi1>, vector<16xf32>
        %exp3A_1921 = math.exp %select_n3A_1920 : vector<16xf32>
        %mul3A_1922 = arith.mulf %mul3A_1838, %exp3A_1921 : vector<16xf32>
        %swap3A_1923 = arith.index_cast %add3A_1831 : i32 to index
        %swap3A_1924 = arith.constant 0 : index
        %swap3A_1925 = tpu.vector_load %arg18[%swap3A_1923, %swap3A_1924] {strides = array<i32>} : memref<80x128xf32, #tpu.memory_space<vmem>>, vector<16xf32>,
        tpu.vector_store %arg18[%swap3A_1923, %swap3A_1924], %mul3A_1922 {strides = array<i32>} : memref<80x128xf32, #tpu.memory_space<vmem>>, vector<16xf32>,
        %mul3A_1926 = arith.mulf %mul3A_1847, %exp3A_1921 : vector<16xf32>
        %swap3A_1927 = arith.index_cast %add3A_1831 : i32 to index
        %swap3A_1928 = arith.constant 16 : index
        %swap3A_1929 = tpu.vector_load %arg18[%swap3A_1927, %swap3A_1928] {strides = array<i32>} : memref<80x128xf32, #tpu.memory_space<vmem>>, vector<16xf32>,
        tpu.vector_store %arg18[%swap3A_1927, %swap3A_1928], %mul3A_1926 {strides = array<i32>} : memref<80x128xf32, #tpu.memory_space<vmem>>, vector<16xf32>,
        %mul3A_1930 = arith.mulf %mul3A_1856, %exp3A_1921 : vector<16xf32>
        %swap3A_1931 = arith.index_cast %add3A_1831 : i32 to index
        %swap3A_1932 = arith.constant 32 : index
        %swap3A_1933 = tpu.vector_load %arg18[%swap3A_1931, %swap3A_1932] {strides = array<i32>} : memref<80x128xf32, #tpu.memory_space<vmem>>, vector<16xf32>,
        tpu.vector_store %arg18[%swap3A_1931, %swap3A_1932], %mul3A_1930 {strides = array<i32>} : memref<80x128xf32, #tpu.memory_space<vmem>>, vector<16xf32>,
        %mul3A_1934 = arith.mulf %mul3A_1865, %exp3A_1921 : vector<16xf32>
        %swap3A_1935 = arith.index_cast %add3A_1831 : i32 to index
        %swap3A_1936 = arith.constant 48 : index
        %swap3A_1937 = tpu.vector_load %arg18[%swap3A_1935, %swap3A_1936] {strides = array<i32>} : memref<80x128xf32, #tpu.memory_space<vmem>>, vector<16xf32>,
        tpu.vector_store %arg18[%swap3A_1935, %swap3A_1936], %mul3A_1934 {strides = array<i32>} : memref<80x128xf32, #tpu.memory_space<vmem>>, vector<16xf32>,
        %mul3A_1938 = arith.mulf %mul3A_1874, %exp3A_1921 : vector<16xf32>
        %swap3A_1939 = arith.index_cast %add3A_1831 : i32 to index
        %swap3A_1940 = arith.constant 64 : index
        %swap3A_1941 = tpu.vector_load %arg18[%swap3A_1939, %swap3A_1940] {strides = array<i32>} : memref<80x128xf32, #tpu.memory_space<vmem>>, vector<16xf32>,
        tpu.vector_store %arg18[%swap3A_1939, %swap3A_1940], %mul3A_1938 {strides = array<i32>} : memref<80x128xf32, #tpu.memory_space<vmem>>, vector<16xf32>,
        %mul3A_1942 = arith.mulf %mul3A_1883, %exp3A_1921 : vector<16xf32>
        %swap3A_1943 = arith.index_cast %add3A_1831 : i32 to index
        %swap3A_1944 = arith.constant 80 : index
        %swap3A_1945 = tpu.vector_load %arg18[%swap3A_1943, %swap3A_1944] {strides = array<i32>} : memref<80x128xf32, #tpu.memory_space<vmem>>, vector<16xf32>,
        tpu.vector_store %arg18[%swap3A_1943, %swap3A_1944], %mul3A_1942 {strides = array<i32>} : memref<80x128xf32, #tpu.memory_space<vmem>>, vector<16xf32>,
        %mul3A_1946 = arith.mulf %mul3A_1892, %exp3A_1921 : vector<16xf32>
        %swap3A_1947 = arith.index_cast %add3A_1831 : i32 to index
        %swap3A_1948 = arith.constant 96 : index
        %swap3A_1949 = tpu.vector_load %arg18[%swap3A_1947, %swap3A_1948] {strides = array<i32>} : memref<80x128xf32, #tpu.memory_space<vmem>>, vector<16xf32>,
        tpu.vector_store %arg18[%swap3A_1947, %swap3A_1948], %mul3A_1946 {strides = array<i32>} : memref<80x128xf32, #tpu.memory_space<vmem>>, vector<16xf32>,
        %mul3A_1950 = arith.mulf %mul3A_1901, %exp3A_1921 : vector<16xf32>
        %swap3A_1951 = arith.index_cast %add3A_1831 : i32 to index
        %swap3A_1952 = arith.constant 112 : index
        %swap3A_1953 = tpu.vector_load %arg18[%swap3A_1951, %swap3A_1952] {strides = array<i32>} : memref<80x128xf32, #tpu.memory_space<vmem>>, vector<16xf32>,
        tpu.vector_store %arg18[%swap3A_1951, %swap3A_1952], %mul3A_1950 {strides = array<i32>} : memref<80x128xf32, #tpu.memory_space<vmem>>, vector<16xf32>,
        %eq3A_1954 = arith.constant 11 : i32
        %eq3A_1955 = vector.broadcast %eq3A_1954 : i32 to vector<16xi32>
        %eq3A_1956 = arith.cmpi eq, %iota3A, %eq3A_1955 : vector<16xi32>
        %select_n3A_1957 = arith.select %eq3A_1956, %exp3A_1921, %select_n3A_1827 : vector<16xi1>, vector<16xf32>
        %mul3A_1958 = arith.constant 16 : i32
        %mul3A_1959 = arith.muli %scan3A_397, %mul3A_1958 : i32
        %add3A_1960 = arith.constant 12 : i32
        %add3A_1961 = arith.addi %mul3A_1959, %add3A_1960 : i32
        %get3A_1962 = arith.index_cast %add3A_1961 : i32 to index
        %get3A_1963 = arith.constant 0 : index
        %get3A_1964 = tpu.vector_load %arg16[%get3A_1962, %get3A_1963] {strides = array<i32>} : memref<80x128xf32, #tpu.memory_space<vmem>>, vector<16xf32>,
        %get3A_1965 = arith.index_cast %add3A_1961 : i32 to index
        %get3A_1966 = arith.constant 0 : index
        %get3A_1967 = tpu.vector_load %arg17[%get3A_1965, %get3A_1966] {strides = array<i32>} : memref<80x128xf32, #tpu.memory_space<vmem>>, vector<16xf32>,
        %mul3A_1968 = arith.mulf %get3A_1964, %get3A_1967 : vector<16xf32>
        %mul3A_1969 = arith.mulf %mul3A_1968, %get3A_260 : vector<16xf32>
        %add3A_1970 = arith.addf %broadcast_in_dim3A_1, %mul3A_1969 : vector<16xf32>
        %get3A_1971 = arith.index_cast %add3A_1961 : i32 to index
        %get3A_1972 = arith.constant 16 : index
        %get3A_1973 = tpu.vector_load %arg16[%get3A_1971, %get3A_1972] {strides = array<i32>} : memref<80x128xf32, #tpu.memory_space<vmem>>, vector<16xf32>,
        %get3A_1974 = arith.index_cast %add3A_1961 : i32 to index
        %get3A_1975 = arith.constant 16 : index
        %get3A_1976 = tpu.vector_load %arg17[%get3A_1974, %get3A_1975] {strides = array<i32>} : memref<80x128xf32, #tpu.memory_space<vmem>>, vector<16xf32>,
        %mul3A_1977 = arith.mulf %get3A_1973, %get3A_1976 : vector<16xf32>
        %mul3A_1978 = arith.mulf %mul3A_1977, %get3A_262 : vector<16xf32>
        %add3A_1979 = arith.addf %add3A_1970, %mul3A_1978 : vector<16xf32>
        %get3A_1980 = arith.index_cast %add3A_1961 : i32 to index
        %get3A_1981 = arith.constant 32 : index
        %get3A_1982 = tpu.vector_load %arg16[%get3A_1980, %get3A_1981] {strides = array<i32>} : memref<80x128xf32, #tpu.memory_space<vmem>>, vector<16xf32>,
        %get3A_1983 = arith.index_cast %add3A_1961 : i32 to index
        %get3A_1984 = arith.constant 32 : index
        %get3A_1985 = tpu.vector_load %arg17[%get3A_1983, %get3A_1984] {strides = array<i32>} : memref<80x128xf32, #tpu.memory_space<vmem>>, vector<16xf32>,
        %mul3A_1986 = arith.mulf %get3A_1982, %get3A_1985 : vector<16xf32>
        %mul3A_1987 = arith.mulf %mul3A_1986, %get3A_264 : vector<16xf32>
        %add3A_1988 = arith.addf %add3A_1979, %mul3A_1987 : vector<16xf32>
        %get3A_1989 = arith.index_cast %add3A_1961 : i32 to index
        %get3A_1990 = arith.constant 48 : index
        %get3A_1991 = tpu.vector_load %arg16[%get3A_1989, %get3A_1990] {strides = array<i32>} : memref<80x128xf32, #tpu.memory_space<vmem>>, vector<16xf32>,
        %get3A_1992 = arith.index_cast %add3A_1961 : i32 to index
        %get3A_1993 = arith.constant 48 : index
        %get3A_1994 = tpu.vector_load %arg17[%get3A_1992, %get3A_1993] {strides = array<i32>} : memref<80x128xf32, #tpu.memory_space<vmem>>, vector<16xf32>,
        %mul3A_1995 = arith.mulf %get3A_1991, %get3A_1994 : vector<16xf32>
        %mul3A_1996 = arith.mulf %mul3A_1995, %get3A_266 : vector<16xf32>
        %add3A_1997 = arith.addf %add3A_1988, %mul3A_1996 : vector<16xf32>
        %get3A_1998 = arith.index_cast %add3A_1961 : i32 to index
        %get3A_1999 = arith.constant 64 : index
        %get3A_2000 = tpu.vector_load %arg16[%get3A_1998, %get3A_1999] {strides = array<i32>} : memref<80x128xf32, #tpu.memory_space<vmem>>, vector<16xf32>,
        %get3A_2001 = arith.index_cast %add3A_1961 : i32 to index
        %get3A_2002 = arith.constant 64 : index
        %get3A_2003 = tpu.vector_load %arg17[%get3A_2001, %get3A_2002] {strides = array<i32>} : memref<80x128xf32, #tpu.memory_space<vmem>>, vector<16xf32>,
        %mul3A_2004 = arith.mulf %get3A_2000, %get3A_2003 : vector<16xf32>
        %mul3A_2005 = arith.mulf %mul3A_2004, %get3A_268 : vector<16xf32>
        %add3A_2006 = arith.addf %add3A_1997, %mul3A_2005 : vector<16xf32>
        %get3A_2007 = arith.index_cast %add3A_1961 : i32 to index
        %get3A_2008 = arith.constant 80 : index
        %get3A_2009 = tpu.vector_load %arg16[%get3A_2007, %get3A_2008] {strides = array<i32>} : memref<80x128xf32, #tpu.memory_space<vmem>>, vector<16xf32>,
        %get3A_2010 = arith.index_cast %add3A_1961 : i32 to index
        %get3A_2011 = arith.constant 80 : index
        %get3A_2012 = tpu.vector_load %arg17[%get3A_2010, %get3A_2011] {strides = array<i32>} : memref<80x128xf32, #tpu.memory_space<vmem>>, vector<16xf32>,
        %mul3A_2013 = arith.mulf %get3A_2009, %get3A_2012 : vector<16xf32>
        %mul3A_2014 = arith.mulf %mul3A_2013, %get3A_270 : vector<16xf32>
        %add3A_2015 = arith.addf %add3A_2006, %mul3A_2014 : vector<16xf32>
        %get3A_2016 = arith.index_cast %add3A_1961 : i32 to index
        %get3A_2017 = arith.constant 96 : index
        %get3A_2018 = tpu.vector_load %arg16[%get3A_2016, %get3A_2017] {strides = array<i32>} : memref<80x128xf32, #tpu.memory_space<vmem>>, vector<16xf32>,
        %get3A_2019 = arith.index_cast %add3A_1961 : i32 to index
        %get3A_2020 = arith.constant 96 : index
        %get3A_2021 = tpu.vector_load %arg17[%get3A_2019, %get3A_2020] {strides = array<i32>} : memref<80x128xf32, #tpu.memory_space<vmem>>, vector<16xf32>,
        %mul3A_2022 = arith.mulf %get3A_2018, %get3A_2021 : vector<16xf32>
        %mul3A_2023 = arith.mulf %mul3A_2022, %get3A_272 : vector<16xf32>
        %add3A_2024 = arith.addf %add3A_2015, %mul3A_2023 : vector<16xf32>
        %get3A_2025 = arith.index_cast %add3A_1961 : i32 to index
        %get3A_2026 = arith.constant 112 : index
        %get3A_2027 = tpu.vector_load %arg16[%get3A_2025, %get3A_2026] {strides = array<i32>} : memref<80x128xf32, #tpu.memory_space<vmem>>, vector<16xf32>,
        %get3A_2028 = arith.index_cast %add3A_1961 : i32 to index
        %get3A_2029 = arith.constant 112 : index
        %get3A_2030 = tpu.vector_load %arg17[%get3A_2028, %get3A_2029] {strides = array<i32>} : memref<80x128xf32, #tpu.memory_space<vmem>>, vector<16xf32>,
        %mul3A_2031 = arith.mulf %get3A_2027, %get3A_2030 : vector<16xf32>
        %mul3A_2032 = arith.mulf %mul3A_2031, %get3A_274 : vector<16xf32>
        %add3A_2033 = arith.addf %add3A_2024, %mul3A_2032 : vector<16xf32>
        %eq3A_2034 = arith.constant 12 : i32
        %eq3A_2035 = vector.broadcast %eq3A_2034 : i32 to vector<16xi32>
        %eq3A_2036 = arith.cmpi eq, %iota3A, %eq3A_2035 : vector<16xi32>
        %select_n3A_2037 = arith.select %eq3A_2036, %gather3A, %broadcast_in_dim3A_1 : vector<16xi1>, vector<16xf32>
        %add3A_2038 = arith.addf %add3A_2033, %select_n3A_2037 : vector<16xf32>
        %reduce_sum3A_2039 = arith.constant true
        %reduce_sum3A_2040 = vector.broadcast %reduce_sum3A_2039 : i1 to vector<16xi1>
        %reduce_sum3A_2041 = tpu.scan <sum>, %add3A_2038 masked %reduce_sum3A_2040 : vector<16xf32>, vector<16xi1> -> vector<16xf32>
        %reduce_sum3A_2042 = vector.extract %reduce_sum3A_2041[15] : f32 from vector<16xf32>
        %broadcast_in_dim3A_2043 = vector.broadcast %reduce_sum3A_2042 : f32 to vector<16xf32>
        %ge3A_2044 = arith.constant 0.000000e+00 : f32
        %ge3A_2045 = vector.broadcast %ge3A_2044 : f32 to vector<16xf32>
        %ge3A_2046 = arith.cmpf oge, %broadcast_in_dim3A_2043, %ge3A_2045 : vector<16xf32>
        %mul3A_2047 = arith.constant 0.00999999977 : f32
        %mul3A_2048 = vector.broadcast %mul3A_2047 : f32 to vector<16xf32>
        %mul3A_2049 = arith.mulf %broadcast_in_dim3A_2043, %mul3A_2048 : vector<16xf32>
        %select_n3A_2050 = arith.select %ge3A_2046, %broadcast_in_dim3A_2043, %mul3A_2049 : vector<16xi1>, vector<16xf32>
        %exp3A_2051 = math.exp %select_n3A_2050 : vector<16xf32>
        %mul3A_2052 = arith.mulf %mul3A_1968, %exp3A_2051 : vector<16xf32>
        %swap3A_2053 = arith.index_cast %add3A_1961 : i32 to index
        %swap3A_2054 = arith.constant 0 : index
        %swap3A_2055 = tpu.vector_load %arg18[%swap3A_2053, %swap3A_2054] {strides = array<i32>} : memref<80x128xf32, #tpu.memory_space<vmem>>, vector<16xf32>,
        tpu.vector_store %arg18[%swap3A_2053, %swap3A_2054], %mul3A_2052 {strides = array<i32>} : memref<80x128xf32, #tpu.memory_space<vmem>>, vector<16xf32>,
        %mul3A_2056 = arith.mulf %mul3A_1977, %exp3A_2051 : vector<16xf32>
        %swap3A_2057 = arith.index_cast %add3A_1961 : i32 to index
        %swap3A_2058 = arith.constant 16 : index
        %swap3A_2059 = tpu.vector_load %arg18[%swap3A_2057, %swap3A_2058] {strides = array<i32>} : memref<80x128xf32, #tpu.memory_space<vmem>>, vector<16xf32>,
        tpu.vector_store %arg18[%swap3A_2057, %swap3A_2058], %mul3A_2056 {strides = array<i32>} : memref<80x128xf32, #tpu.memory_space<vmem>>, vector<16xf32>,
        %mul3A_2060 = arith.mulf %mul3A_1986, %exp3A_2051 : vector<16xf32>
        %swap3A_2061 = arith.index_cast %add3A_1961 : i32 to index
        %swap3A_2062 = arith.constant 32 : index
        %swap3A_2063 = tpu.vector_load %arg18[%swap3A_2061, %swap3A_2062] {strides = array<i32>} : memref<80x128xf32, #tpu.memory_space<vmem>>, vector<16xf32>,
        tpu.vector_store %arg18[%swap3A_2061, %swap3A_2062], %mul3A_2060 {strides = array<i32>} : memref<80x128xf32, #tpu.memory_space<vmem>>, vector<16xf32>,
        %mul3A_2064 = arith.mulf %mul3A_1995, %exp3A_2051 : vector<16xf32>
        %swap3A_2065 = arith.index_cast %add3A_1961 : i32 to index
        %swap3A_2066 = arith.constant 48 : index
        %swap3A_2067 = tpu.vector_load %arg18[%swap3A_2065, %swap3A_2066] {strides = array<i32>} : memref<80x128xf32, #tpu.memory_space<vmem>>, vector<16xf32>,
        tpu.vector_store %arg18[%swap3A_2065, %swap3A_2066], %mul3A_2064 {strides = array<i32>} : memref<80x128xf32, #tpu.memory_space<vmem>>, vector<16xf32>,
        %mul3A_2068 = arith.mulf %mul3A_2004, %exp3A_2051 : vector<16xf32>
        %swap3A_2069 = arith.index_cast %add3A_1961 : i32 to index
        %swap3A_2070 = arith.constant 64 : index
        %swap3A_2071 = tpu.vector_load %arg18[%swap3A_2069, %swap3A_2070] {strides = array<i32>} : memref<80x128xf32, #tpu.memory_space<vmem>>, vector<16xf32>,
        tpu.vector_store %arg18[%swap3A_2069, %swap3A_2070], %mul3A_2068 {strides = array<i32>} : memref<80x128xf32, #tpu.memory_space<vmem>>, vector<16xf32>,
        %mul3A_2072 = arith.mulf %mul3A_2013, %exp3A_2051 : vector<16xf32>
        %swap3A_2073 = arith.index_cast %add3A_1961 : i32 to index
        %swap3A_2074 = arith.constant 80 : index
        %swap3A_2075 = tpu.vector_load %arg18[%swap3A_2073, %swap3A_2074] {strides = array<i32>} : memref<80x128xf32, #tpu.memory_space<vmem>>, vector<16xf32>,
        tpu.vector_store %arg18[%swap3A_2073, %swap3A_2074], %mul3A_2072 {strides = array<i32>} : memref<80x128xf32, #tpu.memory_space<vmem>>, vector<16xf32>,
        %mul3A_2076 = arith.mulf %mul3A_2022, %exp3A_2051 : vector<16xf32>
        %swap3A_2077 = arith.index_cast %add3A_1961 : i32 to index
        %swap3A_2078 = arith.constant 96 : index
        %swap3A_2079 = tpu.vector_load %arg18[%swap3A_2077, %swap3A_2078] {strides = array<i32>} : memref<80x128xf32, #tpu.memory_space<vmem>>, vector<16xf32>,
        tpu.vector_store %arg18[%swap3A_2077, %swap3A_2078], %mul3A_2076 {strides = array<i32>} : memref<80x128xf32, #tpu.memory_space<vmem>>, vector<16xf32>,
        %mul3A_2080 = arith.mulf %mul3A_2031, %exp3A_2051 : vector<16xf32>
        %swap3A_2081 = arith.index_cast %add3A_1961 : i32 to index
        %swap3A_2082 = arith.constant 112 : index
        %swap3A_2083 = tpu.vector_load %arg18[%swap3A_2081, %swap3A_2082] {strides = array<i32>} : memref<80x128xf32, #tpu.memory_space<vmem>>, vector<16xf32>,
        tpu.vector_store %arg18[%swap3A_2081, %swap3A_2082], %mul3A_2080 {strides = array<i32>} : memref<80x128xf32, #tpu.memory_space<vmem>>, vector<16xf32>,
        %eq3A_2084 = arith.constant 12 : i32
        %eq3A_2085 = vector.broadcast %eq3A_2084 : i32 to vector<16xi32>
        %eq3A_2086 = arith.cmpi eq, %iota3A, %eq3A_2085 : vector<16xi32>
        %select_n3A_2087 = arith.select %eq3A_2086, %exp3A_2051, %select_n3A_1957 : vector<16xi1>, vector<16xf32>
        %mul3A_2088 = arith.constant 16 : i32
        %mul3A_2089 = arith.muli %scan3A_397, %mul3A_2088 : i32
        %add3A_2090 = arith.constant 13 : i32
        %add3A_2091 = arith.addi %mul3A_2089, %add3A_2090 : i32
        %get3A_2092 = arith.index_cast %add3A_2091 : i32 to index
        %get3A_2093 = arith.constant 0 : index
        %get3A_2094 = tpu.vector_load %arg16[%get3A_2092, %get3A_2093] {strides = array<i32>} : memref<80x128xf32, #tpu.memory_space<vmem>>, vector<16xf32>,
        %get3A_2095 = arith.index_cast %add3A_2091 : i32 to index
        %get3A_2096 = arith.constant 0 : index
        %get3A_2097 = tpu.vector_load %arg17[%get3A_2095, %get3A_2096] {strides = array<i32>} : memref<80x128xf32, #tpu.memory_space<vmem>>, vector<16xf32>,
        %mul3A_2098 = arith.mulf %get3A_2094, %get3A_2097 : vector<16xf32>
        %mul3A_2099 = arith.mulf %mul3A_2098, %get3A_260 : vector<16xf32>
        %add3A_2100 = arith.addf %broadcast_in_dim3A_1, %mul3A_2099 : vector<16xf32>
        %get3A_2101 = arith.index_cast %add3A_2091 : i32 to index
        %get3A_2102 = arith.constant 16 : index
        %get3A_2103 = tpu.vector_load %arg16[%get3A_2101, %get3A_2102] {strides = array<i32>} : memref<80x128xf32, #tpu.memory_space<vmem>>, vector<16xf32>,
        %get3A_2104 = arith.index_cast %add3A_2091 : i32 to index
        %get3A_2105 = arith.constant 16 : index
        %get3A_2106 = tpu.vector_load %arg17[%get3A_2104, %get3A_2105] {strides = array<i32>} : memref<80x128xf32, #tpu.memory_space<vmem>>, vector<16xf32>,
        %mul3A_2107 = arith.mulf %get3A_2103, %get3A_2106 : vector<16xf32>
        %mul3A_2108 = arith.mulf %mul3A_2107, %get3A_262 : vector<16xf32>
        %add3A_2109 = arith.addf %add3A_2100, %mul3A_2108 : vector<16xf32>
        %get3A_2110 = arith.index_cast %add3A_2091 : i32 to index
        %get3A_2111 = arith.constant 32 : index
        %get3A_2112 = tpu.vector_load %arg16[%get3A_2110, %get3A_2111] {strides = array<i32>} : memref<80x128xf32, #tpu.memory_space<vmem>>, vector<16xf32>,
        %get3A_2113 = arith.index_cast %add3A_2091 : i32 to index
        %get3A_2114 = arith.constant 32 : index
        %get3A_2115 = tpu.vector_load %arg17[%get3A_2113, %get3A_2114] {strides = array<i32>} : memref<80x128xf32, #tpu.memory_space<vmem>>, vector<16xf32>,
        %mul3A_2116 = arith.mulf %get3A_2112, %get3A_2115 : vector<16xf32>
        %mul3A_2117 = arith.mulf %mul3A_2116, %get3A_264 : vector<16xf32>
        %add3A_2118 = arith.addf %add3A_2109, %mul3A_2117 : vector<16xf32>
        %get3A_2119 = arith.index_cast %add3A_2091 : i32 to index
        %get3A_2120 = arith.constant 48 : index
        %get3A_2121 = tpu.vector_load %arg16[%get3A_2119, %get3A_2120] {strides = array<i32>} : memref<80x128xf32, #tpu.memory_space<vmem>>, vector<16xf32>,
        %get3A_2122 = arith.index_cast %add3A_2091 : i32 to index
        %get3A_2123 = arith.constant 48 : index
        %get3A_2124 = tpu.vector_load %arg17[%get3A_2122, %get3A_2123] {strides = array<i32>} : memref<80x128xf32, #tpu.memory_space<vmem>>, vector<16xf32>,
        %mul3A_2125 = arith.mulf %get3A_2121, %get3A_2124 : vector<16xf32>
        %mul3A_2126 = arith.mulf %mul3A_2125, %get3A_266 : vector<16xf32>
        %add3A_2127 = arith.addf %add3A_2118, %mul3A_2126 : vector<16xf32>
        %get3A_2128 = arith.index_cast %add3A_2091 : i32 to index
        %get3A_2129 = arith.constant 64 : index
        %get3A_2130 = tpu.vector_load %arg16[%get3A_2128, %get3A_2129] {strides = array<i32>} : memref<80x128xf32, #tpu.memory_space<vmem>>, vector<16xf32>,
        %get3A_2131 = arith.index_cast %add3A_2091 : i32 to index
        %get3A_2132 = arith.constant 64 : index
        %get3A_2133 = tpu.vector_load %arg17[%get3A_2131, %get3A_2132] {strides = array<i32>} : memref<80x128xf32, #tpu.memory_space<vmem>>, vector<16xf32>,
        %mul3A_2134 = arith.mulf %get3A_2130, %get3A_2133 : vector<16xf32>
        %mul3A_2135 = arith.mulf %mul3A_2134, %get3A_268 : vector<16xf32>
        %add3A_2136 = arith.addf %add3A_2127, %mul3A_2135 : vector<16xf32>
        %get3A_2137 = arith.index_cast %add3A_2091 : i32 to index
        %get3A_2138 = arith.constant 80 : index
        %get3A_2139 = tpu.vector_load %arg16[%get3A_2137, %get3A_2138] {strides = array<i32>} : memref<80x128xf32, #tpu.memory_space<vmem>>, vector<16xf32>,
        %get3A_2140 = arith.index_cast %add3A_2091 : i32 to index
        %get3A_2141 = arith.constant 80 : index
        %get3A_2142 = tpu.vector_load %arg17[%get3A_2140, %get3A_2141] {strides = array<i32>} : memref<80x128xf32, #tpu.memory_space<vmem>>, vector<16xf32>,
        %mul3A_2143 = arith.mulf %get3A_2139, %get3A_2142 : vector<16xf32>
        %mul3A_2144 = arith.mulf %mul3A_2143, %get3A_270 : vector<16xf32>
        %add3A_2145 = arith.addf %add3A_2136, %mul3A_2144 : vector<16xf32>
        %get3A_2146 = arith.index_cast %add3A_2091 : i32 to index
        %get3A_2147 = arith.constant 96 : index
        %get3A_2148 = tpu.vector_load %arg16[%get3A_2146, %get3A_2147] {strides = array<i32>} : memref<80x128xf32, #tpu.memory_space<vmem>>, vector<16xf32>,
        %get3A_2149 = arith.index_cast %add3A_2091 : i32 to index
        %get3A_2150 = arith.constant 96 : index
        %get3A_2151 = tpu.vector_load %arg17[%get3A_2149, %get3A_2150] {strides = array<i32>} : memref<80x128xf32, #tpu.memory_space<vmem>>, vector<16xf32>,
        %mul3A_2152 = arith.mulf %get3A_2148, %get3A_2151 : vector<16xf32>
        %mul3A_2153 = arith.mulf %mul3A_2152, %get3A_272 : vector<16xf32>
        %add3A_2154 = arith.addf %add3A_2145, %mul3A_2153 : vector<16xf32>
        %get3A_2155 = arith.index_cast %add3A_2091 : i32 to index
        %get3A_2156 = arith.constant 112 : index
        %get3A_2157 = tpu.vector_load %arg16[%get3A_2155, %get3A_2156] {strides = array<i32>} : memref<80x128xf32, #tpu.memory_space<vmem>>, vector<16xf32>,
        %get3A_2158 = arith.index_cast %add3A_2091 : i32 to index
        %get3A_2159 = arith.constant 112 : index
        %get3A_2160 = tpu.vector_load %arg17[%get3A_2158, %get3A_2159] {strides = array<i32>} : memref<80x128xf32, #tpu.memory_space<vmem>>, vector<16xf32>,
        %mul3A_2161 = arith.mulf %get3A_2157, %get3A_2160 : vector<16xf32>
        %mul3A_2162 = arith.mulf %mul3A_2161, %get3A_274 : vector<16xf32>
        %add3A_2163 = arith.addf %add3A_2154, %mul3A_2162 : vector<16xf32>
        %eq3A_2164 = arith.constant 13 : i32
        %eq3A_2165 = vector.broadcast %eq3A_2164 : i32 to vector<16xi32>
        %eq3A_2166 = arith.cmpi eq, %iota3A, %eq3A_2165 : vector<16xi32>
        %select_n3A_2167 = arith.select %eq3A_2166, %gather3A, %broadcast_in_dim3A_1 : vector<16xi1>, vector<16xf32>
        %add3A_2168 = arith.addf %add3A_2163, %select_n3A_2167 : vector<16xf32>
        %reduce_sum3A_2169 = arith.constant true
        %reduce_sum3A_2170 = vector.broadcast %reduce_sum3A_2169 : i1 to vector<16xi1>
        %reduce_sum3A_2171 = tpu.scan <sum>, %add3A_2168 masked %reduce_sum3A_2170 : vector<16xf32>, vector<16xi1> -> vector<16xf32>
        %reduce_sum3A_2172 = vector.extract %reduce_sum3A_2171[15] : f32 from vector<16xf32>
        %broadcast_in_dim3A_2173 = vector.broadcast %reduce_sum3A_2172 : f32 to vector<16xf32>
        %ge3A_2174 = arith.constant 0.000000e+00 : f32
        %ge3A_2175 = vector.broadcast %ge3A_2174 : f32 to vector<16xf32>
        %ge3A_2176 = arith.cmpf oge, %broadcast_in_dim3A_2173, %ge3A_2175 : vector<16xf32>
        %mul3A_2177 = arith.constant 0.00999999977 : f32
        %mul3A_2178 = vector.broadcast %mul3A_2177 : f32 to vector<16xf32>
        %mul3A_2179 = arith.mulf %broadcast_in_dim3A_2173, %mul3A_2178 : vector<16xf32>
        %select_n3A_2180 = arith.select %ge3A_2176, %broadcast_in_dim3A_2173, %mul3A_2179 : vector<16xi1>, vector<16xf32>
        %exp3A_2181 = math.exp %select_n3A_2180 : vector<16xf32>
        %mul3A_2182 = arith.mulf %mul3A_2098, %exp3A_2181 : vector<16xf32>
        %swap3A_2183 = arith.index_cast %add3A_2091 : i32 to index
        %swap3A_2184 = arith.constant 0 : index
        %swap3A_2185 = tpu.vector_load %arg18[%swap3A_2183, %swap3A_2184] {strides = array<i32>} : memref<80x128xf32, #tpu.memory_space<vmem>>, vector<16xf32>,
        tpu.vector_store %arg18[%swap3A_2183, %swap3A_2184], %mul3A_2182 {strides = array<i32>} : memref<80x128xf32, #tpu.memory_space<vmem>>, vector<16xf32>,
        %mul3A_2186 = arith.mulf %mul3A_2107, %exp3A_2181 : vector<16xf32>
        %swap3A_2187 = arith.index_cast %add3A_2091 : i32 to index
        %swap3A_2188 = arith.constant 16 : index
        %swap3A_2189 = tpu.vector_load %arg18[%swap3A_2187, %swap3A_2188] {strides = array<i32>} : memref<80x128xf32, #tpu.memory_space<vmem>>, vector<16xf32>,
        tpu.vector_store %arg18[%swap3A_2187, %swap3A_2188], %mul3A_2186 {strides = array<i32>} : memref<80x128xf32, #tpu.memory_space<vmem>>, vector<16xf32>,
        %mul3A_2190 = arith.mulf %mul3A_2116, %exp3A_2181 : vector<16xf32>
        %swap3A_2191 = arith.index_cast %add3A_2091 : i32 to index
        %swap3A_2192 = arith.constant 32 : index
        %swap3A_2193 = tpu.vector_load %arg18[%swap3A_2191, %swap3A_2192] {strides = array<i32>} : memref<80x128xf32, #tpu.memory_space<vmem>>, vector<16xf32>,
        tpu.vector_store %arg18[%swap3A_2191, %swap3A_2192], %mul3A_2190 {strides = array<i32>} : memref<80x128xf32, #tpu.memory_space<vmem>>, vector<16xf32>,
        %mul3A_2194 = arith.mulf %mul3A_2125, %exp3A_2181 : vector<16xf32>
        %swap3A_2195 = arith.index_cast %add3A_2091 : i32 to index
        %swap3A_2196 = arith.constant 48 : index
        %swap3A_2197 = tpu.vector_load %arg18[%swap3A_2195, %swap3A_2196] {strides = array<i32>} : memref<80x128xf32, #tpu.memory_space<vmem>>, vector<16xf32>,
        tpu.vector_store %arg18[%swap3A_2195, %swap3A_2196], %mul3A_2194 {strides = array<i32>} : memref<80x128xf32, #tpu.memory_space<vmem>>, vector<16xf32>,
        %mul3A_2198 = arith.mulf %mul3A_2134, %exp3A_2181 : vector<16xf32>
        %swap3A_2199 = arith.index_cast %add3A_2091 : i32 to index
        %swap3A_2200 = arith.constant 64 : index
        %swap3A_2201 = tpu.vector_load %arg18[%swap3A_2199, %swap3A_2200] {strides = array<i32>} : memref<80x128xf32, #tpu.memory_space<vmem>>, vector<16xf32>,
        tpu.vector_store %arg18[%swap3A_2199, %swap3A_2200], %mul3A_2198 {strides = array<i32>} : memref<80x128xf32, #tpu.memory_space<vmem>>, vector<16xf32>,
        %mul3A_2202 = arith.mulf %mul3A_2143, %exp3A_2181 : vector<16xf32>
        %swap3A_2203 = arith.index_cast %add3A_2091 : i32 to index
        %swap3A_2204 = arith.constant 80 : index
        %swap3A_2205 = tpu.vector_load %arg18[%swap3A_2203, %swap3A_2204] {strides = array<i32>} : memref<80x128xf32, #tpu.memory_space<vmem>>, vector<16xf32>,
        tpu.vector_store %arg18[%swap3A_2203, %swap3A_2204], %mul3A_2202 {strides = array<i32>} : memref<80x128xf32, #tpu.memory_space<vmem>>, vector<16xf32>,
        %mul3A_2206 = arith.mulf %mul3A_2152, %exp3A_2181 : vector<16xf32>
        %swap3A_2207 = arith.index_cast %add3A_2091 : i32 to index
        %swap3A_2208 = arith.constant 96 : index
        %swap3A_2209 = tpu.vector_load %arg18[%swap3A_2207, %swap3A_2208] {strides = array<i32>} : memref<80x128xf32, #tpu.memory_space<vmem>>, vector<16xf32>,
        tpu.vector_store %arg18[%swap3A_2207, %swap3A_2208], %mul3A_2206 {strides = array<i32>} : memref<80x128xf32, #tpu.memory_space<vmem>>, vector<16xf32>,
        %mul3A_2210 = arith.mulf %mul3A_2161, %exp3A_2181 : vector<16xf32>
        %swap3A_2211 = arith.index_cast %add3A_2091 : i32 to index
        %swap3A_2212 = arith.constant 112 : index
        %swap3A_2213 = tpu.vector_load %arg18[%swap3A_2211, %swap3A_2212] {strides = array<i32>} : memref<80x128xf32, #tpu.memory_space<vmem>>, vector<16xf32>,
        tpu.vector_store %arg18[%swap3A_2211, %swap3A_2212], %mul3A_2210 {strides = array<i32>} : memref<80x128xf32, #tpu.memory_space<vmem>>, vector<16xf32>,
        %eq3A_2214 = arith.constant 13 : i32
        %eq3A_2215 = vector.broadcast %eq3A_2214 : i32 to vector<16xi32>
        %eq3A_2216 = arith.cmpi eq, %iota3A, %eq3A_2215 : vector<16xi32>
        %select_n3A_2217 = arith.select %eq3A_2216, %exp3A_2181, %select_n3A_2087 : vector<16xi1>, vector<16xf32>
        %mul3A_2218 = arith.constant 16 : i32
        %mul3A_2219 = arith.muli %scan3A_397, %mul3A_2218 : i32
        %add3A_2220 = arith.constant 14 : i32
        %add3A_2221 = arith.addi %mul3A_2219, %add3A_2220 : i32
        %get3A_2222 = arith.index_cast %add3A_2221 : i32 to index
        %get3A_2223 = arith.constant 0 : index
        %get3A_2224 = tpu.vector_load %arg16[%get3A_2222, %get3A_2223] {strides = array<i32>} : memref<80x128xf32, #tpu.memory_space<vmem>>, vector<16xf32>,
        %get3A_2225 = arith.index_cast %add3A_2221 : i32 to index
        %get3A_2226 = arith.constant 0 : index
        %get3A_2227 = tpu.vector_load %arg17[%get3A_2225, %get3A_2226] {strides = array<i32>} : memref<80x128xf32, #tpu.memory_space<vmem>>, vector<16xf32>,
        %mul3A_2228 = arith.mulf %get3A_2224, %get3A_2227 : vector<16xf32>
        %mul3A_2229 = arith.mulf %mul3A_2228, %get3A_260 : vector<16xf32>
        %add3A_2230 = arith.addf %broadcast_in_dim3A_1, %mul3A_2229 : vector<16xf32>
        %get3A_2231 = arith.index_cast %add3A_2221 : i32 to index
        %get3A_2232 = arith.constant 16 : index
        %get3A_2233 = tpu.vector_load %arg16[%get3A_2231, %get3A_2232] {strides = array<i32>} : memref<80x128xf32, #tpu.memory_space<vmem>>, vector<16xf32>,
        %get3A_2234 = arith.index_cast %add3A_2221 : i32 to index
        %get3A_2235 = arith.constant 16 : index
        %get3A_2236 = tpu.vector_load %arg17[%get3A_2234, %get3A_2235] {strides = array<i32>} : memref<80x128xf32, #tpu.memory_space<vmem>>, vector<16xf32>,
        %mul3A_2237 = arith.mulf %get3A_2233, %get3A_2236 : vector<16xf32>
        %mul3A_2238 = arith.mulf %mul3A_2237, %get3A_262 : vector<16xf32>
        %add3A_2239 = arith.addf %add3A_2230, %mul3A_2238 : vector<16xf32>
        %get3A_2240 = arith.index_cast %add3A_2221 : i32 to index
        %get3A_2241 = arith.constant 32 : index
        %get3A_2242 = tpu.vector_load %arg16[%get3A_2240, %get3A_2241] {strides = array<i32>} : memref<80x128xf32, #tpu.memory_space<vmem>>, vector<16xf32>,
        %get3A_2243 = arith.index_cast %add3A_2221 : i32 to index
        %get3A_2244 = arith.constant 32 : index
        %get3A_2245 = tpu.vector_load %arg17[%get3A_2243, %get3A_2244] {strides = array<i32>} : memref<80x128xf32, #tpu.memory_space<vmem>>, vector<16xf32>,
        %mul3A_2246 = arith.mulf %get3A_2242, %get3A_2245 : vector<16xf32>
        %mul3A_2247 = arith.mulf %mul3A_2246, %get3A_264 : vector<16xf32>
        %add3A_2248 = arith.addf %add3A_2239, %mul3A_2247 : vector<16xf32>
        %get3A_2249 = arith.index_cast %add3A_2221 : i32 to index
        %get3A_2250 = arith.constant 48 : index
        %get3A_2251 = tpu.vector_load %arg16[%get3A_2249, %get3A_2250] {strides = array<i32>} : memref<80x128xf32, #tpu.memory_space<vmem>>, vector<16xf32>,
        %get3A_2252 = arith.index_cast %add3A_2221 : i32 to index
        %get3A_2253 = arith.constant 48 : index
        %get3A_2254 = tpu.vector_load %arg17[%get3A_2252, %get3A_2253] {strides = array<i32>} : memref<80x128xf32, #tpu.memory_space<vmem>>, vector<16xf32>,
        %mul3A_2255 = arith.mulf %get3A_2251, %get3A_2254 : vector<16xf32>
        %mul3A_2256 = arith.mulf %mul3A_2255, %get3A_266 : vector<16xf32>
        %add3A_2257 = arith.addf %add3A_2248, %mul3A_2256 : vector<16xf32>
        %get3A_2258 = arith.index_cast %add3A_2221 : i32 to index
        %get3A_2259 = arith.constant 64 : index
        %get3A_2260 = tpu.vector_load %arg16[%get3A_2258, %get3A_2259] {strides = array<i32>} : memref<80x128xf32, #tpu.memory_space<vmem>>, vector<16xf32>,
        %get3A_2261 = arith.index_cast %add3A_2221 : i32 to index
        %get3A_2262 = arith.constant 64 : index
        %get3A_2263 = tpu.vector_load %arg17[%get3A_2261, %get3A_2262] {strides = array<i32>} : memref<80x128xf32, #tpu.memory_space<vmem>>, vector<16xf32>,
        %mul3A_2264 = arith.mulf %get3A_2260, %get3A_2263 : vector<16xf32>
        %mul3A_2265 = arith.mulf %mul3A_2264, %get3A_268 : vector<16xf32>
        %add3A_2266 = arith.addf %add3A_2257, %mul3A_2265 : vector<16xf32>
        %get3A_2267 = arith.index_cast %add3A_2221 : i32 to index
        %get3A_2268 = arith.constant 80 : index
        %get3A_2269 = tpu.vector_load %arg16[%get3A_2267, %get3A_2268] {strides = array<i32>} : memref<80x128xf32, #tpu.memory_space<vmem>>, vector<16xf32>,
        %get3A_2270 = arith.index_cast %add3A_2221 : i32 to index
        %get3A_2271 = arith.constant 80 : index
        %get3A_2272 = tpu.vector_load %arg17[%get3A_2270, %get3A_2271] {strides = array<i32>} : memref<80x128xf32, #tpu.memory_space<vmem>>, vector<16xf32>,
        %mul3A_2273 = arith.mulf %get3A_2269, %get3A_2272 : vector<16xf32>
        %mul3A_2274 = arith.mulf %mul3A_2273, %get3A_270 : vector<16xf32>
        %add3A_2275 = arith.addf %add3A_2266, %mul3A_2274 : vector<16xf32>
        %get3A_2276 = arith.index_cast %add3A_2221 : i32 to index
        %get3A_2277 = arith.constant 96 : index
        %get3A_2278 = tpu.vector_load %arg16[%get3A_2276, %get3A_2277] {strides = array<i32>} : memref<80x128xf32, #tpu.memory_space<vmem>>, vector<16xf32>,
        %get3A_2279 = arith.index_cast %add3A_2221 : i32 to index
        %get3A_2280 = arith.constant 96 : index
        %get3A_2281 = tpu.vector_load %arg17[%get3A_2279, %get3A_2280] {strides = array<i32>} : memref<80x128xf32, #tpu.memory_space<vmem>>, vector<16xf32>,
        %mul3A_2282 = arith.mulf %get3A_2278, %get3A_2281 : vector<16xf32>
        %mul3A_2283 = arith.mulf %mul3A_2282, %get3A_272 : vector<16xf32>
        %add3A_2284 = arith.addf %add3A_2275, %mul3A_2283 : vector<16xf32>
        %get3A_2285 = arith.index_cast %add3A_2221 : i32 to index
        %get3A_2286 = arith.constant 112 : index
        %get3A_2287 = tpu.vector_load %arg16[%get3A_2285, %get3A_2286] {strides = array<i32>} : memref<80x128xf32, #tpu.memory_space<vmem>>, vector<16xf32>,
        %get3A_2288 = arith.index_cast %add3A_2221 : i32 to index
        %get3A_2289 = arith.constant 112 : index
        %get3A_2290 = tpu.vector_load %arg17[%get3A_2288, %get3A_2289] {strides = array<i32>} : memref<80x128xf32, #tpu.memory_space<vmem>>, vector<16xf32>,
        %mul3A_2291 = arith.mulf %get3A_2287, %get3A_2290 : vector<16xf32>
        %mul3A_2292 = arith.mulf %mul3A_2291, %get3A_274 : vector<16xf32>
        %add3A_2293 = arith.addf %add3A_2284, %mul3A_2292 : vector<16xf32>
        %eq3A_2294 = arith.constant 14 : i32
        %eq3A_2295 = vector.broadcast %eq3A_2294 : i32 to vector<16xi32>
        %eq3A_2296 = arith.cmpi eq, %iota3A, %eq3A_2295 : vector<16xi32>
        %select_n3A_2297 = arith.select %eq3A_2296, %gather3A, %broadcast_in_dim3A_1 : vector<16xi1>, vector<16xf32>
        %add3A_2298 = arith.addf %add3A_2293, %select_n3A_2297 : vector<16xf32>
        %reduce_sum3A_2299 = arith.constant true
        %reduce_sum3A_2300 = vector.broadcast %reduce_sum3A_2299 : i1 to vector<16xi1>
        %reduce_sum3A_2301 = tpu.scan <sum>, %add3A_2298 masked %reduce_sum3A_2300 : vector<16xf32>, vector<16xi1> -> vector<16xf32>
        %reduce_sum3A_2302 = vector.extract %reduce_sum3A_2301[15] : f32 from vector<16xf32>
        %broadcast_in_dim3A_2303 = vector.broadcast %reduce_sum3A_2302 : f32 to vector<16xf32>
        %ge3A_2304 = arith.constant 0.000000e+00 : f32
        %ge3A_2305 = vector.broadcast %ge3A_2304 : f32 to vector<16xf32>
        %ge3A_2306 = arith.cmpf oge, %broadcast_in_dim3A_2303, %ge3A_2305 : vector<16xf32>
        %mul3A_2307 = arith.constant 0.00999999977 : f32
        %mul3A_2308 = vector.broadcast %mul3A_2307 : f32 to vector<16xf32>
        %mul3A_2309 = arith.mulf %broadcast_in_dim3A_2303, %mul3A_2308 : vector<16xf32>
        %select_n3A_2310 = arith.select %ge3A_2306, %broadcast_in_dim3A_2303, %mul3A_2309 : vector<16xi1>, vector<16xf32>
        %exp3A_2311 = math.exp %select_n3A_2310 : vector<16xf32>
        %mul3A_2312 = arith.mulf %mul3A_2228, %exp3A_2311 : vector<16xf32>
        %swap3A_2313 = arith.index_cast %add3A_2221 : i32 to index
        %swap3A_2314 = arith.constant 0 : index
        %swap3A_2315 = tpu.vector_load %arg18[%swap3A_2313, %swap3A_2314] {strides = array<i32>} : memref<80x128xf32, #tpu.memory_space<vmem>>, vector<16xf32>,
        tpu.vector_store %arg18[%swap3A_2313, %swap3A_2314], %mul3A_2312 {strides = array<i32>} : memref<80x128xf32, #tpu.memory_space<vmem>>, vector<16xf32>,
        %mul3A_2316 = arith.mulf %mul3A_2237, %exp3A_2311 : vector<16xf32>
        %swap3A_2317 = arith.index_cast %add3A_2221 : i32 to index
        %swap3A_2318 = arith.constant 16 : index
        %swap3A_2319 = tpu.vector_load %arg18[%swap3A_2317, %swap3A_2318] {strides = array<i32>} : memref<80x128xf32, #tpu.memory_space<vmem>>, vector<16xf32>,
        tpu.vector_store %arg18[%swap3A_2317, %swap3A_2318], %mul3A_2316 {strides = array<i32>} : memref<80x128xf32, #tpu.memory_space<vmem>>, vector<16xf32>,
        %mul3A_2320 = arith.mulf %mul3A_2246, %exp3A_2311 : vector<16xf32>
        %swap3A_2321 = arith.index_cast %add3A_2221 : i32 to index
        %swap3A_2322 = arith.constant 32 : index
        %swap3A_2323 = tpu.vector_load %arg18[%swap3A_2321, %swap3A_2322] {strides = array<i32>} : memref<80x128xf32, #tpu.memory_space<vmem>>, vector<16xf32>,
        tpu.vector_store %arg18[%swap3A_2321, %swap3A_2322], %mul3A_2320 {strides = array<i32>} : memref<80x128xf32, #tpu.memory_space<vmem>>, vector<16xf32>,
        %mul3A_2324 = arith.mulf %mul3A_2255, %exp3A_2311 : vector<16xf32>
        %swap3A_2325 = arith.index_cast %add3A_2221 : i32 to index
        %swap3A_2326 = arith.constant 48 : index
        %swap3A_2327 = tpu.vector_load %arg18[%swap3A_2325, %swap3A_2326] {strides = array<i32>} : memref<80x128xf32, #tpu.memory_space<vmem>>, vector<16xf32>,
        tpu.vector_store %arg18[%swap3A_2325, %swap3A_2326], %mul3A_2324 {strides = array<i32>} : memref<80x128xf32, #tpu.memory_space<vmem>>, vector<16xf32>,
        %mul3A_2328 = arith.mulf %mul3A_2264, %exp3A_2311 : vector<16xf32>
        %swap3A_2329 = arith.index_cast %add3A_2221 : i32 to index
        %swap3A_2330 = arith.constant 64 : index
        %swap3A_2331 = tpu.vector_load %arg18[%swap3A_2329, %swap3A_2330] {strides = array<i32>} : memref<80x128xf32, #tpu.memory_space<vmem>>, vector<16xf32>,
        tpu.vector_store %arg18[%swap3A_2329, %swap3A_2330], %mul3A_2328 {strides = array<i32>} : memref<80x128xf32, #tpu.memory_space<vmem>>, vector<16xf32>,
        %mul3A_2332 = arith.mulf %mul3A_2273, %exp3A_2311 : vector<16xf32>
        %swap3A_2333 = arith.index_cast %add3A_2221 : i32 to index
        %swap3A_2334 = arith.constant 80 : index
        %swap3A_2335 = tpu.vector_load %arg18[%swap3A_2333, %swap3A_2334] {strides = array<i32>} : memref<80x128xf32, #tpu.memory_space<vmem>>, vector<16xf32>,
        tpu.vector_store %arg18[%swap3A_2333, %swap3A_2334], %mul3A_2332 {strides = array<i32>} : memref<80x128xf32, #tpu.memory_space<vmem>>, vector<16xf32>,
        %mul3A_2336 = arith.mulf %mul3A_2282, %exp3A_2311 : vector<16xf32>
        %swap3A_2337 = arith.index_cast %add3A_2221 : i32 to index
        %swap3A_2338 = arith.constant 96 : index
        %swap3A_2339 = tpu.vector_load %arg18[%swap3A_2337, %swap3A_2338] {strides = array<i32>} : memref<80x128xf32, #tpu.memory_space<vmem>>, vector<16xf32>,
        tpu.vector_store %arg18[%swap3A_2337, %swap3A_2338], %mul3A_2336 {strides = array<i32>} : memref<80x128xf32, #tpu.memory_space<vmem>>, vector<16xf32>,
        %mul3A_2340 = arith.mulf %mul3A_2291, %exp3A_2311 : vector<16xf32>
        %swap3A_2341 = arith.index_cast %add3A_2221 : i32 to index
        %swap3A_2342 = arith.constant 112 : index
        %swap3A_2343 = tpu.vector_load %arg18[%swap3A_2341, %swap3A_2342] {strides = array<i32>} : memref<80x128xf32, #tpu.memory_space<vmem>>, vector<16xf32>,
        tpu.vector_store %arg18[%swap3A_2341, %swap3A_2342], %mul3A_2340 {strides = array<i32>} : memref<80x128xf32, #tpu.memory_space<vmem>>, vector<16xf32>,
        %eq3A_2344 = arith.constant 14 : i32
        %eq3A_2345 = vector.broadcast %eq3A_2344 : i32 to vector<16xi32>
        %eq3A_2346 = arith.cmpi eq, %iota3A, %eq3A_2345 : vector<16xi32>
        %select_n3A_2347 = arith.select %eq3A_2346, %exp3A_2311, %select_n3A_2217 : vector<16xi1>, vector<16xf32>
        %mul3A_2348 = arith.constant 16 : i32
        %mul3A_2349 = arith.muli %scan3A_397, %mul3A_2348 : i32
        %add3A_2350 = arith.constant 15 : i32
        %add3A_2351 = arith.addi %mul3A_2349, %add3A_2350 : i32
        %get3A_2352 = arith.index_cast %add3A_2351 : i32 to index
        %get3A_2353 = arith.constant 0 : index
        %get3A_2354 = tpu.vector_load %arg16[%get3A_2352, %get3A_2353] {strides = array<i32>} : memref<80x128xf32, #tpu.memory_space<vmem>>, vector<16xf32>,
        %get3A_2355 = arith.index_cast %add3A_2351 : i32 to index
        %get3A_2356 = arith.constant 0 : index
        %get3A_2357 = tpu.vector_load %arg17[%get3A_2355, %get3A_2356] {strides = array<i32>} : memref<80x128xf32, #tpu.memory_space<vmem>>, vector<16xf32>,
        %mul3A_2358 = arith.mulf %get3A_2354, %get3A_2357 : vector<16xf32>
        %mul3A_2359 = arith.mulf %mul3A_2358, %get3A_260 : vector<16xf32>
        %add3A_2360 = arith.addf %broadcast_in_dim3A_1, %mul3A_2359 : vector<16xf32>
        %get3A_2361 = arith.index_cast %add3A_2351 : i32 to index
        %get3A_2362 = arith.constant 16 : index
        %get3A_2363 = tpu.vector_load %arg16[%get3A_2361, %get3A_2362] {strides = array<i32>} : memref<80x128xf32, #tpu.memory_space<vmem>>, vector<16xf32>,
        %get3A_2364 = arith.index_cast %add3A_2351 : i32 to index
        %get3A_2365 = arith.constant 16 : index
        %get3A_2366 = tpu.vector_load %arg17[%get3A_2364, %get3A_2365] {strides = array<i32>} : memref<80x128xf32, #tpu.memory_space<vmem>>, vector<16xf32>,
        %mul3A_2367 = arith.mulf %get3A_2363, %get3A_2366 : vector<16xf32>
        %mul3A_2368 = arith.mulf %mul3A_2367, %get3A_262 : vector<16xf32>
        %add3A_2369 = arith.addf %add3A_2360, %mul3A_2368 : vector<16xf32>
        %get3A_2370 = arith.index_cast %add3A_2351 : i32 to index
        %get3A_2371 = arith.constant 32 : index
        %get3A_2372 = tpu.vector_load %arg16[%get3A_2370, %get3A_2371] {strides = array<i32>} : memref<80x128xf32, #tpu.memory_space<vmem>>, vector<16xf32>,
        %get3A_2373 = arith.index_cast %add3A_2351 : i32 to index
        %get3A_2374 = arith.constant 32 : index
        %get3A_2375 = tpu.vector_load %arg17[%get3A_2373, %get3A_2374] {strides = array<i32>} : memref<80x128xf32, #tpu.memory_space<vmem>>, vector<16xf32>,
        %mul3A_2376 = arith.mulf %get3A_2372, %get3A_2375 : vector<16xf32>
        %mul3A_2377 = arith.mulf %mul3A_2376, %get3A_264 : vector<16xf32>
        %add3A_2378 = arith.addf %add3A_2369, %mul3A_2377 : vector<16xf32>
        %get3A_2379 = arith.index_cast %add3A_2351 : i32 to index
        %get3A_2380 = arith.constant 48 : index
        %get3A_2381 = tpu.vector_load %arg16[%get3A_2379, %get3A_2380] {strides = array<i32>} : memref<80x128xf32, #tpu.memory_space<vmem>>, vector<16xf32>,
        %get3A_2382 = arith.index_cast %add3A_2351 : i32 to index
        %get3A_2383 = arith.constant 48 : index
        %get3A_2384 = tpu.vector_load %arg17[%get3A_2382, %get3A_2383] {strides = array<i32>} : memref<80x128xf32, #tpu.memory_space<vmem>>, vector<16xf32>,
        %mul3A_2385 = arith.mulf %get3A_2381, %get3A_2384 : vector<16xf32>
        %mul3A_2386 = arith.mulf %mul3A_2385, %get3A_266 : vector<16xf32>
        %add3A_2387 = arith.addf %add3A_2378, %mul3A_2386 : vector<16xf32>
        %get3A_2388 = arith.index_cast %add3A_2351 : i32 to index
        %get3A_2389 = arith.constant 64 : index
        %get3A_2390 = tpu.vector_load %arg16[%get3A_2388, %get3A_2389] {strides = array<i32>} : memref<80x128xf32, #tpu.memory_space<vmem>>, vector<16xf32>,
        %get3A_2391 = arith.index_cast %add3A_2351 : i32 to index
        %get3A_2392 = arith.constant 64 : index
        %get3A_2393 = tpu.vector_load %arg17[%get3A_2391, %get3A_2392] {strides = array<i32>} : memref<80x128xf32, #tpu.memory_space<vmem>>, vector<16xf32>,
        %mul3A_2394 = arith.mulf %get3A_2390, %get3A_2393 : vector<16xf32>
        %mul3A_2395 = arith.mulf %mul3A_2394, %get3A_268 : vector<16xf32>
        %add3A_2396 = arith.addf %add3A_2387, %mul3A_2395 : vector<16xf32>
        %get3A_2397 = arith.index_cast %add3A_2351 : i32 to index
        %get3A_2398 = arith.constant 80 : index
        %get3A_2399 = tpu.vector_load %arg16[%get3A_2397, %get3A_2398] {strides = array<i32>} : memref<80x128xf32, #tpu.memory_space<vmem>>, vector<16xf32>,
        %get3A_2400 = arith.index_cast %add3A_2351 : i32 to index
        %get3A_2401 = arith.constant 80 : index
        %get3A_2402 = tpu.vector_load %arg17[%get3A_2400, %get3A_2401] {strides = array<i32>} : memref<80x128xf32, #tpu.memory_space<vmem>>, vector<16xf32>,
        %mul3A_2403 = arith.mulf %get3A_2399, %get3A_2402 : vector<16xf32>
        %mul3A_2404 = arith.mulf %mul3A_2403, %get3A_270 : vector<16xf32>
        %add3A_2405 = arith.addf %add3A_2396, %mul3A_2404 : vector<16xf32>
        %get3A_2406 = arith.index_cast %add3A_2351 : i32 to index
        %get3A_2407 = arith.constant 96 : index
        %get3A_2408 = tpu.vector_load %arg16[%get3A_2406, %get3A_2407] {strides = array<i32>} : memref<80x128xf32, #tpu.memory_space<vmem>>, vector<16xf32>,
        %get3A_2409 = arith.index_cast %add3A_2351 : i32 to index
        %get3A_2410 = arith.constant 96 : index
        %get3A_2411 = tpu.vector_load %arg17[%get3A_2409, %get3A_2410] {strides = array<i32>} : memref<80x128xf32, #tpu.memory_space<vmem>>, vector<16xf32>,
        %mul3A_2412 = arith.mulf %get3A_2408, %get3A_2411 : vector<16xf32>
        %mul3A_2413 = arith.mulf %mul3A_2412, %get3A_272 : vector<16xf32>
        %add3A_2414 = arith.addf %add3A_2405, %mul3A_2413 : vector<16xf32>
        %get3A_2415 = arith.index_cast %add3A_2351 : i32 to index
        %get3A_2416 = arith.constant 112 : index
        %get3A_2417 = tpu.vector_load %arg16[%get3A_2415, %get3A_2416] {strides = array<i32>} : memref<80x128xf32, #tpu.memory_space<vmem>>, vector<16xf32>,
        %get3A_2418 = arith.index_cast %add3A_2351 : i32 to index
        %get3A_2419 = arith.constant 112 : index
        %get3A_2420 = tpu.vector_load %arg17[%get3A_2418, %get3A_2419] {strides = array<i32>} : memref<80x128xf32, #tpu.memory_space<vmem>>, vector<16xf32>,
        %mul3A_2421 = arith.mulf %get3A_2417, %get3A_2420 : vector<16xf32>
        %mul3A_2422 = arith.mulf %mul3A_2421, %get3A_274 : vector<16xf32>
        %add3A_2423 = arith.addf %add3A_2414, %mul3A_2422 : vector<16xf32>
        %eq3A_2424 = arith.constant 15 : i32
        %eq3A_2425 = vector.broadcast %eq3A_2424 : i32 to vector<16xi32>
        %eq3A_2426 = arith.cmpi eq, %iota3A, %eq3A_2425 : vector<16xi32>
        %select_n3A_2427 = arith.select %eq3A_2426, %gather3A, %broadcast_in_dim3A_1 : vector<16xi1>, vector<16xf32>
        %add3A_2428 = arith.addf %add3A_2423, %select_n3A_2427 : vector<16xf32>
        %reduce_sum3A_2429 = arith.constant true
        %reduce_sum3A_2430 = vector.broadcast %reduce_sum3A_2429 : i1 to vector<16xi1>
        %reduce_sum3A_2431 = tpu.scan <sum>, %add3A_2428 masked %reduce_sum3A_2430 : vector<16xf32>, vector<16xi1> -> vector<16xf32>
        %reduce_sum3A_2432 = vector.extract %reduce_sum3A_2431[15] : f32 from vector<16xf32>
        %broadcast_in_dim3A_2433 = vector.broadcast %reduce_sum3A_2432 : f32 to vector<16xf32>
        %ge3A_2434 = arith.constant 0.000000e+00 : f32
        %ge3A_2435 = vector.broadcast %ge3A_2434 : f32 to vector<16xf32>
        %ge3A_2436 = arith.cmpf oge, %broadcast_in_dim3A_2433, %ge3A_2435 : vector<16xf32>
        %mul3A_2437 = arith.constant 0.00999999977 : f32
        %mul3A_2438 = vector.broadcast %mul3A_2437 : f32 to vector<16xf32>
        %mul3A_2439 = arith.mulf %broadcast_in_dim3A_2433, %mul3A_2438 : vector<16xf32>
        %select_n3A_2440 = arith.select %ge3A_2436, %broadcast_in_dim3A_2433, %mul3A_2439 : vector<16xi1>, vector<16xf32>
        %exp3A_2441 = math.exp %select_n3A_2440 : vector<16xf32>
        %mul3A_2442 = arith.mulf %mul3A_2358, %exp3A_2441 : vector<16xf32>
        %swap3A_2443 = arith.index_cast %add3A_2351 : i32 to index
        %swap3A_2444 = arith.constant 0 : index
        %swap3A_2445 = tpu.vector_load %arg18[%swap3A_2443, %swap3A_2444] {strides = array<i32>} : memref<80x128xf32, #tpu.memory_space<vmem>>, vector<16xf32>,
        tpu.vector_store %arg18[%swap3A_2443, %swap3A_2444], %mul3A_2442 {strides = array<i32>} : memref<80x128xf32, #tpu.memory_space<vmem>>, vector<16xf32>,
        %mul3A_2446 = arith.mulf %mul3A_2367, %exp3A_2441 : vector<16xf32>
        %swap3A_2447 = arith.index_cast %add3A_2351 : i32 to index
        %swap3A_2448 = arith.constant 16 : index
        %swap3A_2449 = tpu.vector_load %arg18[%swap3A_2447, %swap3A_2448] {strides = array<i32>} : memref<80x128xf32, #tpu.memory_space<vmem>>, vector<16xf32>,
        tpu.vector_store %arg18[%swap3A_2447, %swap3A_2448], %mul3A_2446 {strides = array<i32>} : memref<80x128xf32, #tpu.memory_space<vmem>>, vector<16xf32>,
        %mul3A_2450 = arith.mulf %mul3A_2376, %exp3A_2441 : vector<16xf32>
        %swap3A_2451 = arith.index_cast %add3A_2351 : i32 to index
        %swap3A_2452 = arith.constant 32 : index
        %swap3A_2453 = tpu.vector_load %arg18[%swap3A_2451, %swap3A_2452] {strides = array<i32>} : memref<80x128xf32, #tpu.memory_space<vmem>>, vector<16xf32>,
        tpu.vector_store %arg18[%swap3A_2451, %swap3A_2452], %mul3A_2450 {strides = array<i32>} : memref<80x128xf32, #tpu.memory_space<vmem>>, vector<16xf32>,
        %mul3A_2454 = arith.mulf %mul3A_2385, %exp3A_2441 : vector<16xf32>
        %swap3A_2455 = arith.index_cast %add3A_2351 : i32 to index
        %swap3A_2456 = arith.constant 48 : index
        %swap3A_2457 = tpu.vector_load %arg18[%swap3A_2455, %swap3A_2456] {strides = array<i32>} : memref<80x128xf32, #tpu.memory_space<vmem>>, vector<16xf32>,
        tpu.vector_store %arg18[%swap3A_2455, %swap3A_2456], %mul3A_2454 {strides = array<i32>} : memref<80x128xf32, #tpu.memory_space<vmem>>, vector<16xf32>,
        %mul3A_2458 = arith.mulf %mul3A_2394, %exp3A_2441 : vector<16xf32>
        %swap3A_2459 = arith.index_cast %add3A_2351 : i32 to index
        %swap3A_2460 = arith.constant 64 : index
        %swap3A_2461 = tpu.vector_load %arg18[%swap3A_2459, %swap3A_2460] {strides = array<i32>} : memref<80x128xf32, #tpu.memory_space<vmem>>, vector<16xf32>,
        tpu.vector_store %arg18[%swap3A_2459, %swap3A_2460], %mul3A_2458 {strides = array<i32>} : memref<80x128xf32, #tpu.memory_space<vmem>>, vector<16xf32>,
        %mul3A_2462 = arith.mulf %mul3A_2403, %exp3A_2441 : vector<16xf32>
        %swap3A_2463 = arith.index_cast %add3A_2351 : i32 to index
        %swap3A_2464 = arith.constant 80 : index
        %swap3A_2465 = tpu.vector_load %arg18[%swap3A_2463, %swap3A_2464] {strides = array<i32>} : memref<80x128xf32, #tpu.memory_space<vmem>>, vector<16xf32>,
        tpu.vector_store %arg18[%swap3A_2463, %swap3A_2464], %mul3A_2462 {strides = array<i32>} : memref<80x128xf32, #tpu.memory_space<vmem>>, vector<16xf32>,
        %mul3A_2466 = arith.mulf %mul3A_2412, %exp3A_2441 : vector<16xf32>
        %swap3A_2467 = arith.index_cast %add3A_2351 : i32 to index
        %swap3A_2468 = arith.constant 96 : index
        %swap3A_2469 = tpu.vector_load %arg18[%swap3A_2467, %swap3A_2468] {strides = array<i32>} : memref<80x128xf32, #tpu.memory_space<vmem>>, vector<16xf32>,
        tpu.vector_store %arg18[%swap3A_2467, %swap3A_2468], %mul3A_2466 {strides = array<i32>} : memref<80x128xf32, #tpu.memory_space<vmem>>, vector<16xf32>,
        %mul3A_2470 = arith.mulf %mul3A_2421, %exp3A_2441 : vector<16xf32>
        %swap3A_2471 = arith.index_cast %add3A_2351 : i32 to index
        %swap3A_2472 = arith.constant 112 : index
        %swap3A_2473 = tpu.vector_load %arg18[%swap3A_2471, %swap3A_2472] {strides = array<i32>} : memref<80x128xf32, #tpu.memory_space<vmem>>, vector<16xf32>,
        tpu.vector_store %arg18[%swap3A_2471, %swap3A_2472], %mul3A_2470 {strides = array<i32>} : memref<80x128xf32, #tpu.memory_space<vmem>>, vector<16xf32>,
        %eq3A_2474 = arith.constant 15 : i32
        %eq3A_2475 = vector.broadcast %eq3A_2474 : i32 to vector<16xi32>
        %eq3A_2476 = arith.cmpi eq, %iota3A, %eq3A_2475 : vector<16xi32>
        %select_n3A_2477 = arith.select %eq3A_2476, %exp3A_2441, %select_n3A_2347 : vector<16xi1>, vector<16xf32>
        %mul3A_2478 = arith.constant 16 : i32
        %mul3A_2479 = arith.muli %scan3A_397, %mul3A_2478 : i32
        %add3A_2480 = vector.broadcast %mul3A_2479 : i32 to vector<16xi32>
        %add3A_2481 = arith.addi %add3A_2480, %iota3A : vector<16xi32>
        tpu.vector_store_idx %arg19[%add3A_2481, %broadcast_in_dim3A_276], %select_n3A_2477 : memref<80x8xf32, #tpu.memory_space<vmem>>[vector<16xi32>, vector<16xi32>], vector<16xf32>,
      }
      %scan3A_388 = arith.constant 5 : i32
      %convert_element_type3A_389 = arith.extui %eq3A_362 : i1 to i32
      %cond3A_390 = arith.constant 0 : i32
      %cond3A_391 = arith.cmpi ne, %convert_element_type3A_389, %cond3A_390 : i32
      scf.if %cond3A_391 {
        %dma_start3A_397 = arith.constant 0 : i32
        %dma_start3A_398 = arith.constant 0 : i32
        %dma_start3A_399 = tpu.memref_slice %arg20[%dma_start3A_397, %dma_start3A_398] : memref<10000x128xf32, #tpu.memory_space<vmem_shared>> -> memref<10000x128xf32, #tpu.memory_space<vmem_shared>>
        tpu.enqueue_indirect_dma source(%arg18 : memref<80x128xf32, #tpu.memory_space<vmem>>) target(%dma_start3A_399 : memref<10000x128xf32, #tpu.memory_space<vmem_shared>>) offsets(%arg14 : memref<80xi32, #tpu.memory_space<vmem>>) semaphore(%arg24 : memref<!tpu.dma_semaphore, #tpu.memory_space<semaphore_mem>>) {add = true}
        %dma_start3A_400 = arith.constant 0 : i32
        %dma_start3A_401 = arith.constant 0 : i32
        %dma_start3A_402 = tpu.memref_slice %arg21[%dma_start3A_400, %dma_start3A_401] : memref<10000x8xf32, #tpu.memory_space<vmem_shared>> -> memref<10000x8xf32, #tpu.memory_space<vmem_shared>>
        tpu.enqueue_indirect_dma source(%arg19 : memref<80x8xf32, #tpu.memory_space<vmem>>) target(%dma_start3A_402 : memref<10000x8xf32, #tpu.memory_space<vmem_shared>>) offsets(%arg14 : memref<80xi32, #tpu.memory_space<vmem>>) semaphore(%arg25 : memref<!tpu.dma_semaphore, #tpu.memory_space<semaphore_mem>>) {add = true}
      } else {
      }
      %not3A_392 = arith.constant true
      %not3A_393 = arith.xori %eq3A_362, %not3A_392 : i1
      %convert_element_type3A_394 = arith.extui %not3A_393 : i1 to i32
      %cond3A_395 = arith.constant 0 : i32
      %cond3A_396 = arith.cmpi ne, %convert_element_type3A_394, %cond3A_395 : i32
      scf.if %cond3A_396 {
        %dma_start3A_397 = arith.constant 0 : i32
        %dma_start3A_398 = arith.constant 0 : i32
        %dma_start3A_399 = tpu.memref_slice %arg20[%dma_start3A_397, %dma_start3A_398] : memref<10000x128xf32, #tpu.memory_space<vmem_shared>> -> memref<10000x128xf32, #tpu.memory_space<vmem_shared>>
        tpu.enqueue_indirect_dma source(%arg18 : memref<80x128xf32, #tpu.memory_space<vmem>>) target(%dma_start3A_399 : memref<10000x128xf32, #tpu.memory_space<vmem_shared>>) offsets(%arg15 : memref<80xi32, #tpu.memory_space<vmem>>) semaphore(%arg26 : memref<!tpu.dma_semaphore, #tpu.memory_space<semaphore_mem>>) {add = true}
        %dma_start3A_400 = arith.constant 0 : i32
        %dma_start3A_401 = arith.constant 0 : i32
        %dma_start3A_402 = tpu.memref_slice %arg21[%dma_start3A_400, %dma_start3A_401] : memref<10000x8xf32, #tpu.memory_space<vmem_shared>> -> memref<10000x8xf32, #tpu.memory_space<vmem_shared>>
        tpu.enqueue_indirect_dma source(%arg19 : memref<80x8xf32, #tpu.memory_space<vmem>>) target(%dma_start3A_402 : memref<10000x8xf32, #tpu.memory_space<vmem_shared>>) offsets(%arg15 : memref<80xi32, #tpu.memory_space<vmem>>) semaphore(%arg27 : memref<!tpu.dma_semaphore, #tpu.memory_space<semaphore_mem>>) {add = true}
      } else {
      }
    }
    %scan3A_282 = arith.constant 125 : i32
    %dma_wait3A = arith.constant 0 : i32
    %dma_wait3A_283 = arith.constant 0 : i32
    %dma_wait3A_284 = tpu.memref_slice %arg20[%dma_wait3A, %dma_wait3A_283] : memref<10000x128xf32, #tpu.memory_space<vmem_shared>> -> memref<10000x128xf32, #tpu.memory_space<vmem_shared>>
    tpu.wait_indirect_dma semaphore(%arg24 : memref<!tpu.dma_semaphore, #tpu.memory_space<semaphore_mem>>) src(%arg18 : memref<80x128xf32, #tpu.memory_space<vmem>>) dst(%dma_wait3A_284 : memref<10000x128xf32, #tpu.memory_space<vmem_shared>>)
    %dma_wait3A_285 = arith.constant 0 : i32
    %dma_wait3A_286 = arith.constant 0 : i32
    %dma_wait3A_287 = tpu.memref_slice %arg21[%dma_wait3A_285, %dma_wait3A_286] : memref<10000x8xf32, #tpu.memory_space<vmem_shared>> -> memref<10000x8xf32, #tpu.memory_space<vmem_shared>>
    tpu.wait_indirect_dma semaphore(%arg25 : memref<!tpu.dma_semaphore, #tpu.memory_space<semaphore_mem>>) src(%arg19 : memref<80x8xf32, #tpu.memory_space<vmem>>) dst(%dma_wait3A_287 : memref<10000x8xf32, #tpu.memory_space<vmem_shared>>)
    %barrier3A_288 = arith.constant 0 : index
    tpu.barrier barrier_id(%barrier3A_288)
    %add3A_289 = arith.constant 0 : i32
    %add3A_290 = arith.addi %add3A_289, %arg1 : i32
    %lt3A_291 = arith.constant 125 : i32
    %lt3A_292 = arith.cmpi slt, %add3A_290, %lt3A_291 : i32
    %convert_element_type3A_293 = arith.extui %lt3A_292 : i1 to i32
    %cond3A_294 = arith.constant 0 : i32
    %cond3A_295 = arith.cmpi ne, %convert_element_type3A_293, %cond3A_294 : i32
    scf.if %cond3A_295 {
      %mul3A_345 = arith.constant 80 : i32
      %mul3A_346 = arith.muli %add3A_290, %mul3A_345 : i32
      %mul3A_347 = arith.constant 10000 : i32
      %mul3A_348 = arith.muli %arg0, %mul3A_347 : i32
      %mul3A_349 = arith.constant 80 : i32
      %mul3A_350 = arith.muli %add3A_290, %mul3A_349 : i32
      %add3A_351 = arith.addi %mul3A_348, %mul3A_350 : i32
      "tpu.region"() ({
        %run_scoped3A = tpu.sem_alloc : memref<!tpu.dma_semaphore, #tpu.memory_space<semaphore_mem>>
        %dma_start3A = arith.constant 0 : i32
        %dma_start3A_359 = tpu.memref_slice %arg8[%add3A_351, %dma_start3A] : memref<20000x128xf32, #tpu.memory_space<hbm>> -> memref<80x128xf32, #tpu.memory_space<hbm>>
        %dma_start3A_360 = arith.constant 0 : i32
        %dma_start3A_361 = tpu.memref_slice %arg20[%mul3A_346, %dma_start3A_360] : memref<10000x128xf32, #tpu.memory_space<vmem_shared>> -> memref<80x128xf32, #tpu.memory_space<vmem_shared>>
        tpu.enqueue_dma source(%dma_start3A_361 : memref<80x128xf32, #tpu.memory_space<vmem_shared>>) target(%dma_start3A_359 : memref<80x128xf32, #tpu.memory_space<hbm>>) target_semaphore(%run_scoped3A : memref<!tpu.dma_semaphore, #tpu.memory_space<semaphore_mem>>)
        %dma_wait3A_362 = arith.constant 0 : i32
        %dma_wait3A_363 = tpu.memref_slice %arg8[%add3A_351, %dma_wait3A_362] : memref<20000x128xf32, #tpu.memory_space<hbm>> -> memref<80x128xf32, #tpu.memory_space<hbm>>
        %dma_wait3A_364 = arith.constant 0 : i32
        %dma_wait3A_365 = tpu.memref_slice %arg20[%mul3A_346, %dma_wait3A_364] : memref<10000x128xf32, #tpu.memory_space<vmem_shared>> -> memref<80x128xf32, #tpu.memory_space<vmem_shared>>
        tpu.wait_dma2 semaphore(%run_scoped3A : memref<!tpu.dma_semaphore, #tpu.memory_space<semaphore_mem>>) src(%dma_wait3A_365 : memref<80x128xf32, #tpu.memory_space<vmem_shared>>) dst(%dma_wait3A_363 : memref<80x128xf32, #tpu.memory_space<hbm>>)
        tpu.yield
      }) : () -> ()
      %mul3A_352 = arith.constant 80 : i32
      %mul3A_353 = arith.muli %add3A_290, %mul3A_352 : i32
      %mul3A_354 = arith.constant 10000 : i32
      %mul3A_355 = arith.muli %arg0, %mul3A_354 : i32
      %mul3A_356 = arith.constant 80 : i32
      %mul3A_357 = arith.muli %add3A_290, %mul3A_356 : i32
      %add3A_358 = arith.addi %mul3A_355, %mul3A_357 : i32
      "tpu.region"() ({
        %run_scoped3A = tpu.sem_alloc : memref<!tpu.dma_semaphore, #tpu.memory_space<semaphore_mem>>
        %dma_start3A = arith.constant 0 : i32
        %dma_start3A_359 = tpu.memref_slice %arg9[%add3A_358, %dma_start3A] : memref<20000x8xf32, #tpu.memory_space<hbm>> -> memref<80x8xf32, #tpu.memory_space<hbm>>
        %dma_start3A_360 = arith.constant 0 : i32
        %dma_start3A_361 = tpu.memref_slice %arg21[%mul3A_353, %dma_start3A_360] : memref<10000x8xf32, #tpu.memory_space<vmem_shared>> -> memref<80x8xf32, #tpu.memory_space<vmem_shared>>
        tpu.enqueue_dma source(%dma_start3A_361 : memref<80x8xf32, #tpu.memory_space<vmem_shared>>) target(%dma_start3A_359 : memref<80x8xf32, #tpu.memory_space<hbm>>) target_semaphore(%run_scoped3A : memref<!tpu.dma_semaphore, #tpu.memory_space<semaphore_mem>>)
        %dma_wait3A_362 = arith.constant 0 : i32
        %dma_wait3A_363 = tpu.memref_slice %arg9[%add3A_358, %dma_wait3A_362] : memref<20000x8xf32, #tpu.memory_space<hbm>> -> memref<80x8xf32, #tpu.memory_space<hbm>>
        %dma_wait3A_364 = arith.constant 0 : i32
        %dma_wait3A_365 = tpu.memref_slice %arg21[%mul3A_353, %dma_wait3A_364] : memref<10000x8xf32, #tpu.memory_space<vmem_shared>> -> memref<80x8xf32, #tpu.memory_space<vmem_shared>>
        tpu.wait_dma2 semaphore(%run_scoped3A : memref<!tpu.dma_semaphore, #tpu.memory_space<semaphore_mem>>) src(%dma_wait3A_365 : memref<80x8xf32, #tpu.memory_space<vmem_shared>>) dst(%dma_wait3A_363 : memref<80x8xf32, #tpu.memory_space<hbm>>)
        tpu.yield
      }) : () -> ()
    } else {
    }
    %add3A_296 = arith.constant 16 : i32
    %add3A_297 = arith.addi %add3A_296, %arg1 : i32
    %lt3A_298 = arith.constant 125 : i32
    %lt3A_299 = arith.cmpi slt, %add3A_297, %lt3A_298 : i32
    %convert_element_type3A_300 = arith.extui %lt3A_299 : i1 to i32
    %cond3A_301 = arith.constant 0 : i32
    %cond3A_302 = arith.cmpi ne, %convert_element_type3A_300, %cond3A_301 : i32
    scf.if %cond3A_302 {
      %mul3A_345 = arith.constant 80 : i32
      %mul3A_346 = arith.muli %add3A_297, %mul3A_345 : i32
      %mul3A_347 = arith.constant 10000 : i32
      %mul3A_348 = arith.muli %arg0, %mul3A_347 : i32
      %mul3A_349 = arith.constant 80 : i32
      %mul3A_350 = arith.muli %add3A_297, %mul3A_349 : i32
      %add3A_351 = arith.addi %mul3A_348, %mul3A_350 : i32
      "tpu.region"() ({
        %run_scoped3A = tpu.sem_alloc : memref<!tpu.dma_semaphore, #tpu.memory_space<semaphore_mem>>
        %dma_start3A = arith.constant 0 : i32
        %dma_start3A_359 = tpu.memref_slice %arg8[%add3A_351, %dma_start3A] : memref<20000x128xf32, #tpu.memory_space<hbm>> -> memref<80x128xf32, #tpu.memory_space<hbm>>
        %dma_start3A_360 = arith.constant 0 : i32
        %dma_start3A_361 = tpu.memref_slice %arg20[%mul3A_346, %dma_start3A_360] : memref<10000x128xf32, #tpu.memory_space<vmem_shared>> -> memref<80x128xf32, #tpu.memory_space<vmem_shared>>
        tpu.enqueue_dma source(%dma_start3A_361 : memref<80x128xf32, #tpu.memory_space<vmem_shared>>) target(%dma_start3A_359 : memref<80x128xf32, #tpu.memory_space<hbm>>) target_semaphore(%run_scoped3A : memref<!tpu.dma_semaphore, #tpu.memory_space<semaphore_mem>>)
        %dma_wait3A_362 = arith.constant 0 : i32
        %dma_wait3A_363 = tpu.memref_slice %arg8[%add3A_351, %dma_wait3A_362] : memref<20000x128xf32, #tpu.memory_space<hbm>> -> memref<80x128xf32, #tpu.memory_space<hbm>>
        %dma_wait3A_364 = arith.constant 0 : i32
        %dma_wait3A_365 = tpu.memref_slice %arg20[%mul3A_346, %dma_wait3A_364] : memref<10000x128xf32, #tpu.memory_space<vmem_shared>> -> memref<80x128xf32, #tpu.memory_space<vmem_shared>>
        tpu.wait_dma2 semaphore(%run_scoped3A : memref<!tpu.dma_semaphore, #tpu.memory_space<semaphore_mem>>) src(%dma_wait3A_365 : memref<80x128xf32, #tpu.memory_space<vmem_shared>>) dst(%dma_wait3A_363 : memref<80x128xf32, #tpu.memory_space<hbm>>)
        tpu.yield
      }) : () -> ()
      %mul3A_352 = arith.constant 80 : i32
      %mul3A_353 = arith.muli %add3A_297, %mul3A_352 : i32
      %mul3A_354 = arith.constant 10000 : i32
      %mul3A_355 = arith.muli %arg0, %mul3A_354 : i32
      %mul3A_356 = arith.constant 80 : i32
      %mul3A_357 = arith.muli %add3A_297, %mul3A_356 : i32
      %add3A_358 = arith.addi %mul3A_355, %mul3A_357 : i32
      "tpu.region"() ({
        %run_scoped3A = tpu.sem_alloc : memref<!tpu.dma_semaphore, #tpu.memory_space<semaphore_mem>>
        %dma_start3A = arith.constant 0 : i32
        %dma_start3A_359 = tpu.memref_slice %arg9[%add3A_358, %dma_start3A] : memref<20000x8xf32, #tpu.memory_space<hbm>> -> memref<80x8xf32, #tpu.memory_space<hbm>>
        %dma_start3A_360 = arith.constant 0 : i32
        %dma_start3A_361 = tpu.memref_slice %arg21[%mul3A_353, %dma_start3A_360] : memref<10000x8xf32, #tpu.memory_space<vmem_shared>> -> memref<80x8xf32, #tpu.memory_space<vmem_shared>>
        tpu.enqueue_dma source(%dma_start3A_361 : memref<80x8xf32, #tpu.memory_space<vmem_shared>>) target(%dma_start3A_359 : memref<80x8xf32, #tpu.memory_space<hbm>>) target_semaphore(%run_scoped3A : memref<!tpu.dma_semaphore, #tpu.memory_space<semaphore_mem>>)
        %dma_wait3A_362 = arith.constant 0 : i32
        %dma_wait3A_363 = tpu.memref_slice %arg9[%add3A_358, %dma_wait3A_362] : memref<20000x8xf32, #tpu.memory_space<hbm>> -> memref<80x8xf32, #tpu.memory_space<hbm>>
        %dma_wait3A_364 = arith.constant 0 : i32
        %dma_wait3A_365 = tpu.memref_slice %arg21[%mul3A_353, %dma_wait3A_364] : memref<10000x8xf32, #tpu.memory_space<vmem_shared>> -> memref<80x8xf32, #tpu.memory_space<vmem_shared>>
        tpu.wait_dma2 semaphore(%run_scoped3A : memref<!tpu.dma_semaphore, #tpu.memory_space<semaphore_mem>>) src(%dma_wait3A_365 : memref<80x8xf32, #tpu.memory_space<vmem_shared>>) dst(%dma_wait3A_363 : memref<80x8xf32, #tpu.memory_space<hbm>>)
        tpu.yield
      }) : () -> ()
    } else {
    }
    %add3A_303 = arith.constant 32 : i32
    %add3A_304 = arith.addi %add3A_303, %arg1 : i32
    %lt3A_305 = arith.constant 125 : i32
    %lt3A_306 = arith.cmpi slt, %add3A_304, %lt3A_305 : i32
    %convert_element_type3A_307 = arith.extui %lt3A_306 : i1 to i32
    %cond3A_308 = arith.constant 0 : i32
    %cond3A_309 = arith.cmpi ne, %convert_element_type3A_307, %cond3A_308 : i32
    scf.if %cond3A_309 {
      %mul3A_345 = arith.constant 80 : i32
      %mul3A_346 = arith.muli %add3A_304, %mul3A_345 : i32
      %mul3A_347 = arith.constant 10000 : i32
      %mul3A_348 = arith.muli %arg0, %mul3A_347 : i32
      %mul3A_349 = arith.constant 80 : i32
      %mul3A_350 = arith.muli %add3A_304, %mul3A_349 : i32
      %add3A_351 = arith.addi %mul3A_348, %mul3A_350 : i32
      "tpu.region"() ({
        %run_scoped3A = tpu.sem_alloc : memref<!tpu.dma_semaphore, #tpu.memory_space<semaphore_mem>>
        %dma_start3A = arith.constant 0 : i32
        %dma_start3A_359 = tpu.memref_slice %arg8[%add3A_351, %dma_start3A] : memref<20000x128xf32, #tpu.memory_space<hbm>> -> memref<80x128xf32, #tpu.memory_space<hbm>>
        %dma_start3A_360 = arith.constant 0 : i32
        %dma_start3A_361 = tpu.memref_slice %arg20[%mul3A_346, %dma_start3A_360] : memref<10000x128xf32, #tpu.memory_space<vmem_shared>> -> memref<80x128xf32, #tpu.memory_space<vmem_shared>>
        tpu.enqueue_dma source(%dma_start3A_361 : memref<80x128xf32, #tpu.memory_space<vmem_shared>>) target(%dma_start3A_359 : memref<80x128xf32, #tpu.memory_space<hbm>>) target_semaphore(%run_scoped3A : memref<!tpu.dma_semaphore, #tpu.memory_space<semaphore_mem>>)
        %dma_wait3A_362 = arith.constant 0 : i32
        %dma_wait3A_363 = tpu.memref_slice %arg8[%add3A_351, %dma_wait3A_362] : memref<20000x128xf32, #tpu.memory_space<hbm>> -> memref<80x128xf32, #tpu.memory_space<hbm>>
        %dma_wait3A_364 = arith.constant 0 : i32
        %dma_wait3A_365 = tpu.memref_slice %arg20[%mul3A_346, %dma_wait3A_364] : memref<10000x128xf32, #tpu.memory_space<vmem_shared>> -> memref<80x128xf32, #tpu.memory_space<vmem_shared>>
        tpu.wait_dma2 semaphore(%run_scoped3A : memref<!tpu.dma_semaphore, #tpu.memory_space<semaphore_mem>>) src(%dma_wait3A_365 : memref<80x128xf32, #tpu.memory_space<vmem_shared>>) dst(%dma_wait3A_363 : memref<80x128xf32, #tpu.memory_space<hbm>>)
        tpu.yield
      }) : () -> ()
      %mul3A_352 = arith.constant 80 : i32
      %mul3A_353 = arith.muli %add3A_304, %mul3A_352 : i32
      %mul3A_354 = arith.constant 10000 : i32
      %mul3A_355 = arith.muli %arg0, %mul3A_354 : i32
      %mul3A_356 = arith.constant 80 : i32
      %mul3A_357 = arith.muli %add3A_304, %mul3A_356 : i32
      %add3A_358 = arith.addi %mul3A_355, %mul3A_357 : i32
      "tpu.region"() ({
        %run_scoped3A = tpu.sem_alloc : memref<!tpu.dma_semaphore, #tpu.memory_space<semaphore_mem>>
        %dma_start3A = arith.constant 0 : i32
        %dma_start3A_359 = tpu.memref_slice %arg9[%add3A_358, %dma_start3A] : memref<20000x8xf32, #tpu.memory_space<hbm>> -> memref<80x8xf32, #tpu.memory_space<hbm>>
        %dma_start3A_360 = arith.constant 0 : i32
        %dma_start3A_361 = tpu.memref_slice %arg21[%mul3A_353, %dma_start3A_360] : memref<10000x8xf32, #tpu.memory_space<vmem_shared>> -> memref<80x8xf32, #tpu.memory_space<vmem_shared>>
        tpu.enqueue_dma source(%dma_start3A_361 : memref<80x8xf32, #tpu.memory_space<vmem_shared>>) target(%dma_start3A_359 : memref<80x8xf32, #tpu.memory_space<hbm>>) target_semaphore(%run_scoped3A : memref<!tpu.dma_semaphore, #tpu.memory_space<semaphore_mem>>)
        %dma_wait3A_362 = arith.constant 0 : i32
        %dma_wait3A_363 = tpu.memref_slice %arg9[%add3A_358, %dma_wait3A_362] : memref<20000x8xf32, #tpu.memory_space<hbm>> -> memref<80x8xf32, #tpu.memory_space<hbm>>
        %dma_wait3A_364 = arith.constant 0 : i32
        %dma_wait3A_365 = tpu.memref_slice %arg21[%mul3A_353, %dma_wait3A_364] : memref<10000x8xf32, #tpu.memory_space<vmem_shared>> -> memref<80x8xf32, #tpu.memory_space<vmem_shared>>
        tpu.wait_dma2 semaphore(%run_scoped3A : memref<!tpu.dma_semaphore, #tpu.memory_space<semaphore_mem>>) src(%dma_wait3A_365 : memref<80x8xf32, #tpu.memory_space<vmem_shared>>) dst(%dma_wait3A_363 : memref<80x8xf32, #tpu.memory_space<hbm>>)
        tpu.yield
      }) : () -> ()
    } else {
    }
    %add3A_310 = arith.constant 48 : i32
    %add3A_311 = arith.addi %add3A_310, %arg1 : i32
    %lt3A_312 = arith.constant 125 : i32
    %lt3A_313 = arith.cmpi slt, %add3A_311, %lt3A_312 : i32
    %convert_element_type3A_314 = arith.extui %lt3A_313 : i1 to i32
    %cond3A_315 = arith.constant 0 : i32
    %cond3A_316 = arith.cmpi ne, %convert_element_type3A_314, %cond3A_315 : i32
    scf.if %cond3A_316 {
      %mul3A_345 = arith.constant 80 : i32
      %mul3A_346 = arith.muli %add3A_311, %mul3A_345 : i32
      %mul3A_347 = arith.constant 10000 : i32
      %mul3A_348 = arith.muli %arg0, %mul3A_347 : i32
      %mul3A_349 = arith.constant 80 : i32
      %mul3A_350 = arith.muli %add3A_311, %mul3A_349 : i32
      %add3A_351 = arith.addi %mul3A_348, %mul3A_350 : i32
      "tpu.region"() ({
        %run_scoped3A = tpu.sem_alloc : memref<!tpu.dma_semaphore, #tpu.memory_space<semaphore_mem>>
        %dma_start3A = arith.constant 0 : i32
        %dma_start3A_359 = tpu.memref_slice %arg8[%add3A_351, %dma_start3A] : memref<20000x128xf32, #tpu.memory_space<hbm>> -> memref<80x128xf32, #tpu.memory_space<hbm>>
        %dma_start3A_360 = arith.constant 0 : i32
        %dma_start3A_361 = tpu.memref_slice %arg20[%mul3A_346, %dma_start3A_360] : memref<10000x128xf32, #tpu.memory_space<vmem_shared>> -> memref<80x128xf32, #tpu.memory_space<vmem_shared>>
        tpu.enqueue_dma source(%dma_start3A_361 : memref<80x128xf32, #tpu.memory_space<vmem_shared>>) target(%dma_start3A_359 : memref<80x128xf32, #tpu.memory_space<hbm>>) target_semaphore(%run_scoped3A : memref<!tpu.dma_semaphore, #tpu.memory_space<semaphore_mem>>)
        %dma_wait3A_362 = arith.constant 0 : i32
        %dma_wait3A_363 = tpu.memref_slice %arg8[%add3A_351, %dma_wait3A_362] : memref<20000x128xf32, #tpu.memory_space<hbm>> -> memref<80x128xf32, #tpu.memory_space<hbm>>
        %dma_wait3A_364 = arith.constant 0 : i32
        %dma_wait3A_365 = tpu.memref_slice %arg20[%mul3A_346, %dma_wait3A_364] : memref<10000x128xf32, #tpu.memory_space<vmem_shared>> -> memref<80x128xf32, #tpu.memory_space<vmem_shared>>
        tpu.wait_dma2 semaphore(%run_scoped3A : memref<!tpu.dma_semaphore, #tpu.memory_space<semaphore_mem>>) src(%dma_wait3A_365 : memref<80x128xf32, #tpu.memory_space<vmem_shared>>) dst(%dma_wait3A_363 : memref<80x128xf32, #tpu.memory_space<hbm>>)
        tpu.yield
      }) : () -> ()
      %mul3A_352 = arith.constant 80 : i32
      %mul3A_353 = arith.muli %add3A_311, %mul3A_352 : i32
      %mul3A_354 = arith.constant 10000 : i32
      %mul3A_355 = arith.muli %arg0, %mul3A_354 : i32
      %mul3A_356 = arith.constant 80 : i32
      %mul3A_357 = arith.muli %add3A_311, %mul3A_356 : i32
      %add3A_358 = arith.addi %mul3A_355, %mul3A_357 : i32
      "tpu.region"() ({
        %run_scoped3A = tpu.sem_alloc : memref<!tpu.dma_semaphore, #tpu.memory_space<semaphore_mem>>
        %dma_start3A = arith.constant 0 : i32
        %dma_start3A_359 = tpu.memref_slice %arg9[%add3A_358, %dma_start3A] : memref<20000x8xf32, #tpu.memory_space<hbm>> -> memref<80x8xf32, #tpu.memory_space<hbm>>
        %dma_start3A_360 = arith.constant 0 : i32
        %dma_start3A_361 = tpu.memref_slice %arg21[%mul3A_353, %dma_start3A_360] : memref<10000x8xf32, #tpu.memory_space<vmem_shared>> -> memref<80x8xf32, #tpu.memory_space<vmem_shared>>
        tpu.enqueue_dma source(%dma_start3A_361 : memref<80x8xf32, #tpu.memory_space<vmem_shared>>) target(%dma_start3A_359 : memref<80x8xf32, #tpu.memory_space<hbm>>) target_semaphore(%run_scoped3A : memref<!tpu.dma_semaphore, #tpu.memory_space<semaphore_mem>>)
        %dma_wait3A_362 = arith.constant 0 : i32
        %dma_wait3A_363 = tpu.memref_slice %arg9[%add3A_358, %dma_wait3A_362] : memref<20000x8xf32, #tpu.memory_space<hbm>> -> memref<80x8xf32, #tpu.memory_space<hbm>>
        %dma_wait3A_364 = arith.constant 0 : i32
        %dma_wait3A_365 = tpu.memref_slice %arg21[%mul3A_353, %dma_wait3A_364] : memref<10000x8xf32, #tpu.memory_space<vmem_shared>> -> memref<80x8xf32, #tpu.memory_space<vmem_shared>>
        tpu.wait_dma2 semaphore(%run_scoped3A : memref<!tpu.dma_semaphore, #tpu.memory_space<semaphore_mem>>) src(%dma_wait3A_365 : memref<80x8xf32, #tpu.memory_space<vmem_shared>>) dst(%dma_wait3A_363 : memref<80x8xf32, #tpu.memory_space<hbm>>)
        tpu.yield
      }) : () -> ()
    } else {
    }
    %add3A_317 = arith.constant 64 : i32
    %add3A_318 = arith.addi %add3A_317, %arg1 : i32
    %lt3A_319 = arith.constant 125 : i32
    %lt3A_320 = arith.cmpi slt, %add3A_318, %lt3A_319 : i32
    %convert_element_type3A_321 = arith.extui %lt3A_320 : i1 to i32
    %cond3A_322 = arith.constant 0 : i32
    %cond3A_323 = arith.cmpi ne, %convert_element_type3A_321, %cond3A_322 : i32
    scf.if %cond3A_323 {
      %mul3A_345 = arith.constant 80 : i32
      %mul3A_346 = arith.muli %add3A_318, %mul3A_345 : i32
      %mul3A_347 = arith.constant 10000 : i32
      %mul3A_348 = arith.muli %arg0, %mul3A_347 : i32
      %mul3A_349 = arith.constant 80 : i32
      %mul3A_350 = arith.muli %add3A_318, %mul3A_349 : i32
      %add3A_351 = arith.addi %mul3A_348, %mul3A_350 : i32
      "tpu.region"() ({
        %run_scoped3A = tpu.sem_alloc : memref<!tpu.dma_semaphore, #tpu.memory_space<semaphore_mem>>
        %dma_start3A = arith.constant 0 : i32
        %dma_start3A_359 = tpu.memref_slice %arg8[%add3A_351, %dma_start3A] : memref<20000x128xf32, #tpu.memory_space<hbm>> -> memref<80x128xf32, #tpu.memory_space<hbm>>
        %dma_start3A_360 = arith.constant 0 : i32
        %dma_start3A_361 = tpu.memref_slice %arg20[%mul3A_346, %dma_start3A_360] : memref<10000x128xf32, #tpu.memory_space<vmem_shared>> -> memref<80x128xf32, #tpu.memory_space<vmem_shared>>
        tpu.enqueue_dma source(%dma_start3A_361 : memref<80x128xf32, #tpu.memory_space<vmem_shared>>) target(%dma_start3A_359 : memref<80x128xf32, #tpu.memory_space<hbm>>) target_semaphore(%run_scoped3A : memref<!tpu.dma_semaphore, #tpu.memory_space<semaphore_mem>>)
        %dma_wait3A_362 = arith.constant 0 : i32
        %dma_wait3A_363 = tpu.memref_slice %arg8[%add3A_351, %dma_wait3A_362] : memref<20000x128xf32, #tpu.memory_space<hbm>> -> memref<80x128xf32, #tpu.memory_space<hbm>>
        %dma_wait3A_364 = arith.constant 0 : i32
        %dma_wait3A_365 = tpu.memref_slice %arg20[%mul3A_346, %dma_wait3A_364] : memref<10000x128xf32, #tpu.memory_space<vmem_shared>> -> memref<80x128xf32, #tpu.memory_space<vmem_shared>>
        tpu.wait_dma2 semaphore(%run_scoped3A : memref<!tpu.dma_semaphore, #tpu.memory_space<semaphore_mem>>) src(%dma_wait3A_365 : memref<80x128xf32, #tpu.memory_space<vmem_shared>>) dst(%dma_wait3A_363 : memref<80x128xf32, #tpu.memory_space<hbm>>)
        tpu.yield
      }) : () -> ()
      %mul3A_352 = arith.constant 80 : i32
      %mul3A_353 = arith.muli %add3A_318, %mul3A_352 : i32
      %mul3A_354 = arith.constant 10000 : i32
      %mul3A_355 = arith.muli %arg0, %mul3A_354 : i32
      %mul3A_356 = arith.constant 80 : i32
      %mul3A_357 = arith.muli %add3A_318, %mul3A_356 : i32
      %add3A_358 = arith.addi %mul3A_355, %mul3A_357 : i32
      "tpu.region"() ({
        %run_scoped3A = tpu.sem_alloc : memref<!tpu.dma_semaphore, #tpu.memory_space<semaphore_mem>>
        %dma_start3A = arith.constant 0 : i32
        %dma_start3A_359 = tpu.memref_slice %arg9[%add3A_358, %dma_start3A] : memref<20000x8xf32, #tpu.memory_space<hbm>> -> memref<80x8xf32, #tpu.memory_space<hbm>>
        %dma_start3A_360 = arith.constant 0 : i32
        %dma_start3A_361 = tpu.memref_slice %arg21[%mul3A_353, %dma_start3A_360] : memref<10000x8xf32, #tpu.memory_space<vmem_shared>> -> memref<80x8xf32, #tpu.memory_space<vmem_shared>>
        tpu.enqueue_dma source(%dma_start3A_361 : memref<80x8xf32, #tpu.memory_space<vmem_shared>>) target(%dma_start3A_359 : memref<80x8xf32, #tpu.memory_space<hbm>>) target_semaphore(%run_scoped3A : memref<!tpu.dma_semaphore, #tpu.memory_space<semaphore_mem>>)
        %dma_wait3A_362 = arith.constant 0 : i32
        %dma_wait3A_363 = tpu.memref_slice %arg9[%add3A_358, %dma_wait3A_362] : memref<20000x8xf32, #tpu.memory_space<hbm>> -> memref<80x8xf32, #tpu.memory_space<hbm>>
        %dma_wait3A_364 = arith.constant 0 : i32
        %dma_wait3A_365 = tpu.memref_slice %arg21[%mul3A_353, %dma_wait3A_364] : memref<10000x8xf32, #tpu.memory_space<vmem_shared>> -> memref<80x8xf32, #tpu.memory_space<vmem_shared>>
        tpu.wait_dma2 semaphore(%run_scoped3A : memref<!tpu.dma_semaphore, #tpu.memory_space<semaphore_mem>>) src(%dma_wait3A_365 : memref<80x8xf32, #tpu.memory_space<vmem_shared>>) dst(%dma_wait3A_363 : memref<80x8xf32, #tpu.memory_space<hbm>>)
        tpu.yield
      }) : () -> ()
    } else {
    }
    %add3A_324 = arith.constant 80 : i32
    %add3A_325 = arith.addi %add3A_324, %arg1 : i32
    %lt3A_326 = arith.constant 125 : i32
    %lt3A_327 = arith.cmpi slt, %add3A_325, %lt3A_326 : i32
    %convert_element_type3A_328 = arith.extui %lt3A_327 : i1 to i32
    %cond3A_329 = arith.constant 0 : i32
    %cond3A_330 = arith.cmpi ne, %convert_element_type3A_328, %cond3A_329 : i32
    scf.if %cond3A_330 {
      %mul3A_345 = arith.constant 80 : i32
      %mul3A_346 = arith.muli %add3A_325, %mul3A_345 : i32
      %mul3A_347 = arith.constant 10000 : i32
      %mul3A_348 = arith.muli %arg0, %mul3A_347 : i32
      %mul3A_349 = arith.constant 80 : i32
      %mul3A_350 = arith.muli %add3A_325, %mul3A_349 : i32
      %add3A_351 = arith.addi %mul3A_348, %mul3A_350 : i32
      "tpu.region"() ({
        %run_scoped3A = tpu.sem_alloc : memref<!tpu.dma_semaphore, #tpu.memory_space<semaphore_mem>>
        %dma_start3A = arith.constant 0 : i32
        %dma_start3A_359 = tpu.memref_slice %arg8[%add3A_351, %dma_start3A] : memref<20000x128xf32, #tpu.memory_space<hbm>> -> memref<80x128xf32, #tpu.memory_space<hbm>>
        %dma_start3A_360 = arith.constant 0 : i32
        %dma_start3A_361 = tpu.memref_slice %arg20[%mul3A_346, %dma_start3A_360] : memref<10000x128xf32, #tpu.memory_space<vmem_shared>> -> memref<80x128xf32, #tpu.memory_space<vmem_shared>>
        tpu.enqueue_dma source(%dma_start3A_361 : memref<80x128xf32, #tpu.memory_space<vmem_shared>>) target(%dma_start3A_359 : memref<80x128xf32, #tpu.memory_space<hbm>>) target_semaphore(%run_scoped3A : memref<!tpu.dma_semaphore, #tpu.memory_space<semaphore_mem>>)
        %dma_wait3A_362 = arith.constant 0 : i32
        %dma_wait3A_363 = tpu.memref_slice %arg8[%add3A_351, %dma_wait3A_362] : memref<20000x128xf32, #tpu.memory_space<hbm>> -> memref<80x128xf32, #tpu.memory_space<hbm>>
        %dma_wait3A_364 = arith.constant 0 : i32
        %dma_wait3A_365 = tpu.memref_slice %arg20[%mul3A_346, %dma_wait3A_364] : memref<10000x128xf32, #tpu.memory_space<vmem_shared>> -> memref<80x128xf32, #tpu.memory_space<vmem_shared>>
        tpu.wait_dma2 semaphore(%run_scoped3A : memref<!tpu.dma_semaphore, #tpu.memory_space<semaphore_mem>>) src(%dma_wait3A_365 : memref<80x128xf32, #tpu.memory_space<vmem_shared>>) dst(%dma_wait3A_363 : memref<80x128xf32, #tpu.memory_space<hbm>>)
        tpu.yield
      }) : () -> ()
      %mul3A_352 = arith.constant 80 : i32
      %mul3A_353 = arith.muli %add3A_325, %mul3A_352 : i32
      %mul3A_354 = arith.constant 10000 : i32
      %mul3A_355 = arith.muli %arg0, %mul3A_354 : i32
      %mul3A_356 = arith.constant 80 : i32
      %mul3A_357 = arith.muli %add3A_325, %mul3A_356 : i32
      %add3A_358 = arith.addi %mul3A_355, %mul3A_357 : i32
      "tpu.region"() ({
        %run_scoped3A = tpu.sem_alloc : memref<!tpu.dma_semaphore, #tpu.memory_space<semaphore_mem>>
        %dma_start3A = arith.constant 0 : i32
        %dma_start3A_359 = tpu.memref_slice %arg9[%add3A_358, %dma_start3A] : memref<20000x8xf32, #tpu.memory_space<hbm>> -> memref<80x8xf32, #tpu.memory_space<hbm>>
        %dma_start3A_360 = arith.constant 0 : i32
        %dma_start3A_361 = tpu.memref_slice %arg21[%mul3A_353, %dma_start3A_360] : memref<10000x8xf32, #tpu.memory_space<vmem_shared>> -> memref<80x8xf32, #tpu.memory_space<vmem_shared>>
        tpu.enqueue_dma source(%dma_start3A_361 : memref<80x8xf32, #tpu.memory_space<vmem_shared>>) target(%dma_start3A_359 : memref<80x8xf32, #tpu.memory_space<hbm>>) target_semaphore(%run_scoped3A : memref<!tpu.dma_semaphore, #tpu.memory_space<semaphore_mem>>)
        %dma_wait3A_362 = arith.constant 0 : i32
        %dma_wait3A_363 = tpu.memref_slice %arg9[%add3A_358, %dma_wait3A_362] : memref<20000x8xf32, #tpu.memory_space<hbm>> -> memref<80x8xf32, #tpu.memory_space<hbm>>
        %dma_wait3A_364 = arith.constant 0 : i32
        %dma_wait3A_365 = tpu.memref_slice %arg21[%mul3A_353, %dma_wait3A_364] : memref<10000x8xf32, #tpu.memory_space<vmem_shared>> -> memref<80x8xf32, #tpu.memory_space<vmem_shared>>
        tpu.wait_dma2 semaphore(%run_scoped3A : memref<!tpu.dma_semaphore, #tpu.memory_space<semaphore_mem>>) src(%dma_wait3A_365 : memref<80x8xf32, #tpu.memory_space<vmem_shared>>) dst(%dma_wait3A_363 : memref<80x8xf32, #tpu.memory_space<hbm>>)
        tpu.yield
      }) : () -> ()
    } else {
    }
    %add3A_331 = arith.constant 96 : i32
    %add3A_332 = arith.addi %add3A_331, %arg1 : i32
    %lt3A_333 = arith.constant 125 : i32
    %lt3A_334 = arith.cmpi slt, %add3A_332, %lt3A_333 : i32
    %convert_element_type3A_335 = arith.extui %lt3A_334 : i1 to i32
    %cond3A_336 = arith.constant 0 : i32
    %cond3A_337 = arith.cmpi ne, %convert_element_type3A_335, %cond3A_336 : i32
    scf.if %cond3A_337 {
      %mul3A_345 = arith.constant 80 : i32
      %mul3A_346 = arith.muli %add3A_332, %mul3A_345 : i32
      %mul3A_347 = arith.constant 10000 : i32
      %mul3A_348 = arith.muli %arg0, %mul3A_347 : i32
      %mul3A_349 = arith.constant 80 : i32
      %mul3A_350 = arith.muli %add3A_332, %mul3A_349 : i32
      %add3A_351 = arith.addi %mul3A_348, %mul3A_350 : i32
      "tpu.region"() ({
        %run_scoped3A = tpu.sem_alloc : memref<!tpu.dma_semaphore, #tpu.memory_space<semaphore_mem>>
        %dma_start3A = arith.constant 0 : i32
        %dma_start3A_359 = tpu.memref_slice %arg8[%add3A_351, %dma_start3A] : memref<20000x128xf32, #tpu.memory_space<hbm>> -> memref<80x128xf32, #tpu.memory_space<hbm>>
        %dma_start3A_360 = arith.constant 0 : i32
        %dma_start3A_361 = tpu.memref_slice %arg20[%mul3A_346, %dma_start3A_360] : memref<10000x128xf32, #tpu.memory_space<vmem_shared>> -> memref<80x128xf32, #tpu.memory_space<vmem_shared>>
        tpu.enqueue_dma source(%dma_start3A_361 : memref<80x128xf32, #tpu.memory_space<vmem_shared>>) target(%dma_start3A_359 : memref<80x128xf32, #tpu.memory_space<hbm>>) target_semaphore(%run_scoped3A : memref<!tpu.dma_semaphore, #tpu.memory_space<semaphore_mem>>)
        %dma_wait3A_362 = arith.constant 0 : i32
        %dma_wait3A_363 = tpu.memref_slice %arg8[%add3A_351, %dma_wait3A_362] : memref<20000x128xf32, #tpu.memory_space<hbm>> -> memref<80x128xf32, #tpu.memory_space<hbm>>
        %dma_wait3A_364 = arith.constant 0 : i32
        %dma_wait3A_365 = tpu.memref_slice %arg20[%mul3A_346, %dma_wait3A_364] : memref<10000x128xf32, #tpu.memory_space<vmem_shared>> -> memref<80x128xf32, #tpu.memory_space<vmem_shared>>
        tpu.wait_dma2 semaphore(%run_scoped3A : memref<!tpu.dma_semaphore, #tpu.memory_space<semaphore_mem>>) src(%dma_wait3A_365 : memref<80x128xf32, #tpu.memory_space<vmem_shared>>) dst(%dma_wait3A_363 : memref<80x128xf32, #tpu.memory_space<hbm>>)
        tpu.yield
      }) : () -> ()
      %mul3A_352 = arith.constant 80 : i32
      %mul3A_353 = arith.muli %add3A_332, %mul3A_352 : i32
      %mul3A_354 = arith.constant 10000 : i32
      %mul3A_355 = arith.muli %arg0, %mul3A_354 : i32
      %mul3A_356 = arith.constant 80 : i32
      %mul3A_357 = arith.muli %add3A_332, %mul3A_356 : i32
      %add3A_358 = arith.addi %mul3A_355, %mul3A_357 : i32
      "tpu.region"() ({
        %run_scoped3A = tpu.sem_alloc : memref<!tpu.dma_semaphore, #tpu.memory_space<semaphore_mem>>
        %dma_start3A = arith.constant 0 : i32
        %dma_start3A_359 = tpu.memref_slice %arg9[%add3A_358, %dma_start3A] : memref<20000x8xf32, #tpu.memory_space<hbm>> -> memref<80x8xf32, #tpu.memory_space<hbm>>
        %dma_start3A_360 = arith.constant 0 : i32
        %dma_start3A_361 = tpu.memref_slice %arg21[%mul3A_353, %dma_start3A_360] : memref<10000x8xf32, #tpu.memory_space<vmem_shared>> -> memref<80x8xf32, #tpu.memory_space<vmem_shared>>
        tpu.enqueue_dma source(%dma_start3A_361 : memref<80x8xf32, #tpu.memory_space<vmem_shared>>) target(%dma_start3A_359 : memref<80x8xf32, #tpu.memory_space<hbm>>) target_semaphore(%run_scoped3A : memref<!tpu.dma_semaphore, #tpu.memory_space<semaphore_mem>>)
        %dma_wait3A_362 = arith.constant 0 : i32
        %dma_wait3A_363 = tpu.memref_slice %arg9[%add3A_358, %dma_wait3A_362] : memref<20000x8xf32, #tpu.memory_space<hbm>> -> memref<80x8xf32, #tpu.memory_space<hbm>>
        %dma_wait3A_364 = arith.constant 0 : i32
        %dma_wait3A_365 = tpu.memref_slice %arg21[%mul3A_353, %dma_wait3A_364] : memref<10000x8xf32, #tpu.memory_space<vmem_shared>> -> memref<80x8xf32, #tpu.memory_space<vmem_shared>>
        tpu.wait_dma2 semaphore(%run_scoped3A : memref<!tpu.dma_semaphore, #tpu.memory_space<semaphore_mem>>) src(%dma_wait3A_365 : memref<80x8xf32, #tpu.memory_space<vmem_shared>>) dst(%dma_wait3A_363 : memref<80x8xf32, #tpu.memory_space<hbm>>)
        tpu.yield
      }) : () -> ()
    } else {
    }
    %add3A_338 = arith.constant 112 : i32
    %add3A_339 = arith.addi %add3A_338, %arg1 : i32
    %lt3A_340 = arith.constant 125 : i32
    %lt3A_341 = arith.cmpi slt, %add3A_339, %lt3A_340 : i32
    %convert_element_type3A_342 = arith.extui %lt3A_341 : i1 to i32
    %cond3A_343 = arith.constant 0 : i32
    %cond3A_344 = arith.cmpi ne, %convert_element_type3A_342, %cond3A_343 : i32
    scf.if %cond3A_344 {
      %mul3A_345 = arith.constant 80 : i32
      %mul3A_346 = arith.muli %add3A_339, %mul3A_345 : i32
      %mul3A_347 = arith.constant 10000 : i32
      %mul3A_348 = arith.muli %arg0, %mul3A_347 : i32
      %mul3A_349 = arith.constant 80 : i32
      %mul3A_350 = arith.muli %add3A_339, %mul3A_349 : i32
      %add3A_351 = arith.addi %mul3A_348, %mul3A_350 : i32
      "tpu.region"() ({
        %run_scoped3A = tpu.sem_alloc : memref<!tpu.dma_semaphore, #tpu.memory_space<semaphore_mem>>
        %dma_start3A = arith.constant 0 : i32
        %dma_start3A_359 = tpu.memref_slice %arg8[%add3A_351, %dma_start3A] : memref<20000x128xf32, #tpu.memory_space<hbm>> -> memref<80x128xf32, #tpu.memory_space<hbm>>
        %dma_start3A_360 = arith.constant 0 : i32
        %dma_start3A_361 = tpu.memref_slice %arg20[%mul3A_346, %dma_start3A_360] : memref<10000x128xf32, #tpu.memory_space<vmem_shared>> -> memref<80x128xf32, #tpu.memory_space<vmem_shared>>
        tpu.enqueue_dma source(%dma_start3A_361 : memref<80x128xf32, #tpu.memory_space<vmem_shared>>) target(%dma_start3A_359 : memref<80x128xf32, #tpu.memory_space<hbm>>) target_semaphore(%run_scoped3A : memref<!tpu.dma_semaphore, #tpu.memory_space<semaphore_mem>>)
        %dma_wait3A_362 = arith.constant 0 : i32
        %dma_wait3A_363 = tpu.memref_slice %arg8[%add3A_351, %dma_wait3A_362] : memref<20000x128xf32, #tpu.memory_space<hbm>> -> memref<80x128xf32, #tpu.memory_space<hbm>>
        %dma_wait3A_364 = arith.constant 0 : i32
        %dma_wait3A_365 = tpu.memref_slice %arg20[%mul3A_346, %dma_wait3A_364] : memref<10000x128xf32, #tpu.memory_space<vmem_shared>> -> memref<80x128xf32, #tpu.memory_space<vmem_shared>>
        tpu.wait_dma2 semaphore(%run_scoped3A : memref<!tpu.dma_semaphore, #tpu.memory_space<semaphore_mem>>) src(%dma_wait3A_365 : memref<80x128xf32, #tpu.memory_space<vmem_shared>>) dst(%dma_wait3A_363 : memref<80x128xf32, #tpu.memory_space<hbm>>)
        tpu.yield
      }) : () -> ()
      %mul3A_352 = arith.constant 80 : i32
      %mul3A_353 = arith.muli %add3A_339, %mul3A_352 : i32
      %mul3A_354 = arith.constant 10000 : i32
      %mul3A_355 = arith.muli %arg0, %mul3A_354 : i32
      %mul3A_356 = arith.constant 80 : i32
      %mul3A_357 = arith.muli %add3A_339, %mul3A_356 : i32
      %add3A_358 = arith.addi %mul3A_355, %mul3A_357 : i32
      "tpu.region"() ({
        %run_scoped3A = tpu.sem_alloc : memref<!tpu.dma_semaphore, #tpu.memory_space<semaphore_mem>>
        %dma_start3A = arith.constant 0 : i32
        %dma_start3A_359 = tpu.memref_slice %arg9[%add3A_358, %dma_start3A] : memref<20000x8xf32, #tpu.memory_space<hbm>> -> memref<80x8xf32, #tpu.memory_space<hbm>>
        %dma_start3A_360 = arith.constant 0 : i32
        %dma_start3A_361 = tpu.memref_slice %arg21[%mul3A_353, %dma_start3A_360] : memref<10000x8xf32, #tpu.memory_space<vmem_shared>> -> memref<80x8xf32, #tpu.memory_space<vmem_shared>>
        tpu.enqueue_dma source(%dma_start3A_361 : memref<80x8xf32, #tpu.memory_space<vmem_shared>>) target(%dma_start3A_359 : memref<80x8xf32, #tpu.memory_space<hbm>>) target_semaphore(%run_scoped3A : memref<!tpu.dma_semaphore, #tpu.memory_space<semaphore_mem>>)
        %dma_wait3A_362 = arith.constant 0 : i32
        %dma_wait3A_363 = tpu.memref_slice %arg9[%add3A_358, %dma_wait3A_362] : memref<20000x8xf32, #tpu.memory_space<hbm>> -> memref<80x8xf32, #tpu.memory_space<hbm>>
        %dma_wait3A_364 = arith.constant 0 : i32
        %dma_wait3A_365 = tpu.memref_slice %arg21[%mul3A_353, %dma_wait3A_364] : memref<10000x8xf32, #tpu.memory_space<vmem_shared>> -> memref<80x8xf32, #tpu.memory_space<vmem_shared>>
        tpu.wait_dma2 semaphore(%run_scoped3A : memref<!tpu.dma_semaphore, #tpu.memory_space<semaphore_mem>>) src(%dma_wait3A_365 : memref<80x8xf32, #tpu.memory_space<vmem_shared>>) dst(%dma_wait3A_363 : memref<80x8xf32, #tpu.memory_space<hbm>>)
        tpu.yield
      }) : () -> ()
    } else {
    }
    return
  }
}

module attributes {stable_mosaic.version = 14 : i64} {
  func.func @_pre_body(%arg0: memref<10000x128xf32, #tpu.memory_space<vmem>>, %arg1: memref<1x128xf32, #tpu.memory_space<vmem>>, %arg2: memref<10000x1xf32, #tpu.memory_space<vmem>>) attributes {dimension_semantics = [], scalar_prefetch = 0 : i64, scratch_operands = 0 : i64, tpu.core_type = #tpu.core_type<tc>} {
    %get3A = arith.constant 0 : index
    %get3A_0 = arith.constant 0 : index
    %get3A_1 = vector.load %arg0[%get3A, %get3A_0] : memref<10000x128xf32, #tpu.memory_space<vmem>>, vector<10000x128xf32>
    %get3A_2 = arith.constant 0 : index
    %get3A_3 = arith.constant 0 : index
    %get3A_4 = vector.load %arg1[%get3A_2, %get3A_3] : memref<1x128xf32, #tpu.memory_space<vmem>>, vector<1x128xf32>
    %mul3A = vector.broadcast %get3A_4 : vector<1x128xf32> to vector<10000x128xf32>
    %mul3A_5 = arith.mulf %get3A_1, %mul3A : vector<10000x128xf32>
    %reduce_sum3A = arith.constant dense<0.000000e+00> : vector<10000xf32>
    %reduce_sum3A_6 = vector.multi_reduction <add>, %mul3A_5, %reduce_sum3A [1] : vector<10000x128xf32> to vector<10000xf32>
    %broadcast_in_dim3A = vector.shape_cast %reduce_sum3A_6 : vector<10000xf32> to vector<10000x1xf32>
    %swap3A = arith.constant 0 : index
    %swap3A_7 = arith.constant 0 : index
    %swap3A_8 = vector.load %arg2[%swap3A, %swap3A_7] : memref<10000x1xf32, #tpu.memory_space<vmem>>, vector<10000x1xf32>
    tpu.vector_store %arg2[%swap3A, %swap3A_7], %broadcast_in_dim3A {strides = array<i32>} : memref<10000x1xf32, #tpu.memory_space<vmem>>, vector<10000x1xf32>,
    return
  }
}

module attributes {stable_mosaic.version = 14 : i64} {
  func.func @_post_body(%arg0: memref<2x10000x128xf32, #tpu.memory_space<vmem>>, %arg1: memref<2x10000x8xf32, #tpu.memory_space<vmem>>, %arg2: memref<10000x128xf32, #tpu.memory_space<vmem>>) attributes {dimension_semantics = [], scalar_prefetch = 0 : i64, scratch_operands = 0 : i64, tpu.core_type = #tpu.core_type<tc>} {
    %get3A = arith.constant 0 : index
    %get3A_0 = arith.constant 0 : index
    %get3A_1 = arith.constant 0 : index
    %get3A_2 = vector.load %arg0[%get3A, %get3A_0, %get3A_1] : memref<2x10000x128xf32, #tpu.memory_space<vmem>>, vector<1x10000x128xf32>
    %get3A_3 = vector.shape_cast %get3A_2 : vector<1x10000x128xf32> to vector<10000x128xf32>
    %get3A_4 = arith.constant 1 : index
    %get3A_5 = arith.constant 0 : index
    %get3A_6 = arith.constant 0 : index
    %get3A_7 = vector.load %arg0[%get3A_4, %get3A_5, %get3A_6] : memref<2x10000x128xf32, #tpu.memory_space<vmem>>, vector<1x10000x128xf32>
    %get3A_8 = vector.shape_cast %get3A_7 : vector<1x10000x128xf32> to vector<10000x128xf32>
    %add3A = arith.addf %get3A_3, %get3A_8 : vector<10000x128xf32>
    %get3A_9 = arith.constant 0 : index
    %get3A_10 = arith.constant 0 : index
    %get3A_11 = arith.constant 0 : index
    %get3A_12 = vector.load %arg1[%get3A_9, %get3A_10, %get3A_11] : memref<2x10000x8xf32, #tpu.memory_space<vmem>>, vector<1x10000x1xf32>
    %get3A_13 = vector.shape_cast %get3A_12 : vector<1x10000x1xf32> to vector<10000x1xf32>
    %get3A_14 = arith.constant 1 : index
    %get3A_15 = arith.constant 0 : index
    %get3A_16 = arith.constant 0 : index
    %get3A_17 = vector.load %arg1[%get3A_14, %get3A_15, %get3A_16] : memref<2x10000x8xf32, #tpu.memory_space<vmem>>, vector<1x10000x1xf32>
    %get3A_18 = vector.shape_cast %get3A_17 : vector<1x10000x1xf32> to vector<10000x1xf32>
    %add3A_19 = arith.addf %get3A_13, %get3A_18 : vector<10000x1xf32>
    %gt3A = arith.constant 0.000000e+00 : f32
    %gt3A_20 = vector.broadcast %gt3A : f32 to vector<10000x1xf32>
    %gt3A_21 = arith.cmpf ogt, %add3A_19, %gt3A_20 : vector<10000x1xf32>
    %div3A = vector.broadcast %add3A_19 : vector<10000x1xf32> to vector<10000x128xf32>
    %div3A_22 = arith.divf %add3A, %div3A : vector<10000x128xf32>
    %jit3A = arith.constant 0.000000e+00 : f32
    %broadcast_in_dim3A = vector.shape_cast %gt3A_21 : vector<10000x1xi1> to vector<10000x1xi1>
    %broadcast_in_dim3A_23 = vector.broadcast %broadcast_in_dim3A : vector<10000x1xi1> to vector<10000x128xi1>
    %broadcast_in_dim3A_24 = vector.broadcast %jit3A : f32 to vector<10000x128xf32>
    %select_n3A = arith.select %broadcast_in_dim3A_23, %div3A_22, %broadcast_in_dim3A_24 : vector<10000x128xi1>, vector<10000x128xf32>
    %swap3A = arith.constant 0 : index
    %swap3A_25 = arith.constant 0 : index
    %swap3A_26 = vector.load %arg2[%swap3A, %swap3A_25] : memref<10000x128xf32, #tpu.memory_space<vmem>>, vector<10000x128xf32>
    tpu.vector_store %arg2[%swap3A, %swap3A_25], %select_n3A {strides = array<i32>} : memref<10000x128xf32, #tpu.memory_space<vmem>>, vector<10000x128xf32>,
    return
  }
}

</mosaic_0001>

<sc_bundles>
// kernel: kernel.5.cloned.1.call-start
scs
__scs_entry_jumppad:
0x0: {  	(pc) =	sbr.rel $0x88, $3  }
0x1: {  	(tag) =	ssettag $0x0;
	lr =	simm.s32 $0x1  }
0x2: {  	[smem:$0x3F9D] =	sst lr;
	_ =	strace $0xD0000000  }
0x3: {  	_ = 	snop  }
0x4: {  	_ = 	snop  }
0x5: {  	_ = 	snop  }
0x6: {  	_ = 	snop  }
0x7: {  	_ = 	snop  }
__scs_overlays_trampoline_lowered:
0x8: {  	[smem:$0x3FAC] =	sst s0  }
0x9: {  	[smem:$0x3FAD] =	sst s1  }
0xa: {  	[smem:$0x3FAE] =	sst s2  }
0xb: {  	[smem:$0x3FAF] =	sst s3  }
0xc: {  	[smem:$0x3FB0] =	sst s4  }
0xd: {  	[smem:$0x3FB1] =	sst s5  }
0xe: {  	[smem:$0x3FB2] =	sst s6  }
0xf: {  	[smem:$0x3FB3] =	sst s7  }
0x10: {  	[smem:$0x3FB4] =	sst s8  }
0x11: {  	[smem:$0x3FB5] =	sst s9;
	s0 =	simm.s32 @!p0 $0x0  }
0x12: {  	s1 =	sld [smem:$0x3F9B];
	s0 =	simm.s32 @p0 $0x1  }
0x13: {  	[smem:$0x3FB6] =	sst s0;
	s0 =	simm.s32 @!p1 $0x0  }
0x14: {  	s2 =	sld [smem:$0x3F9A];
	s0 =	simm.s32 @p1 $0x1  }
0x15: {  	[smem:$0x3FB7] =	sst s0;
	s0 =	simm.s32 @!p2 $0x0  }
0x16: {  	s3 =	sld [smem:$0x3FDB];
	s0 =	simm.s32 @p2 $0x1  }
0x17: {  	s4 =	simm.s32 $0x1BF5;
	[smem:$0x3FB9] =	sst s0  }
0x18: {  	s0 =	sld [smem:$0x3F9C];
	_ =	swait.ge [sflag:s4], $0x0  }
0x19: {  	s7 =	sld [smem:$0x3F9D]  }
0x1a: {  	s8 =	sadd.s32 $0xFFFFE003, lr  }
0x1b: {  	s9 =	sadd.s32 $0xFFFFFEF7, lr;
	s5 =	simm.s32 $0xFFFFFFFF;
	p2 =	slt.u32 s8, $0xFFFFF086  }
0x1c: {  	p1 =	slt.u32 s9, $0xF7A;
	s5 =	simm.s32 @!p2 $0x0  }
0x1d: {  	s5 =	simm.s32 @p1 $0x1;
	p0 =	seq.s32 s7, s2  }
0x1e: {  	s7 =	smul.u32 @!p0 $0xF7A, s2;
	p2 =	seq.s32 @!p0 s5, $0x0  }
0x1f: {  	s9 =	smul.u32 $0xF7A, s1;
	s8 =	simm.s32 @!p0 $0x1BF5;
	p2 =	por !p2, p0  }
0x20: {  	[sflag:s8] =	ssyncset.s32 @!p0 $0xFFFFF086;
	s6 =	sadd.s32 @!p0 s3, s7;
	s7 =	simm.s32 @!p0 $0x108  }
0x21: {  	s3 =	sadd.s32 s3, s9;
	s6 =	sadd.s32 @!p0 $0x88, s6;
	s7 =	simm.s32 @p2 $0x1082  }
0x22: {  	[simem:s7], [sflag:s8] =	dma.local @!p0 [hbm:s6], $0xF7A  }
0x23: {  	s9 =	sor.u32 $0xD0000000, s2;
	s6 =	simm.s32 $0x108;
	_ =	swait.ge @!p0 [sflag:s8], $0x0  }
0x24: {  	s3 =	sadd.s32 $0x88, s3;
	s6 =	simm.s32 @!p1 $0x1082;
	[sflag:s4] =	ssyncset.s32 $0xFFFFF086  }
0x25: {  	[simem:s6], [sflag:s4] =	dma.local [hbm:s3], $0xF7A  }
0x26: {  	[smem:$0x3F9D] =	sst s1;
	(tag) =	ssettag s2;
	_ =	strace s9  }
0x27: {  	s1 =	sld [smem:$0x3FAD]  }
0x28: {  	s2 =	sld [smem:$0x3FAE]  }
0x29: {  	s4 =	sld [smem:$0x3FB0]  }
0x2a: {  	p0 =	seq.s32 s5, $0x0;
	s5 =	sld [smem:$0x3FB1]  }
0x2b: {  	s6 =	sld [smem:$0x3FB2]  }
0x2c: {  	s7 =	sld [smem:$0x3FB3]  }
0x2d: {  	s3 =	simm.s32 $0x108;
	s8 =	sld [smem:$0x3FB4]  }
0x2e: {  	s3 =	simm.s32 @!p0 $0x1082;
	s9 =	sld [smem:$0x3FB5]  }
0x2f: {  	lr =	sadd.s32 s0, s3;
	s0 =	sld [smem:$0x3FAC]  }
0x30: {  	s3 =	sld [smem:$0x3FAF]  }
0x31: {  	[smem:$0x3FB8] =	sst s10  }
0x32: {  	s10 =	sld [smem:$0x3FB6];
	_ =	sdelay $0x3  }
0x33: {  	p0 =	seq.s32 s10, $0x1;
	s10 =	sld [smem:$0x3FB8];
	_ =	sdelay $0x3  }
0x34: {  	[smem:$0x3FB8] =	sst s10  }
0x35: {  	s10 =	sld [smem:$0x3FB7];
	_ =	sdelay $0x3  }
0x36: {  	p1 =	seq.s32 s10, $0x1;
	s10 =	sld [smem:$0x3FB8];
	_ =	sdelay $0x3  }
0x37: {  	[smem:$0x3FB8] =	sst s10  }
0x38: {  	s10 =	sld [smem:$0x3FB9]  }
0x39: {  	_ = 	snop;
	(pc) =	sbr.ind lr, $3  }
0x3a: {  	_ = 	snop  }
0x3b: {  	_ = 	snop  }
0x3c: {  	p2 =	seq.s32 s10, $0x1;
	s10 =	sld [smem:$0x3FB8]  }
0x3d: {  	_ =	shalt  }
0x3e: {  	_ =	shalt  }
0x3f: {  	_ =	shalt  }
0x40: {  	_ =	shalt  }
0x41: {  	_ =	shalt  }
0x42: {  	_ =	shalt  }
0x43: {  	_ =	shalt  }
0x44: {  	_ =	shalt  }
0x45: {  	_ =	shalt  }
0x46: {  	_ =	shalt  }
0x47: {  	_ =	shalt  }
0x48: {  	_ =	shalt  }
0x49: {  	_ =	shalt  }
0x4a: {  	_ =	shalt  }
0x4b: {  	_ =	shalt  }
0x4c: {  	_ =	shalt  }
0x4d: {  	_ =	shalt  }
0x4e: {  	_ =	shalt  }
0x4f: {  	_ =	shalt  }
0x50: {  	_ =	shalt  }
0x51: {  	_ =	shalt  }
0x52: {  	_ =	shalt  }
0x53: {  	_ =	shalt  }
0x54: {  	_ =	shalt  }
0x55: {  	_ =	shalt  }
0x56: {  	_ =	shalt  }
0x57: {  	_ =	shalt  }
0x58: {  	_ =	shalt  }
0x59: {  	_ =	shalt  }
0x5a: {  	_ =	shalt  }
0x5b: {  	_ =	shalt  }
0x5c: {  	_ =	shalt  }
0x5d: {  	_ =	shalt  }
0x5e: {  	_ =	shalt  }
0x5f: {  	_ =	shalt  }
0x60: {  	_ =	shalt  }
0x61: {  	_ =	shalt  }
0x62: {  	_ =	shalt  }
0x63: {  	_ =	shalt  }
0x64: {  	_ =	shalt  }
0x65: {  	_ =	shalt  }
0x66: {  	_ =	shalt  }
0x67: {  	_ =	shalt  }
0x68: {  	_ =	shalt  }
0x69: {  	_ =	shalt  }
0x6a: {  	_ =	shalt  }
0x6b: {  	_ =	shalt  }
0x6c: {  	_ =	shalt  }
0x6d: {  	_ =	shalt  }
0x6e: {  	_ =	shalt  }
0x6f: {  	_ =	shalt  }
0x70: {  	_ =	shalt  }
0x71: {  	_ =	shalt  }
0x72: {  	_ =	shalt  }
0x73: {  	_ =	shalt  }
0x74: {  	_ =	shalt  }
0x75: {  	_ =	shalt  }
0x76: {  	_ =	shalt  }
0x77: {  	_ =	shalt  }
0x78: {  	_ =	shalt  }
0x79: {  	_ =	shalt  }
0x7a: {  	_ =	shalt  }
0x7b: {  	_ =	shalt  }
0x7c: {  	_ =	shalt  }
0x7d: {  	_ =	shalt  }
0x7e: {  	_ =	shalt  }
0x7f: {  	_ =	shalt  }
0x80: {  	_ =	shalt  }
0x81: {  	_ =	shalt  }
0x82: {  	_ =	shalt  }
0x83: {  	_ =	shalt  }
0x84: {  	_ =	shalt  }
0x85: {  	_ =	shalt  }
0x86: {  	_ =	shalt  }
0x87: {  	_ =	shalt  }
.Lfunc_end0:
.L_simem_size_0:
called_computation_lowered:
.L_overlay_start_0:
0x88: {  	s2 =	sld [smem:$0x3FD9]  }
0x89: {  	s3 =	sld [smem:$0x3FFE];
	_ =	sdelay $0x1  }
0x8a: {  	s1 =	srdreg.scid  }
0x8b: {  	s0 =	sand.u32 $0x1, s1  }
0x8c: {  	s17 =	sshll.u32 s0, $0xA;
	s2 =	sadd.s32 s3, s2  }
0x8d: {  	s2 =	sadd.s32 s2, s17  }
0x8e: {  	[smem:$0x3FC4] =	sst s2  }
0x8f: {  	_ = 	snop  }
0x90: {  	s2 =	sld [smem:$0x3FC9]  }
0x91: {  	s18 =	sld [smem:$0x3FC7]  }
0x92: {  	s4 =	sld [smem:$0x3FD0];
	(tm) =	ssettm $0x1  }
0x93: {  	s5 =	sld [smem:$0x3FFB];
	_ =	sdelay $0x3  }
0x94: {  	_ =	strace s5  }
0x95: {  	s5 =	sld [smem:$0x3FFC];
	_ =	sdelay $0x3  }
0x96: {  	_ =	strace s5  }
0x97: {  	s5 =	sld [smem:$0x3FFD];
	_ =	sdelay $0x3  }
0x98: {  	_ =	strace s5  }
0x99: {  	_ =	strace $0x8FFFFFFF  }
0x9a: {  	s19 =	sld [smem:$0x3FDB];
	_ =	sdelay $0x1  }
0x9b: {  	s6 =	simm.s32 $_scs_section_size  }
0x9c: {  	s7 =	simm.s32 $_size__tile_overlayer_lowered;
	s8 =	simm.s32 $_tile_overlayer_lowered  }
0x9d: {  	s22 =	simm.s32 $0x1BFF;
	s21 =	sshll.u32 s8, $0x1;
	s5 =	sadd.s32 s6, s19  }
0x9e: {  	s9 =	simm.s32 $0x0;
	s20 =	sshll.u32 s7, $0x1;
	s7 =	sadd.s32 s21, s5  }
0x9f: {  	[timem:s9], [sflag:s22] =	dma.local [hbm:s7], s20  }
0xa0: {  	_ =	swait.ge [sflag:s22], s20  }
0xa1: {  	s6 =	ssub.s32 $0x0, s20;
	[sflag:s22] =	ssyncset.done $0x0  }
0xa2: {  	[sflag:s22] =	ssyncadd.s32 s6;
	_ =	sdelay $0x1  }
0xa3: {  	s23 =	simm.s32 $0x1B8B  }
0xa4: {  	_ =	swait.ge [sflag:s23], $0x1  }
0xa5: {  	[sflag:s23] =	ssyncset.done $0x0  }
0xa6: {  	s25 =	simm.s32 $0x1B8E;
	s24 =	sld [smem:$0x3FFE];
	[sflag:s23] =	ssyncadd.s32 $0xFFFFFFFF  }
0xa7: {  	s26 =	simm.s32 $execute0_lowered;
	[smem:$0x3FD2] =	sst s25  }
0xa8: {  	s7 =	sshll.u32 s26, $0x1;
	_ =	strace $0x80000046;
	[dreg:$0x1] =	wrdreg $0xFFFFFFFF  }
0xa9: {  	s28 =	simm.s32 $_size_execute0_lowered;
	s5 =	sadd.s32 s5, s7;
	[dreg:$0x0] =	wrdreg $0x0  }
0xaa: {  	s7 =	sshll.u32 s28, $0x1;
	[dreg:$0x2] =	wrdreg s5  }
0xab: {  	[dreg:$0x3] =	wrdreg s7  }
0xac: {  	[dreg:$0x4] =	wrdreg $0xC0  }
0xad: {  	_ =	task [dreg:s9], $0x5FFFF  }
0xae: {  	[dreg:$0x1] =	wrdreg $0xFFFFFFFF  }
0xaf: {  	[dreg:$0x0] =	wrdreg $0x60  }
0xb0: {  	[dreg:$0x2] =	wrdreg s2  }
0xb1: {  	[dreg:$0x3] =	wrdreg s24  }
0xb2: {  	[dreg:$0x4] =	wrdreg s4  }
0xb3: {  	[dreg:$0x5] =	wrdreg s18  }
0xb4: {  	[dreg:$0x6] =	wrdreg $0xA3500  }
0xb5: {  	[dreg:$0x7] =	wrdreg $0x1DBD00  }
0xb6: {  	[dreg:$0x8] =	wrdreg $0x9  }
0xb7: {  	_ =	task.clear_ibuf [dreg:s9], $0x9FFFF;
	_ =	strace $0x90000046  }
0xb8: {  	s29 =	simm.s32 $0x9;
	_ =	strace $0x80000048  }
0xb9: {  	_ =	swait.ge [sflag:s29], $0x1  }
0xba: {  	[sflag:s29] =	ssyncadd.s32 $0xFFFFFFFF  }
0xbb: {  	_ =	strace $0x90000048  }
0xbc: {  	_ =	sfence  }
0xbd: {  	s30 =	sld [smem:$0x0];
	_ =	sdelay $0x2  }
0xbe: {  	s31 =	sshll.u32 s1, $0xD;
	s1 =	sshrl.u32 s1, $0x2  }
0xbf: {  	s3 =	sand.u32 $0x4000, s31;
	s1 =	sadd.s32 s1, s30  }
0xc0: {  	s0 =	sor.u32 s3, s0;
	s1 =	sshll.u32 s1, $0x11  }
0xc1: {  	s0 =	sor.u32 s1, s0  }
0xc2: {  	s0 =	sadd.s32 $0x8F2B, s0  }
0xc3: {  	[sflag:s0] =	ssyncadd.remote.s32 $0x1  }
0xc4: {  	_ =	sfence.sel $0xFFFF  }
0xc5: {  	[dreg:$0x0] =	wrdreg $0xFFFFFFFF;
	(pc) =	sbr.abs _section_cstart, $3  }
0xc6: {  	[dreg:$0x1] =	wrdreg $0xFFFFFFFF  }
0xc7: {  	_ =	task.clear_ibuf [dreg:s9], $0x2FFFF;
	_ =	strace $0x9FFFFFFF  }
0xc8: {  	(tm) =	ssettm $0x7FFFFFFF  }
0xc9: {  	_ =	shalt  }
tec
execute0_lowered:
.L_overlay_start_1:
0x0: {  	(tag) =	ssettag $0x1  }
0x1: {  	s0 =	srdreg.scid;
	s24 =	stileid.u32  }
0x2: {  	s25 =	rddreg [dreg:$0x1];
	s2 =	sand.u32 $0x1, s0;
	s17 =	smul.u32 $0x50, s24  }
0x3: {  	s8 =	sadd.s32 $0xF600, s25;
	s10 =	sor.u32 $0x10, s24;
	s9 =	smul.u32 $0x2710, s2  }
0x4: {  	s3 =	sshll.u32 s24, $0x1;
	s7 =	sor.u32 $0x20, s24;
	s11 =	smul.u32 $0x50, s10  }
0x5: {  	s6 =	sor.u32 $0x30, s24;
	s0 =	ssub.s32 $0x2, s2;
	s14 =	smul.u32 $0x50, s7  }
0x6: {  	s5 =	sor.u32 $0x40, s24;
	s18 =	smul.u32 $0x50, s6;
	s1 =	sshrl.u32 s0, $0x1  }
0x7: {  	s4 =	sor.u32 $0x50, s24;
	s19 =	smul.u32 $0x50, s5;
	s0 =	ssub.s32 s0, s1  }
0x8: {  	s1 =	sor.u32 s2, s3;
	s3 =	sor.u32 $0x60, s24;
	s12 =	sadd.s32 s17, s9  }
0x9: {  	s2 =	sor.u32 $0x70, s24;
	s16 =	sadd.s32 s9, s14;
	s17 =	smul.u32 $0x50, s4  }
0xa: {  	s19 =	sadd.s32 s9, s19;
	s13 =	sshll.u32 s12, $0x4;
	s20 =	sshll.u32 s16, $0x4  }
0xb: {  	s21 =	smul.u32 $0x50, s3;
	s23 =	sshll.u32 s19, $0x4;
	s13 =	sadd.s32 s8, s13  }
0xc: {  	s14 =	sadd.s32 s8, s23;
	[dreg:$0x7] =	wrdreg s13;
	s13 =	sadd.s32 s9, s11  }
0xd: {  	s22 =	smul.u32 $0x50, s2;
	[dreg:$0xb] =	wrdreg s14;
	s15 =	sshll.u32 s13, $0x4  }
0xe: {  	s21 =	sadd.s32 s9, s21;
	s11 =	rddreg [dreg:$0x0];
	s15 =	sadd.s32 s8, s15  }
0xf: {  	[dreg:$0x8] =	wrdreg s15;
	s15 =	sadd.s32 s8, s20;
	s20 =	sadd.s32 s9, s17  }
0x10: {  	s22 =	sadd.s32 s9, s22;
	s14 =	rddreg [dreg:$0x2];
	s26 =	sshll.u32 s20, $0x4  }
0x11: {  	[dreg:$0x9] =	wrdreg s15;
	s15 =	sadd.s32 s9, s18;
	s9 =	sadd.s32 s8, s26  }
0x12: {  	s17 =	sshll.u32 s21, $0x4;
	s18 =	sshll.u32 s15, $0x4;
	[dreg:$0xc] =	wrdreg s9  }
0x13: {  	s18 =	sadd.s32 s8, s18;
	s9 =	sadd.s32 s8, s17;
	s17 =	rddreg [dreg:$0x3]  }
0x14: {  	[dreg:$0xa] =	wrdreg s18  }
0x15: {  	[dreg:$0xd] =	wrdreg s9;
	s9 =	simm.s32 $0x0;
	s18 =	sshll.u32 s22, $0x4  }
0x16: {  	s8 =	sadd.s32 s8, s18;
	[smem:$0x7FF] =	sst s9;
	s18 =	sadd.s32 $0xA600, s25  }
0x17: {  	[dreg:$0xe] =	wrdreg s8;
	s12 =	sadd.s32 s18, s12  }
0x18: {  	s26 =	sadd.s32 s18, s16;
	s16 =	sadd.s32 s18, s20;
	s20 =	rddreg [dreg:$0x4]  }
0x19: {  	s23 =	sadd.s32 s18, s13;
	[dreg:$0xf] =	wrdreg s12  }
0x1a: {  	[dreg:$0x10] =	wrdreg s23  }
0x1b: {  	v0 =	vlaneseq.u32;
	s13 =	sadd.s32 s18, s15;
	[dreg:$0x11] =	wrdreg s26  }
0x1c: {  	v5 =	vmul.u32 $0x8, v0;
	s15 =	sadd.s32 s18, s19;
	[dreg:$0x12] =	wrdreg s13  }
0x1d: {  	[dreg:$0x13] =	wrdreg s15  }
0x1e: {  	v1 =	vor.u32 $0x1, v5;
	s19 =	sadd.s32 s18, s21;
	[dreg:$0x14] =	wrdreg s16  }
0x1f: {  	[tilespmem:$0x1FD10] =	vst v1;
	v1 =	vor.u32 $0x2, v5;
	[dreg:$0x15] =	wrdreg s19;
	s26 =	sadd.s32 s18, s22  }
0x20: {  	[tilespmem:$0x1FD20] =	vst v1;
	v1 =	vor.u32 $0x3, v5;
	[dreg:$0x16] =	wrdreg s26  }
0x21: {  	s23 =	rddreg [dreg:$0x5];
	_ =	strace $0x80000047;
	[tilespmem:$0x1FD30] =	vst v1;
	v1 =	vor.u32 $0x4, v5  }
0x22: {  	[tilespmem:$0x1FD40] =	vst v1;
	v1 =	vor.u32 $0x5, v5  }
0x23: {  	[tilespmem:$0x1FD50] =	vst v1;
	v1 =	vor.u32 $0x6, v5  }
0x24: {  	[tilespmem:$0x1FD60] =	vst v1;
	v1 =	vor.u32 $0x7, v5  }
0x25: {  	[tilespmem:$0x1FD70] =	vst v1;
	v1 =	vor.u32 $0x80, v5  }
0x26: {  	[tilespmem:$0x1FD80] =	vst v1;
	v1 =	vor.u32 $0x81, v5  }
0x27: {  	[tilespmem:$0x1FD90] =	vst v1;
	v1 =	vor.u32 $0x82, v5  }
0x28: {  	[tilespmem:$0x1FDA0] =	vst v1;
	v1 =	vor.u32 $0x83, v5  }
0x29: {  	[tilespmem:$0x1FDB0] =	vst v1;
	v1 =	vor.u32 $0x84, v5  }
0x2a: {  	[tilespmem:$0x1FDC0] =	vst v1;
	v1 =	vor.u32 $0x85, v5  }
0x2b: {  	[tilespmem:$0x1FDD0] =	vst v1;
	v1 =	vor.u32 $0x86, v5  }
0x2c: {  	[tilespmem:$0x1FDE0] =	vst v1;
	v1 =	vor.u32 $0x87, v5  }
0x2d: {  	[tilespmem:$0x1FDF0] =	vst v1;
	v1 =	vor.u32 $0x100, v5  }
0x2e: {  	[tilespmem:$0x1FE00] =	vst v1;
	v1 =	vor.u32 $0x101, v5  }
0x2f: {  	[tilespmem:$0x1FE10] =	vst v1;
	v1 =	vor.u32 $0x102, v5  }
0x30: {  	[tilespmem:$0x1FE20] =	vst v1;
	v1 =	vor.u32 $0x103, v5  }
0x31: {  	[tilespmem:$0x1FE30] =	vst v1;
	v1 =	vor.u32 $0x104, v5  }
0x32: {  	[tilespmem:$0x1FE40] =	vst v1;
	v1 =	vor.u32 $0x105, v5  }
0x33: {  	[tilespmem:$0x1FE50] =	vst v1;
	v1 =	vor.u32 $0x106, v5  }
0x34: {  	[tilespmem:$0x1FE60] =	vst v1;
	v1 =	vor.u32 $0x107, v5  }
0x35: {  	s8 =	smul.u32 $0xA000, s10;
	[tilespmem:$0x1FE70] =	vst v1;
	v1 =	vor.u32 $0x180, v5  }
0x36: {  	s10 =	smul.u32 $0xA00, s10;
	[tilespmem:$0x1FE80] =	vst v1;
	v1 =	vor.u32 $0x181, v5  }
0x37: {  	s21 =	smul.u32 $0xA000, s24;
	[tilespmem:$0x1FE90] =	vst v1;
	v1 =	vor.u32 $0x182, v5  }
0x38: {  	s15 =	smul.u32 $0xA00, s24;
	[tilespmem:$0x1FEA0] =	vst v1;
	v1 =	vor.u32 $0x183, v5  }
0x39: {  	s16 =	smul.u32 $0xA000, s7;
	[tilespmem:$0x1FEB0] =	vst v1;
	v1 =	vor.u32 $0x184, v5  }
0x3a: {  	s7 =	smul.u32 $0xA00, s7;
	[tilespmem:$0x1FEC0] =	vst v1;
	v1 =	vor.u32 $0x185, v5  }
0x3b: {  	s28 =	simm.s32 $0x2830;
	s29 =	simm.s32 $0x1;
	s19 =	smul.u32 $0xA000, s6;
	[tilespmem:$0x1FED0] =	vst v1;
	v1 =	vor.u32 $0x186, v5  }
0x3c: {  	s30 =	simm.s32 $0x2;
	s31 =	simm.s32 $0x2880;
	s6 =	smul.u32 $0xA00, s6;
	[tilespmem:$0x1FEE0] =	vst v1;
	v1 =	vor.u32 $0x187, v5  }
0x3d: {  	p0 =	sgt.u32 s24, $0xC;
	s0 =	smax.u32 s0, $0x1;
	s26 =	smul.u32 $0xA000, s5;
	[tilespmem:$0x1FEF0] =	vst v1;
	v1 =	vor.u32 $0x200, v5  }
0x3e: {  	s24 =	simm.s32 $0x2790;
	s12 =	sshrl.u32 s21, $0x2;
	s5 =	smul.u32 $0xA00, s5;
	[tilespmem:$0x1FF00] =	vst v1;
	v1 =	vor.u32 $0x201, v5  }
0x3f: {  	s8 =	sshrl.u32 s8, $0x2;
	s21 =	sshrl.u32 s10, $0x2;
	s10 =	smul.u32 $0x2710, s1;
	[tilespmem:$0x1FF10] =	vst v1;
	v1 =	vor.u32 $0x202, v5  }
0x40: {  	s12 =	sadd.s32 s12, s20;
	s18 =	sshrl.u32 s15, $0x2;
	s8 =	sadd.s32 s8, s20;
	[tilespmem:$0x1FF20] =	vst v1;
	v1 =	vor.u32 $0x203, v5  }
0x41: {  	s22 =	sshrl.u32 s16, $0x2;
	s7 =	sshrl.u32 s7, $0x2;
	s13 =	sshrl.u32 s19, $0x2;
	[tilespmem:$0x1FF30] =	vst v1;
	v1 =	vor.u32 $0x204, v5  }
0x42: {  	s15 =	smul.u32 $0xA000, s4;
	s6 =	sshrl.u32 s6, $0x2;
	[smem:$0x7FC] =	sst s0;
	[tilespmem:$0x1FF40] =	vst v1;
	v1 =	vor.u32 $0x205, v5  }
0x43: {  	s4 =	smul.u32 $0xA00, s4;
	[dreg:$0x17] =	wrdreg s12;
	s12 =	sadd.s32 s18, s23;
	[tilespmem:$0x1FF50] =	vst v1;
	v1 =	vor.u32 $0x206, v5  }
0x44: {  	[dreg:$0x19] =	wrdreg s8;
	s8 =	sadd.s32 s21, s23;
	s18 =	smul.u32 $0xA000, s3;
	[tilespmem:$0x1FF60] =	vst v1;
	v1 =	vor.u32 $0x207, v5  }
0x45: {  	vm1 =	vmmov $0xff;
	s7 =	sadd.s32 s7, s23;
	s6 =	sadd.s32 s6, s23;
	s3 =	smul.u32 $0xA00, s3;
	[tilespmem:$0x1FF70] =	vst v1;
	v1 =	vimm.s32 $0x0  }
0x46: {  	s16 =	sshrl.u32 s26, $0x2;
	s21 =	smul.u32 $0xA000, s2;
	[dreg:$0x18] =	wrdreg s12;
	v1 =	vsel vm1, $0xFFFFFFFF, v1  }
0x47: {  	s5 =	sshrl.u32 s5, $0x2;
	s2 =	smul.u32 $0xA00, s2;
	[dreg:$0x1a] =	wrdreg s8;
	vm1 =	vmmov $0x1ff;
	[tilespmem:$0x1FF80] =	vst v1;
	v1 =	vimm.s32 $0x0  }
0x48: {  	s26 =	sadd.s32 $0xA000, s25;
	s8 =	sadd.s32 s22, s20;
	[dreg:$0x1c] =	wrdreg s7;
	v1 =	vsel vm1, $0xFFFFFFFF, v1  }
0x49: {  	s7 =	sadd.s32 s13, s20;
	[dreg:$0x1e] =	wrdreg s6;
	s6 =	sadd.s32 s16, s20;
	vm1 =	vmmov $0x3ff;
	[tilespmem:$0x1FF90] =	vst v1;
	v1 =	vimm.s32 $0x0  }
0x4a: {  	vm0 =	vmmov $0x1;
	s5 =	sadd.s32 s5, s23;
	s19 =	sshrl.u32 s15, $0x2;
	[smem:$0x7FD] =	sst s26;
	v1 =	vsel vm1, $0xFFFFFFFF, v1  }
0x4b: {  	vm3 =	vcmask $0x308;
	s4 =	sshrl.u32 s4, $0x2;
	s13 =	sadd.s32 $0x200, s25;
	[dreg:$0x1b] =	wrdreg s8;
	vm1 =	vmmov $0x7ff;
	[tilespmem:$0x1FFA0] =	vst v1;
	v1 =	vimm.s32 $0x0  }
0x4c: {  	vm5 =	vcmask $0x70C;
	vm7 =	vmmov $0x3;
	s16 =	simm.s32 $0x7;
	s12 =	simm.s32 $0x27E0;
	[dreg:$0x1d] =	wrdreg s7;
	v1 =	vsel vm1, $0xFFFFFFFF, v1  }
0x4d: {  	vm9 =	vcmask $0xB10;
	s15 =	simm.s32 $0x50;
	s25 =	simm.s32 $0x28D0;
	[dreg:$0x1f] =	wrdreg s6;
	vm1 =	vmmov $0xfff;
	[tilespmem:$0x1FFB0] =	vst v1;
	v1 =	vimm.s32 $0x0  }
0x4e: {  	vm11 =	vmmov $0x7;
	vm13 =	vcmask $0xF14;
	s26 =	simm.s32 $0x50D0;
	[smem:$0x7F9] =	sst s5;
	s7 =	sshrl.u32 s18, $0x2;
	v1 =	vsel vm1, $0xFFFFFFFF, v1  }
0x4f: {  	vm15 =	vmmov $0xf;
	s5 =	sadd.s32 s19, s20;
	s4 =	sadd.s32 s4, s23;
	s3 =	sshrl.u32 s3, $0x2;
	vm1 =	vmmov $0x1fff;
	[tilespmem:$0x1FFC0] =	vst v1;
	v1 =	vimm.s32 $0x0  }
0x50: {  	vm2 =	vcmask $0x1318;
	vm6 =	vmmov $0x1f;
	s22 =	sshrl.u32 s21, $0x2;
	s2 =	sshrl.u32 s2, $0x2;
	s18 =	simm.s32 $0x80;
	v1 =	vsel vm1, $0xFFFFFFFF, v1  }
0x51: {  	vm10 =	vcmask $0x171C;
	s19 =	simm.s32 $0xA0D0;
	s21 =	simm.s32 $0x78D0;
	[smem:$0x7FA] =	sst s5;
	vm1 =	vmmov $0x3fff;
	[tilespmem:$0x1FFD0] =	vst v1;
	v1 =	vimm.s32 $0x0  }
0x52: {  	vm14 =	vmmov $0x3f;
	vm4 =	vcmask $0x1B20;
	[tilespmem:$0x1FFF0] =	vst v5;
	[smem:$0x7FB] =	sst s4;
	s5 =	sadd.s32 s7, s20;
	s6 =	sadd.s32 s3, s23;
	v1 =	vsel vm1, $0xFFFFFFFF, v1  }
0x53: {  	vm12 =	vmmov $0x7f;
	v0 =	vimm.f32 $0.0e+00;
	s7 =	sadd.s32 s22, s20;
	s8 =	sadd.s32 s2, s23;
	s22 =	simm.s32 $0x0;
	vm1 =	vmmov $0x7fff;
	[tilespmem:$0x1FFE0] =	vst v1  }
.LBB2_1:
0x54: {  	s0 =	rddreg [dreg:$0x1]  }
0x55: {  	[tilespmem:s9], [sflag:$0x7] =	stream.linear.gather [hbm4b:s0+s9], $0x80, $0x38;
	[tilespmem:$0x1EF58] =	vst v63  }
0x56: {  	_ =	swait.ge [sflag:s16], $0x80  }
0x57: {  	s4 =	sld [smem:$0x7FD]  }
0x58: {  	[sflag:s16] =	ssyncset.done $0x0  }
0x59: {  	[sflag:s16] =	ssyncadd.s32 $0xFFFFFF80  }
0x5a: {  	[tilespmem:s18], [sflag:$0x7] =	stream.linear.gather [hbm4b:s4+s9], $0x2710, $0x38;
	[tilespmem:$0x1EF58] =	vst v63  }
0x5b: {  	_ =	swait.ge [sflag:s16], $0x2710  }
0x5c: {  	[sflag:s16] =	ssyncset.done $0x0  }
0x5d: {  	s1 =	simm.s32 $0x200;
	s0 =	simm.s32 $0x0;
	[sflag:s16] =	ssyncadd.s32 $0xFFFFD8F0  }
.LBB2_2:
0x5e: {  	p1 =	sne.s32 s1, $0x9E00;
	[tilespmem:s0+$0x7940] =	vst v0  }
0x5f: {  	[tilespmem:s0+$0x78D0] =	vst v0  }
0x60: {  	[tilespmem:s0+$0x78E0] =	vst v0  }
.Ltmp0:
0x61: {  	[tilespmem:s0+$0x78F0] =	vst v0;
	(pc) =	sbr.rel @p1 .LBB2_2-.Ltmp0, $4  }
0x62: {  	[tilespmem:s0+$0x7900] =	vst v0  }
0x63: {  	[tilespmem:s0+$0x7910] =	vst v0  }
0x64: {  	[tilespmem:s0+$0x7920] =	vst v0  }
0x65: {  	[tilespmem:s0+$0x7930] =	vst v0;
	s0 =	sshra.s32 s1, $0x2;
	s1 =	sadd.s32 $0x200, s1  }
0x66: {  	[tilespmem:s0+$0x7940] =	vst v0  }
0x67: {  	[tilespmem:s0+$0x78D0] =	vst v0;
	v1 =	vld [tilespmem:$0x1FD10]  }
0x68: {  	[tilespmem:s0+$0x78E0] =	vst v0;
	v24 =	vld [tilespmem:$0x1FD20]  }
0x69: {  	[tilespmem:s0+$0x78F0] =	vst v0;
	v25 =	vld [tilespmem:$0x1FD30]  }
0x6a: {  	[tilespmem:s0+$0x7900] =	vst v0;
	v26 =	vld [tilespmem:$0x1FD40]  }
0x6b: {  	[tilespmem:s0+$0x7910] =	vst v0;
	v27 =	vld [tilespmem:$0x1FD50]  }
0x6c: {  	[tilespmem:s0+$0x7920] =	vst v0;
	v28 =	vld [tilespmem:$0x1FD60]  }
0x6d: {  	[tilespmem:s0+$0x7930] =	vst v0;
	v29 =	vld [tilespmem:$0x1FD70]  }
0x6e: {  	v30 =	vld [tilespmem:$0x1FD80];
	[tilespmem:v5+s19+$0x0] =	vst.idx.msk $0xffff, v0  }
0x6f: {  	v31 =	vld [tilespmem:$0x1FD90];
	[tilespmem:v1+s19+$0x0] =	vst.idx.msk $0xffff, v0  }
0x70: {  	v32 =	vld [tilespmem:$0x1FDA0];
	[tilespmem:v24+s19+$0x0] =	vst.idx.msk $0xffff, v0  }
0x71: {  	v33 =	vld [tilespmem:$0x1FDB0];
	[tilespmem:v25+s19+$0x0] =	vst.idx.msk $0xffff, v0  }
0x72: {  	v34 =	vld [tilespmem:$0x1FDC0];
	[tilespmem:v26+s19+$0x0] =	vst.idx.msk $0xffff, v0  }
0x73: {  	v35 =	vld [tilespmem:$0x1FDD0];
	[tilespmem:v27+s19+$0x0] =	vst.idx.msk $0xffff, v0  }
0x74: {  	v36 =	vld [tilespmem:$0x1FDE0];
	[tilespmem:v28+s19+$0x0] =	vst.idx.msk $0xffff, v0  }
0x75: {  	v37 =	vld [tilespmem:$0x1FDF0];
	[tilespmem:v29+s19+$0x0] =	vst.idx.msk $0xffff, v0  }
0x76: {  	v38 =	vld [tilespmem:$0x1FE00];
	[tilespmem:v30+s19+$0x0] =	vst.idx.msk $0xffff, v0  }
0x77: {  	v39 =	vld [tilespmem:$0x1FE10];
	[tilespmem:v31+s19+$0x0] =	vst.idx.msk $0xffff, v0  }
0x78: {  	v40 =	vld [tilespmem:$0x1FE20];
	[tilespmem:v32+s19+$0x0] =	vst.idx.msk $0xffff, v0  }
0x79: {  	v41 =	vld [tilespmem:$0x1FE30];
	[tilespmem:v33+s19+$0x0] =	vst.idx.msk $0xffff, v0  }
0x7a: {  	v42 =	vld [tilespmem:$0x1FE40];
	[tilespmem:v34+s19+$0x0] =	vst.idx.msk $0xffff, v0  }
0x7b: {  	v43 =	vld [tilespmem:$0x1FE50];
	[tilespmem:v35+s19+$0x0] =	vst.idx.msk $0xffff, v0  }
0x7c: {  	v44 =	vld [tilespmem:$0x1FE60];
	[tilespmem:v36+s19+$0x0] =	vst.idx.msk $0xffff, v0  }
0x7d: {  	v45 =	vld [tilespmem:$0x1FE70];
	[tilespmem:v37+s19+$0x0] =	vst.idx.msk $0xffff, v0  }
0x7e: {  	v46 =	vld [tilespmem:$0x1FE80];
	[tilespmem:v38+s19+$0x0] =	vst.idx.msk $0xffff, v0  }
0x7f: {  	v47 =	vld [tilespmem:$0x1FE90];
	[tilespmem:v39+s19+$0x0] =	vst.idx.msk $0xffff, v0  }
0x80: {  	v48 =	vld [tilespmem:$0x1FEA0];
	[tilespmem:v40+s19+$0x0] =	vst.idx.msk $0xffff, v0  }
0x81: {  	v49 =	vld [tilespmem:$0x1FEB0];
	[tilespmem:v41+s19+$0x0] =	vst.idx.msk $0xffff, v0  }
0x82: {  	v50 =	vld [tilespmem:$0x1FEC0];
	[tilespmem:v42+s19+$0x0] =	vst.idx.msk $0xffff, v0  }
0x83: {  	v51 =	vld [tilespmem:$0x1FED0];
	[tilespmem:v43+s19+$0x0] =	vst.idx.msk $0xffff, v0  }
0x84: {  	v52 =	vld [tilespmem:$0x1FEE0];
	[tilespmem:v44+s19+$0x0] =	vst.idx.msk $0xffff, v0  }
0x85: {  	v53 =	vld [tilespmem:$0x1FEF0];
	[tilespmem:v45+s19+$0x0] =	vst.idx.msk $0xffff, v0  }
0x86: {  	v54 =	vld [tilespmem:$0x1FF00];
	[tilespmem:v46+s19+$0x0] =	vst.idx.msk $0xffff, v0  }
0x87: {  	v55 =	vld [tilespmem:$0x1FF10];
	[tilespmem:v47+s19+$0x0] =	vst.idx.msk $0xffff, v0  }
0x88: {  	v56 =	vld [tilespmem:$0x1FF20];
	[tilespmem:v48+s19+$0x0] =	vst.idx.msk $0xffff, v0  }
0x89: {  	v57 =	vld [tilespmem:$0x1FF30];
	[tilespmem:v49+s19+$0x0] =	vst.idx.msk $0xffff, v0  }
0x8a: {  	v58 =	vld [tilespmem:$0x1FF40];
	[tilespmem:v50+s19+$0x0] =	vst.idx.msk $0xffff, v0  }
0x8b: {  	v59 =	vld [tilespmem:$0x1FF50];
	[tilespmem:v51+s19+$0x0] =	vst.idx.msk $0xffff, v0  }
0x8c: {  	v60 =	vld [tilespmem:$0x1FF60];
	[tilespmem:v52+s19+$0x0] =	vst.idx.msk $0xffff, v0  }
0x8d: {  	v61 =	vld [tilespmem:$0x1FF70];
	[tilespmem:v53+s19+$0x0] =	vst.idx.msk $0xffff, v0  }
0x8e: {  	[tilespmem:v54+s19+$0x0] =	vst.idx.msk $0xffff, v0  }
0x8f: {  	[tilespmem:v55+s19+$0x0] =	vst.idx.msk $0xffff, v0  }
0x90: {  	[tilespmem:v56+s19+$0x0] =	vst.idx.msk $0xffff, v0  }
0x91: {  	[tilespmem:v57+s19+$0x0] =	vst.idx.msk $0xffff, v0  }
0x92: {  	[tilespmem:v58+s19+$0x0] =	vst.idx.msk $0xffff, v0  }
0x93: {  	[tilespmem:v59+s19+$0x0] =	vst.idx.msk $0xffff, v0  }
0x94: {  	[tilespmem:v60+s19+$0x0] =	vst.idx.msk $0xffff, v0  }
0x95: {  	s1 =	rddreg [dreg:$0x17];
	[tilespmem:v61+s19+$0x0] =	vst.idx.msk $0xffff, v0  }
0x96: {  	[spmem:s1] =	stream.linear.scatter [tilespmem:s21], [sflag:$0x7], $0x2800, $0x38;
	[tilespmem:$0x1EF58] =	vst v63  }
0x97: {  	_ =	swait.ge [sflag:s16], $0x2800  }
0x98: {  	[sflag:s16] =	ssyncset.done $0x0  }
0x99: {  	s2 =	rddreg [dreg:$0x18];
	[sflag:s16] =	ssyncadd.s32 $0xFFFFD800  }
0x9a: {  	[spmem:s2] =	stream.linear.scatter [tilespmem:s19], [sflag:$0x7], $0x280, $0x38;
	[tilespmem:$0x1EF58] =	vst v63  }
0x9b: {  	_ =	swait.ge [sflag:s16], $0x280  }
0x9c: {  	[sflag:s16] =	ssyncset.done $0x0  }
0x9d: {  	s3 =	rddreg [dreg:$0x19];
	[sflag:s16] =	ssyncadd.s32 $0xFFFFFD80  }
0x9e: {  	[spmem:s3] =	stream.linear.scatter [tilespmem:s21], [sflag:$0x7], $0x2800, $0x38;
	[tilespmem:$0x1EF58] =	vst v63  }
0x9f: {  	_ =	swait.ge [sflag:s16], $0x2800  }
0xa0: {  	[sflag:s16] =	ssyncset.done $0x0  }
0xa1: {  	s4 =	rddreg [dreg:$0x1a];
	[sflag:s16] =	ssyncadd.s32 $0xFFFFD800  }
0xa2: {  	[spmem:s4] =	stream.linear.scatter [tilespmem:s19], [sflag:$0x7], $0x280, $0x38;
	[tilespmem:$0x1EF58] =	vst v63  }
0xa3: {  	_ =	swait.ge [sflag:s16], $0x280  }
0xa4: {  	[sflag:s16] =	ssyncset.done $0x0  }
0xa5: {  	s1 =	rddreg [dreg:$0x1b];
	[sflag:s16] =	ssyncadd.s32 $0xFFFFFD80  }
0xa6: {  	[spmem:s1] =	stream.linear.scatter [tilespmem:s21], [sflag:$0x7], $0x2800, $0x38;
	[tilespmem:$0x1EF58] =	vst v63  }
0xa7: {  	_ =	swait.ge [sflag:s16], $0x2800  }
0xa8: {  	[sflag:s16] =	ssyncset.done $0x0  }
0xa9: {  	s2 =	rddreg [dreg:$0x1c];
	[sflag:s16] =	ssyncadd.s32 $0xFFFFD800  }
0xaa: {  	[spmem:s2] =	stream.linear.scatter [tilespmem:s19], [sflag:$0x7], $0x280, $0x38;
	[tilespmem:$0x1EF58] =	vst v63  }
0xab: {  	_ =	swait.ge [sflag:s16], $0x280  }
0xac: {  	[sflag:s16] =	ssyncset.done $0x0  }
0xad: {  	s3 =	rddreg [dreg:$0x1d];
	[sflag:s16] =	ssyncadd.s32 $0xFFFFFD80  }
0xae: {  	[spmem:s3] =	stream.linear.scatter [tilespmem:s21], [sflag:$0x7], $0x2800, $0x38;
	[tilespmem:$0x1EF58] =	vst v63  }
0xaf: {  	_ =	swait.ge [sflag:s16], $0x2800  }
0xb0: {  	[sflag:s16] =	ssyncset.done $0x0  }
0xb1: {  	s4 =	rddreg [dreg:$0x1e];
	[sflag:s16] =	ssyncadd.s32 $0xFFFFD800  }
0xb2: {  	[spmem:s4] =	stream.linear.scatter [tilespmem:s19], [sflag:$0x7], $0x280, $0x38;
	[tilespmem:$0x1EF58] =	vst v63  }
0xb3: {  	_ =	swait.ge [sflag:s16], $0x280  }
0xb4: {  	[sflag:s16] =	ssyncset.done $0x0  }
0xb5: {  	s1 =	rddreg [dreg:$0x1f];
	[sflag:s16] =	ssyncadd.s32 $0xFFFFFD80  }
0xb6: {  	[spmem:s1] =	stream.linear.scatter [tilespmem:s21], [sflag:$0x7], $0x2800, $0x38;
	[tilespmem:$0x1EF58] =	vst v63  }
0xb7: {  	_ =	swait.ge [sflag:s16], $0x2800  }
0xb8: {  	s2 =	sld [smem:$0x7F9]  }
0xb9: {  	[sflag:s16] =	ssyncset.done $0x0  }
0xba: {  	[sflag:s16] =	ssyncadd.s32 $0xFFFFD800  }
0xbb: {  	[spmem:s2] =	stream.linear.scatter [tilespmem:s19], [sflag:$0x7], $0x280, $0x38;
	[tilespmem:$0x1EF58] =	vst v63  }
0xbc: {  	_ =	swait.ge [sflag:s16], $0x280  }
0xbd: {  	s3 =	sld [smem:$0x7FA]  }
0xbe: {  	[sflag:s16] =	ssyncset.done $0x0  }
0xbf: {  	[sflag:s16] =	ssyncadd.s32 $0xFFFFFD80  }
0xc0: {  	[spmem:s3] =	stream.linear.scatter [tilespmem:s21], [sflag:$0x7], $0x2800, $0x38;
	[tilespmem:$0x1EF58] =	vst v63  }
0xc1: {  	_ =	swait.ge [sflag:s16], $0x2800  }
0xc2: {  	s4 =	sld [smem:$0x7FB]  }
0xc3: {  	[sflag:s16] =	ssyncset.done $0x0  }
0xc4: {  	[sflag:s16] =	ssyncadd.s32 $0xFFFFD800  }
0xc5: {  	[spmem:s4] =	stream.linear.scatter [tilespmem:s19], [sflag:$0x7], $0x280, $0x38;
	[tilespmem:$0x1EF58] =	vst v63  }
0xc6: {  	_ =	swait.ge [sflag:s16], $0x280  }
0xc7: {  	[sflag:s16] =	ssyncset.done $0x0  }
0xc8: {  	[sflag:s16] =	ssyncadd.s32 $0xFFFFFD80  }
0xc9: {  	[spmem:s5] =	stream.linear.scatter [tilespmem:s21], [sflag:$0x7], $0x2800, $0x38;
	[tilespmem:$0x1EF58] =	vst v63  }
0xca: {  	_ =	swait.ge [sflag:s16], $0x2800  }
0xcb: {  	[sflag:s16] =	ssyncset.done $0x0  }
0xcc: {  	[sflag:s16] =	ssyncadd.s32 $0xFFFFD800  }
0xcd: {  	[spmem:s6] =	stream.linear.scatter [tilespmem:s19], [sflag:$0x7], $0x280, $0x38;
	[tilespmem:$0x1EF58] =	vst v63  }
0xce: {  	_ =	swait.ge [sflag:s16], $0x280  }
0xcf: {  	[sflag:s16] =	ssyncset.done $0x0  }
0xd0: {  	s0 =	simm.s32 @!p0 $0x78D0;
	[sflag:s16] =	ssyncadd.s32 $0xFFFFFD80  }
0xd1: {  	[spmem:s7] =	stream.linear.scatter @!p0 [tilespmem:s0], [sflag:$0x7], $0x2800, $0x38;
	[tilespmem:$0x1EF58] =	vst v63  }
0xd2: {  	s0 =	simm.s32 @!p0 $0x7  }
0xd3: {  	_ =	swait.ge @!p0 [sflag:s0], $0x2800  }
0xd4: {  	[sflag:s0] =	ssyncset.done @!p0 $0x0  }
0xd5: {  	s1 =	simm.s32 @!p0 $0xA0D0;
	[sflag:s0] =	ssyncadd.s32 @!p0 $0xFFFFD800  }
0xd6: {  	[spmem:s8] =	stream.linear.scatter @!p0 [tilespmem:s1], [sflag:$0x7], $0x280, $0x38;
	[tilespmem:$0x1EF58] =	vst v63  }
0xd7: {  	_ =	swait.ge @!p0 [sflag:s0], $0x280  }
0xd8: {  	[sflag:s0] =	ssyncset.done @!p0 $0x0  }
0xd9: {  	[sflag:s0] =	ssyncadd.s32 @!p0 $0xFFFFFD80  }
0xda: {  	[bflag:$0x0] =	sbarrier.arrive $0xFFFF  }
0xdb: {  	v62 =	vld [tilespmem:$0x10]  }
0xdc: {  	v2 =	vld [tilespmem:$0x30]  }
0xdd: {  	v4 =	vld [tilespmem:$0x70]  }
0xde: {  	v63 =	vld [tilespmem:$0x20]  }
0xdf: {  	v48 =	vld [tilespmem:$0x0]  }
0xe0: {  	v3 =	vld [tilespmem:$0x40];
	[tilespmem:$0x1FCB0] =	vst v62  }
0xe1: {  	[tilespmem:$0x1FCC0] =	vst v2  }
0xe2: {  	[tilespmem:$0x1FCD0] =	vst v4  }
0xe3: {  	[tilespmem:$0x1FCE0] =	vst v63  }
0xe4: {  	v47 =	vld [tilespmem:$0x50];
	[tilespmem:$0x1FCF0] =	vst v48  }
0xe5: {  	s1 =	simm.s32 $0x0;
	v46 =	vld [tilespmem:$0x60];
	[tilespmem:$0x1FD00] =	vst v3  }
.LBB2_4:
0xe6: {  	s0 =	smul.u32 $0x50, s1;
	_ =	sdelay $0x1  }
0xe7: {  	s0 =	sadd.s32 s10, s0  }
0xe8: {  	s2 =	sshrl.u32 s0, $0x3  }
0xe9: {  	s3 =	sadd.s32 s13, s2  }
0xea: {  	[tilespmem:s24], [sflag:$0x7] =	stream.linear.gather [hbm4b:s3+s9], $0x50, $0x38;
	[tilespmem:$0x1EF58] =	vst v63  }
0xeb: {  	_ =	swait.ge [sflag:s16], $0x50  }
0xec: {  	s4 =	sshll.u32 s0, $0x4;
	[sflag:s16] =	ssyncset.done $0x0  }
0xed: {  	s0 =	sand.u32 $0x1, s1;
	s2 =	sadd.s32 s14, s2;
	[sflag:s16] =	ssyncadd.s32 $0xFFFFFFB0  }
0xee: {  	[tilespmem:s12], [sflag:$0x7] =	stream.linear.gather [hbm4b:s2+s9], $0x50, $0x38;
	[tilespmem:$0x1EF58] =	vst v63  }
0xef: {  	p1 =	seq.s32 s0, $0x1;
	_ =	swait.ge [sflag:s16], $0x50  }
.Ltmp1:
0xf0: {  	[sflag:s16] =	ssyncset.done $0x0;
	(pc) =	sbr.rel @p1 .LBB2_7-.Ltmp1, $4  }
0xf1: {  	[sflag:s16] =	ssyncadd.s32 $0xFFFFFFB0  }
0xf2: {  	[tilespmem:s25], [sflag:$0x1] =	stream.indirect.gather [hbm4b:s11+s15], $0x80, s24, s15, $0xb8;
	[tilespmem:$0x1EF58] =	vst v63  }
0xf3: {  	s3 =	sadd.s32 s17, s4  }
0xf4: {  	[tilespmem:s26], [sflag:$0x2] =	stream.linear.gather [hbm4b:s3+s9], $0x2800, $0x38;
	[tilespmem:$0x1EF58] =	vst v63  }
0xf5: {  	p1 =	seq.s32 s1, $0x0  }
.Ltmp2:
0xf6: {  	_ = 	snop;
	(pc) =	sbr.rel @p1 .LBB2_9-.Ltmp2, $4  }
0xf7: {  	[tilespmem:s28], [sflag:$0x7] =	stream.linear.gather [hbm4b:s2+s9], $0x50, $0x38;
	[tilespmem:$0x1EF58] =	vst v63  }
0xf8: {  	_ =	swait.ge [sflag:s16], $0x50  }
0xf9: {  	[sflag:s16] =	ssyncset.done $0x0  }
0xfa: {  	[sflag:s16] =	ssyncadd.s32 $0xFFFFFFB0  }
.Ltmp3:
0xfb: {  	(pc) =	sbr.rel .LBB2_8-.Ltmp3, $2  }
0xfc: {  	_ =	sdelay $0x2  }
0xfd: {  	s2 =	simm.s32 $0x6;
	s3 =	simm.s32 $0x5  }
.LBB2_7:
0xfe: {  	[tilespmem:s31], [sflag:$0x7] =	stream.linear.gather [hbm4b:s2+s9], $0x50, $0x38;
	[tilespmem:$0x1EF58] =	vst v63  }
0xff: {  	_ =	swait.ge [sflag:s16], $0x50  }
0x100: {  	[sflag:s16] =	ssyncset.done $0x0  }
0x101: {  	s2 =	simm.s32 $0x4;
	s3 =	simm.s32 $0x3;
	[sflag:s16] =	ssyncadd.s32 $0xFFFFFFB0  }
.LBB2_8:
0x102: {  	_ =	swait.ge [sflag:s3], $0x2800  }
0x103: {  	[sflag:s3] =	ssyncset.done $0x0  }
0x104: {  	[sflag:s3] =	ssyncadd.s32 $0xFFFFD800  }
0x105: {  	_ =	swait.ge [sflag:s2], $0x280  }
0x106: {  	[sflag:s2] =	ssyncset.done $0x0  }
0x107: {  	[sflag:s2] =	ssyncadd.s32 $0xFFFFFD80  }
.LBB2_9:
0x108: {  	_ =	swait.ge [sflag:s29], $0x2800  }
0x109: {  	[sflag:s29] =	ssyncset.done $0x0  }
0x10a: {  	[sflag:s29] =	ssyncadd.s32 $0xFFFFD800  }
0x10b: {  	_ =	swait.ge [sflag:s30], $0x2800  }
0x10c: {  	[sflag:s30] =	ssyncset.done $0x0  }
0x10d: {  	s2 =	simm.s32 $0x0;
	[sflag:s30] =	ssyncadd.s32 $0xFFFFD800  }
.LBB2_10:
0x10e: {  	s4 =	sshll.u32 s2, $0x4  }
0x10f: {  	s3 =	sshll.u32 s2, $0xB;
	v0 =	vld [tilespmem:s4+$0x27E0]  }
0x110: {  	v4 =	vld [tilespmem:s3+$0x50D0]  }
0x111: {  	v5 =	vld [tilespmem:s3+$0x28E0]  }
0x112: {  	v6 =	vld [tilespmem:s3+$0x50E0]  }
0x113: {  	v8 =	vld [tilespmem:s3+$0x28F0]  }
0x114: {  	v9 =	vld [tilespmem:s3+$0x50F0]  }
0x115: {  	v12 =	vld [tilespmem:s3+$0x2900]  }
0x116: {  	v13 =	vld [tilespmem:s3+$0x5100]  }
0x117: {  	v14 =	vld [tilespmem:s3+$0x2910]  }
0x118: {  	v17 =	vld [tilespmem:s3+$0x5110]  }
0x119: {  	v18 =	vld [tilespmem:s3+$0x2920]  }
0x11a: {  	v19 =	vld [tilespmem:s3+$0x5120]  }
0x11b: {  	v20 =	vld [tilespmem:s3+$0x2930]  }
0x11c: {  	v21 =	vld [tilespmem:s3+$0x5130]  }
0x11d: {  	v22 =	vld [tilespmem:s3+$0x2940]  }
0x11e: {  	v2 =	vld [tilespmem:s3+$0x5140]  }
0x11f: {  	v24 =	vld [tilespmem:s3+$0x2950]  }
0x120: {  	v27 =	vld [tilespmem:s3+$0x5150]  }
0x121: {  	v30 =	vld [tilespmem:s3+$0x2960]  }
0x122: {  	v1 =	vld [tilespmem:s3+$0x5160]  }
0x123: {  	v49 =	vld [tilespmem:s3+$0x2970]  }
0x124: {  	v35 =	vld [tilespmem:s3+$0x5170]  }
0x125: {  	v36 =	vld [tilespmem:s3+$0x2980]  }
0x126: {  	v60 =	vld [tilespmem:s3+$0x5180]  }
0x127: {  	v62 =	vld [tilespmem:s3+$0x2990]  }
0x128: {  	v7 =	vld [tilespmem:s3+$0x5190]  }
0x129: {  	v10 =	vld [tilespmem:s3+$0x29A0]  }
0x12a: {  	v61 =	vld [tilespmem:s3+$0x51A0]  }
0x12b: {  	v25 =	vld [tilespmem:s3+$0x29B0]  }
0x12c: {  	v63 =	vld [tilespmem:s3+$0x51B0]  }
0x12d: {  	v29 =	vld [tilespmem:s3+$0x29C0]  }
0x12e: {  	v37 =	vld [tilespmem:s3+$0x51C0]  }
0x12f: {  	v3 =	vld [tilespmem:s3+$0x29D0]  }
0x130: {  	v52 =	vld [tilespmem:s3+$0x51D0]  }
0x131: {  	v16 =	vld [tilespmem:s3+$0x29E0]  }
0x132: {  	v54 =	vld [tilespmem:s3+$0x51E0]  }
0x133: {  	v50 =	vld [tilespmem:s3+$0x29F0]  }
0x134: {  	v11 =	vld [tilespmem:s3+$0x51F0]  }
0x135: {  	v26 =	vld [tilespmem:s3+$0x2A00]  }
0x136: {  	v53 =	vld [tilespmem:s3+$0x5200]  }
0x137: {  	v33 =	vld [tilespmem:s3+$0x2A10]  }
0x138: {  	v55 =	vld [tilespmem:s3+$0x5210]  }
0x139: {  	v56 =	vld [tilespmem:s3+$0x2A20]  }
0x13a: {  	v38 =	vld [tilespmem:s3+$0x5220]  }
0x13b: {  	v15 =	vld [tilespmem:s3+$0x2A30]  }
0x13c: {  	v23 =	vld [tilespmem:s3+$0x5230]  }
0x13d: {  	v28 =	vld [tilespmem:s3+$0x2A40]  }
0x13e: {  	v31 =	vld [tilespmem:s3+$0x5240]  }
0x13f: {  	v59 =	vld [tilespmem:s3+$0x2A50]  }
0x140: {  	v42 =	vld [tilespmem:s3+$0x5260]  }
0x141: {  	v43 =	vld [tilespmem:s3+$0x2A70]  }
0x142: {  	v44 =	vld [tilespmem:s3+$0x5270]  }
0x143: {  	v58 =	vld [tilespmem:s3+$0x2A80]  }
0x144: {  	v40 =	vld [tilespmem:s3+$0x5280]  }
0x145: {  	v32 =	vld [tilespmem:s3+$0x5290]  }
0x146: {  	v34 =	vld [tilespmem:s3+$0x2AA0]  }
0x147: {  	v48 =	vld [tilespmem:s3+$0x2AC0]  }
0x148: {  	v51 =	vld [tilespmem:s3+$0x52C0]  }
0x149: {  	[tilespmem:$0x1F680] =	vst v23;
	v23 =	vld [tilespmem:s3+$0x2A90]  }
0x14a: {  	[tilespmem:$0x1F6C0] =	vst v31;
	v31 =	vld [tilespmem:s3+$0x2AF0]  }
0x14b: {  	[tilespmem:$0x1F6A0] =	vst v32;
	v32 =	vld [tilespmem:s3+$0x52F0]  }
0x14c: {  	[tilespmem:$0x1F750] =	vst v48;
	v48 =	vld [tilespmem:s3+$0x2B00]  }
0x14d: {  	[tilespmem:$0x1F760] =	vst v51;
	v51 =	vld [tilespmem:s3+$0x5300]  }
0x14e: {  	v5 =	vmul.f32 v6, v5;
	v6 =	vld [tilespmem:s3+$0x2B30]  }
0x14f: {  	[tilespmem:$0x1F670] =	vst v15;
	v57 =	vld.idx.msk [tilespmem:v0+s18+$0x0], $0xffff  }
0x150: {  	[tilespmem:$0x1F7F0] =	vst v5;
	v0 =	vld [tilespmem:s3+$0x28D0]  }
0x151: {  	[tilespmem:$0x1F710] =	vst v31;
	v31 =	vld [tilespmem:s3+$0x2B10]  }
0x152: {  	[tilespmem:$0x1F720] =	vst v32;
	v32 =	vld [tilespmem:s3+$0x5310]  }
0x153: {  	[tilespmem:$0x1F690] =	vst v23;
	v23 =	vld [tilespmem:$0x1FCF0]  }
0x154: {  	[tilespmem:$0x1F7A0] =	vst v6;
	v6 =	vld [tilespmem:s3+$0x5330]  }
0x155: {  	[tilespmem:$0x1F730] =	vst v48;
	v48 =	vld [tilespmem:s3+$0x2B40]  }
0x156: {  	[tilespmem:$0x1F770] =	vst v31;
	v31 =	vld [tilespmem:$0x1FCB0]  }
0x157: {  	[tilespmem:$0x1F740] =	vst v51;
	v51 =	vld [tilespmem:s3+$0x5340];
	v0 =	vmul.f32 v4, v0  }
0x158: {  	[tilespmem:$0x1F780] =	vst v32;
	v32 =	vld [tilespmem:$0x1FCE0]  }
0x159: {  	v39 =	vld [tilespmem:s3+$0x52A0];
	[tilespmem:$0x1F7E0] =	vst v0;
	v0 =	vmul.f32 v0, v23  }
0x15a: {  	[tilespmem:$0x1F7C0] =	vst v48;
	v48 =	vld [tilespmem:$0x1FCC0]  }
0x15b: {  	v45 =	vld [tilespmem:s3+$0x52B0];
	[tilespmem:$0x1F7B0] =	vst v6;
	v6 =	vmul.f32 v9, v8;
	v0 =	vadd.f32 $0.0e+00, v0;
	v5 =	vmul.f32 v5, v31  }
0x15c: {  	[tilespmem:$0x1F7D0] =	vst v51;
	v51 =	vld [tilespmem:$0x1FD00]  }
0x15d: {  	v41 =	vld [tilespmem:s3+$0x2AB0];
	[tilespmem:$0x1F6B0] =	vst v28;
	v8 =	vmul.f32 v13, v12;
	v0 =	vadd.f32 v5, v0;
	v5 =	vmul.f32 v6, v32  }
0x15e: {  	v15 =	vld [tilespmem:s3+$0x5250];
	[tilespmem:$0x1F6D0] =	vst v34  }
0x15f: {  	v28 =	vld [tilespmem:s3+$0x2A60];
	[tilespmem:$0x1F800] =	vst v6;
	v6 =	vmul.f32 v8, v48;
	v5 =	vadd.f32 v5, v0;
	v0 =	vmul.f32 v17, v14  }
0x160: {  	[tilespmem:$0x1F6E0] =	vst v39;
	v34 =	vld [tilespmem:s3+$0x2AD0];
	v17 =	vmul.f32 v27, v24  }
0x161: {  	[tilespmem:$0x1F700] =	vst v45;
	v45 =	vld [tilespmem:s3+$0x52D0];
	v24 =	vmul.f32 v19, v18;
	v6 =	vadd.f32 v6, v5;
	v14 =	vmul.f32 v0, v51  }
0x162: {  	[tilespmem:$0x1F6F0] =	vst v41;
	v41 =	vld [tilespmem:s3+$0x2AE0];
	v1 =	vmul.f32 v1, v30  }
0x163: {  	v39 =	vld [tilespmem:s3+$0x52E0];
	[tilespmem:$0x1F820] =	vst v0;
	v0 =	vmul.f32 v21, v20;
	v20 =	vmul.f32 v24, v47;
	v18 =	vadd.f32 v14, v6  }
0x164: {  	v30 =	vmul.f32 v35, v49;
	v2 =	vmul.f32 v2, v22;
	v22 =	vld [tilespmem:s3+$0x2BA0]  }
0x165: {  	v10 =	vmul.f32 v61, v10;
	v61 =	vld [tilespmem:s3+$0x2BC0];
	v49 =	vmul.f32 v0, v46;
	v20 =	vadd.f32 v20, v18  }
0x166: {  	v4 =	vld [tilespmem:s3+$0x2B20]  }
0x167: {  	[tilespmem:$0x1F860] =	vst v17;
	v17 =	vmul.f32 v17, v23;
	v20 =	vadd.f32 v49, v20;
	v49 =	vld [tilespmem:$0x1FCD0]  }
0x168: {  	v9 =	vld [tilespmem:s3+$0x2B50]  }
0x169: {  	v13 =	vld [tilespmem:s3+$0x5350];
	v35 =	vmul.f32 v1, v31;
	v17 =	vadd.f32 $0.0e+00, v17  }
0x16a: {  	[tilespmem:$0x1F880] =	vst v30;
	v12 =	vld [tilespmem:s3+$0x5360]  }
0x16b: {  	[tilespmem:$0x1F790] =	vst v4;
	v4 =	vld [tilespmem:s3+$0x5320];
	v30 =	vmul.f32 v30, v32;
	v27 =	vmul.f32 v60, v36;
	v17 =	vadd.f32 v35, v17  }
0x16c: {  	[tilespmem:$0x1F810] =	vst v8;
	v8 =	vld [tilespmem:s3+$0x2B60];
	v35 =	vmul.f32 v2, v49  }
0x16d: {  	v19 =	vld [tilespmem:s3+$0x5370];
	v36 =	vmul.f32 v27, v48;
	v17 =	vadd.f32 v30, v17;
	v30 =	vmul.f32 v7, v62  }
0x16e: {  	v3 =	vmul.f32 v52, v3;
	v60 =	vld [tilespmem:s3+$0x5390];
	[tilespmem:$0x1F830] =	vst v24;
	v35 =	vadd.f32 v35, v20  }
0x16f: {  	v5 =	vld [tilespmem:s3+$0x2B70];
	v24 =	vnsel vm0, $0x0, v57;
	[tilespmem:$0x1F8A0] =	vst v30;
	v36 =	vadd.f32 v36, v17;
	v30 =	vmul.f32 v30, v51  }
0x170: {  	[tilespmem:$0x1F890] =	vst v27;
	v27 =	vld [tilespmem:s3+$0x53A0];
	v7 =	vmul.f32 v54, v16;
	v52 =	vadd.f32 v35, v24;
	v35 =	vmul.f32 v3, v23  }
0x171: {  	v63 =	vmul.f32 v63, v25;
	[tilespmem:$0x1F8E0] =	vst v3;
	v21 =	vld [tilespmem:s3+$0x2BF0];
	v36 =	vadd.f32 v30, v36;
	v3 =	vmul.f32 v10, v47  }
0x172: {  	[tilespmem:$0x1F870] =	vst v1;
	v6 =	vld [tilespmem:s3+$0x2B80];
	v16 =	vmul.f32 v7, v31;
	v24 =	vmul.f32 v11, v50;
	v1 =	vadd.f32 $0.0e+00, v35  }
0x173: {  	v25 =	vmul.f32 v37, v29;
	[tilespmem:$0x1F850] =	vst v2;
	v14 =	vld [tilespmem:s3+$0x5380];
	v2 =	vadd.f32 v3, v36;
	v3 =	vmul.f32 v63, v46  }
0x174: {  	v29 =	vmul.f32 v53, v26;
	v18 =	vld [tilespmem:s3+$0x2B90];
	[tilespmem:$0x1F8F0] =	vst v7;
	v7 =	vmul.f32 v24, v32;
	v1 =	vadd.f32 v16, v1  }
0x175: {  	v62 =	vld [tilespmem:s3+$0x2BB0];
	v50 =	vmul.f32 v55, v33;
	v2 =	vadd.f32 v3, v2  }
0x176: {  	[tilespmem:$0x1F8B0] =	vst v10;
	v54 =	vld [tilespmem:s3+$0x53C0];
	v3 =	vmul.f32 v25, v49;
	v1 =	vadd.f32 v7, v1;
	v7 =	vmul.f32 v29, v48  }
0x177: {  	v26 =	vmul.f32 v38, v56;
	[tilespmem:$0x1F8C0] =	vst v63;
	v17 =	vld [tilespmem:s3+$0x53B0]  }
0x178: {  	[tilespmem:$0x1F8D0] =	vst v25;
	v30 =	vld [tilespmem:s3+$0x2BD0];
	v55 =	vadd.f32 v3, v2;
	v3 =	vmul.f32 v50, v51;
	v1 =	vadd.f32 v7, v1  }
0x179: {  	[tilespmem:$0x1F910] =	vst v29;
	v37 =	vmul.f32 v15, v59;
	v29 =	vld [tilespmem:$0x1F670]  }
0x17a: {  	[tilespmem:$0x1F930] =	vst v26;
	v59 =	vmul.f32 v42, v28;
	v1 =	vadd.f32 v3, v1;
	v3 =	vld [tilespmem:$0x1F680]  }
0x17b: {  	v28 =	vmul.f32 v44, v43;
	[tilespmem:$0x1F950] =	vst v37;
	v20 =	vld [tilespmem:s3+$0x5400]  }
0x17c: {  	[tilespmem:$0x1F960] =	vst v59;
	v35 =	vld [tilespmem:s3+$0x53D0]  }
0x17d: {  	[tilespmem:$0x1F970] =	vst v28;
	v63 =	vld [tilespmem:s3+$0x2BE0]  }
0x17e: {  	[tilespmem:$0x1F840] =	vst v0;
	v36 =	vld [tilespmem:s3+$0x53E0]  }
0x17f: {  	[tilespmem:$0x1F900] =	vst v24;
	v24 =	vld [tilespmem:s3+$0x53F0];
	v0 =	vmul.f32 v3, v29  }
0x180: {  	v33 =	vmul.f32 v40, v58;
	[tilespmem:$0x1F920] =	vst v50;
	v16 =	vld [tilespmem:s3+$0x2C00]  }
0x181: {  	v25 =	vmul.f32 v37, v23;
	v37 =	vld [tilespmem:s3+$0x5410];
	[tilespmem:$0x1F940] =	vst v0  }
0x182: {  	v7 =	vmul.f32 v59, v31;
	v59 =	vld [tilespmem:s3+$0x2C10];
	[tilespmem:$0x1F980] =	vst v33  }
0x183: {  	v3 =	vld [tilespmem:s3+$0x2C20]  }
0x184: {  	v2 =	vadd.f32 $0.0e+00, v25;
	v50 =	vld [tilespmem:s3+$0x5420]  }
0x185: {  	v10 =	vmul.f32 v26, v47;
	v42 =	vld [tilespmem:$0x1F690]  }
0x186: {  	v2 =	vadd.f32 v7, v2;
	v7 =	vmul.f32 v28, v32;
	v43 =	vld [tilespmem:$0x1F6A0]  }
0x187: {  	v10 =	vadd.f32 v10, v1;
	v1 =	vld [tilespmem:s3+$0x2C30]  }
0x188: {  	v2 =	vadd.f32 v7, v2;
	v7 =	vmul.f32 v33, v48;
	v53 =	vld [tilespmem:$0x1F6B0]  }
0x189: {  	v56 =	vld [tilespmem:$0x1F6C0]  }
0x18a: {  	v7 =	vadd.f32 v7, v2;
	v2 =	vld [tilespmem:s3+$0x2C40]  }
0x18b: {  	v38 =	vmul.f32 v45, v34;
	v33 =	vld [tilespmem:$0x1F6D0];
	v44 =	vmul.f32 v43, v42  }
0x18c: {  	v43 =	vld [tilespmem:$0x1F6F0]  }
0x18d: {  	v15 =	vmul.f32 v38, v23;
	[tilespmem:$0x1F990] =	vst v44;
	v58 =	vmul.f32 v44, v51;
	v44 =	vld [tilespmem:$0x1F700]  }
0x18e: {  	v45 =	vmul.f32 v39, v41;
	v34 =	vld [tilespmem:$0x1F6E0]  }
0x18f: {  	[tilespmem:$0x1F9C0] =	vst v38;
	v38 =	vadd.f32 $0.0e+00, v15;
	v15 =	vld [tilespmem:s3+$0x5440]  }
0x190: {  	v28 =	vmul.f32 v45, v31;
	[tilespmem:$0x1F9D0] =	vst v45;
	v45 =	vld [tilespmem:$0x1F710]  }
0x191: {  	v42 =	vld [tilespmem:$0x1F730]  }
0x192: {  	v41 =	vmul.f32 v44, v43;
	v43 =	vld [tilespmem:$0x1F740]  }
0x193: {  	v56 =	vmul.f32 v56, v53;
	v53 =	vld [tilespmem:$0x1F720]  }
0x194: {  	v40 =	vmul.f32 v0, v46;
	v26 =	vld [tilespmem:s3+$0x5450]  }
0x195: {  	v35 =	vmul.f32 v35, v30;
	v30 =	vld [tilespmem:s3+$0x5500]  }
0x196: {  	v11 =	vadd.f32 v40, v10;
	v10 =	vld [tilespmem:s3+$0x5430];
	v0 =	vmul.f32 v34, v33  }
0x197: {  	v7 =	vadd.f32 v58, v7;
	v39 =	vmul.f32 v43, v42;
	v42 =	vld [tilespmem:$0x1F750]  }
0x198: {  	v58 =	vmul.f32 v53, v45;
	v45 =	vsel vm3, $0x0, v57;
	v44 =	vmul.f32 v0, v47;
	v43 =	vld [tilespmem:$0x1F760]  }
0x199: {  	v29 =	vadd.f32 v55, v45;
	v45 =	vld [tilespmem:$0x1F780]  }
0x19a: {  	v36 =	vmul.f32 v36, v63;
	v7 =	vadd.f32 v44, v7;
	v44 =	vld [tilespmem:$0x1F770]  }
0x19b: {  	v63 =	vmul.f32 v24, v21;
	v21 =	vld [tilespmem:s3+$0x5520];
	v25 =	vadd.f32 v28, v38;
	[tilespmem:$0x1F9E0] =	vst v58;
	v58 =	vmul.f32 v58, v32  }
0x19c: {  	v40 =	vld [tilespmem:s3+$0x2C60]  }
0x19d: {  	v25 =	vadd.f32 v58, v25;
	v58 =	vmul.f32 v43, v42;
	v43 =	vld [tilespmem:$0x1F790]  }
0x19e: {  	(xrf2) =	vadd.scan.msk.f32 $0xffff, v52;
	v28 =	vld [tilespmem:s3+$0x5470];
	v1 =	vmul.f32 v10, v1;
	v52 =	vmul.f32 v56, v49  }
0x19f: {  	v34 =	vld [tilespmem:s3+$0x5460];
	[tilespmem:$0x1F9A0] =	vst v0;
	v0 =	vmul.f32 v41, v46;
	v55 =	vmul.f32 v45, v44  }
0x1a0: {  	v10 =	vld [tilespmem:s3+$0x5570];
	[tilespmem:$0x1F9B0] =	vst v41;
	v41 =	vmul.f32 v39, v48;
	v44 =	vmul.f32 v13, v9  }
0x1a1: {  	v53 =	vld [tilespmem:s3+$0x2C50];
	v7 =	vadd.f32 v0, v7;
	[tilespmem:$0x1FA00] =	vst v55;
	v38 =	vmul.f32 v55, v51;
	v45 =	vmul.f32 v58, v49  }
0x1a2: {  	v25 =	vadd.f32 v41, v25;
	[tilespmem:$0x1FA40] =	vst v44;
	v55 =	vmul.f32 v44, v23;
	v44 =	vld [tilespmem:$0x1F7B0];
	v41 =	vmul.f32 v4, v43  }
0x1a3: {  	v11 =	vadd.f32 v52, v11;
	v33 =	vadd.f32 v45, v7;
	v43 =	vld [tilespmem:$0x1F7A0]  }
0x1a4: {  	v52 =	vld [tilespmem:s3+$0x2C70];
	v7 =	vadd.f32 v38, v25;
	v4 =	vsel vm5, $0x0, v57;
	v42 =	vmul.f32 v41, v47  }
0x1a5: {  	v45 =	vld [tilespmem:$0x1F7D0];
	v11 =	vadd.f32 v11, v4;
	v4 =	vmul.f32 v12, v8  }
0x1a6: {  	[tilespmem:$0x1F9F0] =	vst v39;
	v39 =	vadd.f32 v42, v7;
	v7 =	vld [tilespmem:$0x1F7C0]  }
0x1a7: {  	(xrf2) =	vadd.scan.msk.f32 $0xffff, v29;
	v29 =	vld [tilespmem:s3+$0x54B0];
	v0 =	vadd.f32 $0.0e+00, v55;
	v38 =	vmul.f32 v4, v31  }
0x1a8: {  	v53 =	vmul.f32 v26, v53;
	v26 =	vld [tilespmem:s3+$0x5560];
	v8 =	vmul.f32 v44, v43  }
0x1a9: {  	[tilespmem:$0x1FAD0] =	vst v36;
	v9 =	vld [tilespmem:s3+$0x2C80];
	v55 =	vmul.f32 v19, v5;
	v0 =	vadd.f32 v38, v0  }
0x1aa: {  	v13 =	vld [tilespmem:s3+$0x5480];
	v44 =	vmul.f32 v14, v6;
	v6 =	vsel vm9, $0x0, v57;
	[tilespmem:$0x1FA20] =	vst v8;
	v8 =	vmul.f32 v8, v46  }
0x1ab: {  	v5 =	vld [tilespmem:s3+$0x54A0];
	[tilespmem:$0x1FA60] =	vst v55;
	v6 =	vadd.f32 v33, v6;
	v42 =	vmul.f32 v45, v7;
	v7, _, _ =	vpop (xrf2);
	v45 =	vmul.f32 v55, v32  }
0x1ac: {  	v25 =	vld [tilespmem:s3+$0x5490];
	[tilespmem:$0x1FA70] =	vst v44;
	v44 =	vmul.f32 v44, v48;
	(xrf2) =	vadd.scan.msk.f32 $0xffff, v11;
	v19 =	vbroadcast v7, $0xF  }
0x1ad: {  	[tilespmem:$0x1FA10] =	vst v41;
	v38 =	vadd.f32 v8, v39;
	v11 =	vld [tilespmem:s3+$0x54D0];
	v0 =	vadd.f32 v45, v0;
	v55 =	vmul.f32 v42, v49  }
0x1ae: {  	[tilespmem:$0x1FA30] =	vst v42;
	v45 =	vmul.f32 v60, v18;
	v18 =	vld [tilespmem:s3+$0x2CD0];
	v42 =	vsel vm13, $0x0, v57;
	v39 =	vmul.f32 $9.999999770e-03, v19  }
0x1af: {  	v12 =	vld [tilespmem:s3+$0x2C90];
	(xrf2) =	vadd.scan.msk.f32 $0xffff, v6;
	vm8 =	vge.f32 v19, $0.0e+00;
	v6 =	vadd.f32 v55, v38;
	v0 =	vadd.f32 v44, v0  }
0x1b0: {  	v41 =	vld [tilespmem:s3+$0x2CF0];
	[tilespmem:$0x1FA50] =	vst v4;
	v55 =	vmul.f32 v27, v22;
	v43 =	vmul.f32 v45, v51;
	v19 =	vsel vm8, v19, v39  }
0x1b1: {  	v36 =	vmul.f32 v36, v31;
	v4 =	vld [tilespmem:s3+$0x2CA0];
	[tilespmem:$0x1FA80] =	vst v45;
	v6 =	vadd.f32 v6, v42;
	v44 =	vmul.f32 $1.442695020e+00, v19  }
0x1b2: {  	v33 =	vld [tilespmem:s3+$0x54C0];
	[tilespmem:$0x1FA90] =	vst v55;
	v45, _, _ =	vpop (xrf2);
	v0 =	vadd.f32 v43, v0;
	v55 =	vmul.f32 v55, v47;
	v42 =	vmul.f32 v17, v62  }
0x1b3: {  	v8 =	vld [tilespmem:s3+$0x2CC0];
	v19 =	vbroadcast v45, $0xF;
	v11 =	vmul.f32 v11, v18  }
0x1b4: {  	v7 =	vld [tilespmem:s3+$0x2CB0];
	(erf) = vpow2.f32 v44;
	v0 =	vadd.f32 v55, v0;
	v45 =	vmul.f32 v42, v46  }
0x1b5: {  	v60 =	vld [tilespmem:s3+$0x54E0];
	v44 =	vmul.f32 v54, v61;
	v43 =	vmul.f32 $9.999999770e-03, v19  }
0x1b6: {  	v27 =	vld [tilespmem:s3+$0x2CE0];
	v54 =	vmul.f32 v35, v23;
	vm8 =	vge.f32 v19, $0.0e+00;
	v0 =	vadd.f32 v45, v0;
	v55, _, _ =	vpop (xrf2)  }
0x1b7: {  	v17 =	vld [tilespmem:s3+$0x2D00];
	(xrf2) =	vadd.scan.msk.f32 $0xffff, v6;
	v61 =	vmul.f32 v44, v49;
	v14 =	vsel vm8, v19, v43;
	v22 =	vbroadcast v55, $0xF  }
0x1b8: {  	[tilespmem:$0x1FAE0] =	vst v63;
	v63 =	vmul.f32 v63, v32;
	v62 =	vld [tilespmem:s3+$0x2D10];
	v19 =	vadd.f32 $0.0e+00, v54;
	v14 =	vmul.f32 $1.442695020e+00, v14  }
0x1b9: {  	v18 =	vld [tilespmem:s3+$0x2E00];
	[tilespmem:$0x1FB60] =	vst v11;
	v11 =	vmul.f32 v11, v23;
	v0 =	vadd.f32 v61, v0;
	v55 =	vmul.f32 $9.999999770e-03, v22  }
0x1ba: {  	v6 =	vld [tilespmem:s3+$0x54F0];
	v54, _, _ =	vpop (xrf2);
	v19 =	vadd.f32 v36, v19;
	vm8 =	vge.f32 v22, $0.0e+00;
	(erf) = vpow2.f32 v14  }
0x1bb: {  	[tilespmem:$0x1FAA0] =	vst v42;
	v42 =	vld [tilespmem:s3+$0x5510];
	v14 =	vbroadcast v54, $0xF;
	v54 =	vmul.f32 v20, v16;
	v22 =	vsel vm8, v22, v55  }
0x1bc: {  	[tilespmem:$0x1FAB0] =	vst v44;
	v44 =	vld [tilespmem:s3+$0x2D30];
	v19 =	vadd.f32 v63, v19;
	v63 =	vmul.f32 v37, v59;
	v59 =	vmul.f32 v50, v3  }
0x1bd: {  	v45 =	vld [tilespmem:s3+$0x5530];
	v61 =	vsel vm2, $0x0, v57;
	v38 =	vmul.f32 $1.442695020e+00, v22;
	v39 =	vmul.f32 $9.999999770e-03, v14  }
0x1be: {  	[tilespmem:$0x1FAC0] =	vst v35;
	v43 =	vld [tilespmem:s3+$0x2D20];
	v0 =	vadd.f32 v0, v61;
	v35 =	vmul.f32 v54, v48;
	v3 =	vmul.f32 v63, v51  }
0x1bf: {  	v16 =	vld [tilespmem:s3+$0x2D40];
	vm8 =	vge.f32 v14, $0.0e+00;
	[tilespmem:$0x1FB00] =	vst v63;
	v63 =	vmul.f32 v34, v40;
	v40 =	vmul.f32 v28, v52  }
0x1c0: {  	v61 =	vld [tilespmem:s3+$0x5540];
	v28 =	vmul.f32 v13, v9;
	(erf) = vpow2.f32 v38;
	v14 =	vsel vm8, v14, v39  }
0x1c1: {  	v20 =	vld [tilespmem:s3+$0x5550];
	(xrf2) =	vadd.scan.msk.f32 $0xffff, v0;
	v55, _, _ =	vpop (xrf2);
	v0 =	vadd.f32 v35, v19;
	v39 =	vmul.f32 v53, v23;
	v38 =	vmul.f32 v15, v2  }
0x1c2: {  	[tilespmem:$0x1FAF0] =	vst v54;
	v54 =	vld [tilespmem:s3+$0x2D50];
	v24 =	vbroadcast v55, $0xF;
	v50 =	vmul.f32 v63, v31  }
0x1c3: {  	v22 =	vld [tilespmem:s3+$0x2D60];
	v36 =	vmul.f32 v40, v32;
	v0 =	vadd.f32 v3, v0;
	v3 =	vmul.f32 v59, v47  }
0x1c4: {  	v34 =	vld [tilespmem:s3+$0x2D70];
	v37 =	vmul.f32 $1.442695020e+00, v14;
	v55 =	vmul.f32 $9.999999770e-03, v24  }
0x1c5: {  	[tilespmem:$0x1FB10] =	vst v59;
	v52 =	vld [tilespmem:s3+$0x2D80];
	v59 =	vmul.f32 v1, v46;
	vm8 =	vge.f32 v24, $0.0e+00;
	v0 =	vadd.f32 v3, v0  }
0x1c6: {  	v13 =	vld [tilespmem:s3+$0x2D90];
	[tilespmem:$0x1FB40] =	vst v40;
	v40 =	vmul.f32 v38, v49;
	v19 =	vsel vm8, v24, v55;
	v24 =	vadd.f32 $0.0e+00, v39  }
0x1c7: {  	[tilespmem:$0x1FB20] =	vst v53;
	v53 =	vld [tilespmem:s3+$0x2DA0];
	(erf) = vpow2.f32 v37;
	v37 =	vmul.f32 v60, v27;
	v0 =	vadd.f32 v59, v0  }
0x1c8: {  	v2 =	vld [tilespmem:s3+$0x55A0];
	[tilespmem:$0x1FB30] =	vst v63;
	v39 =	vmul.f32 $1.442695020e+00, v19;
	v63 =	vadd.f32 v50, v24;
	v24 =	vmul.f32 v28, v48  }
0x1c9: {  	v14 =	vld [tilespmem:s3+$0x2DB0];
	v50 =	vmul.f32 v25, v12;
	v25 =	vmul.f32 v61, v16  }
0x1ca: {  	v27 =	vld [tilespmem:s3+$0x5620];
	(erf) = vpow2.f32 v39;
	v0 =	vadd.f32 v40, v0;
	v40 =	vmul.f32 v29, v7  }
0x1cb: {  	v3 =	vld [tilespmem:s3+$0x5580];
	v59 =	vsel vm10, $0x0, v57;
	v39 =	vmul.f32 v33, v8;
	v33 =	vmul.f32 v20, v54  }
0x1cc: {  	v19 =	vld [tilespmem:s3+$0x5590];
	v55, _, _ =	vpop (xrf2);
	v54 =	vmul.f32 v6, v41;
	v6 =	vadd.f32 $0.0e+00, v11;
	v41 =	vmul.f32 v37, v31  }
0x1cd: {  	v7 =	vld [tilespmem:s3+$0x55C0];
	v9 =	vadd.f32 v36, v63;
	v12 =	vbroadcast v55, $0xF;
	v63 =	vmul.f32 v50, v51  }
0x1ce: {  	[tilespmem:$0x1FB50] =	vst v28;
	v20 =	vld [tilespmem:s3+$0x55E0];
	v36 =	vmul.f32 v5, v4;
	v15 =	vadd.f32 v0, v59;
	v35 =	vmul.f32 v40, v46  }
0x1cf: {  	v55 =	vld [tilespmem:s3+$0x55B0];
	[tilespmem:$0x1FB70] =	vst v33;
	v59 =	vmul.f32 v26, v22;
	v60 =	vmul.f32 v33, v23;
	v9 =	vadd.f32 v24, v9  }
0x1d0: {  	v4 =	vld [tilespmem:s3+$0x2DC0];
	v6 =	vadd.f32 v41, v6;
	v33 =	vmul.f32 v3, v52;
	v28 =	vmul.f32 $9.999999770e-03, v12;
	(xrf2) =	vadd.scan.msk.f32 $0xffff, v15  }
0x1d1: {  	v22 =	vld [tilespmem:s3+$0x2DF0];
	vm8 =	vge.f32 v12, $0.0e+00;
	v29 =	vmul.f32 v36, v47;
	v5 =	vadd.f32 v63, v9  }
0x1d2: {  	v24 =	vld [tilespmem:s3+$0x5600];
	v0 =	vsel vm8, v12, v28;
	v63 =	vmul.f32 v54, v32;
	v28 =	vmul.f32 v10, v34  }
0x1d3: {  	v15 =	vld [tilespmem:s3+$0x2DE0];
	v34 =	vmul.f32 v42, v62;
	v42 =	vmul.f32 v19, v13;
	v5 =	vadd.f32 v29, v5  }
0x1d4: {  	v8 =	vadd.f32 $0.0e+00, v60;
	v9 =	vld [tilespmem:s3+$0x2DD0];
	v62 =	vmul.f32 v2, v53;
	v29 =	vmul.f32 v59, v31  }
0x1d5: {  	v12 =	vld [tilespmem:s3+$0x55D0];
	v55 =	vmul.f32 v55, v14;
	v5 =	vadd.f32 v35, v5;
	v35 =	vmul.f32 v30, v17  }
0x1d6: {  	v10 =	vld [tilespmem:s3+$0x2E10];
	v3 =	vmul.f32 v28, v32;
	v41 =	vmul.f32 v34, v51;
	v8 =	vadd.f32 v29, v8  }
0x1d7: {  	v13 =	vld [tilespmem:s3+$0x2E20];
	[tilespmem:$0x1FB90] =	vst v28;
	v6 =	vadd.f32 v63, v6;
	v28 =	vmul.f32 v45, v44;
	v30 =	vmul.f32 v35, v48  }
0x1d8: {  	v2 =	vld [tilespmem:s3+$0x5630];
	v29 =	vmul.f32 v21, v43;
	v43 =	vmul.f32 v33, v48;
	v3 =	vadd.f32 v3, v8  }
0x1d9: {  	[tilespmem:$0x1FBA0] =	vst v33;
	v19 =	vld [tilespmem:s3+$0x2E40];
	v60 =	vmul.f32 v42, v51;
	v33 =	vmul.f32 v39, v49;
	v6 =	vadd.f32 v30, v6  }
0x1da: {  	[tilespmem:$0x1FB80] =	vst v59;
	v53 =	vld [tilespmem:s3+$0x5650];
	v44 =	vmul.f32 v28, v46;
	v26 =	vmul.f32 v20, v15;
	v3 =	vadd.f32 v43, v3;
	v45, _, _ =	vpop (xrf2)  }
0x1db: {  	[tilespmem:$0x1FBB0] =	vst v42;
	v42 =	vld [tilespmem:s3+$0x2E30];
	v52 =	vmul.f32 v29, v47;
	v6 =	vadd.f32 v41, v6;
	v59 =	vbroadcast v45, $0xF  }
0x1dc: {  	v17 =	vld [tilespmem:s3+$0x55F0];
	v61 =	vmul.f32 v12, v9;
	v30 =	vmul.f32 v62, v47;
	v3 =	vadd.f32 v60, v3  }
0x1dd: {  	v21 =	vld [tilespmem:s3+$0x5610];
	v5 =	vadd.f32 v33, v5;
	v6 =	vadd.f32 v52, v6;
	v63 =	vmul.f32 $9.999999770e-03, v59  }
0x1de: {  	v15 =	vmul.f32 v26, v31;
	v43 =	vld [tilespmem:s3+$0x5670];
	vm8 =	vge.f32 v59, $0.0e+00;
	v3 =	vadd.f32 v30, v3  }
0x1df: {  	v45 =	vld [tilespmem:s3+$0x2E50];
	v52 =	vmul.f32 v25, v49;
	v8 =	vsel vm8, v59, v63;
	v6 =	vadd.f32 v44, v6  }
0x1e0: {  	v60 =	vld [tilespmem:s3+$0x2E60];
	v59 =	vmul.f32 v7, v4;
	v4 =	vsel vm4, $0x0, v57;
	v7 =	vmul.f32 v55, v46  }
0x1e1: {  	vm8 =	vcmask $0x1F24;
	v4 =	vadd.f32 v5, v4;
	v5 =	vadd.f32 v52, v6;
	v6 =	vld [tilespmem:s3+$0x5660]  }
0x1e2: {  	v33 =	vmul.f32 v24, v18;
	v41 =	vld [tilespmem:s3+$0x5640];
	v3 =	vadd.f32 v7, v3;
	v7 =	vsel vm8, $0x0, v57  }
0x1e3: {  	[tilespmem:$0x1FBC0] =	vst v62;
	v22 =	vmul.f32 v17, v22;
	v63 =	vld [tilespmem:s3+$0x2E70];
	v5 =	vadd.f32 v5, v7;
	v7 =	vmul.f32 v61, v23  }
0x1e4: {  	[tilespmem:$0x1FBE0] =	vst v61;
	v24 =	vmul.f32 v21, v10;
	v44 =	vmul.f32 v53, v45;
	v45 =	vld [tilespmem:s3+$0x2E80]  }
0x1e5: {  	v53 =	vld [tilespmem:s3+$0x5680];
	[tilespmem:$0x1FBD0] =	vst v59;
	v62 =	vmul.f32 v59, v49;
	vm8 =	vcmask $0x2328;
	v7 =	vadd.f32 $0.0e+00, v7  }
0x1e6: {  	v52 =	vsel vm8, $0x0, v57;
	(xrf2) =	vadd.scan.msk.f32 $0xffff, v4;
	v4 =	vmul.f32 v44, v23;
	v61 =	vld [tilespmem:s3+$0x5690];
	v59 =	vmul.f32 v6, v60  }
0x1e7: {  	v3 =	vadd.f32 v62, v3;
	v6 =	vld [tilespmem:s3+$0x2E90];
	v60 =	vmul.f32 v22, v32;
	v7 =	vadd.f32 v15, v7  }
0x1e8: {  	[tilespmem:$0x1FC20] =	vst v44;
	v44 =	vld [tilespmem:s3+$0x56A0];
	v62 =	vmul.f32 v43, v63;
	v4 =	vadd.f32 $0.0e+00, v4;
	v63 =	vmul.f32 v59, v31  }
0x1e9: {  	[tilespmem:$0x1FBF0] =	vst v22;
	v43 =	vmul.f32 v33, v48;
	v3 =	vadd.f32 v3, v52;
	v22 =	vld [tilespmem:s3+$0x2EA0];
	v7 =	vadd.f32 v60, v7  }
0x1ea: {  	v16 =	vmul.f32 v53, v45;
	v52 =	vld [tilespmem:s3+$0x2EB0];
	v45 =	vmul.f32 v62, v32;
	v4 =	vadd.f32 v63, v4  }
0x1eb: {  	v30 =	vmul.f32 v27, v13;
	v53 =	vmul.f32 v24, v51;
	[tilespmem:$0x1FC30] =	vst v59;
	v59 =	vld [tilespmem:s3+$0x56B0];
	v7 =	vadd.f32 v43, v7  }
0x1ec: {  	v15 =	vmul.f32 v61, v6;
	v6 =	vmul.f32 v16, v48;
	v4 =	vadd.f32 v45, v4  }
0x1ed: {  	[tilespmem:$0x1FC40] =	vst v62;
	v62 =	vmul.f32 v30, v47;
	v60 =	vld [tilespmem:s3+$0x2EC0];
	v61 =	vmul.f32 v2, v42;
	v7 =	vadd.f32 v53, v7  }
0x1ee: {  	v63 =	vld [tilespmem:s3+$0x56C0];
	v11 =	vmul.f32 v44, v22;
	v4 =	vadd.f32 v6, v4;
	v6 =	vmul.f32 v15, v51  }
0x1ef: {  	v27 =	vmul.f32 v41, v19;
	v2 =	vadd.f32 v62, v7;
	v7 =	vmul.f32 v61, v46  }
0x1f0: {  	(xrf2) =	vadd.scan.msk.f32 $0xffff, v5;
	v5, _, _ =	vpop (xrf2);
	v12 =	vmul.f32 v59, v52;
	v4 =	vadd.f32 v6, v4;
	v6 =	vmul.f32 v11, v47  }
0x1f1: {  	(xrf2) =	vadd.scan.msk.f32 $0xffff, v3;
	v3 =	vbroadcast v5, $0xF;
	v5 =	vmul.f32 v27, v49;
	v2 =	vadd.f32 v7, v2  }
0x1f2: {  	v4 =	vadd.f32 v6, v4;
	v6 =	vmul.f32 v12, v46  }
0x1f3: {  	v7 =	vmul.f32 v63, v60;
	v2 =	vadd.f32 v5, v2;
	v5 =	vmul.f32 $9.999999770e-03, v3  }
0x1f4: {  	vm8 =	vge.f32 v3, $0.0e+00;
	v4 =	vadd.f32 v6, v4  }
0x1f5: {  	[tilespmem:$0x1FC50] =	vst v16;
	v6 =	vmul.f32 v7, v49;
	v16 =	vsel vm8, v3, v5;
	vm8 =	vcmask $0x272C  }
0x1f6: {  	v3 =	vsel vm8, $0x0, v57  }
0x1f7: {  	vm8 =	vcmask $0x2B30;
	v2 =	vadd.f32 v2, v3;
	v3 =	vadd.f32 v6, v4  }
0x1f8: {  	[tilespmem:$0x1FC90] =	vst v7;
	v7 =	vsel vm8, $0x0, v57  }
0x1f9: {  	v3 =	vadd.f32 v3, v7;
	_ =	sdelay $0x2  }
0x1fa: {  	(xrf2) =	vadd.scan.msk.f32 $0xffff, v2  }
0x1fb: {  	(xrf2) =	vadd.scan.msk.f32 $0xffff, v3;
	v3, _, _ =	vpop (xrf2)  }
0x1fc: {  	v3 =	vbroadcast v3, $0xF;
	_ =	sdelay $0x1  }
0x1fd: {  	[tilespmem:$0x1FC00] =	vst v24;
	v24 =	vmul.f32 $9.999999770e-03, v3  }
0x1fe: {  	v18 =	vld [tilespmem:$0x1F820];
	vm8 =	vge.f32 v3, $0.0e+00  }
0x1ff: {  	v0 =	vmul.f32 $1.442695020e+00, v0;
	v43 =	vsel vm8, v3, v24;
	v3 =	vld [tilespmem:$0x1F870]  }
0x200: {  	v6 =	vmul.f32 $1.442695020e+00, v8  }
0x201: {  	(erf) = vpow2.f32 v0;
	v0 =	vmul.f32 $1.442695020e+00, v16  }
0x202: {  	v21 =	vpop (erf);
	(erf) = vpow2.f32 v6  }
0x203: {  	(erf) = vpow2.f32 v0;
	v0 =	vmul.f32 v21, v18;
	v18 =	vpop (erf)  }
0x204: {  	v3 =	vmul.f32 v18, v3  }
0x205: {  	v5 =	vld [tilespmem:$0x1F7F0]  }
0x206: {  	[tilespmem:s3+$0x7960] =	vst v3;
	v3 =	vld [tilespmem:$0x1F890];
	_ =	sdelay $0x3  }
0x207: {  	v5 =	vmul.f32 v21, v5  }
0x208: {  	v20 =	vld [tilespmem:$0x1F840];
	v3 =	vmul.f32 v18, v3;
	_ =	sdelay $0x1  }
0x209: {  	v41 =	vld [tilespmem:$0x1F860]  }
0x20a: {  	v9 =	vld [tilespmem:s3+$0x56E0];
	[tilespmem:s3+$0x78E0] =	vst v5;
	v5, _, _ =	vpop (xrf2)  }
0x20b: {  	v17 =	vld [tilespmem:$0x1F810];
	v5 =	vbroadcast v5, $0xF;
	[tilespmem:s3+$0x7980] =	vst v3;
	v3, _, _ =	vpop (xrf2)  }
0x20c: {  	v10 =	vld [tilespmem:s3+$0x2F00];
	[tilespmem:s3+$0x7910] =	vst v0;
	v0 =	vmul.f32 v21, v20;
	v3 =	vbroadcast v3, $0xF  }
0x20d: {  	v13 =	vld [tilespmem:s3+$0x5710];
	v42 =	vmul.f32 $9.999999770e-03, v5  }
0x20e: {  	v19 =	vld [tilespmem:$0x1F830];
	[tilespmem:s3+$0x7930] =	vst v0;
	v0 =	vmul.f32 v18, v41;
	vm8 =	vge.f32 v5, $0.0e+00;
	v63 =	vmul.f32 $9.999999770e-03, v3  }
0x20f: {  	v22 =	vld [tilespmem:$0x1F850];
	v44 =	vsel vm8, v5, v42;
	vm8 =	vge.f32 v3, $0.0e+00  }
0x210: {  	[tilespmem:s3+$0x7950] =	vst v0;
	v0 =	vmul.f32 $1.442695020e+00, v44;
	v44 =	vsel vm8, v3, v63;
	v3 =	vld [tilespmem:$0x1F900]  }
0x211: {  	v45 =	vld [tilespmem:$0x1F8A0]  }
0x212: {  	v52 =	vld [tilespmem:$0x1F8B0]  }
0x213: {  	v53 =	vld [tilespmem:$0x1F8C0]  }
0x214: {  	[tilespmem:$0x1FC60] =	vst v15;
	v15 =	vld [tilespmem:s3+$0x2F20];
	v62 =	vpop (erf)  }
0x215: {  	[tilespmem:$0x1FC10] =	vst v61;
	v61 =	vld [tilespmem:$0x1F8E0];
	v3 =	vmul.f32 v62, v3  }
0x216: {  	[tilespmem:$0x1FC70] =	vst v11;
	v11 =	vld [tilespmem:s3+$0x2EF0]  }
0x217: {  	[tilespmem:s3+$0x79F0] =	vst v3;
	v3 =	vld [tilespmem:$0x1F920]  }
0x218: {  	v60 =	vld [tilespmem:$0x1F8D0]  }
0x219: {  	[tilespmem:$0x1FC80] =	vst v12;
	v12 =	vld [tilespmem:s3+$0x5700]  }
0x21a: {  	v16 =	vld [tilespmem:s3+$0x5720]  }
0x21b: {  	v4 =	vld [tilespmem:$0x1F7E0]  }
0x21c: {  	v8 =	vld [tilespmem:s3+$0x56F0];
	v3 =	vmul.f32 v62, v3  }
0x21d: {  	v6 =	vld [tilespmem:s3+$0x56D0]  }
0x21e: {  	[tilespmem:s3+$0x7A10] =	vst v3;
	v3 =	vld [tilespmem:$0x1F940]  }
0x21f: {  	v2 =	vmul.f32 v21, v17;
	v7 =	vld [tilespmem:s3+$0x2EE0]  }
0x220: {  	v17 =	vld [tilespmem:s3+$0x2F40]  }
0x221: {  	[tilespmem:s3+$0x7900] =	vst v2;
	v2 =	vmul.f32 v21, v19;
	v19 =	vld [tilespmem:s3+$0x2F30]  }
0x222: {  	v20 =	vmul.f32 v16, v15;
	v15 =	vld [tilespmem:s3+$0x2FA0]  }
0x223: {  	v16 =	vld [tilespmem:s3+$0x57A0];
	v3 =	vmul.f32 v62, v3  }
0x224: {  	v4 =	vmul.f32 v21, v4;
	[tilespmem:s3+$0x7920] =	vst v2;
	v2 =	vmul.f32 v21, v22;
	v22 =	vld [tilespmem:$0x1F8F0]  }
0x225: {  	[tilespmem:s3+$0x7A30] =	vst v3;
	v3 =	vld [tilespmem:$0x1F950]  }
0x226: {  	[tilespmem:s3+$0x78D0] =	vst v4;
	v4 =	vld [tilespmem:$0x1F800]  }
0x227: {  	v41 =	vld [tilespmem:s3+$0x5730]  }
0x228: {  	v15 =	vmul.f32 v16, v15;
	v16 =	vld [tilespmem:$0x1FA80]  }
0x229: {  	v5 =	vld [tilespmem:$0x1F880];
	v63 =	vmul.f32 v62, v56;
	v56 =	vpop (erf)  }
0x22a: {  	v42 =	vld [tilespmem:s3+$0x5740];
	v3 =	vmul.f32 v56, v3  }
0x22b: {  	[tilespmem:s3+$0x7940] =	vst v2;
	v2 =	vmul.f32 $1.442695020e+00, v43;
	v43 =	vld [tilespmem:s3+$0x2F50]  }
0x22c: {  	v4 =	vmul.f32 v21, v4;
	[tilespmem:s3+$0x7A50] =	vst v3;
	v3 =	vld [tilespmem:$0x1F970]  }
0x22d: {  	v19 =	vmul.f32 v41, v19;
	v41 =	vld [tilespmem:s3+$0x2FB0];
	(erf) = vpow2.f32 v2  }
0x22e: {  	[tilespmem:s3+$0x78F0] =	vst v4;
	v4 =	vld [tilespmem:s3+$0x2ED0];
	(erf) = vpow2.f32 v0;
	v0 =	vmul.f32 v18, v52  }
0x22f: {  	v2 =	vmul.f32 v18, v45;
	v45 =	vld [tilespmem:$0x1F910];
	v5 =	vmul.f32 v18, v5  }
0x230: {  	v52 =	vld [tilespmem:$0x1F930];
	[tilespmem:s3+$0x79A0] =	vst v0;
	v0 =	vmul.f32 v18, v60  }
0x231: {  	v17 =	vmul.f32 v42, v17;
	v42 =	vld [tilespmem:s3+$0x57B0];
	[tilespmem:s3+$0x7970] =	vst v5;
	v3 =	vmul.f32 v56, v3  }
0x232: {  	v5 =	vld [tilespmem:s3+$0x2F10];
	[tilespmem:s3+$0x79C0] =	vst v0  }
0x233: {  	v0 =	vmul.f32 v62, v22;
	[tilespmem:s3+$0x7A70] =	vst v3;
	v3 =	vld [tilespmem:$0x1F990]  }
0x234: {  	[tilespmem:s3+$0x7990] =	vst v2;
	v2 =	vmul.f32 v18, v53;
	v53 =	vmul.f32 v6, v4;
	v4 =	vld [tilespmem:s3+$0x5760]  }
0x235: {  	v6 =	vld [tilespmem:s3+$0x2F70];
	[tilespmem:s3+$0x79E0] =	vst v0;
	v0 =	vmul.f32 v62, v45  }
0x236: {  	[tilespmem:s3+$0x79B0] =	vst v2;
	v2 =	vmul.f32 v62, v61;
	v22 =	vld [tilespmem:$0x1F960];
	v59, _, _ =	vpop (xrf2)  }
0x237: {  	[tilespmem:s3+$0x7A00] =	vst v0;
	v0 =	vmul.f32 v62, v52;
	v52 =	vld [tilespmem:$0x1F9A0];
	v14 =	vbroadcast v59, $0xF  }
0x238: {  	[tilespmem:s3+$0x79D0] =	vst v2;
	v2 =	vmul.f32 $1.442695020e+00, v44;
	v44 =	vld [tilespmem:$0x1F980];
	v3 =	vmul.f32 v56, v3  }
0x239: {  	v61 =	vmul.f32 v13, v5;
	v5 =	vld [tilespmem:s3+$0x5780]  }
0x23a: {  	v24 =	vmul.f32 $9.999999770e-03, v14;
	[tilespmem:s3+$0x7A90] =	vst v3;
	v3 =	vld [tilespmem:$0x1F9B0]  }
0x23b: {  	v45 =	vmul.f32 v53, v23;
	v13 =	vld [tilespmem:$0x1FA40];
	[tilespmem:s3+$0x7A20] =	vst v0;
	vm8 =	vge.f32 v14, $0.0e+00;
	v0 =	vmul.f32 v56, v22  }
0x23c: {  	[tilespmem:$0x1FCA0] =	vst v53;
	v14 =	vsel vm8, v14, v24;
	v24 =	vmul.f32 v9, v7;
	v7 =	vld [tilespmem:s3+$0x5770];
	v22 =	vmul.f32 v12, v10  }
0x23d: {  	v10 =	vld [tilespmem:s3+$0x2F90];
	v14 =	vmul.f32 $1.442695020e+00, v14;
	[tilespmem:s3+$0x7A60] =	vst v0;
	v0 =	vmul.f32 v56, v44  }
0x23e: {  	[tilespmem:s3+$0x7A40] =	vst v63;
	v63 =	vmul.f32 v8, v11;
	v8 =	vld [tilespmem:s3+$0x2F80];
	v53 =	vmul.f32 v24, v31  }
0x23f: {  	v9 =	vadd.f32 $0.0e+00, v45;
	[tilespmem:s3+$0x7A80] =	vst v0;
	v0 =	vmul.f32 v56, v52;
	v52 =	vld [tilespmem:$0x1F9D0];
	v3 =	vmul.f32 v56, v3  }
0x240: {  	(erf) = vpow2.f32 v2;
	v44 =	vld [tilespmem:$0x1F9C0]  }
0x241: {  	(erf) = vpow2.f32 v14;
	v14 =	vld [tilespmem:s3+$0x2F60];
	v45 =	vmul.f32 v63, v32;
	[tilespmem:s3+$0x7AB0] =	vst v3;
	v3 =	vadd.f32 v53, v9  }
0x242: {  	v53 =	vld [tilespmem:$0x1F9E0]  }
0x243: {  	v60 =	vmul.f32 v56, v58;
	v58 =	vpop (erf);
	v3 =	vadd.f32 v45, v3;
	v45 =	vld [tilespmem:$0x1F9F0]  }
0x244: {  	v59 =	vmul.f32 v22, v48;
	[tilespmem:s3+$0x7AA0] =	vst v0;
	v0 =	vmul.f32 v58, v52;
	v52 =	vld [tilespmem:$0x1FA00]  }
0x245: {  	v2 =	vld [tilespmem:s3+$0x5750];
	v9 =	vmul.f32 v58, v44  }
0x246: {  	v3 =	vadd.f32 v59, v3;
	v59 =	vmul.f32 v4, v14;
	v14 =	vld [tilespmem:$0x1FA10]  }
0x247: {  	v11 =	vld [tilespmem:s3+$0x5790];
	[tilespmem:s3+$0x7AD0] =	vst v9;
	v9 =	vmul.f32 v58, v53  }
0x248: {  	[tilespmem:s3+$0x7AE0] =	vst v0;
	v0 =	vmul.f32 v58, v45;
	v45 =	vld [tilespmem:$0x1FA20]  }
0x249: {  	[tilespmem:s3+$0x7AF0] =	vst v9;
	v9 =	vmul.f32 v58, v52;
	v52 =	vld [tilespmem:$0x1FA30]  }
0x24a: {  	[tilespmem:s3+$0x7AC0] =	vst v60;
	v60 =	vmul.f32 v2, v43;
	v2 =	vld [tilespmem:s3+$0x57C0]  }
0x24b: {  	v43 =	vld [tilespmem:s3+$0x2FD0];
	v53 =	vmul.f32 v61, v51;
	[tilespmem:s3+$0x7B00] =	vst v0;
	v0 =	vmul.f32 v58, v14  }
0x24c: {  	v12 =	vmul.f32 v20, v47;
	v44 =	vld [tilespmem:s3+$0x2FC0]  }
0x24d: {  	v4 =	vld [tilespmem:s3+$0x57D0];
	v3 =	vadd.f32 v53, v3;
	v53 =	vmul.f32 v7, v6;
	[tilespmem:s3+$0x7B10] =	vst v9;
	v9 =	vmul.f32 v58, v45  }
0x24e: {  	v6 =	vmul.f32 v58, v52;
	v52 =	vmul.f32 v5, v8;
	v5 =	vld [tilespmem:$0x1FA50]  }
0x24f: {  	v7 =	vld [tilespmem:s3+$0x57E0];
	v3 =	vadd.f32 v12, v3;
	v12 =	vmul.f32 v19, v46;
	[tilespmem:s3+$0x7B20] =	vst v0;
	v0 =	vpop (erf)  }
0x250: {  	v14 =	vld [tilespmem:$0x1FA60];
	[tilespmem:s3+$0x7B30] =	vst v9;
	v9 =	vmul.f32 v0, v13  }
0x251: {  	v3 =	vadd.f32 v12, v3;
	v12 =	vld [tilespmem:s3+$0x3000]  }
0x252: {  	v45 =	vld [tilespmem:s3+$0x2FE0];
	[tilespmem:s3+$0x7B50] =	vst v9;
	v9 =	vmul.f32 v17, v49  }
0x253: {  	v13 =	vmov v46;
	v46 =	vld [tilespmem:s3+$0x2FF0];
	v5 =	vmul.f32 v0, v5  }
0x254: {  	vm8 =	vcmask $0x2F34;
	[tilespmem:s3+$0x7B40] =	vst v6;
	v6 =	vld [tilespmem:s3+$0x57F0];
	v3 =	vadd.f32 v9, v3  }
0x255: {  	v42 =	vmul.f32 v42, v41;
	v41 =	vsel vm8, $0x0, v57;
	[tilespmem:s3+$0x7B60] =	vst v5;
	v5 =	vld [tilespmem:$0x1FA70]  }
0x256: {  	v8 =	vmul.f32 v0, v14;
	v14 =	vmul.f32 v11, v10;
	v10 =	vld [tilespmem:s3+$0x5800];
	v3 =	vadd.f32 v3, v41  }
0x257: {  	v11 =	vmov v47;
	v47 =	vld [tilespmem:s3+$0x5810]  }
0x258: {  	(xrf2) =	vadd.scan.msk.f32 $0xffff, v3;
	v3 =	vld [tilespmem:$0x1FAD0]  }
0x259: {  	[tilespmem:s3+$0x7B70] =	vst v8;
	v8 =	vmul.f32 v0, v16;
	v16 =	vld [tilespmem:s3+$0x3010]  }
0x25a: {  	v9 =	vmul.f32 v2, v44;
	v44 =	vld [tilespmem:$0x1FAA0];
	v5 =	vmul.f32 v0, v5  }
0x25b: {  	[tilespmem:s3+$0x7B90] =	vst v8;
	v8 =	vmul.f32 v4, v43;
	v4 =	vld [tilespmem:$0x1FAB0]  }
0x25c: {  	v41 =	vpop (erf);
	[tilespmem:s3+$0x7B80] =	vst v5;
	v5 =	vld [tilespmem:$0x1FA90]  }
0x25d: {  	v7 =	vmul.f32 v7, v45;
	v45 =	vld [tilespmem:$0x1FAC0];
	v3 =	vmul.f32 v41, v3  }
0x25e: {  	v43 =	vld [tilespmem:s3+$0x5820]  }
0x25f: {  	[tilespmem:s3+$0x7BE0] =	vst v3;
	v3 =	vld [tilespmem:$0x1FAF0]  }
0x260: {  	v2 =	vmul.f32 v0, v44;
	v44 =	vld [tilespmem:s3+$0x3020];
	v4 =	vmul.f32 v0, v4  }
0x261: {  	v6 =	vmul.f32 v6, v46;
	v46 =	vld [tilespmem:s3+$0x5830];
	v5 =	vmul.f32 v0, v5  }
0x262: {  	[tilespmem:s3+$0x7BC0] =	vst v4;
	v4 =	vmul.f32 v47, v16;
	v16 =	vld [tilespmem:s3+$0x5840]  }
0x263: {  	[tilespmem:s3+$0x7BA0] =	vst v5;
	v5 =	vmul.f32 v10, v12;
	v12 =	vld [tilespmem:$0x1FAE0]  }
0x264: {  	v10 =	vld [tilespmem:s3+$0x3040];
	v47 =	vmul.f32 v41, v3  }
0x265: {  	[tilespmem:s3+$0x7BB0] =	vst v2;
	v3 =	vmul.f32 v43, v44;
	v44 =	vld [tilespmem:$0x1FB00]  }
0x266: {  	v2 =	vmul.f32 v41, v45;
	[tilespmem:s3+$0x7C00] =	vst v47;
	v47 =	vld [tilespmem:$0x1FB10]  }
0x267: {  	v45 =	vld [tilespmem:s3+$0x3030]  }
0x268: {  	[tilespmem:s3+$0x7BD0] =	vst v2;
	v2 =	vmul.f32 v41, v12  }
0x269: {  	v16 =	vmul.f32 v16, v10;
	v10 =	vld [tilespmem:$0x1FB20]  }
0x26a: {  	v43 =	vmul.f32 v60, v23;
	[tilespmem:s3+$0x7BF0] =	vst v2;
	v2 =	vmul.f32 v41, v44  }
0x26b: {  	v1 =	vmul.f32 v41, v1;
	v12 =	vmul.f32 v41, v47  }
0x26c: {  	v43 =	vadd.f32 $0.0e+00, v43;
	[tilespmem:s3+$0x7C10] =	vst v2;
	v2 =	vmul.f32 v46, v45;
	v45 =	vmul.f32 v59, v31  }
0x26d: {  	[tilespmem:s3+$0x7C20] =	vst v12;
	v12 =	vmul.f32 v41, v38;
	v38 =	vpop (erf)  }
0x26e: {  	[tilespmem:s3+$0x7C30] =	vst v1;
	v1 =	vmul.f32 v38, v10;
	v10 =	vadd.f32 v45, v43;
	v45 =	vld [tilespmem:$0x1FB30]  }
0x26f: {  	v47 =	vld [tilespmem:$0x1FB40];
	_ =	sdelay $0x1  }
0x270: {  	v44 =	vld [tilespmem:s3+$0x3050];
	v43 =	vmul.f32 v53, v32  }
0x271: {  	v46 =	vld [tilespmem:s3+$0x5850];
	v50 =	vmul.f32 v38, v50;
	[tilespmem:s3+$0x7C40] =	vst v12  }
0x272: {  	[tilespmem:s3+$0x7C50] =	vst v1;
	v10 =	vadd.f32 v43, v10;
	v43 =	vmul.f32 v52, v48;
	v12 =	vmul.f32 v38, v45;
	v45 =	vld [tilespmem:$0x1FB50]  }
0x273: {  	v36 =	vmul.f32 v38, v36;
	v1 =	vmul.f32 v38, v47;
	v47, _, _ =	vpop (xrf2);
	[tilespmem:s3+$0x7C90] =	vst v50  }
0x274: {  	v50 =	vmul.f32 v14, v51;
	v10 =	vadd.f32 v43, v10;
	[tilespmem:s3+$0x7C60] =	vst v12;
	v12 =	vbroadcast v47, $0xF  }
0x275: {  	v40 =	vmul.f32 v38, v40;
	v39 =	vmul.f32 v38, v39;
	v47 =	vld [tilespmem:$0x1FB60]  }
0x276: {  	[tilespmem:s3+$0x7CA0] =	vst v36;
	v10 =	vadd.f32 v50, v10;
	v50 =	vmul.f32 v15, v11;
	v43 =	vmul.f32 $9.999999770e-03, v12  }
0x277: {  	[tilespmem:s3+$0x7C70] =	vst v1;
	v1 =	vmul.f32 v46, v44;
	v46 =	vld [tilespmem:s3+$0x5860];
	vm8 =	vge.f32 v12, $0.0e+00;
	v45 =	vmul.f32 v38, v45  }
0x278: {  	[tilespmem:s3+$0x7CB0] =	vst v40;
	v36 =	vpop (erf);
	v10 =	vadd.f32 v50, v10;
	v50 =	vld [tilespmem:s3+$0x5870];
	v12 =	vsel vm8, v12, v43;
	v43 =	vmul.f32 v8, v23  }
0x279: {  	v37 =	vmul.f32 v36, v37;
	[tilespmem:s3+$0x7C80] =	vst v45;
	v45 =	vld [tilespmem:s3+$0x3060]  }
0x27a: {  	[tilespmem:s3+$0x7CC0] =	vst v39;
	v40 =	vmul.f32 v36, v47;
	v47 =	vld [tilespmem:s3+$0x3070];
	v39 =	vadd.f32 $0.0e+00, v43;
	v43 =	vmul.f32 v7, v31  }
0x27b: {  	v35 =	vmul.f32 v36, v35;
	[tilespmem:s3+$0x7CE0] =	vst v37  }
0x27c: {  	[tilespmem:s3+$0x7CD0] =	vst v40;
	v40 =	vmul.f32 v36, v54;
	v54 =	vmul.f32 v6, v32;
	v37 =	vadd.f32 v43, v39;
	_ =	sdelay $0x1  }
0x27d: {  	[tilespmem:s3+$0x7D00] =	vst v35;
	v35 =	vadd.f32 v54, v37;
	v54 =	vmul.f32 v36, v29;
	v29 =	vmul.f32 v46, v45  }
0x27e: {  	v46 =	vmul.f32 v36, v28;
	v28 =	vmul.f32 v50, v47;
	v47 =	vld [tilespmem:$0x1FB70]  }
0x27f: {  	v44 =	vmul.f32 v42, v13  }
0x280: {  	v34 =	vmul.f32 v36, v34  }
0x281: {  	v10 =	vadd.f32 v44, v10;
	v44 =	vmul.f32 v5, v48  }
0x282: {  	[tilespmem:s3+$0x7D10] =	vst v34;
	v37 =	vmul.f32 v36, v25;
	v25 =	vpop (erf)  }
0x283: {  	[tilespmem:s3+$0x7D20] =	vst v54;
	v35 =	vadd.f32 v44, v35;
	v54 =	vmul.f32 v4, v51;
	v34 =	vmul.f32 v25, v47  }
0x284: {  	[tilespmem:s3+$0x7CF0] =	vst v40;
	v40 =	vmul.f32 v9, v49  }
0x285: {  	[tilespmem:s3+$0x7D50] =	vst v34;
	v34 =	vadd.f32 v54, v35;
	v54 =	vld [tilespmem:$0x1FBA0]  }
0x286: {  	vm8 =	vcmask $0x3338;
	v10 =	vadd.f32 v40, v10  }
0x287: {  	v39 =	vld [tilespmem:s3+$0x5880];
	v50 =	vsel vm8, $0x0, v57  }
0x288: {  	v10 =	vadd.f32 v10, v50;
	v50 =	vld [tilespmem:$0x1FB90]  }
0x289: {  	v40 =	vld [tilespmem:s3+$0x3080]  }
0x28a: {  	v43 =	vmul.f32 v1, v23;
	v23 =	vmul.f32 v25, v54;
	v54 =	vld [tilespmem:$0x1FBB0];
	_ =	sdelay $0x2  }
0x28b: {  	v44 =	vmul.f32 v3, v11;
	v35 =	vmul.f32 v25, v50;
	_ =	sdelay $0x1  }
0x28c: {  	[tilespmem:s3+$0x7D70] =	vst v35;
	v35 =	vadd.f32 v44, v34;
	v34 =	vmul.f32 v39, v40;
	v40 =	vmul.f32 v25, v54;
	v54 =	vld [tilespmem:$0x1FBC0]  }
0x28d: {  	v45 =	vld [tilespmem:s3+$0x3090]  }
0x28e: {  	[tilespmem:s3+$0x7D30] =	vst v46;
	v46 =	vld [tilespmem:s3+$0x5890]  }
0x28f: {  	v47 =	vld [tilespmem:$0x1FB80];
	v39 =	vmul.f32 v2, v13;
	_ =	sdelay $0x1  }
0x290: {  	(xrf2) =	vadd.scan.msk.f32 $0xffff, v10;
	v50 =	vld [tilespmem:s3+$0x30A0];
	v10 =	vadd.f32 v39, v35;
	v35 =	vmul.f32 v25, v54  }
0x291: {  	v44 =	vld [tilespmem:s3+$0x58A0]  }
0x292: {  	[tilespmem:s3+$0x7DA0] =	vst v35;
	v35 =	vmul.f32 v46, v45;
	v46 =	vld [tilespmem:$0x1FBD0]  }
0x293: {  	v43 =	vadd.f32 $0.0e+00, v43;
	[tilespmem:s3+$0x7D40] =	vst v37;
	v31 =	vmul.f32 v29, v31;
	v37 =	vmul.f32 v25, v47  }
0x294: {  	vm8 =	vcmask $0x373C;
	v47 =	vld [tilespmem:s3+$0x30B0];
	[tilespmem:s3+$0x7D80] =	vst v23;
	v23 =	vmul.f32 v16, v49  }
0x295: {  	[tilespmem:s3+$0x7D60] =	vst v37;
	v37 =	vadd.f32 v31, v43;
	v31 =	vmul.f32 v28, v32;
	v43 =	vmul.f32 v25, v55;
	v55 =	vld [tilespmem:s3+$0x58B0]  }
0x296: {  	v32 =	vsel vm8, $0x0, v57;
	v39 =	vmul.f32 v44, v50;
	v44 =	vld [tilespmem:s3+$0x58C0];
	v10 =	vadd.f32 v23, v10  }
0x297: {  	v37 =	vadd.f32 v31, v37;
	v31 =	vmul.f32 v34, v48;
	v54 =	vld [tilespmem:$0x1FBE0];
	v48 =	vmul.f32 v25, v46  }
0x298: {  	v10 =	vadd.f32 v10, v32;
	v32 =	vld [tilespmem:$0x1FC00];
	[tilespmem:s3+$0x7D90] =	vst v40  }
0x299: {  	v40 =	vpop (erf);
	[tilespmem:s3+$0x7DC0] =	vst v48;
	v48 =	vld [tilespmem:$0x1FBF0]  }
0x29a: {  	v37 =	vadd.f32 v31, v37;
	v31 =	vmul.f32 v40, v26;
	v46 =	vld [tilespmem:s3+$0x30C0]  }
0x29b: {  	v12 =	vmul.f32 $1.442695020e+00, v12;
	(xrf2) =	vadd.scan.msk.f32 $0xffff, v10  }
0x29c: {  	[tilespmem:s3+$0x7DE0] =	vst v31;
	v31 =	vmul.f32 v39, v11;
	v23 =	vmul.f32 v40, v54  }
0x29d: {  	v51 =	vmul.f32 v35, v51;
	v54 =	vmul.f32 v40, v33  }
0x29e: {  	v33 =	vmul.f32 v55, v47;
	[tilespmem:s3+$0x7DD0] =	vst v23;
	v50 =	vmul.f32 v40, v48  }
0x29f: {  	v37 =	vadd.f32 v51, v37;
	[tilespmem:s3+$0x7E00] =	vst v54;
	v54 =	vld [tilespmem:$0x1FC10];
	v23 =	vmul.f32 v44, v46;
	v48 =	vmul.f32 v40, v32  }
0x2a0: {  	(erf) = vpow2.f32 v12;
	[tilespmem:s3+$0x7DF0] =	vst v50  }
0x2a1: {  	v51 =	vmul.f32 v33, v13;
	v50 =	vadd.f32 v31, v37;
	[tilespmem:s3+$0x7E10] =	vst v48;
	v48 =	vmul.f32 v23, v49;
	_ =	sdelay $0x1  }
0x2a2: {  	v30 =	vmul.f32 v40, v30;
	v27 =	vmul.f32 v40, v27;
	v45, _, _ =	vpop (xrf2);
	v10 =	vadd.f32 v51, v50  }
0x2a3: {  	v26 =	vld [tilespmem:$0x1FC40];
	v12 =	vbroadcast v45, $0xF;
	v55 =	vmul.f32 v40, v54  }
0x2a4: {  	[tilespmem:s3+$0x7E40] =	vst v27;
	v10 =	vadd.f32 v48, v10;
	v48, _, _ =	vpop (xrf2)  }
0x2a5: {  	[tilespmem:s3+$0x7E30] =	vst v55;
	v55 =	vmul.f32 $9.999999770e-03, v12;
	v27 =	vbroadcast v48, $0xF  }
0x2a6: {  	[tilespmem:s3+$0x7E20] =	vst v30;
	v30 =	vpop (erf);
	vm8 =	vge.f32 v12, $0.0e+00  }
0x2a7: {  	v46 =	vmovc v13;
	v13 =	vsel vm1, $0x0, v57;
	v12 =	vsel vm8, v12, v55;
	v57 =	vmul.f32 $9.999999770e-03, v27  }
0x2a8: {  	v49 =	vld [tilespmem:$0x1FC20];
	v31 =	vmul.f32 v30, v26;
	v26 =	vpop (erf);
	v12 =	vmul.f32 $1.442695020e+00, v12;
	vm8 =	vge.f32 v27, $0.0e+00  }
0x2a9: {  	v55 =	vmul.f32 v26, v24;
	v51 =	vld [tilespmem:$0x1FC30];
	v24 =	vsel vm8, v27, v57  }
0x2aa: {  	(erf) = vpow2.f32 v12;
	v12 =	vmul.f32 $1.442695020e+00, v24  }
0x2ab: {  	v32 =	vld [tilespmem:$0x1FC50]  }
0x2ac: {  	[tilespmem:s3+$0x7DB0] =	vst v43;
	v43 =	vld [tilespmem:$0x1FC60];
	(erf) = vpow2.f32 v12;
	_ =	sdelay $0x1  }
0x2ad: {  	v50 =	vmul.f32 v30, v49;
	v49 =	vld [tilespmem:$0x1FC80];
	v10 =	vadd.f32 v10, v13;
	v54 =	vmul.f32 v30, v51;
	_ =	sdelay $0x1  }
0x2ae: {  	v37 =	vmul.f32 v30, v32;
	(xrf2) =	vadd.scan.msk.f32 $0xffff, v10;
	[tilespmem:s3+$0x7E60] =	vst v54;
	v54 =	vld [tilespmem:$0x1FCA0]  }
0x2af: {  	v10 =	vmul.f32 v30, v43;
	_ =	sdelay $0x1  }
0x2b0: {  	[tilespmem:s3+$0x7E90] =	vst v10;
	v10 =	vmul.f32 v30, v49  }
0x2b1: {  	v44 =	vld [tilespmem:$0x1FC70];
	[tilespmem:s3+$0x7E80] =	vst v37;
	v37 =	vpop (erf)  }
0x2b2: {  	[tilespmem:s3+$0x7EB0] =	vst v10;
	v10 =	vmul.f32 v26, v54;
	v54 =	vpop (erf)  }
0x2b3: {  	v3 =	vmul.f32 v54, v3;
	_ =	sdelay $0x1  }
0x2b4: {  	[tilespmem:s3+$0x8020] =	vst v3;
	v3 =	vmul.f32 v54, v16  }
0x2b5: {  	v45 =	vmul.f32 v30, v44;
	[tilespmem:s3+$0x7E70] =	vst v31  }
0x2b6: {  	v32, _, _ =	vpop (xrf2);
	[tilespmem:s3+$0x8040] =	vst v3;
	v3 =	vld [tilespmem:$0x1FF80]  }
0x2b7: {  	[tilespmem:s3+$0x7EA0] =	vst v45;
	v12 =	vbroadcast v32, $0xF  }
0x2b8: {  	v63 =	vmul.f32 v26, v63;
	[tilespmem:s3+$0x7EE0] =	vst v55;
	v7 =	vmul.f32 v54, v7  }
0x2b9: {  	v55 =	vsel vm0, v21, v18;
	[tilespmem:s3+$0x7E50] =	vst v50;
	v45 =	vmul.f32 $9.999999770e-03, v12;
	v6 =	vmul.f32 v54, v6  }
0x2ba: {  	v50 =	vld [tilespmem:$0x1FC90];
	vm8 =	vge.f32 v12, $0.0e+00;
	v5 =	vmul.f32 v54, v5;
	[tilespmem:s3+$0x7FE0] =	vst v7;
	v7 =	vsel vm7, v55, v62  }
0x2bb: {  	v12 =	vsel vm8, v12, v45;
	[tilespmem:s3+$0x7FF0] =	vst v6;
	v6 =	vsel vm11, v7, v56;
	vm8 =	vnez.u8 v3;
	v3 =	vld [tilespmem:$0x1FF90]  }
0x2bc: {  	v22 =	vmul.f32 v26, v22;
	[tilespmem:s3+$0x8000] =	vst v5;
	v5 =	vsel vm15, v6, v58;
	v6 =	vld [tilespmem:$0x1FFA0]  }
0x2bd: {  	v20 =	vmul.f32 v26, v20;
	[tilespmem:s3+$0x7EF0] =	vst v63;
	v0 =	vsel vm6, v5, v0  }
0x2be: {  	v17 =	vmul.f32 v26, v17;
	[tilespmem:s3+$0x7F00] =	vst v22;
	v0 =	vsel vm14, v0, v41  }
0x2bf: {  	v31 =	vmul.f32 v26, v19;
	[tilespmem:s3+$0x7F20] =	vst v20;
	v0 =	vsel vm12, v0, v38  }
0x2c0: {  	[tilespmem:s3+$0x7F40] =	vst v17;
	v51 =	vmul.f32 v30, v50;
	v0 =	vsel vm8, v0, v36;
	vm8 =	vnez.u8 v3  }
0x2c1: {  	[tilespmem:s3+$0x7F30] =	vst v31;
	v27 =	vmul.f32 v26, v61;
	v0 =	vsel vm8, v0, v25;
	vm8 =	vnez.u8 v6;
	v6 =	vld [tilespmem:$0x1FFB0]  }
0x2c2: {  	v43 =	vmul.f32 v37, v60;
	[tilespmem:s3+$0x7EC0] =	vst v51;
	v51 =	vmul.f32 $1.442695020e+00, v12  }
0x2c3: {  	[tilespmem:s3+$0x7F10] =	vst v27;
	v44 =	vmul.f32 v37, v59  }
0x2c4: {  	v48 =	vmul.f32 v37, v53;
	[tilespmem:s3+$0x7F50] =	vst v43;
	(erf) = vpow2.f32 v51  }
0x2c5: {  	v49 =	vmul.f32 v37, v52;
	[tilespmem:s3+$0x7F60] =	vst v44  }
0x2c6: {  	v50 =	vmul.f32 v37, v14;
	[tilespmem:s3+$0x7F70] =	vst v48;
	v0 =	vsel vm8, v0, v40;
	vm8 =	vnez.u8 v6;
	v6 =	vld [tilespmem:$0x1FFC0]  }
0x2c7: {  	v52 =	vmul.f32 v37, v15;
	[tilespmem:s3+$0x7F80] =	vst v49  }
0x2c8: {  	v53 =	vmul.f32 v37, v42;
	[tilespmem:s3+$0x7F90] =	vst v50  }
0x2c9: {  	v9 =	vmul.f32 v37, v9;
	[tilespmem:s3+$0x7FA0] =	vst v52;
	v4 =	vmul.f32 v54, v4  }
0x2ca: {  	[tilespmem:s3+$0x7FB0] =	vst v53  }
0x2cb: {  	[tilespmem:s3+$0x7FC0] =	vst v9;
	v0 =	vsel vm8, v0, v30;
	vm8 =	vnez.u8 v6;
	v6 =	vld [tilespmem:$0x1FFD0]  }
0x2cc: {  	[tilespmem:s3+$0x7ED0] =	vst v10;
	v8 =	vmul.f32 v54, v8  }
0x2cd: {  	v2 =	vmul.f32 v54, v2;
	[tilespmem:s3+$0x8010] =	vst v4;
	v4 =	vpop (erf)  }
0x2ce: {  	[tilespmem:s3+$0x7FD0] =	vst v8;
	v5 =	vld [tilespmem:$0x1FFF0];
	v1 =	vmul.f32 v4, v1  }
0x2cf: {  	[tilespmem:s3+$0x8030] =	vst v2;
	v57 =	vmul.f32 v4, v29  }
0x2d0: {  	v58 =	vmul.f32 v4, v28;
	[tilespmem:s3+$0x8050] =	vst v1;
	v0 =	vsel vm8, v0, v26;
	vm8 =	vnez.u8 v6;
	v6 =	vld [tilespmem:$0x1FFE0]  }
0x2d1: {  	v59 =	vmul.f32 v4, v34;
	v3 =	vmov s4;
	[tilespmem:s3+$0x8060] =	vst v57  }
0x2d2: {  	v60 =	vmul.f32 v4, v35;
	v3 =	vshll.u32 v3, $0x3;
	[tilespmem:s3+$0x8070] =	vst v58  }
0x2d3: {  	p1 =	sne.s32 s2, $0x4;
	v61 =	vmul.f32 v4, v39;
	[tilespmem:s3+$0x8080] =	vst v59;
	v3 =	vor.u32 v5, v3  }
.Ltmp4:
0x2d4: {  	v62 =	vmul.f32 v4, v33;
	[tilespmem:s3+$0x8090] =	vst v60;
	(pc) =	sbr.rel @p1 .LBB2_10-.Ltmp4, $4  }
0x2d5: {  	v63 =	vmul.f32 v4, v23;
	[tilespmem:s3+$0x80A0] =	vst v61;
	v0 =	vsel vm8, v0, v37;
	vm8 =	vnez.u8 v6  }
0x2d6: {  	[tilespmem:s3+$0x80B0] =	vst v62;
	v0 =	vsel vm8, v0, v54  }
0x2d7: {  	[tilespmem:s3+$0x80C0] =	vst v63;
	v0 =	vsel vm1, v0, v4  }
0x2d8: {  	s2 =	sadd.s32 $0x1, s2;
	v47 =	vmov v11;
	[tilespmem:v3+s19+$0x0] =	vst.idx.msk $0xffff, v0  }
0x2d9: {  	p1 =	sne.s32 s0, $0x0  }
0x2da: {  	s0 =	simm.s32 @p1 $0x50;
	s2 =	simm.s32 @p1 $0x2880;
	s3 =	simm.s32 @p1 $0x78D0  }
0x2db: {  	[spmem:s20] =	stream.indirect.scatter.add.f32 @p1 [tilespmem:s3], [sflag:$0x5], $0x80, s2, s0, $0xb8;
	[tilespmem:$0x1EF58] =	vst v63  }
0x2dc: {  	s3 =	simm.s32 @p1 $0xA0D0  }
0x2dd: {  	[spmem:s23] =	stream.indirect.scatter.add.f32 @p1 [tilespmem:s3], [sflag:$0x6], $0x8, s2, s0, $0xb8;
	[tilespmem:$0x1EF58] =	vst v63  }
0x2de: {  	s0 =	simm.s32 @!p1 $0x50;
	s2 =	simm.s32 @!p1 $0x2830;
	s3 =	simm.s32 @!p1 $0x78D0  }
0x2df: {  	[spmem:s20] =	stream.indirect.scatter.add.f32 @!p1 [tilespmem:s3], [sflag:$0x3], $0x80, s2, s0, $0xb8;
	[tilespmem:$0x1EF58] =	vst v63  }
0x2e0: {  	s1 =	sadd.s32 $0x1, s1;
	s3 =	simm.s32 @!p1 $0xA0D0  }
0x2e1: {  	[spmem:s23] =	stream.indirect.scatter.add.f32 @!p1 [tilespmem:s3], [sflag:$0x4], $0x8, s2, s0, $0xb8;
	[tilespmem:$0x1EF58] =	vst v63  }
0x2e2: {  	p1 =	sne.s32 s1, $0x7D  }
.Ltmp5:
0x2e3: {  	_ = 	snop;
	(pc) =	sbr.rel @p1 .LBB2_4-.Ltmp5, $1  }
0x2e4: {  	_ =	sdelay $0x3  }
0x2e5: {  	s0 =	simm.s32 $0x3  }
0x2e6: {  	_ =	swait.ge [sflag:s0], $0x2800  }
0x2e7: {  	[sflag:s0] =	ssyncset.done $0x0  }
0x2e8: {  	s1 =	simm.s32 $0x4;
	[sflag:s0] =	ssyncadd.s32 $0xFFFFD800  }
0x2e9: {  	_ =	swait.ge [sflag:s1], $0x280  }
0x2ea: {  	[sflag:s1] =	ssyncset.done $0x0  }
0x2eb: {  	[sflag:s1] =	ssyncadd.s32 $0xFFFFFD80  }
0x2ec: {  	s2 =	stileid.u32;
	[bflag:$0x0] =	sbarrier.arrive $0xFFFF  }
0x2ed: {  	s0 =	sshll.u32 s2, $0x6;
	s1 =	rddreg [dreg:$0x17]  }
0x2ee: {  	s0 =	sor.u32 $0x1C07, s0;
	s2 =	rddreg [dreg:$0x7];
	s1 =	sshrl.u32 s1, $0x3  }
0x2ef: {  	[hbm:s2], [sflag:s0] =	dma.local [spmem:s1], $0x500  }
0x2f0: {  	_ =	swait.ge [sflag:s16], $0x500  }
0x2f1: {  	[sflag:s16] =	ssyncset.done $0x0;
	s3 =	rddreg [dreg:$0x18]  }
0x2f2: {  	s4 =	rddreg [dreg:$0xf];
	[sflag:s16] =	ssyncadd.s32 $0xFFFFFB00;
	s1 =	sshrl.u32 s3, $0x3  }
0x2f3: {  	[hbm:s4], [sflag:s0] =	dma.local [spmem:s1], $0x50  }
0x2f4: {  	_ =	swait.ge [sflag:s16], $0x50  }
0x2f5: {  	[sflag:s16] =	ssyncset.done $0x0;
	s3 =	rddreg [dreg:$0x19]  }
0x2f6: {  	s4 =	rddreg [dreg:$0x8];
	[sflag:s16] =	ssyncadd.s32 $0xFFFFFFB0;
	s1 =	sshrl.u32 s3, $0x3  }
0x2f7: {  	[hbm:s4], [sflag:s0] =	dma.local [spmem:s1], $0x500  }
0x2f8: {  	_ =	swait.ge [sflag:s16], $0x500  }
0x2f9: {  	[sflag:s16] =	ssyncset.done $0x0;
	s3 =	rddreg [dreg:$0x1a]  }
0x2fa: {  	s4 =	rddreg [dreg:$0x10];
	[sflag:s16] =	ssyncadd.s32 $0xFFFFFB00;
	s1 =	sshrl.u32 s3, $0x3  }
0x2fb: {  	[hbm:s4], [sflag:s0] =	dma.local [spmem:s1], $0x50  }
0x2fc: {  	_ =	swait.ge [sflag:s16], $0x50  }
0x2fd: {  	[sflag:s16] =	ssyncset.done $0x0;
	s3 =	rddreg [dreg:$0x1b]  }
0x2fe: {  	s4 =	rddreg [dreg:$0x9];
	[sflag:s16] =	ssyncadd.s32 $0xFFFFFFB0;
	s1 =	sshrl.u32 s3, $0x3  }
0x2ff: {  	[hbm:s4], [sflag:s0] =	dma.local [spmem:s1], $0x500  }
0x300: {  	_ =	swait.ge [sflag:s16], $0x500  }
0x301: {  	[sflag:s16] =	ssyncset.done $0x0;
	s3 =	rddreg [dreg:$0x1c]  }
0x302: {  	s4 =	rddreg [dreg:$0x11];
	[sflag:s16] =	ssyncadd.s32 $0xFFFFFB00;
	s1 =	sshrl.u32 s3, $0x3  }
0x303: {  	[hbm:s4], [sflag:s0] =	dma.local [spmem:s1], $0x50  }
0x304: {  	_ =	swait.ge [sflag:s16], $0x50  }
0x305: {  	[sflag:s16] =	ssyncset.done $0x0;
	s3 =	rddreg [dreg:$0x1d]  }
0x306: {  	s4 =	rddreg [dreg:$0xa];
	[sflag:s16] =	ssyncadd.s32 $0xFFFFFFB0;
	s1 =	sshrl.u32 s3, $0x3  }
0x307: {  	[hbm:s4], [sflag:s0] =	dma.local [spmem:s1], $0x500  }
0x308: {  	_ =	swait.ge [sflag:s16], $0x500  }
0x309: {  	[sflag:s16] =	ssyncset.done $0x0;
	s3 =	rddreg [dreg:$0x1e]  }
0x30a: {  	s4 =	rddreg [dreg:$0x12];
	[sflag:s16] =	ssyncadd.s32 $0xFFFFFB00;
	s1 =	sshrl.u32 s3, $0x3  }
0x30b: {  	[hbm:s4], [sflag:s0] =	dma.local [spmem:s1], $0x50  }
0x30c: {  	_ =	swait.ge [sflag:s16], $0x50  }
0x30d: {  	[sflag:s16] =	ssyncset.done $0x0;
	s3 =	rddreg [dreg:$0x1f]  }
0x30e: {  	s4 =	rddreg [dreg:$0xb];
	[sflag:s16] =	ssyncadd.s32 $0xFFFFFFB0;
	s1 =	sshrl.u32 s3, $0x3  }
0x30f: {  	[hbm:s4], [sflag:s0] =	dma.local [spmem:s1], $0x500  }
0x310: {  	_ =	swait.ge [sflag:s16], $0x500  }
0x311: {  	s3 =	sld [smem:$0x7F9];
	_ =	sdelay $0x1  }
0x312: {  	[sflag:s16] =	ssyncset.done $0x0  }
0x313: {  	s4 =	rddreg [dreg:$0x13];
	[sflag:s16] =	ssyncadd.s32 $0xFFFFFB00;
	s1 =	sshrl.u32 s3, $0x3  }
0x314: {  	[hbm:s4], [sflag:s0] =	dma.local [spmem:s1], $0x50  }
0x315: {  	_ =	swait.ge [sflag:s16], $0x50  }
0x316: {  	s3 =	sld [smem:$0x7FA];
	_ =	sdelay $0x1  }
0x317: {  	[sflag:s16] =	ssyncset.done $0x0  }
0x318: {  	s4 =	rddreg [dreg:$0xc];
	[sflag:s16] =	ssyncadd.s32 $0xFFFFFFB0;
	s1 =	sshrl.u32 s3, $0x3  }
0x319: {  	[hbm:s4], [sflag:s0] =	dma.local [spmem:s1], $0x500  }
0x31a: {  	_ =	swait.ge [sflag:s16], $0x500  }
0x31b: {  	s3 =	sld [smem:$0x7FB];
	_ =	sdelay $0x1  }
0x31c: {  	[sflag:s16] =	ssyncset.done $0x0  }
0x31d: {  	s4 =	rddreg [dreg:$0x14];
	[sflag:s16] =	ssyncadd.s32 $0xFFFFFB00;
	s1 =	sshrl.u32 s3, $0x3  }
0x31e: {  	[hbm:s4], [sflag:s0] =	dma.local [spmem:s1], $0x50  }
0x31f: {  	_ =	swait.ge [sflag:s16], $0x50  }
0x320: {  	[sflag:s16] =	ssyncset.done $0x0  }
0x321: {  	s3 =	sshrl.u32 s5, $0x3;
	s4 =	rddreg [dreg:$0xd];
	[sflag:s16] =	ssyncadd.s32 $0xFFFFFFB0  }
0x322: {  	[hbm:s4], [sflag:s0] =	dma.local [spmem:s3], $0x500  }
0x323: {  	_ =	swait.ge [sflag:s16], $0x500  }
0x324: {  	[sflag:s16] =	ssyncset.done $0x0  }
0x325: {  	s2 =	sshrl.u32 s6, $0x3;
	s3 =	rddreg [dreg:$0x15];
	[sflag:s16] =	ssyncadd.s32 $0xFFFFFB00  }
0x326: {  	[hbm:s3], [sflag:s0] =	dma.local [spmem:s2], $0x50  }
0x327: {  	_ =	swait.ge [sflag:s16], $0x50  }
0x328: {  	[sflag:s16] =	ssyncset.done $0x0  }
0x329: {  	s1 =	sshrl.u32 @!p0 s7, $0x3;
	s2 =	rddreg [dreg:$0xe];
	[sflag:s16] =	ssyncadd.s32 $0xFFFFFFB0  }
0x32a: {  	[hbm:s2], [sflag:s0] =	dma.local @!p0 [spmem:s1], $0x500  }
0x32b: {  	s1 =	simm.s32 @!p0 $0x7  }
0x32c: {  	_ =	swait.ge @!p0 [sflag:s1], $0x500  }
0x32d: {  	[sflag:s1] =	ssyncset.done @!p0 $0x0  }
0x32e: {  	s2 =	sshrl.u32 @!p0 s8, $0x3;
	s3 =	rddreg [dreg:$0x16];
	[sflag:s1] =	ssyncadd.s32 @!p0 $0xFFFFFB00  }
0x32f: {  	[hbm:s3], [sflag:s0] =	dma.local @!p0 [spmem:s2], $0x50  }
0x330: {  	_ =	swait.ge @!p0 [sflag:s1], $0x50  }
0x331: {  	s4 =	sld [smem:$0x7FC];
	_ =	sdelay $0x1  }
0x332: {  	s22 =	sadd.s32 $0x1, s22  }
0x333: {  	p1 =	sne.s32 s22, s4  }
.Ltmp6:
0x334: {  	_ = 	snop;
	(pc) =	sbr.rel @p1 .LBB2_1-.Ltmp6, $3  }
0x335: {  	_ =	sdelay $0x1  }
0x336: {  	[sflag:s1] =	ssyncset.done @!p0 $0x0  }
0x337: {  	v0 =	vimm.f32 $0.0e+00;
	[sflag:s1] =	ssyncadd.s32 @!p0 $0xFFFFFFB0  }
0x338: {  	_ =	sfence.sel $0x180000  }
0x339: {  	[bflag:$0x0] =	sbarrier.arrive $0xFFFF  }
0x33a: {  	_ =	strace $0x90000047  }
0x33b: {  	s0 =	stileid.u32;
	[bflag:$0x2] =	sbarrier.arrive $0xFFFF  }
0x33c: {  	p0 =	sne.s32 s0, $0x0;
	s0 =	rddreg [dreg:$0x6]  }
0x33d: {  	s0 =	sadd.s32 @!p0 $0x100000, s0  }
0x33e: {  	[sflag:s0] =	ssyncadd.tile.s32 @!p0 $0x1;
	_ =	shalt  }
.Lfunc_end2:
_tile_overlayer_lowered:
.L_overlay_start_2:
0x33f: {  	(tag) =	ssettag $0x2  }
0x340: {  	s0 =	rddreg [dreg:$0x0];
	s2 =	stileid.u32  }
0x341: {  	s1 =	rddreg [dreg:$0x1];
	p0 =	sne.s32 s2, $0x0  }
0x342: {  	s3 =	rddreg [dreg:$0x2];
	[bflag:$0x3] =	sbarrier.arrive $0xFFFF;
	s2 =	simm.s32 @!p0 $0x1C07  }
0x343: {  	[timem:s3], [sflag:s2] =	dma.local @!p0 [hbm:s0], s1  }
0x344: {  	s0 =	simm.s32 @!p0 $0x7  }
0x345: {  	_ =	swait.ge @!p0 [sflag:s0], s1  }
0x346: {  	s1 =	ssub.s32 @!p0 $0x0, s1;
	[sflag:s0] =	ssyncset.done @!p0 $0x0  }
0x347: {  	[sflag:s0] =	ssyncadd.s32 @!p0 s1  }
0x348: {  	[bflag:$0x3] =	sbarrier.arrive $0xFFFF  }
0x349: {  	_ =	shalt  }

</sc_bundles>
